<compile_context>
chip_gen: v7x
topology: tpu7x:2x2x1
jax: 0.10.2.dev20260603
libtpu: 0.0.44.dev20260713+nightly
codegen_flags: <defaults>
</compile_context>

<pallas_src>
import functools

import jax
import jax.numpy as jnp
from jax import lax
from jax.experimental import pallas as pl
from jax.experimental.pallas import tpu as pltpu
from jax.experimental.pallas import tpu_sc as plsc

DELTA_V = 0.5
DELTA_D = 1.5
ALPHA = 1.0
BETA = 1.0
GAMMA = 0.001

BB = 4
EE = 16
PP = 512 * 512
NI = 17

NW = 32
TPB = NW // BB
PIX_PER_TILE = PP // TPB
CHUNK = 2048
NGROUP = CHUNK // 16
NCHUNK = PIX_PER_TILE // CHUNK

LSTRIDE = NI * EE + 1

PREC = NI * EE + 3 * 16
SROW = 512
OROWS = 40

_mesh = plsc.VectorSubcoreMesh(core_axis_name="c", subcore_axis_name="s")


def _vsqrt(x):
    i = lax.bitcast_convert_type(x, jnp.int32)
    r = lax.bitcast_convert_type(jnp.int32(0x5F3759DF) - (i >> 1), jnp.float32)
    for _ in range(3):
        r = r * (1.5 - 0.5 * x * r * r)
    return x * r


def _zero_ref(ref, nwords):
    zf = jnp.zeros((16,), jnp.float32)

    def body(j, _):
        ref[pl.ds(j * 16, 16)] = zf
        return 0

    lax.fori_loop(0, nwords // 16, body, 0)


def _pixel_pipeline(emb, mask, b, tile_base, embbuf, maskbuf, sems, process, carry0):

    def start(slot, cbase):
        pltpu.async_copy(
            emb.at[b, :, pl.ds(cbase, CHUNK)], embbuf.at[slot], sems[slot]
        )
        pltpu.async_copy(mask.at[b, pl.ds(cbase, CHUNK)], maskbuf.at[slot], sems[slot])

    def drain(slot):
        pltpu.make_async_copy(
            emb.at[0, :, pl.ds(0, CHUNK)], embbuf.at[slot], sems[slot]
        ).wait()
        pltpu.make_async_copy(
            mask.at[0, pl.ds(0, CHUNK)], maskbuf.at[slot], sems[slot]
        ).wait()

    start(0, tile_base)

    def pair(k2, cy):
        base0 = tile_base + (2 * k2) * CHUNK
        start(1, base0 + CHUNK)
        drain(0)
        cy = process(0, cy)
        start(0, jnp.minimum(base0 + 2 * CHUNK, PP - CHUNK))
        drain(1)
        cy = process(1, cy)
        return cy

    carry = lax.fori_loop(0, NCHUNK // 2, pair, carry0)
    drain(0)
    return carry


@functools.partial(
    pl.kernel,
    out_type=jax.ShapeDtypeStruct((NW, OROWS * 16), jnp.float32),
    mesh=_mesh,
    scratch_types=[
        pltpu.VMEM((2, EE, CHUNK), jnp.float32),
        pltpu.VMEM((2, CHUNK), jnp.int32),
        pltpu.VMEM((16 * LSTRIDE,), jnp.float32),
        pltpu.VMEM((16 * NI,), jnp.float32),
        pltpu.VMEM((SROW,), jnp.float32),
        pltpu.VMEM_SHARED((16, SROW), jnp.float32),
        pltpu.VMEM((TPB, SROW), jnp.float32),
        pltpu.VMEM((PREC,), jnp.float32),
        pltpu.VMEM((NI * EE,), jnp.float32),
        pltpu.VMEM((OROWS * 16,), jnp.float32),
        pltpu.SemaphoreType.DMA,
        pltpu.SemaphoreType.DMA,
    ],
    compiler_params=pltpu.CompilerParams(needs_layout_passes=False),
)
def _main(
    emb, mask, out,
    embbuf, maskbuf, lsums, lcnt, pbuf, shared, mates, macc, meansbuf, cbuf,
    sem0, sem1,
):
    cid = lax.axis_index("c")
    sid = lax.axis_index("s")
    b = cid * 2 + sid // 8
    tile_base = (sid % 8) * PIX_PER_TILE
    orow = cid * 16 + sid

    iota = lax.iota(jnp.int32, 16)
    lane_s = iota * LSTRIDE
    lane_c = iota * NI
    ones = jnp.ones((16,), jnp.float32)
    zf = jnp.zeros((16,), jnp.float32)

    _zero_ref(lsums, 16 * LSTRIDE - 16)
    lsums[pl.ds(16 * LSTRIDE - 16, 16)] = zf
    _zero_ref(lcnt, 16 * NI)

    def p1(slot, mv):
        def body(g, mvi):
            off = g * 16
            m = maskbuf[slot, pl.ds(off, 16)]
            plsc.addupdate_scatter(lcnt, [lane_c + m], ones)
            basei = lane_s + (m << 4)
            for c in range(EE):
                v = embbuf[slot, c, pl.ds(off, 16)]
                plsc.addupdate_scatter(lsums, [basei + c], v)
            return jnp.maximum(mvi, m)

        return plsc.parallel_loop(0, NGROUP, 1, unroll=2, carry=mv)(body)

    maxv = _pixel_pipeline(
        emb, mask, b, tile_base, embbuf, maskbuf, (sem0, sem1), p1,
        jnp.zeros((16,), jnp.int32),
    )

    def sum_row(m, _):
        acc = zf
        for l in range(16):
            acc = acc + plsc.load_gather(lsums, [iota + (l * LSTRIDE) + m * EE])
        pbuf[pl.ds(m * 16, 16)] = acc
        return 0

    lax.fori_loop(0, NI, sum_row, 0)
    comp = zf
    for l in range(16):
        comp = comp + plsc.load_gather(lcnt, [iota + l * NI])
    pbuf[pl.ds(NI * EE, 16)] = comp
    v16 = plsc.load_gather(lcnt, [lane_c + 16])
    pbuf[pl.ds(NI * EE + 16, 16)] = jnp.full((16,), jnp.sum(v16), jnp.float32)
    nmax = jnp.max(maxv).astype(jnp.float32)
    pbuf[pl.ds(NI * EE + 32, 16)] = jnp.full((16,), nmax, jnp.float32)

    pltpu.sync_copy(pbuf, shared.at[sid])
    plsc.subcore_barrier()
    g0 = (sid // 8) * TPB
    for t in range(TPB):
        pltpu.sync_copy(shared.at[g0 + t], mates.at[t])

    def mred(j, _):
        off = j * 16
        a = mates[0, pl.ds(off, 16)]
        for t in range(1, TPB):
            a = a + mates[t, pl.ds(off, 16)]
        macc[pl.ds(off, 16)] = a
        return 0

    lax.fori_loop(0, PREC // 16 - 1, mred, 0)
    a = mates[0, pl.ds(PREC - 16, 16)]
    for t in range(1, TPB):
        a = jnp.maximum(a, mates[t, pl.ds(PREC - 16, 16)])
    macc[pl.ds(PREC - 16, 16)] = a

    def mean_row(m, _):
        cvec = plsc.load_gather(macc, [jnp.full((16,), NI * EE, jnp.int32) + m])
        row = macc[pl.ds(m * 16, 16)]
        meansbuf[pl.ds(m * 16, 16)] = jnp.where(
            cvec > 0.0, row / jnp.maximum(cvec, 1.0), 0.0
        )
        return 0

    lax.fori_loop(0, NI, mean_row, 0)

    _zero_ref(lcnt, 16 * NI)

    def p2(slot, cy):
        def body(g):
            off = g * 16
            m = maskbuf[slot, pl.ds(off, 16)]
            base16 = m << 4
            accs = [zf for _ in range(4)]
            for c in range(EE):
                v = embbuf[slot, c, pl.ds(off, 16)]
                mu = plsc.load_gather(meansbuf, [base16 + c])
                dlt = v - mu
                accs[c % 4] = accs[c % 4] + dlt * dlt
            acc = (accs[0] + accs[1]) + (accs[2] + accs[3])
            dist = _vsqrt(acc)
            h = jnp.maximum(dist - DELTA_V, 0.0)
            plsc.addupdate_scatter(lcnt, [lane_c + m], h * h)

        plsc.parallel_loop(0, NGROUP, 1, unroll=2)(body)
        return cy

    _pixel_pipeline(emb, mask, b, tile_base, embbuf, maskbuf, (sem0, sem1), p2, 0)

    def var_row(m, _):
        v = plsc.load_gather(lcnt, [lane_c + m])
        cbuf[pl.ds(m * 16, 16)] = jnp.full((16,), jnp.sum(v), jnp.float32)
        return 0

    lax.fori_loop(0, NI, var_row, 0)

    nvec = macc[pl.ds(PREC - 16, 16)]
    idsf = (iota + 1).astype(jnp.float32)
    mjs = tuple(
        plsc.load_gather(meansbuf, [(iota + 1) * 16 + c]) for c in range(EE)
    )
    validj = jnp.where(idsf <= nvec, 1.0, 0.0)

    def pair_i(i, carry):
        psum, pcnt = carry
        base = (i + 1) * 16
        accs = [zf for _ in range(4)]
        for c in range(EE):
            mi = plsc.load_gather(meansbuf, [jnp.full((16,), base, jnp.int32) + c])
            d = mjs[c] - mi
            accs[c % 4] = accs[c % 4] + d * d
        acc = (accs[0] + accs[1]) + (accs[2] + accs[3])
        dist = _vsqrt(acc)
        h = jnp.maximum(2.0 * DELTA_D - dist, 0.0)
        ifl = (i + 1).astype(jnp.float32)
        pv = jnp.where((idsf > ifl) & (ifl <= nvec), validj, 0.0)
        return psum + h * h * pv, pcnt + pv

    psum, pcnt = lax.fori_loop(0, 16, pair_i, (zf, zf))
    tot = jnp.full((16,), jnp.sum(psum), jnp.float32)
    npair = jnp.full((16,), jnp.sum(pcnt), jnp.float32)
    dist_row = jnp.where(nvec > 1.0, tot / jnp.maximum(npair, 1.0), 0.0)
    cbuf[pl.ds(NI * 16, 16)] = dist_row

    nsq = zf
    for c in range(EE):
        nsq = nsq + mjs[c] * mjs[c]
    nr = _vsqrt(nsq)
    regsum = jnp.full((16,), jnp.sum(nr * validj), jnp.float32)
    reg_row = jnp.where(nvec > 0.0, regsum / jnp.maximum(nvec, 1.0), 0.0)
    cbuf[pl.ds((NI + 1) * 16, 16)] = reg_row

    def cnt_row(m, _):
        cvec = plsc.load_gather(macc, [jnp.full((16,), NI * EE, jnp.int32) + m])
        cbuf[pl.ds((NI + 2) * 16 + m * 16, 16)] = cvec
        return 0

    lax.fori_loop(0, NI, cnt_row, 0)
    cbuf[pl.ds((2 * NI + 2) * 16, 16)] = nvec
    for r in range(2 * NI + 3, OROWS):
        cbuf[pl.ds(r * 16, 16)] = zf

    pltpu.sync_copy(cbuf, out.at[orow])


def _fin_body(v_ref, out_ref):
    tv = jnp.float32(0.0)
    td = jnp.float32(0.0)
    tr = jnp.float32(0.0)
    valid = jnp.float32(0.0)
    for b in range(BB):
        V = v_ref[TPB * b]
        for t in range(1, TPB):
            V = V + v_ref[TPB * b + t]
        Vm = V[1:NI]
        lead = v_ref[TPB * b]
        C = lead[NI + 3 : 2 * NI + 2]
        n_rep = lead[2 * NI + 2 : 2 * NI + 3]
        lm = Vm / jnp.maximum(C, 1.0)
        pres = jnp.where(C > 0.0, 1.0, 0.0)
        npres = jnp.sum(pres[:, 0:1])
        vsum = jnp.sum(lm[:, 0:1])
        v_b = jnp.where(npres > 0.0, vsum / jnp.maximum(npres, 1.0), 0.0)
        n_sc = jnp.max(n_rep)
        has = jnp.where(n_sc > 0.0, 1.0, 0.0)
        tv = tv + has * v_b
        td = td + has * jnp.max(lead[NI : NI + 1])
        tr = tr + has * jnp.max(lead[NI + 1 : NI + 2])
        valid = valid + has
    vf = jnp.maximum(valid, 1.0)
    tv = jnp.where(valid > 0.0, tv / vf, tv)
    td = jnp.where(valid > 0.0, td / vf, td)
    tr = jnp.where(valid > 0.0, tr / vf, tr)
    loss = ALPHA * tv + BETA * td + GAMMA * tr
    out_ref[0:1, :] = jnp.full((1, 128), loss, jnp.float32)
    out_ref[1:2, :] = jnp.full((1, 128), tv, jnp.float32)
    out_ref[2:3, :] = jnp.full((1, 128), td, jnp.float32)
    out_ref[3:4, :] = jnp.full((1, 128), tr, jnp.float32)
    out_ref[4:8, :] = jnp.zeros((4, 128), jnp.float32)


_fin = pl.pallas_call(
    _fin_body,
    out_shape=jax.ShapeDtypeStruct((8, 128), jnp.float32),
)


@jax.jit
def kernel(embeddings, instance_masks):
    emb = embeddings.reshape(BB, EE, PP)
    mask = instance_masks.reshape(BB, PP).astype(jnp.int32)
    part = _main(emb, mask)
    out = _fin(part.reshape(NW, OROWS, 16))
    return out[0, 0], out[1, 0], out[2, 0], out[3, 0]

# --- scband reference (transcript-rebuilt; emitter-appended) ---
"""Pipeline reference for scband-discriminative-loss-52647709114533 (READ-ONLY COPY).

The authoritative reference and input builder live on the scoring server;
editing this copy changes nothing except your own understanding.
"""

import jax, jax.numpy as jnp
import numpy as np

DELTA_V = 0.5
DELTA_D = 1.5
ALPHA = 1.0
BETA = 1.0
GAMMA = 0.001

N_MAX = 16


def _instance_stats(emb, mask_flat):
    E = emb.shape[0]
    emb_flat = emb.reshape(E, -1)
    means = []
    counts = []
    for iid in range(1, N_MAX + 1):
        m = mask_flat == iid
        cnt = jnp.sum(m.astype(jnp.int32))
        safe = jnp.maximum(cnt, 1).astype(emb.dtype)
        s = jnp.sum(jnp.where(m[None, :], emb_flat, 0.0), axis=1)
        mean = jnp.where(cnt > 0, s / safe, jnp.zeros((E,), dtype=emb.dtype))
        means.append(mean)
        counts.append(cnt)
    return jnp.stack(means), jnp.stack(counts)


def _distance_loss(means, n, delta_d):
    diff = means[:, None, :] - means[None, :, :]
    sq = jnp.sum(diff * diff, axis=-1)
    d = jnp.where(sq > 0.0, jnp.sqrt(jnp.where(sq > 0.0, sq, 1.0)), 0.0)
    hinged = jnp.maximum(2.0 * delta_d - d, 0.0)
    hinged_sq = hinged ** 2
    ids = jnp.arange(1, N_MAX + 1)
    valid = ids <= n
    iu = np.triu_indices(N_MAX, k=1)
    pair_valid = (valid[iu[0]] & valid[iu[1]]).astype(jnp.float32)
    num_pairs = jnp.maximum(jnp.sum(pair_valid), 1.0)
    total = jnp.sum(hinged_sq[iu[0], iu[1]] * pair_valid)
    return jnp.where(n > 1, total / num_pairs, jnp.asarray(0.0, dtype=jnp.float32))


def _reg_loss(means, n):
    norms = jnp.sqrt(jnp.sum(means * means, axis=1))
    ids = jnp.arange(1, N_MAX + 1)
    valid = (ids <= n).astype(jnp.float32)
    n_f = jnp.maximum(n, 1).astype(jnp.float32)
    return jnp.where(n > 0, jnp.sum(norms * valid) / n_f,
                     jnp.asarray(0.0, dtype=jnp.float32))


def _var_loss(emb, mask_flat, means, counts, delta_v):
    E = emb.shape[0]
    emb_flat = emb.reshape(E, -1).T
    losses = []
    for iid in range(1, N_MAX + 1):
        m = mask_flat == iid
        diff = emb_flat - means[iid - 1][None, :]
        dist = jnp.sqrt(jnp.sum(diff * diff, axis=1))
        hinged = jnp.maximum(dist - delta_v, 0.0)
        cnt = counts[iid - 1]
        safe = jnp.maximum(cnt, 1).astype(jnp.float32)
        l = jnp.sum(jnp.where(m, hinged ** 2, 0.0)) / safe
        losses.append(jnp.where(cnt > 0, l, jnp.asarray(0.0, dtype=jnp.float32)))
    losses = jnp.stack(losses)
    present = (counts > 0).astype(jnp.float32)
    num_present = jnp.sum(present)
    denom = jnp.maximum(num_present, 1.0)
    return jnp.where(num_present > 0, jnp.sum(losses) / denom,
                     jnp.asarray(0.0, dtype=jnp.float32))


def _forward(embeddings, instance_masks):
    B = embeddings.shape[0]
    total_var = jnp.asarray(0.0, dtype=jnp.float32)
    total_dist = jnp.asarray(0.0, dtype=jnp.float32)
    total_reg = jnp.asarray(0.0, dtype=jnp.float32)
    valid = jnp.asarray(0, dtype=jnp.int32)
    for b in range(B):
        emb = embeddings[b]
        mflat = instance_masks[b].reshape(-1)
        n = jnp.max(mflat)
        has = n > 0
        valid = valid + has.astype(jnp.int32)
        means, counts = _instance_stats(emb, mflat)
        v = _var_loss(emb, mflat, means, counts, DELTA_V)
        d = _distance_loss(means, n, DELTA_D)
        r = _reg_loss(means, n)
        zero = jnp.asarray(0.0, dtype=jnp.float32)
        total_var = total_var + jnp.where(has, v, zero)
        total_dist = total_dist + jnp.where(has, d, zero)
        total_reg = total_reg + jnp.where(has, r, zero)
    valid_f = jnp.maximum(valid, 1).astype(jnp.float32)
    total_var = jnp.where(valid > 0, total_var / valid_f, total_var)
    total_dist = jnp.where(valid > 0, total_dist / valid_f, total_dist)
    total_reg = jnp.where(valid > 0, total_reg / valid_f, total_reg)
    loss = ALPHA * total_var + BETA * total_dist + GAMMA * total_reg
    return loss, total_var, total_dist, total_reg


def setup_inputs(seed: int = 0) -> dict:
    key = jax.random.key(seed)
    k1, k2 = jax.random.split(key)
    embeddings = jax.random.normal(k1, (4, 16, 512, 512), dtype=jnp.float32)
    instance_masks = jax.random.randint(k2, (4, 512, 512), 0, 17, dtype=jnp.int32)
    return {"embeddings": embeddings, "instance_masks": instance_masks}


def reference(embeddings, instance_masks):
    return _forward(embeddings, instance_masks)

if __name__ == "__main__":
    import jax
    _d = setup_inputs()
    print(jax.jit(kernel)(*tuple(_d.values())))

</pallas_src>

<mosaic_0001>
#map = affine_map<(d0, d1) -> (0, 0, 0)>
#map1 = affine_map<(d0, d1) -> (0, 0)>
module attributes {stable_mosaic.version = 14 : i64} {
  func.func @_main(%arg0: i32, %arg1: i32, %arg2: memref<4x16x262144xf32, #tpu.memory_space<hbm>>, %arg3: memref<4x262144xi32, #tpu.memory_space<hbm>>, %arg4: memref<32x640xf32, #tpu.memory_space<hbm>>, %arg5: memref<2x16x2048xf32, #tpu.memory_space<vmem>>, %arg6: memref<2x2048xi32, #tpu.memory_space<vmem>>, %arg7: memref<4368xf32, #tpu.memory_space<vmem>>, %arg8: memref<272xf32, #tpu.memory_space<vmem>>, %arg9: memref<512xf32, #tpu.memory_space<vmem>>, %arg10: memref<16x512xf32, #tpu.memory_space<vmem_shared>>, %arg11: memref<8x512xf32, #tpu.memory_space<vmem>>, %arg12: memref<320xf32, #tpu.memory_space<vmem>>, %arg13: memref<272xf32, #tpu.memory_space<vmem>>, %arg14: memref<640xf32, #tpu.memory_space<vmem>>, %arg15: memref<!tpu.dma_semaphore, #tpu.memory_space<semaphore_mem>>, %arg16: memref<!tpu.dma_semaphore, #tpu.memory_space<semaphore_mem>>) attributes {dimension_semantics = [#tpu.dimension_semantics<core_parallel>, #tpu.dimension_semantics<subcore_parallel>], iteration_bounds = array<i64: 2, 16>, scalar_prefetch = 0 : i64, scratch_operands = 12 : i64, tpu.core_type = #tpu.core_type<sc_vector_subcore>, window_params = [{transform_indices = #map}, {transform_indices = #map1}, {transform_indices = #map1}]} {
    %mul3A = arith.constant 2 : i32
    %mul3A_0 = arith.muli %arg0, %mul3A : i32
    %jit3A = arith.constant 8 : i32
    %div3A = arith.divsi %arg1, %jit3A : i32
    %sign3A = arith.constant 0 : i32
    %sign3A_1 = arith.cmpi sgt, %arg1, %sign3A : i32
    %sign3A_2 = arith.extui %sign3A_1 : i1 to i32
    %sign3A_3 = arith.constant 0 : i32
    %sign3A_4 = arith.cmpi slt, %arg1, %sign3A_3 : i32
    %sign3A_5 = arith.extui %sign3A_4 : i1 to i32
    %sign3A_6 = arith.subi %sign3A_2, %sign3A_5 : i32
    %sign3A_7 = arith.constant 0 : i32
    %sign3A_8 = arith.cmpi sgt, %jit3A, %sign3A_7 : i32
    %sign3A_9 = arith.extui %sign3A_8 : i1 to i32
    %sign3A_10 = arith.constant 0 : i32
    %sign3A_11 = arith.cmpi slt, %jit3A, %sign3A_10 : i32
    %sign3A_12 = arith.extui %sign3A_11 : i1 to i32
    %sign3A_13 = arith.subi %sign3A_9, %sign3A_12 : i32
    %ne3A = arith.cmpi ne, %sign3A_6, %sign3A_13 : i32
    %rem3A = arith.remsi %arg1, %jit3A : i32
    %ne3A_14 = arith.constant 0 : i32
    %ne3A_15 = arith.cmpi ne, %rem3A, %ne3A_14 : i32
    %and3A = arith.andi %ne3A, %ne3A_15 : i1
    %sub3A = arith.constant 1 : i32
    %sub3A_16 = arith.subi %div3A, %sub3A : i32
    %select_n3A = arith.select %and3A, %sub3A_16, %div3A : i32
    %add3A = arith.addi %mul3A_0, %select_n3A : i32
    %jit3A_17 = arith.constant 8 : i32
    %eq3A = arith.constant 0 : i32
    %eq3A_18 = arith.cmpi eq, %jit3A_17, %eq3A : i32
    %jit3A_19 = arith.constant 1 : i32
    %select_n3A_20 = arith.select %eq3A_18, %jit3A_19, %jit3A_17 : i32
    %rem3A_21 = arith.remsi %arg1, %select_n3A_20 : i32
    %ne3A_22 = arith.constant 0 : i32
    %ne3A_23 = arith.cmpi ne, %rem3A_21, %ne3A_22 : i32
    %lt3A = arith.constant 0 : i32
    %lt3A_24 = arith.cmpi slt, %rem3A_21, %lt3A : i32
    %lt3A_25 = arith.constant 0 : i32
    %lt3A_26 = arith.cmpi slt, %select_n3A_20, %lt3A_25 : i32
    %ne3A_27 = arith.xori %lt3A_24, %lt3A_26 : i1
    %and3A_28 = arith.andi %ne3A_27, %ne3A_23 : i1
    %add3A_29 = arith.addi %rem3A_21, %select_n3A_20 : i32
    %select_n3A_30 = arith.select %and3A_28, %add3A_29, %rem3A_21 : i32
    %mul3A_31 = arith.constant 32768 : i32
    %mul3A_32 = arith.muli %select_n3A_30, %mul3A_31 : i32
    %mul3A_33 = arith.constant 16 : i32
    %mul3A_34 = arith.muli %arg0, %mul3A_33 : i32
    %add3A_35 = arith.addi %mul3A_34, %arg1 : i32
    %iota3A = tpu.iota {dimensions = array<i32: 0>} : vector<16xi32>
    %mul3A_36 = arith.constant 273 : i32
    %mul3A_37 = vector.broadcast %mul3A_36 : i32 to vector<16xi32>
    %mul3A_38 = arith.muli %iota3A, %mul3A_37 : vector<16xi32>
    %mul3A_39 = arith.constant 17 : i32
    %mul3A_40 = vector.broadcast %mul3A_39 : i32 to vector<16xi32>
    %mul3A_41 = arith.muli %iota3A, %mul3A_40 : vector<16xi32>
    %broadcast_in_dim3A = arith.constant 1.000000e+00 : f32
    %broadcast_in_dim3A_42 = vector.broadcast %broadcast_in_dim3A : f32 to vector<16xf32>
    %broadcast_in_dim3A_43 = arith.constant 0.000000e+00 : f32
    %broadcast_in_dim3A_44 = vector.broadcast %broadcast_in_dim3A_43 : f32 to vector<16xf32>
    %broadcast_in_dim3A_45 = arith.constant 0.000000e+00 : f32
    %broadcast_in_dim3A_46 = vector.broadcast %broadcast_in_dim3A_45 : f32 to vector<16xf32>
    %scan3A = arith.constant 0 : i32
    %scan3A_47 = arith.constant 0 : i32
    %scan3A_48 = arith.constant 272 : i32
    %scan3A_49 = arith.addi %scan3A_47, %scan3A_48 : i32
    %scan3A_50 = arith.constant 1 : i32
    %scan3A_51 = scf.for %scan3A_714 = %scan3A_47 to %scan3A_49 step %scan3A_50 iter_args(%scan3A_715 = %scan3A) -> (i32)  : i32 {
      %mul3A_716 = arith.constant 16 : i32
      %mul3A_717 = arith.muli %scan3A_714, %mul3A_716 : i32
      %swap3A_718 = arith.index_cast %mul3A_717 : i32 to index
      %swap3A_719 = tpu.vector_load %arg7[%swap3A_718] {strides = array<i32>} : memref<4368xf32, #tpu.memory_space<vmem>>, vector<16xf32>,
      tpu.vector_store %arg7[%swap3A_718], %broadcast_in_dim3A_46 {strides = array<i32>} : memref<4368xf32, #tpu.memory_space<vmem>>, vector<16xf32>,
      %scan3A_720 = arith.constant 0 : i32
      scf.yield %scan3A_720 : i32
    }
    %scan3A_52 = arith.constant 272 : i32
    %swap3A = arith.constant 4352 : index
    %swap3A_53 = tpu.vector_load %arg7[%swap3A] {strides = array<i32>} : memref<4368xf32, #tpu.memory_space<vmem>>, vector<16xf32>,
    tpu.vector_store %arg7[%swap3A], %broadcast_in_dim3A_44 {strides = array<i32>} : memref<4368xf32, #tpu.memory_space<vmem>>, vector<16xf32>,
    %broadcast_in_dim3A_54 = arith.constant 0.000000e+00 : f32
    %broadcast_in_dim3A_55 = vector.broadcast %broadcast_in_dim3A_54 : f32 to vector<16xf32>
    %scan3A_56 = arith.constant 0 : i32
    %scan3A_57 = arith.constant 0 : i32
    %scan3A_58 = arith.constant 17 : i32
    %scan3A_59 = arith.addi %scan3A_57, %scan3A_58 : i32
    %scan3A_60 = arith.constant 1 : i32
    %scan3A_61 = scf.for %scan3A_714 = %scan3A_57 to %scan3A_59 step %scan3A_60 iter_args(%scan3A_715 = %scan3A_56) -> (i32)  : i32 {
      %mul3A_716 = arith.constant 16 : i32
      %mul3A_717 = arith.muli %scan3A_714, %mul3A_716 : i32
      %swap3A_718 = arith.index_cast %mul3A_717 : i32 to index
      %swap3A_719 = tpu.vector_load %arg8[%swap3A_718] {strides = array<i32>} : memref<272xf32, #tpu.memory_space<vmem>>, vector<16xf32>,
      tpu.vector_store %arg8[%swap3A_718], %broadcast_in_dim3A_55 {strides = array<i32>} : memref<272xf32, #tpu.memory_space<vmem>>, vector<16xf32>,
      %scan3A_720 = arith.constant 0 : i32
      scf.yield %scan3A_720 : i32
    }
    %scan3A_62 = arith.constant 17 : i32
    %broadcast_in_dim3A_63 = arith.constant 0 : i32
    %broadcast_in_dim3A_64 = vector.broadcast %broadcast_in_dim3A_63 : i32 to vector<16xi32>
    %dma_start3A = arith.constant 0 : i32
    %dma_start3A_65 = arith.constant 0 : i32
    %dma_start3A_66 = arith.constant 0 : i32
    %dma_start3A_67 = tpu.memref_slice %arg5[%dma_start3A, %dma_start3A_65, %dma_start3A_66] : memref<2x16x2048xf32, #tpu.memory_space<vmem>> -> memref<1x16x2048xf32, #tpu.memory_space<vmem>>
    %dma_start3A_68 = tpu.memref_squeeze %dma_start3A_67 : memref<1x16x2048xf32, #tpu.memory_space<vmem>> -> memref<16x2048xf32, #tpu.memory_space<vmem>>
    %dma_start3A_69 = arith.constant 0 : i32
    %dma_start3A_70 = tpu.memref_slice %arg2[%add3A, %dma_start3A_69, %mul3A_32] : memref<4x16x262144xf32, #tpu.memory_space<hbm>> -> memref<1x16x2048xf32, #tpu.memory_space<hbm>>
    %dma_start3A_71 = tpu.memref_squeeze %dma_start3A_70 : memref<1x16x2048xf32, #tpu.memory_space<hbm>> -> memref<16x2048xf32, #tpu.memory_space<hbm>>
    %dma_start3A_72 = arith.constant 0 : i32
    %dma_start3A_73 = arith.constant 0 : i32
    %dma_start3A_74 = tpu.memref_slice %arg5[%dma_start3A, %dma_start3A_72, %dma_start3A_73] : memref<2x16x2048xf32, #tpu.memory_space<vmem>> -> memref<1x16x2048xf32, #tpu.memory_space<vmem>>
    %dma_start3A_75 = tpu.memref_squeeze %dma_start3A_74 : memref<1x16x2048xf32, #tpu.memory_space<vmem>> -> memref<16x2048xf32, #tpu.memory_space<vmem>>
    %dma_start3A_76 = arith.constant 0 : i32
    %dma_start3A_77 = tpu.memref_slice %arg2[%add3A, %dma_start3A_76, %mul3A_32] : memref<4x16x262144xf32, #tpu.memory_space<hbm>> -> memref<1x16x2048xf32, #tpu.memory_space<hbm>>
    %dma_start3A_78 = tpu.memref_squeeze %dma_start3A_77 : memref<1x16x2048xf32, #tpu.memory_space<hbm>> -> memref<16x2048xf32, #tpu.memory_space<hbm>>
    tpu.enqueue_dma source(%dma_start3A_78 : memref<16x2048xf32, #tpu.memory_space<hbm>>) target(%dma_start3A_75 : memref<16x2048xf32, #tpu.memory_space<vmem>>) target_semaphore(%arg15 : memref<!tpu.dma_semaphore, #tpu.memory_space<semaphore_mem>>)
    %dma_start3A_79 = arith.constant 0 : i32
    %dma_start3A_80 = arith.constant 0 : i32
    %dma_start3A_81 = tpu.memref_slice %arg6[%dma_start3A_79, %dma_start3A_80] : memref<2x2048xi32, #tpu.memory_space<vmem>> -> memref<1x2048xi32, #tpu.memory_space<vmem>>
    %dma_start3A_82 = tpu.memref_squeeze %dma_start3A_81 : memref<1x2048xi32, #tpu.memory_space<vmem>> -> memref<2048xi32, #tpu.memory_space<vmem>>
    %dma_start3A_83 = tpu.memref_slice %arg3[%add3A, %mul3A_32] : memref<4x262144xi32, #tpu.memory_space<hbm>> -> memref<1x2048xi32, #tpu.memory_space<hbm>>
    %dma_start3A_84 = tpu.memref_squeeze %dma_start3A_83 : memref<1x2048xi32, #tpu.memory_space<hbm>> -> memref<2048xi32, #tpu.memory_space<hbm>>
    %dma_start3A_85 = arith.constant 0 : i32
    %dma_start3A_86 = tpu.memref_slice %arg6[%dma_start3A_79, %dma_start3A_85] : memref<2x2048xi32, #tpu.memory_space<vmem>> -> memref<1x2048xi32, #tpu.memory_space<vmem>>
    %dma_start3A_87 = tpu.memref_squeeze %dma_start3A_86 : memref<1x2048xi32, #tpu.memory_space<vmem>> -> memref<2048xi32, #tpu.memory_space<vmem>>
    %dma_start3A_88 = tpu.memref_slice %arg3[%add3A, %mul3A_32] : memref<4x262144xi32, #tpu.memory_space<hbm>> -> memref<1x2048xi32, #tpu.memory_space<hbm>>
    %dma_start3A_89 = tpu.memref_squeeze %dma_start3A_88 : memref<1x2048xi32, #tpu.memory_space<hbm>> -> memref<2048xi32, #tpu.memory_space<hbm>>
    tpu.enqueue_dma source(%dma_start3A_89 : memref<2048xi32, #tpu.memory_space<hbm>>) target(%dma_start3A_87 : memref<2048xi32, #tpu.memory_space<vmem>>) target_semaphore(%arg15 : memref<!tpu.dma_semaphore, #tpu.memory_space<semaphore_mem>>)
    %scan3A_90 = arith.constant 0 : i32
    %scan3A_91 = arith.constant 8 : i32
    %scan3A_92 = arith.addi %scan3A_90, %scan3A_91 : i32
    %scan3A_93 = arith.constant 1 : i32
    %scan3A_94 = scf.for %scan3A_714 = %scan3A_90 to %scan3A_92 step %scan3A_93 iter_args(%scan3A_715 = %broadcast_in_dim3A_64) -> (vector<16xi32>)  : i32 {
      %mul3A_716 = arith.constant 2 : i32
      %mul3A_717 = arith.muli %mul3A_716, %scan3A_714 : i32
      %mul3A_718 = arith.constant 2048 : i32
      %mul3A_719 = arith.muli %mul3A_717, %mul3A_718 : i32
      %add3A_720 = arith.addi %mul3A_32, %mul3A_719 : i32
      %add3A_721 = arith.constant 2048 : i32
      %add3A_722 = arith.addi %add3A_720, %add3A_721 : i32
      %dma_start3A_723 = arith.constant 1 : i32
      %dma_start3A_724 = arith.constant 0 : i32
      %dma_start3A_725 = arith.constant 0 : i32
      %dma_start3A_726 = tpu.memref_slice %arg5[%dma_start3A_723, %dma_start3A_724, %dma_start3A_725] : memref<2x16x2048xf32, #tpu.memory_space<vmem>> -> memref<1x16x2048xf32, #tpu.memory_space<vmem>>
      %dma_start3A_727 = tpu.memref_squeeze %dma_start3A_726 : memref<1x16x2048xf32, #tpu.memory_space<vmem>> -> memref<16x2048xf32, #tpu.memory_space<vmem>>
      %dma_start3A_728 = arith.constant 0 : i32
      %dma_start3A_729 = tpu.memref_slice %arg2[%add3A, %dma_start3A_728, %add3A_722] : memref<4x16x262144xf32, #tpu.memory_space<hbm>> -> memref<1x16x2048xf32, #tpu.memory_space<hbm>>
      %dma_start3A_730 = tpu.memref_squeeze %dma_start3A_729 : memref<1x16x2048xf32, #tpu.memory_space<hbm>> -> memref<16x2048xf32, #tpu.memory_space<hbm>>
      %dma_start3A_731 = arith.constant 0 : i32
      %dma_start3A_732 = arith.constant 0 : i32
      %dma_start3A_733 = tpu.memref_slice %arg5[%dma_start3A_723, %dma_start3A_731, %dma_start3A_732] : memref<2x16x2048xf32, #tpu.memory_space<vmem>> -> memref<1x16x2048xf32, #tpu.memory_space<vmem>>
      %dma_start3A_734 = tpu.memref_squeeze %dma_start3A_733 : memref<1x16x2048xf32, #tpu.memory_space<vmem>> -> memref<16x2048xf32, #tpu.memory_space<vmem>>
      %dma_start3A_735 = arith.constant 0 : i32
      %dma_start3A_736 = tpu.memref_slice %arg2[%add3A, %dma_start3A_735, %add3A_722] : memref<4x16x262144xf32, #tpu.memory_space<hbm>> -> memref<1x16x2048xf32, #tpu.memory_space<hbm>>
      %dma_start3A_737 = tpu.memref_squeeze %dma_start3A_736 : memref<1x16x2048xf32, #tpu.memory_space<hbm>> -> memref<16x2048xf32, #tpu.memory_space<hbm>>
      tpu.enqueue_dma source(%dma_start3A_737 : memref<16x2048xf32, #tpu.memory_space<hbm>>) target(%dma_start3A_734 : memref<16x2048xf32, #tpu.memory_space<vmem>>) target_semaphore(%arg16 : memref<!tpu.dma_semaphore, #tpu.memory_space<semaphore_mem>>)
      %dma_start3A_738 = arith.constant 1 : i32
      %dma_start3A_739 = arith.constant 0 : i32
      %dma_start3A_740 = tpu.memref_slice %arg6[%dma_start3A_738, %dma_start3A_739] : memref<2x2048xi32, #tpu.memory_space<vmem>> -> memref<1x2048xi32, #tpu.memory_space<vmem>>
      %dma_start3A_741 = tpu.memref_squeeze %dma_start3A_740 : memref<1x2048xi32, #tpu.memory_space<vmem>> -> memref<2048xi32, #tpu.memory_space<vmem>>
      %dma_start3A_742 = tpu.memref_slice %arg3[%add3A, %add3A_722] : memref<4x262144xi32, #tpu.memory_space<hbm>> -> memref<1x2048xi32, #tpu.memory_space<hbm>>
      %dma_start3A_743 = tpu.memref_squeeze %dma_start3A_742 : memref<1x2048xi32, #tpu.memory_space<hbm>> -> memref<2048xi32, #tpu.memory_space<hbm>>
      %dma_start3A_744 = arith.constant 0 : i32
      %dma_start3A_745 = tpu.memref_slice %arg6[%dma_start3A_738, %dma_start3A_744] : memref<2x2048xi32, #tpu.memory_space<vmem>> -> memref<1x2048xi32, #tpu.memory_space<vmem>>
      %dma_start3A_746 = tpu.memref_squeeze %dma_start3A_745 : memref<1x2048xi32, #tpu.memory_space<vmem>> -> memref<2048xi32, #tpu.memory_space<vmem>>
      %dma_start3A_747 = tpu.memref_slice %arg3[%add3A, %add3A_722] : memref<4x262144xi32, #tpu.memory_space<hbm>> -> memref<1x2048xi32, #tpu.memory_space<hbm>>
      %dma_start3A_748 = tpu.memref_squeeze %dma_start3A_747 : memref<1x2048xi32, #tpu.memory_space<hbm>> -> memref<2048xi32, #tpu.memory_space<hbm>>
      tpu.enqueue_dma source(%dma_start3A_748 : memref<2048xi32, #tpu.memory_space<hbm>>) target(%dma_start3A_746 : memref<2048xi32, #tpu.memory_space<vmem>>) target_semaphore(%arg16 : memref<!tpu.dma_semaphore, #tpu.memory_space<semaphore_mem>>)
      %dma_wait3A_749 = arith.constant 0 : i32
      %dma_wait3A_750 = arith.constant 0 : i32
      %dma_wait3A_751 = arith.constant 0 : i32
      %dma_wait3A_752 = arith.constant 0 : i32
      %dma_wait3A_753 = tpu.memref_slice %arg5[%dma_wait3A_750, %dma_wait3A_751, %dma_wait3A_752] : memref<2x16x2048xf32, #tpu.memory_space<vmem>> -> memref<1x16x2048xf32, #tpu.memory_space<vmem>>
      %dma_wait3A_754 = tpu.memref_squeeze %dma_wait3A_753 : memref<1x16x2048xf32, #tpu.memory_space<vmem>> -> memref<16x2048xf32, #tpu.memory_space<vmem>>
      %dma_wait3A_755 = arith.constant 0 : i32
      %dma_wait3A_756 = arith.constant 0 : i32
      %dma_wait3A_757 = tpu.memref_slice %arg2[%dma_wait3A_749, %dma_wait3A_755, %dma_wait3A_756] : memref<4x16x262144xf32, #tpu.memory_space<hbm>> -> memref<1x16x2048xf32, #tpu.memory_space<hbm>>
      %dma_wait3A_758 = tpu.memref_squeeze %dma_wait3A_757 : memref<1x16x2048xf32, #tpu.memory_space<hbm>> -> memref<16x2048xf32, #tpu.memory_space<hbm>>
      %dma_wait3A_759 = arith.constant 0 : i32
      %dma_wait3A_760 = arith.constant 0 : i32
      %dma_wait3A_761 = tpu.memref_slice %arg5[%dma_wait3A_750, %dma_wait3A_759, %dma_wait3A_760] : memref<2x16x2048xf32, #tpu.memory_space<vmem>> -> memref<1x16x2048xf32, #tpu.memory_space<vmem>>
      %dma_wait3A_762 = tpu.memref_squeeze %dma_wait3A_761 : memref<1x16x2048xf32, #tpu.memory_space<vmem>> -> memref<16x2048xf32, #tpu.memory_space<vmem>>
      %dma_wait3A_763 = arith.constant 0 : i32
      %dma_wait3A_764 = arith.constant 0 : i32
      %dma_wait3A_765 = tpu.memref_slice %arg2[%dma_wait3A_749, %dma_wait3A_763, %dma_wait3A_764] : memref<4x16x262144xf32, #tpu.memory_space<hbm>> -> memref<1x16x2048xf32, #tpu.memory_space<hbm>>
      %dma_wait3A_766 = tpu.memref_squeeze %dma_wait3A_765 : memref<1x16x2048xf32, #tpu.memory_space<hbm>> -> memref<16x2048xf32, #tpu.memory_space<hbm>>
      tpu.wait_dma2 semaphore(%arg15 : memref<!tpu.dma_semaphore, #tpu.memory_space<semaphore_mem>>) src(%dma_wait3A_766 : memref<16x2048xf32, #tpu.memory_space<hbm>>) dst(%dma_wait3A_762 : memref<16x2048xf32, #tpu.memory_space<vmem>>)
      %dma_wait3A_767 = arith.constant 0 : i32
      %dma_wait3A_768 = arith.constant 0 : i32
      %dma_wait3A_769 = arith.constant 0 : i32
      %dma_wait3A_770 = tpu.memref_slice %arg6[%dma_wait3A_768, %dma_wait3A_769] : memref<2x2048xi32, #tpu.memory_space<vmem>> -> memref<1x2048xi32, #tpu.memory_space<vmem>>
      %dma_wait3A_771 = tpu.memref_squeeze %dma_wait3A_770 : memref<1x2048xi32, #tpu.memory_space<vmem>> -> memref<2048xi32, #tpu.memory_space<vmem>>
      %dma_wait3A_772 = arith.constant 0 : i32
      %dma_wait3A_773 = tpu.memref_slice %arg3[%dma_wait3A_767, %dma_wait3A_772] : memref<4x262144xi32, #tpu.memory_space<hbm>> -> memref<1x2048xi32, #tpu.memory_space<hbm>>
      %dma_wait3A_774 = tpu.memref_squeeze %dma_wait3A_773 : memref<1x2048xi32, #tpu.memory_space<hbm>> -> memref<2048xi32, #tpu.memory_space<hbm>>
      %dma_wait3A_775 = arith.constant 0 : i32
      %dma_wait3A_776 = tpu.memref_slice %arg6[%dma_wait3A_768, %dma_wait3A_775] : memref<2x2048xi32, #tpu.memory_space<vmem>> -> memref<1x2048xi32, #tpu.memory_space<vmem>>
      %dma_wait3A_777 = tpu.memref_squeeze %dma_wait3A_776 : memref<1x2048xi32, #tpu.memory_space<vmem>> -> memref<2048xi32, #tpu.memory_space<vmem>>
      %dma_wait3A_778 = arith.constant 0 : i32
      %dma_wait3A_779 = tpu.memref_slice %arg3[%dma_wait3A_767, %dma_wait3A_778] : memref<4x262144xi32, #tpu.memory_space<hbm>> -> memref<1x2048xi32, #tpu.memory_space<hbm>>
      %dma_wait3A_780 = tpu.memref_squeeze %dma_wait3A_779 : memref<1x2048xi32, #tpu.memory_space<hbm>> -> memref<2048xi32, #tpu.memory_space<hbm>>
      tpu.wait_dma2 semaphore(%arg15 : memref<!tpu.dma_semaphore, #tpu.memory_space<semaphore_mem>>) src(%dma_wait3A_780 : memref<2048xi32, #tpu.memory_space<hbm>>) dst(%dma_wait3A_777 : memref<2048xi32, #tpu.memory_space<vmem>>)
      %parallel_loop3A = arith.constant 0 : i32
      %parallel_loop3A_781 = arith.constant 128 : i32
      %parallel_loop3A_782 = arith.constant 1 : i32
      %parallel_loop3A_783 = scf.for %parallel_loop3A_849 = %parallel_loop3A to %parallel_loop3A_781 step %parallel_loop3A_782 iter_args(%parallel_loop3A_850 = %scan3A_715) -> (vector<16xi32>)  : i32 {
        %parallel_loop3A_851 = arith.constant 16 : i32
        %parallel_loop3A_852 = arith.muli %parallel_loop3A_849, %parallel_loop3A_851 : i32
        %parallel_loop3A_853 = arith.constant 0 : i32
        %parallel_loop3A_854 = arith.index_cast %parallel_loop3A_853 : i32 to index
        %parallel_loop3A_855 = arith.index_cast %parallel_loop3A_852 : i32 to index
        %parallel_loop3A_856 = tpu.vector_load %arg6[%parallel_loop3A_854, %parallel_loop3A_855] {strides = array<i32>} : memref<2x2048xi32, #tpu.memory_space<vmem>>, vector<16xi32>,
        %parallel_loop3A_857 = arith.addi %mul3A_41, %parallel_loop3A_856 : vector<16xi32>
        tpu.vector_store_idx %arg8[%parallel_loop3A_857], %broadcast_in_dim3A_42 {add = true} : memref<272xf32, #tpu.memory_space<vmem>>[vector<16xi32>], vector<16xf32>,
        %parallel_loop3A_858 = arith.constant 4 : i32
        %parallel_loop3A_859 = vector.broadcast %parallel_loop3A_858 : i32 to vector<16xi32>
        %parallel_loop3A_860 = arith.shli %parallel_loop3A_856, %parallel_loop3A_859 : vector<16xi32>
        %parallel_loop3A_861 = arith.addi %mul3A_38, %parallel_loop3A_860 : vector<16xi32>
        %parallel_loop3A_862 = arith.constant 0 : i32
        %parallel_loop3A_863 = arith.constant 0 : i32
        %parallel_loop3A_864 = arith.index_cast %parallel_loop3A_862 : i32 to index
        %parallel_loop3A_865 = arith.index_cast %parallel_loop3A_863 : i32 to index
        %parallel_loop3A_866 = arith.index_cast %parallel_loop3A_852 : i32 to index
        %parallel_loop3A_867 = tpu.vector_load %arg5[%parallel_loop3A_864, %parallel_loop3A_865, %parallel_loop3A_866] {strides = array<i32>} : memref<2x16x2048xf32, #tpu.memory_space<vmem>>, vector<16xf32>,
        %parallel_loop3A_868 = arith.constant 0 : i32
        %parallel_loop3A_869 = vector.broadcast %parallel_loop3A_868 : i32 to vector<16xi32>
        %parallel_loop3A_870 = arith.addi %parallel_loop3A_861, %parallel_loop3A_869 : vector<16xi32>
        tpu.vector_store_idx %arg7[%parallel_loop3A_870], %parallel_loop3A_867 {add = true} : memref<4368xf32, #tpu.memory_space<vmem>>[vector<16xi32>], vector<16xf32>,
        %parallel_loop3A_871 = arith.constant 0 : i32
        %parallel_loop3A_872 = arith.constant 1 : i32
        %parallel_loop3A_873 = arith.index_cast %parallel_loop3A_871 : i32 to index
        %parallel_loop3A_874 = arith.index_cast %parallel_loop3A_872 : i32 to index
        %parallel_loop3A_875 = arith.index_cast %parallel_loop3A_852 : i32 to index
        %parallel_loop3A_876 = tpu.vector_load %arg5[%parallel_loop3A_873, %parallel_loop3A_874, %parallel_loop3A_875] {strides = array<i32>} : memref<2x16x2048xf32, #tpu.memory_space<vmem>>, vector<16xf32>,
        %parallel_loop3A_877 = arith.constant 1 : i32
        %parallel_loop3A_878 = vector.broadcast %parallel_loop3A_877 : i32 to vector<16xi32>
        %parallel_loop3A_879 = arith.addi %parallel_loop3A_861, %parallel_loop3A_878 : vector<16xi32>
        tpu.vector_store_idx %arg7[%parallel_loop3A_879], %parallel_loop3A_876 {add = true} : memref<4368xf32, #tpu.memory_space<vmem>>[vector<16xi32>], vector<16xf32>,
        %parallel_loop3A_880 = arith.constant 0 : i32
        %parallel_loop3A_881 = arith.constant 2 : i32
        %parallel_loop3A_882 = arith.index_cast %parallel_loop3A_880 : i32 to index
        %parallel_loop3A_883 = arith.index_cast %parallel_loop3A_881 : i32 to index
        %parallel_loop3A_884 = arith.index_cast %parallel_loop3A_852 : i32 to index
        %parallel_loop3A_885 = tpu.vector_load %arg5[%parallel_loop3A_882, %parallel_loop3A_883, %parallel_loop3A_884] {strides = array<i32>} : memref<2x16x2048xf32, #tpu.memory_space<vmem>>, vector<16xf32>,
        %parallel_loop3A_886 = arith.constant 2 : i32
        %parallel_loop3A_887 = vector.broadcast %parallel_loop3A_886 : i32 to vector<16xi32>
        %parallel_loop3A_888 = arith.addi %parallel_loop3A_861, %parallel_loop3A_887 : vector<16xi32>
        tpu.vector_store_idx %arg7[%parallel_loop3A_888], %parallel_loop3A_885 {add = true} : memref<4368xf32, #tpu.memory_space<vmem>>[vector<16xi32>], vector<16xf32>,
        %parallel_loop3A_889 = arith.constant 0 : i32
        %parallel_loop3A_890 = arith.constant 3 : i32
        %parallel_loop3A_891 = arith.index_cast %parallel_loop3A_889 : i32 to index
        %parallel_loop3A_892 = arith.index_cast %parallel_loop3A_890 : i32 to index
        %parallel_loop3A_893 = arith.index_cast %parallel_loop3A_852 : i32 to index
        %parallel_loop3A_894 = tpu.vector_load %arg5[%parallel_loop3A_891, %parallel_loop3A_892, %parallel_loop3A_893] {strides = array<i32>} : memref<2x16x2048xf32, #tpu.memory_space<vmem>>, vector<16xf32>,
        %parallel_loop3A_895 = arith.constant 3 : i32
        %parallel_loop3A_896 = vector.broadcast %parallel_loop3A_895 : i32 to vector<16xi32>
        %parallel_loop3A_897 = arith.addi %parallel_loop3A_861, %parallel_loop3A_896 : vector<16xi32>
        tpu.vector_store_idx %arg7[%parallel_loop3A_897], %parallel_loop3A_894 {add = true} : memref<4368xf32, #tpu.memory_space<vmem>>[vector<16xi32>], vector<16xf32>,
        %parallel_loop3A_898 = arith.constant 0 : i32
        %parallel_loop3A_899 = arith.constant 4 : i32
        %parallel_loop3A_900 = arith.index_cast %parallel_loop3A_898 : i32 to index
        %parallel_loop3A_901 = arith.index_cast %parallel_loop3A_899 : i32 to index
        %parallel_loop3A_902 = arith.index_cast %parallel_loop3A_852 : i32 to index
        %parallel_loop3A_903 = tpu.vector_load %arg5[%parallel_loop3A_900, %parallel_loop3A_901, %parallel_loop3A_902] {strides = array<i32>} : memref<2x16x2048xf32, #tpu.memory_space<vmem>>, vector<16xf32>,
        %parallel_loop3A_904 = arith.constant 4 : i32
        %parallel_loop3A_905 = vector.broadcast %parallel_loop3A_904 : i32 to vector<16xi32>
        %parallel_loop3A_906 = arith.addi %parallel_loop3A_861, %parallel_loop3A_905 : vector<16xi32>
        tpu.vector_store_idx %arg7[%parallel_loop3A_906], %parallel_loop3A_903 {add = true} : memref<4368xf32, #tpu.memory_space<vmem>>[vector<16xi32>], vector<16xf32>,
        %parallel_loop3A_907 = arith.constant 0 : i32
        %parallel_loop3A_908 = arith.constant 5 : i32
        %parallel_loop3A_909 = arith.index_cast %parallel_loop3A_907 : i32 to index
        %parallel_loop3A_910 = arith.index_cast %parallel_loop3A_908 : i32 to index
        %parallel_loop3A_911 = arith.index_cast %parallel_loop3A_852 : i32 to index
        %parallel_loop3A_912 = tpu.vector_load %arg5[%parallel_loop3A_909, %parallel_loop3A_910, %parallel_loop3A_911] {strides = array<i32>} : memref<2x16x2048xf32, #tpu.memory_space<vmem>>, vector<16xf32>,
        %parallel_loop3A_913 = arith.constant 5 : i32
        %parallel_loop3A_914 = vector.broadcast %parallel_loop3A_913 : i32 to vector<16xi32>
        %parallel_loop3A_915 = arith.addi %parallel_loop3A_861, %parallel_loop3A_914 : vector<16xi32>
        tpu.vector_store_idx %arg7[%parallel_loop3A_915], %parallel_loop3A_912 {add = true} : memref<4368xf32, #tpu.memory_space<vmem>>[vector<16xi32>], vector<16xf32>,
        %parallel_loop3A_916 = arith.constant 0 : i32
        %parallel_loop3A_917 = arith.constant 6 : i32
        %parallel_loop3A_918 = arith.index_cast %parallel_loop3A_916 : i32 to index
        %parallel_loop3A_919 = arith.index_cast %parallel_loop3A_917 : i32 to index
        %parallel_loop3A_920 = arith.index_cast %parallel_loop3A_852 : i32 to index
        %parallel_loop3A_921 = tpu.vector_load %arg5[%parallel_loop3A_918, %parallel_loop3A_919, %parallel_loop3A_920] {strides = array<i32>} : memref<2x16x2048xf32, #tpu.memory_space<vmem>>, vector<16xf32>,
        %parallel_loop3A_922 = arith.constant 6 : i32
        %parallel_loop3A_923 = vector.broadcast %parallel_loop3A_922 : i32 to vector<16xi32>
        %parallel_loop3A_924 = arith.addi %parallel_loop3A_861, %parallel_loop3A_923 : vector<16xi32>
        tpu.vector_store_idx %arg7[%parallel_loop3A_924], %parallel_loop3A_921 {add = true} : memref<4368xf32, #tpu.memory_space<vmem>>[vector<16xi32>], vector<16xf32>,
        %parallel_loop3A_925 = arith.constant 0 : i32
        %parallel_loop3A_926 = arith.constant 7 : i32
        %parallel_loop3A_927 = arith.index_cast %parallel_loop3A_925 : i32 to index
        %parallel_loop3A_928 = arith.index_cast %parallel_loop3A_926 : i32 to index
        %parallel_loop3A_929 = arith.index_cast %parallel_loop3A_852 : i32 to index
        %parallel_loop3A_930 = tpu.vector_load %arg5[%parallel_loop3A_927, %parallel_loop3A_928, %parallel_loop3A_929] {strides = array<i32>} : memref<2x16x2048xf32, #tpu.memory_space<vmem>>, vector<16xf32>,
        %parallel_loop3A_931 = arith.constant 7 : i32
        %parallel_loop3A_932 = vector.broadcast %parallel_loop3A_931 : i32 to vector<16xi32>
        %parallel_loop3A_933 = arith.addi %parallel_loop3A_861, %parallel_loop3A_932 : vector<16xi32>
        tpu.vector_store_idx %arg7[%parallel_loop3A_933], %parallel_loop3A_930 {add = true} : memref<4368xf32, #tpu.memory_space<vmem>>[vector<16xi32>], vector<16xf32>,
        %parallel_loop3A_934 = arith.constant 0 : i32
        %parallel_loop3A_935 = arith.constant 8 : i32
        %parallel_loop3A_936 = arith.index_cast %parallel_loop3A_934 : i32 to index
        %parallel_loop3A_937 = arith.index_cast %parallel_loop3A_935 : i32 to index
        %parallel_loop3A_938 = arith.index_cast %parallel_loop3A_852 : i32 to index
        %parallel_loop3A_939 = tpu.vector_load %arg5[%parallel_loop3A_936, %parallel_loop3A_937, %parallel_loop3A_938] {strides = array<i32>} : memref<2x16x2048xf32, #tpu.memory_space<vmem>>, vector<16xf32>,
        %parallel_loop3A_940 = arith.constant 8 : i32
        %parallel_loop3A_941 = vector.broadcast %parallel_loop3A_940 : i32 to vector<16xi32>
        %parallel_loop3A_942 = arith.addi %parallel_loop3A_861, %parallel_loop3A_941 : vector<16xi32>
        tpu.vector_store_idx %arg7[%parallel_loop3A_942], %parallel_loop3A_939 {add = true} : memref<4368xf32, #tpu.memory_space<vmem>>[vector<16xi32>], vector<16xf32>,
        %parallel_loop3A_943 = arith.constant 0 : i32
        %parallel_loop3A_944 = arith.constant 9 : i32
        %parallel_loop3A_945 = arith.index_cast %parallel_loop3A_943 : i32 to index
        %parallel_loop3A_946 = arith.index_cast %parallel_loop3A_944 : i32 to index
        %parallel_loop3A_947 = arith.index_cast %parallel_loop3A_852 : i32 to index
        %parallel_loop3A_948 = tpu.vector_load %arg5[%parallel_loop3A_945, %parallel_loop3A_946, %parallel_loop3A_947] {strides = array<i32>} : memref<2x16x2048xf32, #tpu.memory_space<vmem>>, vector<16xf32>,
        %parallel_loop3A_949 = arith.constant 9 : i32
        %parallel_loop3A_950 = vector.broadcast %parallel_loop3A_949 : i32 to vector<16xi32>
        %parallel_loop3A_951 = arith.addi %parallel_loop3A_861, %parallel_loop3A_950 : vector<16xi32>
        tpu.vector_store_idx %arg7[%parallel_loop3A_951], %parallel_loop3A_948 {add = true} : memref<4368xf32, #tpu.memory_space<vmem>>[vector<16xi32>], vector<16xf32>,
        %parallel_loop3A_952 = arith.constant 0 : i32
        %parallel_loop3A_953 = arith.constant 10 : i32
        %parallel_loop3A_954 = arith.index_cast %parallel_loop3A_952 : i32 to index
        %parallel_loop3A_955 = arith.index_cast %parallel_loop3A_953 : i32 to index
        %parallel_loop3A_956 = arith.index_cast %parallel_loop3A_852 : i32 to index
        %parallel_loop3A_957 = tpu.vector_load %arg5[%parallel_loop3A_954, %parallel_loop3A_955, %parallel_loop3A_956] {strides = array<i32>} : memref<2x16x2048xf32, #tpu.memory_space<vmem>>, vector<16xf32>,
        %parallel_loop3A_958 = arith.constant 10 : i32
        %parallel_loop3A_959 = vector.broadcast %parallel_loop3A_958 : i32 to vector<16xi32>
        %parallel_loop3A_960 = arith.addi %parallel_loop3A_861, %parallel_loop3A_959 : vector<16xi32>
        tpu.vector_store_idx %arg7[%parallel_loop3A_960], %parallel_loop3A_957 {add = true} : memref<4368xf32, #tpu.memory_space<vmem>>[vector<16xi32>], vector<16xf32>,
        %parallel_loop3A_961 = arith.constant 0 : i32
        %parallel_loop3A_962 = arith.constant 11 : i32
        %parallel_loop3A_963 = arith.index_cast %parallel_loop3A_961 : i32 to index
        %parallel_loop3A_964 = arith.index_cast %parallel_loop3A_962 : i32 to index
        %parallel_loop3A_965 = arith.index_cast %parallel_loop3A_852 : i32 to index
        %parallel_loop3A_966 = tpu.vector_load %arg5[%parallel_loop3A_963, %parallel_loop3A_964, %parallel_loop3A_965] {strides = array<i32>} : memref<2x16x2048xf32, #tpu.memory_space<vmem>>, vector<16xf32>,
        %parallel_loop3A_967 = arith.constant 11 : i32
        %parallel_loop3A_968 = vector.broadcast %parallel_loop3A_967 : i32 to vector<16xi32>
        %parallel_loop3A_969 = arith.addi %parallel_loop3A_861, %parallel_loop3A_968 : vector<16xi32>
        tpu.vector_store_idx %arg7[%parallel_loop3A_969], %parallel_loop3A_966 {add = true} : memref<4368xf32, #tpu.memory_space<vmem>>[vector<16xi32>], vector<16xf32>,
        %parallel_loop3A_970 = arith.constant 0 : i32
        %parallel_loop3A_971 = arith.constant 12 : i32
        %parallel_loop3A_972 = arith.index_cast %parallel_loop3A_970 : i32 to index
        %parallel_loop3A_973 = arith.index_cast %parallel_loop3A_971 : i32 to index
        %parallel_loop3A_974 = arith.index_cast %parallel_loop3A_852 : i32 to index
        %parallel_loop3A_975 = tpu.vector_load %arg5[%parallel_loop3A_972, %parallel_loop3A_973, %parallel_loop3A_974] {strides = array<i32>} : memref<2x16x2048xf32, #tpu.memory_space<vmem>>, vector<16xf32>,
        %parallel_loop3A_976 = arith.constant 12 : i32
        %parallel_loop3A_977 = vector.broadcast %parallel_loop3A_976 : i32 to vector<16xi32>
        %parallel_loop3A_978 = arith.addi %parallel_loop3A_861, %parallel_loop3A_977 : vector<16xi32>
        tpu.vector_store_idx %arg7[%parallel_loop3A_978], %parallel_loop3A_975 {add = true} : memref<4368xf32, #tpu.memory_space<vmem>>[vector<16xi32>], vector<16xf32>,
        %parallel_loop3A_979 = arith.constant 0 : i32
        %parallel_loop3A_980 = arith.constant 13 : i32
        %parallel_loop3A_981 = arith.index_cast %parallel_loop3A_979 : i32 to index
        %parallel_loop3A_982 = arith.index_cast %parallel_loop3A_980 : i32 to index
        %parallel_loop3A_983 = arith.index_cast %parallel_loop3A_852 : i32 to index
        %parallel_loop3A_984 = tpu.vector_load %arg5[%parallel_loop3A_981, %parallel_loop3A_982, %parallel_loop3A_983] {strides = array<i32>} : memref<2x16x2048xf32, #tpu.memory_space<vmem>>, vector<16xf32>,
        %parallel_loop3A_985 = arith.constant 13 : i32
        %parallel_loop3A_986 = vector.broadcast %parallel_loop3A_985 : i32 to vector<16xi32>
        %parallel_loop3A_987 = arith.addi %parallel_loop3A_861, %parallel_loop3A_986 : vector<16xi32>
        tpu.vector_store_idx %arg7[%parallel_loop3A_987], %parallel_loop3A_984 {add = true} : memref<4368xf32, #tpu.memory_space<vmem>>[vector<16xi32>], vector<16xf32>,
        %parallel_loop3A_988 = arith.constant 0 : i32
        %parallel_loop3A_989 = arith.constant 14 : i32
        %parallel_loop3A_990 = arith.index_cast %parallel_loop3A_988 : i32 to index
        %parallel_loop3A_991 = arith.index_cast %parallel_loop3A_989 : i32 to index
        %parallel_loop3A_992 = arith.index_cast %parallel_loop3A_852 : i32 to index
        %parallel_loop3A_993 = tpu.vector_load %arg5[%parallel_loop3A_990, %parallel_loop3A_991, %parallel_loop3A_992] {strides = array<i32>} : memref<2x16x2048xf32, #tpu.memory_space<vmem>>, vector<16xf32>,
        %parallel_loop3A_994 = arith.constant 14 : i32
        %parallel_loop3A_995 = vector.broadcast %parallel_loop3A_994 : i32 to vector<16xi32>
        %parallel_loop3A_996 = arith.addi %parallel_loop3A_861, %parallel_loop3A_995 : vector<16xi32>
        tpu.vector_store_idx %arg7[%parallel_loop3A_996], %parallel_loop3A_993 {add = true} : memref<4368xf32, #tpu.memory_space<vmem>>[vector<16xi32>], vector<16xf32>,
        %parallel_loop3A_997 = arith.constant 0 : i32
        %parallel_loop3A_998 = arith.constant 15 : i32
        %parallel_loop3A_999 = arith.index_cast %parallel_loop3A_997 : i32 to index
        %parallel_loop3A_1000 = arith.index_cast %parallel_loop3A_998 : i32 to index
        %parallel_loop3A_1001 = arith.index_cast %parallel_loop3A_852 : i32 to index
        %parallel_loop3A_1002 = tpu.vector_load %arg5[%parallel_loop3A_999, %parallel_loop3A_1000, %parallel_loop3A_1001] {strides = array<i32>} : memref<2x16x2048xf32, #tpu.memory_space<vmem>>, vector<16xf32>,
        %parallel_loop3A_1003 = arith.constant 15 : i32
        %parallel_loop3A_1004 = vector.broadcast %parallel_loop3A_1003 : i32 to vector<16xi32>
        %parallel_loop3A_1005 = arith.addi %parallel_loop3A_861, %parallel_loop3A_1004 : vector<16xi32>
        tpu.vector_store_idx %arg7[%parallel_loop3A_1005], %parallel_loop3A_1002 {add = true} : memref<4368xf32, #tpu.memory_space<vmem>>[vector<16xi32>], vector<16xf32>,
        %parallel_loop3A_1006 = arith.maxsi %parallel_loop3A_850, %parallel_loop3A_856 : vector<16xi32>
        scf.yield %parallel_loop3A_1006 : vector<16xi32>
      } {sc.loop_unroll_factor = 2 : i64, sc.parallel_access}
      %add3A_784 = arith.constant 4096 : i32
      %add3A_785 = arith.addi %add3A_720, %add3A_784 : i32
      %min3A = arith.constant 260096 : i32
      %min3A_786 = arith.minsi %add3A_785, %min3A : i32
      %dma_start3A_787 = arith.constant 0 : i32
      %dma_start3A_788 = arith.constant 0 : i32
      %dma_start3A_789 = arith.constant 0 : i32
      %dma_start3A_790 = tpu.memref_slice %arg5[%dma_start3A_787, %dma_start3A_788, %dma_start3A_789] : memref<2x16x2048xf32, #tpu.memory_space<vmem>> -> memref<1x16x2048xf32, #tpu.memory_space<vmem>>
      %dma_start3A_791 = tpu.memref_squeeze %dma_start3A_790 : memref<1x16x2048xf32, #tpu.memory_space<vmem>> -> memref<16x2048xf32, #tpu.memory_space<vmem>>
      %dma_start3A_792 = arith.constant 0 : i32
      %dma_start3A_793 = tpu.memref_slice %arg2[%add3A, %dma_start3A_792, %min3A_786] : memref<4x16x262144xf32, #tpu.memory_space<hbm>> -> memref<1x16x2048xf32, #tpu.memory_space<hbm>>
      %dma_start3A_794 = tpu.memref_squeeze %dma_start3A_793 : memref<1x16x2048xf32, #tpu.memory_space<hbm>> -> memref<16x2048xf32, #tpu.memory_space<hbm>>
      %dma_start3A_795 = arith.constant 0 : i32
      %dma_start3A_796 = arith.constant 0 : i32
      %dma_start3A_797 = tpu.memref_slice %arg5[%dma_start3A_787, %dma_start3A_795, %dma_start3A_796] : memref<2x16x2048xf32, #tpu.memory_space<vmem>> -> memref<1x16x2048xf32, #tpu.memory_space<vmem>>
      %dma_start3A_798 = tpu.memref_squeeze %dma_start3A_797 : memref<1x16x2048xf32, #tpu.memory_space<vmem>> -> memref<16x2048xf32, #tpu.memory_space<vmem>>
      %dma_start3A_799 = arith.constant 0 : i32
      %dma_start3A_800 = tpu.memref_slice %arg2[%add3A, %dma_start3A_799, %min3A_786] : memref<4x16x262144xf32, #tpu.memory_space<hbm>> -> memref<1x16x2048xf32, #tpu.memory_space<hbm>>
      %dma_start3A_801 = tpu.memref_squeeze %dma_start3A_800 : memref<1x16x2048xf32, #tpu.memory_space<hbm>> -> memref<16x2048xf32, #tpu.memory_space<hbm>>
      tpu.enqueue_dma source(%dma_start3A_801 : memref<16x2048xf32, #tpu.memory_space<hbm>>) target(%dma_start3A_798 : memref<16x2048xf32, #tpu.memory_space<vmem>>) target_semaphore(%arg15 : memref<!tpu.dma_semaphore, #tpu.memory_space<semaphore_mem>>)
      %dma_start3A_802 = arith.constant 0 : i32
      %dma_start3A_803 = arith.constant 0 : i32
      %dma_start3A_804 = tpu.memref_slice %arg6[%dma_start3A_802, %dma_start3A_803] : memref<2x2048xi32, #tpu.memory_space<vmem>> -> memref<1x2048xi32, #tpu.memory_space<vmem>>
      %dma_start3A_805 = tpu.memref_squeeze %dma_start3A_804 : memref<1x2048xi32, #tpu.memory_space<vmem>> -> memref<2048xi32, #tpu.memory_space<vmem>>
      %dma_start3A_806 = tpu.memref_slice %arg3[%add3A, %min3A_786] : memref<4x262144xi32, #tpu.memory_space<hbm>> -> memref<1x2048xi32, #tpu.memory_space<hbm>>
      %dma_start3A_807 = tpu.memref_squeeze %dma_start3A_806 : memref<1x2048xi32, #tpu.memory_space<hbm>> -> memref<2048xi32, #tpu.memory_space<hbm>>
      %dma_start3A_808 = arith.constant 0 : i32
      %dma_start3A_809 = tpu.memref_slice %arg6[%dma_start3A_802, %dma_start3A_808] : memref<2x2048xi32, #tpu.memory_space<vmem>> -> memref<1x2048xi32, #tpu.memory_space<vmem>>
      %dma_start3A_810 = tpu.memref_squeeze %dma_start3A_809 : memref<1x2048xi32, #tpu.memory_space<vmem>> -> memref<2048xi32, #tpu.memory_space<vmem>>
      %dma_start3A_811 = tpu.memref_slice %arg3[%add3A, %min3A_786] : memref<4x262144xi32, #tpu.memory_space<hbm>> -> memref<1x2048xi32, #tpu.memory_space<hbm>>
      %dma_start3A_812 = tpu.memref_squeeze %dma_start3A_811 : memref<1x2048xi32, #tpu.memory_space<hbm>> -> memref<2048xi32, #tpu.memory_space<hbm>>
      tpu.enqueue_dma source(%dma_start3A_812 : memref<2048xi32, #tpu.memory_space<hbm>>) target(%dma_start3A_810 : memref<2048xi32, #tpu.memory_space<vmem>>) target_semaphore(%arg15 : memref<!tpu.dma_semaphore, #tpu.memory_space<semaphore_mem>>)
      %dma_wait3A_813 = arith.constant 0 : i32
      %dma_wait3A_814 = arith.constant 1 : i32
      %dma_wait3A_815 = arith.constant 0 : i32
      %dma_wait3A_816 = arith.constant 0 : i32
      %dma_wait3A_817 = tpu.memref_slice %arg5[%dma_wait3A_814, %dma_wait3A_815, %dma_wait3A_816] : memref<2x16x2048xf32, #tpu.memory_space<vmem>> -> memref<1x16x2048xf32, #tpu.memory_space<vmem>>
      %dma_wait3A_818 = tpu.memref_squeeze %dma_wait3A_817 : memref<1x16x2048xf32, #tpu.memory_space<vmem>> -> memref<16x2048xf32, #tpu.memory_space<vmem>>
      %dma_wait3A_819 = arith.constant 0 : i32
      %dma_wait3A_820 = arith.constant 0 : i32
      %dma_wait3A_821 = tpu.memref_slice %arg2[%dma_wait3A_813, %dma_wait3A_819, %dma_wait3A_820] : memref<4x16x262144xf32, #tpu.memory_space<hbm>> -> memref<1x16x2048xf32, #tpu.memory_space<hbm>>
      %dma_wait3A_822 = tpu.memref_squeeze %dma_wait3A_821 : memref<1x16x2048xf32, #tpu.memory_space<hbm>> -> memref<16x2048xf32, #tpu.memory_space<hbm>>
      %dma_wait3A_823 = arith.constant 0 : i32
      %dma_wait3A_824 = arith.constant 0 : i32
      %dma_wait3A_825 = tpu.memref_slice %arg5[%dma_wait3A_814, %dma_wait3A_823, %dma_wait3A_824] : memref<2x16x2048xf32, #tpu.memory_space<vmem>> -> memref<1x16x2048xf32, #tpu.memory_space<vmem>>
      %dma_wait3A_826 = tpu.memref_squeeze %dma_wait3A_825 : memref<1x16x2048xf32, #tpu.memory_space<vmem>> -> memref<16x2048xf32, #tpu.memory_space<vmem>>
      %dma_wait3A_827 = arith.constant 0 : i32
      %dma_wait3A_828 = arith.constant 0 : i32
      %dma_wait3A_829 = tpu.memref_slice %arg2[%dma_wait3A_813, %dma_wait3A_827, %dma_wait3A_828] : memref<4x16x262144xf32, #tpu.memory_space<hbm>> -> memref<1x16x2048xf32, #tpu.memory_space<hbm>>
      %dma_wait3A_830 = tpu.memref_squeeze %dma_wait3A_829 : memref<1x16x2048xf32, #tpu.memory_space<hbm>> -> memref<16x2048xf32, #tpu.memory_space<hbm>>
      tpu.wait_dma2 semaphore(%arg16 : memref<!tpu.dma_semaphore, #tpu.memory_space<semaphore_mem>>) src(%dma_wait3A_830 : memref<16x2048xf32, #tpu.memory_space<hbm>>) dst(%dma_wait3A_826 : memref<16x2048xf32, #tpu.memory_space<vmem>>)
      %dma_wait3A_831 = arith.constant 0 : i32
      %dma_wait3A_832 = arith.constant 1 : i32
      %dma_wait3A_833 = arith.constant 0 : i32
      %dma_wait3A_834 = tpu.memref_slice %arg6[%dma_wait3A_832, %dma_wait3A_833] : memref<2x2048xi32, #tpu.memory_space<vmem>> -> memref<1x2048xi32, #tpu.memory_space<vmem>>
      %dma_wait3A_835 = tpu.memref_squeeze %dma_wait3A_834 : memref<1x2048xi32, #tpu.memory_space<vmem>> -> memref<2048xi32, #tpu.memory_space<vmem>>
      %dma_wait3A_836 = arith.constant 0 : i32
      %dma_wait3A_837 = tpu.memref_slice %arg3[%dma_wait3A_831, %dma_wait3A_836] : memref<4x262144xi32, #tpu.memory_space<hbm>> -> memref<1x2048xi32, #tpu.memory_space<hbm>>
      %dma_wait3A_838 = tpu.memref_squeeze %dma_wait3A_837 : memref<1x2048xi32, #tpu.memory_space<hbm>> -> memref<2048xi32, #tpu.memory_space<hbm>>
      %dma_wait3A_839 = arith.constant 0 : i32
      %dma_wait3A_840 = tpu.memref_slice %arg6[%dma_wait3A_832, %dma_wait3A_839] : memref<2x2048xi32, #tpu.memory_space<vmem>> -> memref<1x2048xi32, #tpu.memory_space<vmem>>
      %dma_wait3A_841 = tpu.memref_squeeze %dma_wait3A_840 : memref<1x2048xi32, #tpu.memory_space<vmem>> -> memref<2048xi32, #tpu.memory_space<vmem>>
      %dma_wait3A_842 = arith.constant 0 : i32
      %dma_wait3A_843 = tpu.memref_slice %arg3[%dma_wait3A_831, %dma_wait3A_842] : memref<4x262144xi32, #tpu.memory_space<hbm>> -> memref<1x2048xi32, #tpu.memory_space<hbm>>
      %dma_wait3A_844 = tpu.memref_squeeze %dma_wait3A_843 : memref<1x2048xi32, #tpu.memory_space<hbm>> -> memref<2048xi32, #tpu.memory_space<hbm>>
      tpu.wait_dma2 semaphore(%arg16 : memref<!tpu.dma_semaphore, #tpu.memory_space<semaphore_mem>>) src(%dma_wait3A_844 : memref<2048xi32, #tpu.memory_space<hbm>>) dst(%dma_wait3A_841 : memref<2048xi32, #tpu.memory_space<vmem>>)
      %parallel_loop3A_845 = arith.constant 0 : i32
      %parallel_loop3A_846 = arith.constant 128 : i32
      %parallel_loop3A_847 = arith.constant 1 : i32
      %parallel_loop3A_848 = scf.for %parallel_loop3A_849 = %parallel_loop3A_845 to %parallel_loop3A_846 step %parallel_loop3A_847 iter_args(%parallel_loop3A_850 = %parallel_loop3A_783) -> (vector<16xi32>)  : i32 {
        %parallel_loop3A_851 = arith.constant 16 : i32
        %parallel_loop3A_852 = arith.muli %parallel_loop3A_849, %parallel_loop3A_851 : i32
        %parallel_loop3A_853 = arith.constant 1 : i32
        %parallel_loop3A_854 = arith.index_cast %parallel_loop3A_853 : i32 to index
        %parallel_loop3A_855 = arith.index_cast %parallel_loop3A_852 : i32 to index
        %parallel_loop3A_856 = tpu.vector_load %arg6[%parallel_loop3A_854, %parallel_loop3A_855] {strides = array<i32>} : memref<2x2048xi32, #tpu.memory_space<vmem>>, vector<16xi32>,
        %parallel_loop3A_857 = arith.addi %mul3A_41, %parallel_loop3A_856 : vector<16xi32>
        tpu.vector_store_idx %arg8[%parallel_loop3A_857], %broadcast_in_dim3A_42 {add = true} : memref<272xf32, #tpu.memory_space<vmem>>[vector<16xi32>], vector<16xf32>,
        %parallel_loop3A_858 = arith.constant 4 : i32
        %parallel_loop3A_859 = vector.broadcast %parallel_loop3A_858 : i32 to vector<16xi32>
        %parallel_loop3A_860 = arith.shli %parallel_loop3A_856, %parallel_loop3A_859 : vector<16xi32>
        %parallel_loop3A_861 = arith.addi %mul3A_38, %parallel_loop3A_860 : vector<16xi32>
        %parallel_loop3A_862 = arith.constant 1 : i32
        %parallel_loop3A_863 = arith.constant 0 : i32
        %parallel_loop3A_864 = arith.index_cast %parallel_loop3A_862 : i32 to index
        %parallel_loop3A_865 = arith.index_cast %parallel_loop3A_863 : i32 to index
        %parallel_loop3A_866 = arith.index_cast %parallel_loop3A_852 : i32 to index
        %parallel_loop3A_867 = tpu.vector_load %arg5[%parallel_loop3A_864, %parallel_loop3A_865, %parallel_loop3A_866] {strides = array<i32>} : memref<2x16x2048xf32, #tpu.memory_space<vmem>>, vector<16xf32>,
        %parallel_loop3A_868 = arith.constant 0 : i32
        %parallel_loop3A_869 = vector.broadcast %parallel_loop3A_868 : i32 to vector<16xi32>
        %parallel_loop3A_870 = arith.addi %parallel_loop3A_861, %parallel_loop3A_869 : vector<16xi32>
        tpu.vector_store_idx %arg7[%parallel_loop3A_870], %parallel_loop3A_867 {add = true} : memref<4368xf32, #tpu.memory_space<vmem>>[vector<16xi32>], vector<16xf32>,
        %parallel_loop3A_871 = arith.constant 1 : i32
        %parallel_loop3A_872 = arith.constant 1 : i32
        %parallel_loop3A_873 = arith.index_cast %parallel_loop3A_871 : i32 to index
        %parallel_loop3A_874 = arith.index_cast %parallel_loop3A_872 : i32 to index
        %parallel_loop3A_875 = arith.index_cast %parallel_loop3A_852 : i32 to index
        %parallel_loop3A_876 = tpu.vector_load %arg5[%parallel_loop3A_873, %parallel_loop3A_874, %parallel_loop3A_875] {strides = array<i32>} : memref<2x16x2048xf32, #tpu.memory_space<vmem>>, vector<16xf32>,
        %parallel_loop3A_877 = arith.constant 1 : i32
        %parallel_loop3A_878 = vector.broadcast %parallel_loop3A_877 : i32 to vector<16xi32>
        %parallel_loop3A_879 = arith.addi %parallel_loop3A_861, %parallel_loop3A_878 : vector<16xi32>
        tpu.vector_store_idx %arg7[%parallel_loop3A_879], %parallel_loop3A_876 {add = true} : memref<4368xf32, #tpu.memory_space<vmem>>[vector<16xi32>], vector<16xf32>,
        %parallel_loop3A_880 = arith.constant 1 : i32
        %parallel_loop3A_881 = arith.constant 2 : i32
        %parallel_loop3A_882 = arith.index_cast %parallel_loop3A_880 : i32 to index
        %parallel_loop3A_883 = arith.index_cast %parallel_loop3A_881 : i32 to index
        %parallel_loop3A_884 = arith.index_cast %parallel_loop3A_852 : i32 to index
        %parallel_loop3A_885 = tpu.vector_load %arg5[%parallel_loop3A_882, %parallel_loop3A_883, %parallel_loop3A_884] {strides = array<i32>} : memref<2x16x2048xf32, #tpu.memory_space<vmem>>, vector<16xf32>,
        %parallel_loop3A_886 = arith.constant 2 : i32
        %parallel_loop3A_887 = vector.broadcast %parallel_loop3A_886 : i32 to vector<16xi32>
        %parallel_loop3A_888 = arith.addi %parallel_loop3A_861, %parallel_loop3A_887 : vector<16xi32>
        tpu.vector_store_idx %arg7[%parallel_loop3A_888], %parallel_loop3A_885 {add = true} : memref<4368xf32, #tpu.memory_space<vmem>>[vector<16xi32>], vector<16xf32>,
        %parallel_loop3A_889 = arith.constant 1 : i32
        %parallel_loop3A_890 = arith.constant 3 : i32
        %parallel_loop3A_891 = arith.index_cast %parallel_loop3A_889 : i32 to index
        %parallel_loop3A_892 = arith.index_cast %parallel_loop3A_890 : i32 to index
        %parallel_loop3A_893 = arith.index_cast %parallel_loop3A_852 : i32 to index
        %parallel_loop3A_894 = tpu.vector_load %arg5[%parallel_loop3A_891, %parallel_loop3A_892, %parallel_loop3A_893] {strides = array<i32>} : memref<2x16x2048xf32, #tpu.memory_space<vmem>>, vector<16xf32>,
        %parallel_loop3A_895 = arith.constant 3 : i32
        %parallel_loop3A_896 = vector.broadcast %parallel_loop3A_895 : i32 to vector<16xi32>
        %parallel_loop3A_897 = arith.addi %parallel_loop3A_861, %parallel_loop3A_896 : vector<16xi32>
        tpu.vector_store_idx %arg7[%parallel_loop3A_897], %parallel_loop3A_894 {add = true} : memref<4368xf32, #tpu.memory_space<vmem>>[vector<16xi32>], vector<16xf32>,
        %parallel_loop3A_898 = arith.constant 1 : i32
        %parallel_loop3A_899 = arith.constant 4 : i32
        %parallel_loop3A_900 = arith.index_cast %parallel_loop3A_898 : i32 to index
        %parallel_loop3A_901 = arith.index_cast %parallel_loop3A_899 : i32 to index
        %parallel_loop3A_902 = arith.index_cast %parallel_loop3A_852 : i32 to index
        %parallel_loop3A_903 = tpu.vector_load %arg5[%parallel_loop3A_900, %parallel_loop3A_901, %parallel_loop3A_902] {strides = array<i32>} : memref<2x16x2048xf32, #tpu.memory_space<vmem>>, vector<16xf32>,
        %parallel_loop3A_904 = arith.constant 4 : i32
        %parallel_loop3A_905 = vector.broadcast %parallel_loop3A_904 : i32 to vector<16xi32>
        %parallel_loop3A_906 = arith.addi %parallel_loop3A_861, %parallel_loop3A_905 : vector<16xi32>
        tpu.vector_store_idx %arg7[%parallel_loop3A_906], %parallel_loop3A_903 {add = true} : memref<4368xf32, #tpu.memory_space<vmem>>[vector<16xi32>], vector<16xf32>,
        %parallel_loop3A_907 = arith.constant 1 : i32
        %parallel_loop3A_908 = arith.constant 5 : i32
        %parallel_loop3A_909 = arith.index_cast %parallel_loop3A_907 : i32 to index
        %parallel_loop3A_910 = arith.index_cast %parallel_loop3A_908 : i32 to index
        %parallel_loop3A_911 = arith.index_cast %parallel_loop3A_852 : i32 to index
        %parallel_loop3A_912 = tpu.vector_load %arg5[%parallel_loop3A_909, %parallel_loop3A_910, %parallel_loop3A_911] {strides = array<i32>} : memref<2x16x2048xf32, #tpu.memory_space<vmem>>, vector<16xf32>,
        %parallel_loop3A_913 = arith.constant 5 : i32
        %parallel_loop3A_914 = vector.broadcast %parallel_loop3A_913 : i32 to vector<16xi32>
        %parallel_loop3A_915 = arith.addi %parallel_loop3A_861, %parallel_loop3A_914 : vector<16xi32>
        tpu.vector_store_idx %arg7[%parallel_loop3A_915], %parallel_loop3A_912 {add = true} : memref<4368xf32, #tpu.memory_space<vmem>>[vector<16xi32>], vector<16xf32>,
        %parallel_loop3A_916 = arith.constant 1 : i32
        %parallel_loop3A_917 = arith.constant 6 : i32
        %parallel_loop3A_918 = arith.index_cast %parallel_loop3A_916 : i32 to index
        %parallel_loop3A_919 = arith.index_cast %parallel_loop3A_917 : i32 to index
        %parallel_loop3A_920 = arith.index_cast %parallel_loop3A_852 : i32 to index
        %parallel_loop3A_921 = tpu.vector_load %arg5[%parallel_loop3A_918, %parallel_loop3A_919, %parallel_loop3A_920] {strides = array<i32>} : memref<2x16x2048xf32, #tpu.memory_space<vmem>>, vector<16xf32>,
        %parallel_loop3A_922 = arith.constant 6 : i32
        %parallel_loop3A_923 = vector.broadcast %parallel_loop3A_922 : i32 to vector<16xi32>
        %parallel_loop3A_924 = arith.addi %parallel_loop3A_861, %parallel_loop3A_923 : vector<16xi32>
        tpu.vector_store_idx %arg7[%parallel_loop3A_924], %parallel_loop3A_921 {add = true} : memref<4368xf32, #tpu.memory_space<vmem>>[vector<16xi32>], vector<16xf32>,
        %parallel_loop3A_925 = arith.constant 1 : i32
        %parallel_loop3A_926 = arith.constant 7 : i32
        %parallel_loop3A_927 = arith.index_cast %parallel_loop3A_925 : i32 to index
        %parallel_loop3A_928 = arith.index_cast %parallel_loop3A_926 : i32 to index
        %parallel_loop3A_929 = arith.index_cast %parallel_loop3A_852 : i32 to index
        %parallel_loop3A_930 = tpu.vector_load %arg5[%parallel_loop3A_927, %parallel_loop3A_928, %parallel_loop3A_929] {strides = array<i32>} : memref<2x16x2048xf32, #tpu.memory_space<vmem>>, vector<16xf32>,
        %parallel_loop3A_931 = arith.constant 7 : i32
        %parallel_loop3A_932 = vector.broadcast %parallel_loop3A_931 : i32 to vector<16xi32>
        %parallel_loop3A_933 = arith.addi %parallel_loop3A_861, %parallel_loop3A_932 : vector<16xi32>
        tpu.vector_store_idx %arg7[%parallel_loop3A_933], %parallel_loop3A_930 {add = true} : memref<4368xf32, #tpu.memory_space<vmem>>[vector<16xi32>], vector<16xf32>,
        %parallel_loop3A_934 = arith.constant 1 : i32
        %parallel_loop3A_935 = arith.constant 8 : i32
        %parallel_loop3A_936 = arith.index_cast %parallel_loop3A_934 : i32 to index
        %parallel_loop3A_937 = arith.index_cast %parallel_loop3A_935 : i32 to index
        %parallel_loop3A_938 = arith.index_cast %parallel_loop3A_852 : i32 to index
        %parallel_loop3A_939 = tpu.vector_load %arg5[%parallel_loop3A_936, %parallel_loop3A_937, %parallel_loop3A_938] {strides = array<i32>} : memref<2x16x2048xf32, #tpu.memory_space<vmem>>, vector<16xf32>,
        %parallel_loop3A_940 = arith.constant 8 : i32
        %parallel_loop3A_941 = vector.broadcast %parallel_loop3A_940 : i32 to vector<16xi32>
        %parallel_loop3A_942 = arith.addi %parallel_loop3A_861, %parallel_loop3A_941 : vector<16xi32>
        tpu.vector_store_idx %arg7[%parallel_loop3A_942], %parallel_loop3A_939 {add = true} : memref<4368xf32, #tpu.memory_space<vmem>>[vector<16xi32>], vector<16xf32>,
        %parallel_loop3A_943 = arith.constant 1 : i32
        %parallel_loop3A_944 = arith.constant 9 : i32
        %parallel_loop3A_945 = arith.index_cast %parallel_loop3A_943 : i32 to index
        %parallel_loop3A_946 = arith.index_cast %parallel_loop3A_944 : i32 to index
        %parallel_loop3A_947 = arith.index_cast %parallel_loop3A_852 : i32 to index
        %parallel_loop3A_948 = tpu.vector_load %arg5[%parallel_loop3A_945, %parallel_loop3A_946, %parallel_loop3A_947] {strides = array<i32>} : memref<2x16x2048xf32, #tpu.memory_space<vmem>>, vector<16xf32>,
        %parallel_loop3A_949 = arith.constant 9 : i32
        %parallel_loop3A_950 = vector.broadcast %parallel_loop3A_949 : i32 to vector<16xi32>
        %parallel_loop3A_951 = arith.addi %parallel_loop3A_861, %parallel_loop3A_950 : vector<16xi32>
        tpu.vector_store_idx %arg7[%parallel_loop3A_951], %parallel_loop3A_948 {add = true} : memref<4368xf32, #tpu.memory_space<vmem>>[vector<16xi32>], vector<16xf32>,
        %parallel_loop3A_952 = arith.constant 1 : i32
        %parallel_loop3A_953 = arith.constant 10 : i32
        %parallel_loop3A_954 = arith.index_cast %parallel_loop3A_952 : i32 to index
        %parallel_loop3A_955 = arith.index_cast %parallel_loop3A_953 : i32 to index
        %parallel_loop3A_956 = arith.index_cast %parallel_loop3A_852 : i32 to index
        %parallel_loop3A_957 = tpu.vector_load %arg5[%parallel_loop3A_954, %parallel_loop3A_955, %parallel_loop3A_956] {strides = array<i32>} : memref<2x16x2048xf32, #tpu.memory_space<vmem>>, vector<16xf32>,
        %parallel_loop3A_958 = arith.constant 10 : i32
        %parallel_loop3A_959 = vector.broadcast %parallel_loop3A_958 : i32 to vector<16xi32>
        %parallel_loop3A_960 = arith.addi %parallel_loop3A_861, %parallel_loop3A_959 : vector<16xi32>
        tpu.vector_store_idx %arg7[%parallel_loop3A_960], %parallel_loop3A_957 {add = true} : memref<4368xf32, #tpu.memory_space<vmem>>[vector<16xi32>], vector<16xf32>,
        %parallel_loop3A_961 = arith.constant 1 : i32
        %parallel_loop3A_962 = arith.constant 11 : i32
        %parallel_loop3A_963 = arith.index_cast %parallel_loop3A_961 : i32 to index
        %parallel_loop3A_964 = arith.index_cast %parallel_loop3A_962 : i32 to index
        %parallel_loop3A_965 = arith.index_cast %parallel_loop3A_852 : i32 to index
        %parallel_loop3A_966 = tpu.vector_load %arg5[%parallel_loop3A_963, %parallel_loop3A_964, %parallel_loop3A_965] {strides = array<i32>} : memref<2x16x2048xf32, #tpu.memory_space<vmem>>, vector<16xf32>,
        %parallel_loop3A_967 = arith.constant 11 : i32
        %parallel_loop3A_968 = vector.broadcast %parallel_loop3A_967 : i32 to vector<16xi32>
        %parallel_loop3A_969 = arith.addi %parallel_loop3A_861, %parallel_loop3A_968 : vector<16xi32>
        tpu.vector_store_idx %arg7[%parallel_loop3A_969], %parallel_loop3A_966 {add = true} : memref<4368xf32, #tpu.memory_space<vmem>>[vector<16xi32>], vector<16xf32>,
        %parallel_loop3A_970 = arith.constant 1 : i32
        %parallel_loop3A_971 = arith.constant 12 : i32
        %parallel_loop3A_972 = arith.index_cast %parallel_loop3A_970 : i32 to index
        %parallel_loop3A_973 = arith.index_cast %parallel_loop3A_971 : i32 to index
        %parallel_loop3A_974 = arith.index_cast %parallel_loop3A_852 : i32 to index
        %parallel_loop3A_975 = tpu.vector_load %arg5[%parallel_loop3A_972, %parallel_loop3A_973, %parallel_loop3A_974] {strides = array<i32>} : memref<2x16x2048xf32, #tpu.memory_space<vmem>>, vector<16xf32>,
        %parallel_loop3A_976 = arith.constant 12 : i32
        %parallel_loop3A_977 = vector.broadcast %parallel_loop3A_976 : i32 to vector<16xi32>
        %parallel_loop3A_978 = arith.addi %parallel_loop3A_861, %parallel_loop3A_977 : vector<16xi32>
        tpu.vector_store_idx %arg7[%parallel_loop3A_978], %parallel_loop3A_975 {add = true} : memref<4368xf32, #tpu.memory_space<vmem>>[vector<16xi32>], vector<16xf32>,
        %parallel_loop3A_979 = arith.constant 1 : i32
        %parallel_loop3A_980 = arith.constant 13 : i32
        %parallel_loop3A_981 = arith.index_cast %parallel_loop3A_979 : i32 to index
        %parallel_loop3A_982 = arith.index_cast %parallel_loop3A_980 : i32 to index
        %parallel_loop3A_983 = arith.index_cast %parallel_loop3A_852 : i32 to index
        %parallel_loop3A_984 = tpu.vector_load %arg5[%parallel_loop3A_981, %parallel_loop3A_982, %parallel_loop3A_983] {strides = array<i32>} : memref<2x16x2048xf32, #tpu.memory_space<vmem>>, vector<16xf32>,
        %parallel_loop3A_985 = arith.constant 13 : i32
        %parallel_loop3A_986 = vector.broadcast %parallel_loop3A_985 : i32 to vector<16xi32>
        %parallel_loop3A_987 = arith.addi %parallel_loop3A_861, %parallel_loop3A_986 : vector<16xi32>
        tpu.vector_store_idx %arg7[%parallel_loop3A_987], %parallel_loop3A_984 {add = true} : memref<4368xf32, #tpu.memory_space<vmem>>[vector<16xi32>], vector<16xf32>,
        %parallel_loop3A_988 = arith.constant 1 : i32
        %parallel_loop3A_989 = arith.constant 14 : i32
        %parallel_loop3A_990 = arith.index_cast %parallel_loop3A_988 : i32 to index
        %parallel_loop3A_991 = arith.index_cast %parallel_loop3A_989 : i32 to index
        %parallel_loop3A_992 = arith.index_cast %parallel_loop3A_852 : i32 to index
        %parallel_loop3A_993 = tpu.vector_load %arg5[%parallel_loop3A_990, %parallel_loop3A_991, %parallel_loop3A_992] {strides = array<i32>} : memref<2x16x2048xf32, #tpu.memory_space<vmem>>, vector<16xf32>,
        %parallel_loop3A_994 = arith.constant 14 : i32
        %parallel_loop3A_995 = vector.broadcast %parallel_loop3A_994 : i32 to vector<16xi32>
        %parallel_loop3A_996 = arith.addi %parallel_loop3A_861, %parallel_loop3A_995 : vector<16xi32>
        tpu.vector_store_idx %arg7[%parallel_loop3A_996], %parallel_loop3A_993 {add = true} : memref<4368xf32, #tpu.memory_space<vmem>>[vector<16xi32>], vector<16xf32>,
        %parallel_loop3A_997 = arith.constant 1 : i32
        %parallel_loop3A_998 = arith.constant 15 : i32
        %parallel_loop3A_999 = arith.index_cast %parallel_loop3A_997 : i32 to index
        %parallel_loop3A_1000 = arith.index_cast %parallel_loop3A_998 : i32 to index
        %parallel_loop3A_1001 = arith.index_cast %parallel_loop3A_852 : i32 to index
        %parallel_loop3A_1002 = tpu.vector_load %arg5[%parallel_loop3A_999, %parallel_loop3A_1000, %parallel_loop3A_1001] {strides = array<i32>} : memref<2x16x2048xf32, #tpu.memory_space<vmem>>, vector<16xf32>,
        %parallel_loop3A_1003 = arith.constant 15 : i32
        %parallel_loop3A_1004 = vector.broadcast %parallel_loop3A_1003 : i32 to vector<16xi32>
        %parallel_loop3A_1005 = arith.addi %parallel_loop3A_861, %parallel_loop3A_1004 : vector<16xi32>
        tpu.vector_store_idx %arg7[%parallel_loop3A_1005], %parallel_loop3A_1002 {add = true} : memref<4368xf32, #tpu.memory_space<vmem>>[vector<16xi32>], vector<16xf32>,
        %parallel_loop3A_1006 = arith.maxsi %parallel_loop3A_850, %parallel_loop3A_856 : vector<16xi32>
        scf.yield %parallel_loop3A_1006 : vector<16xi32>
      } {sc.loop_unroll_factor = 2 : i64, sc.parallel_access}
      scf.yield %parallel_loop3A_848 : vector<16xi32>
    }
    %scan3A_95 = arith.constant 8 : i32
    %dma_wait3A = arith.constant 0 : i32
    %dma_wait3A_96 = arith.constant 0 : i32
    %dma_wait3A_97 = arith.constant 0 : i32
    %dma_wait3A_98 = arith.constant 0 : i32
    %dma_wait3A_99 = tpu.memref_slice %arg5[%dma_wait3A_96, %dma_wait3A_97, %dma_wait3A_98] : memref<2x16x2048xf32, #tpu.memory_space<vmem>> -> memref<1x16x2048xf32, #tpu.memory_space<vmem>>
    %dma_wait3A_100 = tpu.memref_squeeze %dma_wait3A_99 : memref<1x16x2048xf32, #tpu.memory_space<vmem>> -> memref<16x2048xf32, #tpu.memory_space<vmem>>
    %dma_wait3A_101 = arith.constant 0 : i32
    %dma_wait3A_102 = arith.constant 0 : i32
    %dma_wait3A_103 = tpu.memref_slice %arg2[%dma_wait3A, %dma_wait3A_101, %dma_wait3A_102] : memref<4x16x262144xf32, #tpu.memory_space<hbm>> -> memref<1x16x2048xf32, #tpu.memory_space<hbm>>
    %dma_wait3A_104 = tpu.memref_squeeze %dma_wait3A_103 : memref<1x16x2048xf32, #tpu.memory_space<hbm>> -> memref<16x2048xf32, #tpu.memory_space<hbm>>
    %dma_wait3A_105 = arith.constant 0 : i32
    %dma_wait3A_106 = arith.constant 0 : i32
    %dma_wait3A_107 = tpu.memref_slice %arg5[%dma_wait3A_96, %dma_wait3A_105, %dma_wait3A_106] : memref<2x16x2048xf32, #tpu.memory_space<vmem>> -> memref<1x16x2048xf32, #tpu.memory_space<vmem>>
    %dma_wait3A_108 = tpu.memref_squeeze %dma_wait3A_107 : memref<1x16x2048xf32, #tpu.memory_space<vmem>> -> memref<16x2048xf32, #tpu.memory_space<vmem>>
    %dma_wait3A_109 = arith.constant 0 : i32
    %dma_wait3A_110 = arith.constant 0 : i32
    %dma_wait3A_111 = tpu.memref_slice %arg2[%dma_wait3A, %dma_wait3A_109, %dma_wait3A_110] : memref<4x16x262144xf32, #tpu.memory_space<hbm>> -> memref<1x16x2048xf32, #tpu.memory_space<hbm>>
    %dma_wait3A_112 = tpu.memref_squeeze %dma_wait3A_111 : memref<1x16x2048xf32, #tpu.memory_space<hbm>> -> memref<16x2048xf32, #tpu.memory_space<hbm>>
    tpu.wait_dma2 semaphore(%arg15 : memref<!tpu.dma_semaphore, #tpu.memory_space<semaphore_mem>>) src(%dma_wait3A_112 : memref<16x2048xf32, #tpu.memory_space<hbm>>) dst(%dma_wait3A_108 : memref<16x2048xf32, #tpu.memory_space<vmem>>)
    %dma_wait3A_113 = arith.constant 0 : i32
    %dma_wait3A_114 = arith.constant 0 : i32
    %dma_wait3A_115 = arith.constant 0 : i32
    %dma_wait3A_116 = tpu.memref_slice %arg6[%dma_wait3A_114, %dma_wait3A_115] : memref<2x2048xi32, #tpu.memory_space<vmem>> -> memref<1x2048xi32, #tpu.memory_space<vmem>>
    %dma_wait3A_117 = tpu.memref_squeeze %dma_wait3A_116 : memref<1x2048xi32, #tpu.memory_space<vmem>> -> memref<2048xi32, #tpu.memory_space<vmem>>
    %dma_wait3A_118 = arith.constant 0 : i32
    %dma_wait3A_119 = tpu.memref_slice %arg3[%dma_wait3A_113, %dma_wait3A_118] : memref<4x262144xi32, #tpu.memory_space<hbm>> -> memref<1x2048xi32, #tpu.memory_space<hbm>>
    %dma_wait3A_120 = tpu.memref_squeeze %dma_wait3A_119 : memref<1x2048xi32, #tpu.memory_space<hbm>> -> memref<2048xi32, #tpu.memory_space<hbm>>
    %dma_wait3A_121 = arith.constant 0 : i32
    %dma_wait3A_122 = tpu.memref_slice %arg6[%dma_wait3A_114, %dma_wait3A_121] : memref<2x2048xi32, #tpu.memory_space<vmem>> -> memref<1x2048xi32, #tpu.memory_space<vmem>>
    %dma_wait3A_123 = tpu.memref_squeeze %dma_wait3A_122 : memref<1x2048xi32, #tpu.memory_space<vmem>> -> memref<2048xi32, #tpu.memory_space<vmem>>
    %dma_wait3A_124 = arith.constant 0 : i32
    %dma_wait3A_125 = tpu.memref_slice %arg3[%dma_wait3A_113, %dma_wait3A_124] : memref<4x262144xi32, #tpu.memory_space<hbm>> -> memref<1x2048xi32, #tpu.memory_space<hbm>>
    %dma_wait3A_126 = tpu.memref_squeeze %dma_wait3A_125 : memref<1x2048xi32, #tpu.memory_space<hbm>> -> memref<2048xi32, #tpu.memory_space<hbm>>
    tpu.wait_dma2 semaphore(%arg15 : memref<!tpu.dma_semaphore, #tpu.memory_space<semaphore_mem>>) src(%dma_wait3A_126 : memref<2048xi32, #tpu.memory_space<hbm>>) dst(%dma_wait3A_123 : memref<2048xi32, #tpu.memory_space<vmem>>)
    %scan3A_127 = arith.constant 0 : i32
    %scan3A_128 = arith.constant 0 : i32
    %scan3A_129 = arith.constant 17 : i32
    %scan3A_130 = arith.addi %scan3A_128, %scan3A_129 : i32
    %scan3A_131 = arith.constant 1 : i32
    %scan3A_132 = scf.for %scan3A_714 = %scan3A_128 to %scan3A_130 step %scan3A_131 iter_args(%scan3A_715 = %scan3A_127) -> (i32)  : i32 {
      %add3A_716 = arith.constant 0 : i32
      %add3A_717 = vector.broadcast %add3A_716 : i32 to vector<16xi32>
      %add3A_718 = arith.addi %iota3A, %add3A_717 : vector<16xi32>
      %mul3A_719 = arith.constant 16 : i32
      %mul3A_720 = arith.muli %scan3A_714, %mul3A_719 : i32
      %add3A_721 = vector.broadcast %mul3A_720 : i32 to vector<16xi32>
      %add3A_722 = arith.addi %add3A_718, %add3A_721 : vector<16xi32>
      %gather3A_723 = tpu.vector_load_idx %arg7[%add3A_722] : memref<4368xf32, #tpu.memory_space<vmem>>[vector<16xi32>], vector<16xf32>,
      %add3A_724 = arith.addf %broadcast_in_dim3A_44, %gather3A_723 : vector<16xf32>
      %add3A_725 = arith.constant 273 : i32
      %add3A_726 = vector.broadcast %add3A_725 : i32 to vector<16xi32>
      %add3A_727 = arith.addi %iota3A, %add3A_726 : vector<16xi32>
      %mul3A_728 = arith.constant 16 : i32
      %mul3A_729 = arith.muli %scan3A_714, %mul3A_728 : i32
      %add3A_730 = vector.broadcast %mul3A_729 : i32 to vector<16xi32>
      %add3A_731 = arith.addi %add3A_727, %add3A_730 : vector<16xi32>
      %gather3A_732 = tpu.vector_load_idx %arg7[%add3A_731] : memref<4368xf32, #tpu.memory_space<vmem>>[vector<16xi32>], vector<16xf32>,
      %add3A_733 = arith.addf %add3A_724, %gather3A_732 : vector<16xf32>
      %add3A_734 = arith.constant 546 : i32
      %add3A_735 = vector.broadcast %add3A_734 : i32 to vector<16xi32>
      %add3A_736 = arith.addi %iota3A, %add3A_735 : vector<16xi32>
      %mul3A_737 = arith.constant 16 : i32
      %mul3A_738 = arith.muli %scan3A_714, %mul3A_737 : i32
      %add3A_739 = vector.broadcast %mul3A_738 : i32 to vector<16xi32>
      %add3A_740 = arith.addi %add3A_736, %add3A_739 : vector<16xi32>
      %gather3A_741 = tpu.vector_load_idx %arg7[%add3A_740] : memref<4368xf32, #tpu.memory_space<vmem>>[vector<16xi32>], vector<16xf32>,
      %add3A_742 = arith.addf %add3A_733, %gather3A_741 : vector<16xf32>
      %add3A_743 = arith.constant 819 : i32
      %add3A_744 = vector.broadcast %add3A_743 : i32 to vector<16xi32>
      %add3A_745 = arith.addi %iota3A, %add3A_744 : vector<16xi32>
      %mul3A_746 = arith.constant 16 : i32
      %mul3A_747 = arith.muli %scan3A_714, %mul3A_746 : i32
      %add3A_748 = vector.broadcast %mul3A_747 : i32 to vector<16xi32>
      %add3A_749 = arith.addi %add3A_745, %add3A_748 : vector<16xi32>
      %gather3A_750 = tpu.vector_load_idx %arg7[%add3A_749] : memref<4368xf32, #tpu.memory_space<vmem>>[vector<16xi32>], vector<16xf32>,
      %add3A_751 = arith.addf %add3A_742, %gather3A_750 : vector<16xf32>
      %add3A_752 = arith.constant 1092 : i32
      %add3A_753 = vector.broadcast %add3A_752 : i32 to vector<16xi32>
      %add3A_754 = arith.addi %iota3A, %add3A_753 : vector<16xi32>
      %mul3A_755 = arith.constant 16 : i32
      %mul3A_756 = arith.muli %scan3A_714, %mul3A_755 : i32
      %add3A_757 = vector.broadcast %mul3A_756 : i32 to vector<16xi32>
      %add3A_758 = arith.addi %add3A_754, %add3A_757 : vector<16xi32>
      %gather3A_759 = tpu.vector_load_idx %arg7[%add3A_758] : memref<4368xf32, #tpu.memory_space<vmem>>[vector<16xi32>], vector<16xf32>,
      %add3A_760 = arith.addf %add3A_751, %gather3A_759 : vector<16xf32>
      %add3A_761 = arith.constant 1365 : i32
      %add3A_762 = vector.broadcast %add3A_761 : i32 to vector<16xi32>
      %add3A_763 = arith.addi %iota3A, %add3A_762 : vector<16xi32>
      %mul3A_764 = arith.constant 16 : i32
      %mul3A_765 = arith.muli %scan3A_714, %mul3A_764 : i32
      %add3A_766 = vector.broadcast %mul3A_765 : i32 to vector<16xi32>
      %add3A_767 = arith.addi %add3A_763, %add3A_766 : vector<16xi32>
      %gather3A_768 = tpu.vector_load_idx %arg7[%add3A_767] : memref<4368xf32, #tpu.memory_space<vmem>>[vector<16xi32>], vector<16xf32>,
      %add3A_769 = arith.addf %add3A_760, %gather3A_768 : vector<16xf32>
      %add3A_770 = arith.constant 1638 : i32
      %add3A_771 = vector.broadcast %add3A_770 : i32 to vector<16xi32>
      %add3A_772 = arith.addi %iota3A, %add3A_771 : vector<16xi32>
      %mul3A_773 = arith.constant 16 : i32
      %mul3A_774 = arith.muli %scan3A_714, %mul3A_773 : i32
      %add3A_775 = vector.broadcast %mul3A_774 : i32 to vector<16xi32>
      %add3A_776 = arith.addi %add3A_772, %add3A_775 : vector<16xi32>
      %gather3A_777 = tpu.vector_load_idx %arg7[%add3A_776] : memref<4368xf32, #tpu.memory_space<vmem>>[vector<16xi32>], vector<16xf32>,
      %add3A_778 = arith.addf %add3A_769, %gather3A_777 : vector<16xf32>
      %add3A_779 = arith.constant 1911 : i32
      %add3A_780 = vector.broadcast %add3A_779 : i32 to vector<16xi32>
      %add3A_781 = arith.addi %iota3A, %add3A_780 : vector<16xi32>
      %mul3A_782 = arith.constant 16 : i32
      %mul3A_783 = arith.muli %scan3A_714, %mul3A_782 : i32
      %add3A_784 = vector.broadcast %mul3A_783 : i32 to vector<16xi32>
      %add3A_785 = arith.addi %add3A_781, %add3A_784 : vector<16xi32>
      %gather3A_786 = tpu.vector_load_idx %arg7[%add3A_785] : memref<4368xf32, #tpu.memory_space<vmem>>[vector<16xi32>], vector<16xf32>,
      %add3A_787 = arith.addf %add3A_778, %gather3A_786 : vector<16xf32>
      %add3A_788 = arith.constant 2184 : i32
      %add3A_789 = vector.broadcast %add3A_788 : i32 to vector<16xi32>
      %add3A_790 = arith.addi %iota3A, %add3A_789 : vector<16xi32>
      %mul3A_791 = arith.constant 16 : i32
      %mul3A_792 = arith.muli %scan3A_714, %mul3A_791 : i32
      %add3A_793 = vector.broadcast %mul3A_792 : i32 to vector<16xi32>
      %add3A_794 = arith.addi %add3A_790, %add3A_793 : vector<16xi32>
      %gather3A_795 = tpu.vector_load_idx %arg7[%add3A_794] : memref<4368xf32, #tpu.memory_space<vmem>>[vector<16xi32>], vector<16xf32>,
      %add3A_796 = arith.addf %add3A_787, %gather3A_795 : vector<16xf32>
      %add3A_797 = arith.constant 2457 : i32
      %add3A_798 = vector.broadcast %add3A_797 : i32 to vector<16xi32>
      %add3A_799 = arith.addi %iota3A, %add3A_798 : vector<16xi32>
      %mul3A_800 = arith.constant 16 : i32
      %mul3A_801 = arith.muli %scan3A_714, %mul3A_800 : i32
      %add3A_802 = vector.broadcast %mul3A_801 : i32 to vector<16xi32>
      %add3A_803 = arith.addi %add3A_799, %add3A_802 : vector<16xi32>
      %gather3A_804 = tpu.vector_load_idx %arg7[%add3A_803] : memref<4368xf32, #tpu.memory_space<vmem>>[vector<16xi32>], vector<16xf32>,
      %add3A_805 = arith.addf %add3A_796, %gather3A_804 : vector<16xf32>
      %add3A_806 = arith.constant 2730 : i32
      %add3A_807 = vector.broadcast %add3A_806 : i32 to vector<16xi32>
      %add3A_808 = arith.addi %iota3A, %add3A_807 : vector<16xi32>
      %mul3A_809 = arith.constant 16 : i32
      %mul3A_810 = arith.muli %scan3A_714, %mul3A_809 : i32
      %add3A_811 = vector.broadcast %mul3A_810 : i32 to vector<16xi32>
      %add3A_812 = arith.addi %add3A_808, %add3A_811 : vector<16xi32>
      %gather3A_813 = tpu.vector_load_idx %arg7[%add3A_812] : memref<4368xf32, #tpu.memory_space<vmem>>[vector<16xi32>], vector<16xf32>,
      %add3A_814 = arith.addf %add3A_805, %gather3A_813 : vector<16xf32>
      %add3A_815 = arith.constant 3003 : i32
      %add3A_816 = vector.broadcast %add3A_815 : i32 to vector<16xi32>
      %add3A_817 = arith.addi %iota3A, %add3A_816 : vector<16xi32>
      %mul3A_818 = arith.constant 16 : i32
      %mul3A_819 = arith.muli %scan3A_714, %mul3A_818 : i32
      %add3A_820 = vector.broadcast %mul3A_819 : i32 to vector<16xi32>
      %add3A_821 = arith.addi %add3A_817, %add3A_820 : vector<16xi32>
      %gather3A_822 = tpu.vector_load_idx %arg7[%add3A_821] : memref<4368xf32, #tpu.memory_space<vmem>>[vector<16xi32>], vector<16xf32>,
      %add3A_823 = arith.addf %add3A_814, %gather3A_822 : vector<16xf32>
      %add3A_824 = arith.constant 3276 : i32
      %add3A_825 = vector.broadcast %add3A_824 : i32 to vector<16xi32>
      %add3A_826 = arith.addi %iota3A, %add3A_825 : vector<16xi32>
      %mul3A_827 = arith.constant 16 : i32
      %mul3A_828 = arith.muli %scan3A_714, %mul3A_827 : i32
      %add3A_829 = vector.broadcast %mul3A_828 : i32 to vector<16xi32>
      %add3A_830 = arith.addi %add3A_826, %add3A_829 : vector<16xi32>
      %gather3A_831 = tpu.vector_load_idx %arg7[%add3A_830] : memref<4368xf32, #tpu.memory_space<vmem>>[vector<16xi32>], vector<16xf32>,
      %add3A_832 = arith.addf %add3A_823, %gather3A_831 : vector<16xf32>
      %add3A_833 = arith.constant 3549 : i32
      %add3A_834 = vector.broadcast %add3A_833 : i32 to vector<16xi32>
      %add3A_835 = arith.addi %iota3A, %add3A_834 : vector<16xi32>
      %mul3A_836 = arith.constant 16 : i32
      %mul3A_837 = arith.muli %scan3A_714, %mul3A_836 : i32
      %add3A_838 = vector.broadcast %mul3A_837 : i32 to vector<16xi32>
      %add3A_839 = arith.addi %add3A_835, %add3A_838 : vector<16xi32>
      %gather3A_840 = tpu.vector_load_idx %arg7[%add3A_839] : memref<4368xf32, #tpu.memory_space<vmem>>[vector<16xi32>], vector<16xf32>,
      %add3A_841 = arith.addf %add3A_832, %gather3A_840 : vector<16xf32>
      %add3A_842 = arith.constant 3822 : i32
      %add3A_843 = vector.broadcast %add3A_842 : i32 to vector<16xi32>
      %add3A_844 = arith.addi %iota3A, %add3A_843 : vector<16xi32>
      %mul3A_845 = arith.constant 16 : i32
      %mul3A_846 = arith.muli %scan3A_714, %mul3A_845 : i32
      %add3A_847 = vector.broadcast %mul3A_846 : i32 to vector<16xi32>
      %add3A_848 = arith.addi %add3A_844, %add3A_847 : vector<16xi32>
      %gather3A_849 = tpu.vector_load_idx %arg7[%add3A_848] : memref<4368xf32, #tpu.memory_space<vmem>>[vector<16xi32>], vector<16xf32>,
      %add3A_850 = arith.addf %add3A_841, %gather3A_849 : vector<16xf32>
      %add3A_851 = arith.constant 4095 : i32
      %add3A_852 = vector.broadcast %add3A_851 : i32 to vector<16xi32>
      %add3A_853 = arith.addi %iota3A, %add3A_852 : vector<16xi32>
      %mul3A_854 = arith.constant 16 : i32
      %mul3A_855 = arith.muli %scan3A_714, %mul3A_854 : i32
      %add3A_856 = vector.broadcast %mul3A_855 : i32 to vector<16xi32>
      %add3A_857 = arith.addi %add3A_853, %add3A_856 : vector<16xi32>
      %gather3A_858 = tpu.vector_load_idx %arg7[%add3A_857] : memref<4368xf32, #tpu.memory_space<vmem>>[vector<16xi32>], vector<16xf32>,
      %add3A_859 = arith.addf %add3A_850, %gather3A_858 : vector<16xf32>
      %mul3A_860 = arith.constant 16 : i32
      %mul3A_861 = arith.muli %scan3A_714, %mul3A_860 : i32
      %swap3A_862 = arith.index_cast %mul3A_861 : i32 to index
      %swap3A_863 = tpu.vector_load %arg9[%swap3A_862] {strides = array<i32>} : memref<512xf32, #tpu.memory_space<vmem>>, vector<16xf32>,
      tpu.vector_store %arg9[%swap3A_862], %add3A_859 {strides = array<i32>} : memref<512xf32, #tpu.memory_space<vmem>>, vector<16xf32>,
      %scan3A_864 = arith.constant 0 : i32
      scf.yield %scan3A_864 : i32
    }
    %scan3A_133 = arith.constant 17 : i32
    %add3A_134 = arith.constant 0 : i32
    %add3A_135 = vector.broadcast %add3A_134 : i32 to vector<16xi32>
    %add3A_136 = arith.addi %iota3A, %add3A_135 : vector<16xi32>
    %gather3A = tpu.vector_load_idx %arg8[%add3A_136] : memref<272xf32, #tpu.memory_space<vmem>>[vector<16xi32>], vector<16xf32>,
    %add3A_137 = arith.addf %broadcast_in_dim3A_44, %gather3A : vector<16xf32>
    %add3A_138 = arith.constant 17 : i32
    %add3A_139 = vector.broadcast %add3A_138 : i32 to vector<16xi32>
    %add3A_140 = arith.addi %iota3A, %add3A_139 : vector<16xi32>
    %gather3A_141 = tpu.vector_load_idx %arg8[%add3A_140] : memref<272xf32, #tpu.memory_space<vmem>>[vector<16xi32>], vector<16xf32>,
    %add3A_142 = arith.addf %add3A_137, %gather3A_141 : vector<16xf32>
    %add3A_143 = arith.constant 34 : i32
    %add3A_144 = vector.broadcast %add3A_143 : i32 to vector<16xi32>
    %add3A_145 = arith.addi %iota3A, %add3A_144 : vector<16xi32>
    %gather3A_146 = tpu.vector_load_idx %arg8[%add3A_145] : memref<272xf32, #tpu.memory_space<vmem>>[vector<16xi32>], vector<16xf32>,
    %add3A_147 = arith.addf %add3A_142, %gather3A_146 : vector<16xf32>
    %add3A_148 = arith.constant 51 : i32
    %add3A_149 = vector.broadcast %add3A_148 : i32 to vector<16xi32>
    %add3A_150 = arith.addi %iota3A, %add3A_149 : vector<16xi32>
    %gather3A_151 = tpu.vector_load_idx %arg8[%add3A_150] : memref<272xf32, #tpu.memory_space<vmem>>[vector<16xi32>], vector<16xf32>,
    %add3A_152 = arith.addf %add3A_147, %gather3A_151 : vector<16xf32>
    %add3A_153 = arith.constant 68 : i32
    %add3A_154 = vector.broadcast %add3A_153 : i32 to vector<16xi32>
    %add3A_155 = arith.addi %iota3A, %add3A_154 : vector<16xi32>
    %gather3A_156 = tpu.vector_load_idx %arg8[%add3A_155] : memref<272xf32, #tpu.memory_space<vmem>>[vector<16xi32>], vector<16xf32>,
    %add3A_157 = arith.addf %add3A_152, %gather3A_156 : vector<16xf32>
    %add3A_158 = arith.constant 85 : i32
    %add3A_159 = vector.broadcast %add3A_158 : i32 to vector<16xi32>
    %add3A_160 = arith.addi %iota3A, %add3A_159 : vector<16xi32>
    %gather3A_161 = tpu.vector_load_idx %arg8[%add3A_160] : memref<272xf32, #tpu.memory_space<vmem>>[vector<16xi32>], vector<16xf32>,
    %add3A_162 = arith.addf %add3A_157, %gather3A_161 : vector<16xf32>
    %add3A_163 = arith.constant 102 : i32
    %add3A_164 = vector.broadcast %add3A_163 : i32 to vector<16xi32>
    %add3A_165 = arith.addi %iota3A, %add3A_164 : vector<16xi32>
    %gather3A_166 = tpu.vector_load_idx %arg8[%add3A_165] : memref<272xf32, #tpu.memory_space<vmem>>[vector<16xi32>], vector<16xf32>,
    %add3A_167 = arith.addf %add3A_162, %gather3A_166 : vector<16xf32>
    %add3A_168 = arith.constant 119 : i32
    %add3A_169 = vector.broadcast %add3A_168 : i32 to vector<16xi32>
    %add3A_170 = arith.addi %iota3A, %add3A_169 : vector<16xi32>
    %gather3A_171 = tpu.vector_load_idx %arg8[%add3A_170] : memref<272xf32, #tpu.memory_space<vmem>>[vector<16xi32>], vector<16xf32>,
    %add3A_172 = arith.addf %add3A_167, %gather3A_171 : vector<16xf32>
    %add3A_173 = arith.constant 136 : i32
    %add3A_174 = vector.broadcast %add3A_173 : i32 to vector<16xi32>
    %add3A_175 = arith.addi %iota3A, %add3A_174 : vector<16xi32>
    %gather3A_176 = tpu.vector_load_idx %arg8[%add3A_175] : memref<272xf32, #tpu.memory_space<vmem>>[vector<16xi32>], vector<16xf32>,
    %add3A_177 = arith.addf %add3A_172, %gather3A_176 : vector<16xf32>
    %add3A_178 = arith.constant 153 : i32
    %add3A_179 = vector.broadcast %add3A_178 : i32 to vector<16xi32>
    %add3A_180 = arith.addi %iota3A, %add3A_179 : vector<16xi32>
    %gather3A_181 = tpu.vector_load_idx %arg8[%add3A_180] : memref<272xf32, #tpu.memory_space<vmem>>[vector<16xi32>], vector<16xf32>,
    %add3A_182 = arith.addf %add3A_177, %gather3A_181 : vector<16xf32>
    %add3A_183 = arith.constant 170 : i32
    %add3A_184 = vector.broadcast %add3A_183 : i32 to vector<16xi32>
    %add3A_185 = arith.addi %iota3A, %add3A_184 : vector<16xi32>
    %gather3A_186 = tpu.vector_load_idx %arg8[%add3A_185] : memref<272xf32, #tpu.memory_space<vmem>>[vector<16xi32>], vector<16xf32>,
    %add3A_187 = arith.addf %add3A_182, %gather3A_186 : vector<16xf32>
    %add3A_188 = arith.constant 187 : i32
    %add3A_189 = vector.broadcast %add3A_188 : i32 to vector<16xi32>
    %add3A_190 = arith.addi %iota3A, %add3A_189 : vector<16xi32>
    %gather3A_191 = tpu.vector_load_idx %arg8[%add3A_190] : memref<272xf32, #tpu.memory_space<vmem>>[vector<16xi32>], vector<16xf32>,
    %add3A_192 = arith.addf %add3A_187, %gather3A_191 : vector<16xf32>
    %add3A_193 = arith.constant 204 : i32
    %add3A_194 = vector.broadcast %add3A_193 : i32 to vector<16xi32>
    %add3A_195 = arith.addi %iota3A, %add3A_194 : vector<16xi32>
    %gather3A_196 = tpu.vector_load_idx %arg8[%add3A_195] : memref<272xf32, #tpu.memory_space<vmem>>[vector<16xi32>], vector<16xf32>,
    %add3A_197 = arith.addf %add3A_192, %gather3A_196 : vector<16xf32>
    %add3A_198 = arith.constant 221 : i32
    %add3A_199 = vector.broadcast %add3A_198 : i32 to vector<16xi32>
    %add3A_200 = arith.addi %iota3A, %add3A_199 : vector<16xi32>
    %gather3A_201 = tpu.vector_load_idx %arg8[%add3A_200] : memref<272xf32, #tpu.memory_space<vmem>>[vector<16xi32>], vector<16xf32>,
    %add3A_202 = arith.addf %add3A_197, %gather3A_201 : vector<16xf32>
    %add3A_203 = arith.constant 238 : i32
    %add3A_204 = vector.broadcast %add3A_203 : i32 to vector<16xi32>
    %add3A_205 = arith.addi %iota3A, %add3A_204 : vector<16xi32>
    %gather3A_206 = tpu.vector_load_idx %arg8[%add3A_205] : memref<272xf32, #tpu.memory_space<vmem>>[vector<16xi32>], vector<16xf32>,
    %add3A_207 = arith.addf %add3A_202, %gather3A_206 : vector<16xf32>
    %add3A_208 = arith.constant 255 : i32
    %add3A_209 = vector.broadcast %add3A_208 : i32 to vector<16xi32>
    %add3A_210 = arith.addi %iota3A, %add3A_209 : vector<16xi32>
    %gather3A_211 = tpu.vector_load_idx %arg8[%add3A_210] : memref<272xf32, #tpu.memory_space<vmem>>[vector<16xi32>], vector<16xf32>,
    %add3A_212 = arith.addf %add3A_207, %gather3A_211 : vector<16xf32>
    %swap3A_213 = arith.constant 272 : index
    %swap3A_214 = tpu.vector_load %arg9[%swap3A_213] {strides = array<i32>} : memref<512xf32, #tpu.memory_space<vmem>>, vector<16xf32>,
    tpu.vector_store %arg9[%swap3A_213], %add3A_212 {strides = array<i32>} : memref<512xf32, #tpu.memory_space<vmem>>, vector<16xf32>,
    %add3A_215 = arith.constant 16 : i32
    %add3A_216 = vector.broadcast %add3A_215 : i32 to vector<16xi32>
    %add3A_217 = arith.addi %mul3A_41, %add3A_216 : vector<16xi32>
    %gather3A_218 = tpu.vector_load_idx %arg8[%add3A_217] : memref<272xf32, #tpu.memory_space<vmem>>[vector<16xi32>], vector<16xf32>,
    %reduce_sum3A = arith.constant true
    %reduce_sum3A_219 = vector.broadcast %reduce_sum3A : i1 to vector<16xi1>
    %reduce_sum3A_220 = tpu.scan <sum>, %gather3A_218 masked %reduce_sum3A_219 : vector<16xf32>, vector<16xi1> -> vector<16xf32>
    %reduce_sum3A_221 = vector.extract %reduce_sum3A_220[15] : f32 from vector<16xf32>
    %broadcast_in_dim3A_222 = vector.broadcast %reduce_sum3A_221 : f32 to vector<16xf32>
    %swap3A_223 = arith.constant 288 : index
    %swap3A_224 = tpu.vector_load %arg9[%swap3A_223] {strides = array<i32>} : memref<512xf32, #tpu.memory_space<vmem>>, vector<16xf32>,
    tpu.vector_store %arg9[%swap3A_223], %broadcast_in_dim3A_222 {strides = array<i32>} : memref<512xf32, #tpu.memory_space<vmem>>, vector<16xf32>,
    %reduce_max3A = arith.constant true
    %reduce_max3A_225 = vector.broadcast %reduce_max3A : i1 to vector<16xi1>
    %reduce_max3A_226 = arith.constant -2147483648 : i32
    %reduce_max3A_227 = vector.broadcast %reduce_max3A_226 : i32 to vector<16xi32>
    %reduce_max3A_228 = arith.xori %scan3A_94, %reduce_max3A_227 : vector<16xi32>
    %reduce_max3A_229 = tpu.scan <max>, %reduce_max3A_228 masked %reduce_max3A_225 : vector<16xi32>, vector<16xi1> -> vector<16xi32>
    %reduce_max3A_230 = arith.xori %reduce_max3A_229, %reduce_max3A_227 : vector<16xi32>
    %reduce_max3A_231 = vector.extract %reduce_max3A_230[15] : i32 from vector<16xi32>
    %convert_element_type3A = arith.sitofp %reduce_max3A_231 : i32 to f32
    %broadcast_in_dim3A_232 = vector.broadcast %convert_element_type3A : f32 to vector<16xf32>
    %swap3A_233 = arith.constant 304 : index
    %swap3A_234 = tpu.vector_load %arg9[%swap3A_233] {strides = array<i32>} : memref<512xf32, #tpu.memory_space<vmem>>, vector<16xf32>,
    tpu.vector_store %arg9[%swap3A_233], %broadcast_in_dim3A_232 {strides = array<i32>} : memref<512xf32, #tpu.memory_space<vmem>>, vector<16xf32>,
    "tpu.region"() ({
      %run_scoped3A_714 = tpu.sem_alloc : memref<!tpu.dma_semaphore, #tpu.memory_space<semaphore_mem>>
      %dma_start3A_715 = arith.constant 0 : i32
      %dma_start3A_716 = tpu.memref_slice %arg10[%arg1, %dma_start3A_715] : memref<16x512xf32, #tpu.memory_space<vmem_shared>> -> memref<1x512xf32, #tpu.memory_space<vmem_shared>>
      %dma_start3A_717 = tpu.memref_squeeze %dma_start3A_716 : memref<1x512xf32, #tpu.memory_space<vmem_shared>> -> memref<512xf32, #tpu.memory_space<vmem_shared>>
      %dma_start3A_718 = arith.constant 0 : i32
      %dma_start3A_719 = tpu.memref_slice %arg10[%arg1, %dma_start3A_718] : memref<16x512xf32, #tpu.memory_space<vmem_shared>> -> memref<1x512xf32, #tpu.memory_space<vmem_shared>>
      %dma_start3A_720 = tpu.memref_squeeze %dma_start3A_719 : memref<1x512xf32, #tpu.memory_space<vmem_shared>> -> memref<512xf32, #tpu.memory_space<vmem_shared>>
      tpu.enqueue_dma source(%arg9 : memref<512xf32, #tpu.memory_space<vmem>>) target(%dma_start3A_720 : memref<512xf32, #tpu.memory_space<vmem_shared>>) target_semaphore(%run_scoped3A_714 : memref<!tpu.dma_semaphore, #tpu.memory_space<semaphore_mem>>)
      %dma_wait3A_721 = arith.constant 0 : i32
      %dma_wait3A_722 = tpu.memref_slice %arg10[%arg1, %dma_wait3A_721] : memref<16x512xf32, #tpu.memory_space<vmem_shared>> -> memref<1x512xf32, #tpu.memory_space<vmem_shared>>
      %dma_wait3A_723 = tpu.memref_squeeze %dma_wait3A_722 : memref<1x512xf32, #tpu.memory_space<vmem_shared>> -> memref<512xf32, #tpu.memory_space<vmem_shared>>
      %dma_wait3A_724 = arith.constant 0 : i32
      %dma_wait3A_725 = tpu.memref_slice %arg10[%arg1, %dma_wait3A_724] : memref<16x512xf32, #tpu.memory_space<vmem_shared>> -> memref<1x512xf32, #tpu.memory_space<vmem_shared>>
      %dma_wait3A_726 = tpu.memref_squeeze %dma_wait3A_725 : memref<1x512xf32, #tpu.memory_space<vmem_shared>> -> memref<512xf32, #tpu.memory_space<vmem_shared>>
      tpu.wait_dma2 semaphore(%run_scoped3A_714 : memref<!tpu.dma_semaphore, #tpu.memory_space<semaphore_mem>>) src(%arg9 : memref<512xf32, #tpu.memory_space<vmem>>) dst(%dma_wait3A_726 : memref<512xf32, #tpu.memory_space<vmem_shared>>)
      tpu.yield
    }) : () -> ()
    %barrier3A = arith.constant 0 : index
    tpu.barrier barrier_id(%barrier3A)
    %jit3A_235 = arith.constant 8 : i32
    %div3A_236 = arith.divsi %arg1, %jit3A_235 : i32
    %sign3A_237 = arith.constant 0 : i32
    %sign3A_238 = arith.cmpi sgt, %arg1, %sign3A_237 : i32
    %sign3A_239 = arith.extui %sign3A_238 : i1 to i32
    %sign3A_240 = arith.constant 0 : i32
    %sign3A_241 = arith.cmpi slt, %arg1, %sign3A_240 : i32
    %sign3A_242 = arith.extui %sign3A_241 : i1 to i32
    %sign3A_243 = arith.subi %sign3A_239, %sign3A_242 : i32
    %sign3A_244 = arith.constant 0 : i32
    %sign3A_245 = arith.cmpi sgt, %jit3A_235, %sign3A_244 : i32
    %sign3A_246 = arith.extui %sign3A_245 : i1 to i32
    %sign3A_247 = arith.constant 0 : i32
    %sign3A_248 = arith.cmpi slt, %jit3A_235, %sign3A_247 : i32
    %sign3A_249 = arith.extui %sign3A_248 : i1 to i32
    %sign3A_250 = arith.subi %sign3A_246, %sign3A_249 : i32
    %ne3A_251 = arith.cmpi ne, %sign3A_243, %sign3A_250 : i32
    %rem3A_252 = arith.remsi %arg1, %jit3A_235 : i32
    %ne3A_253 = arith.constant 0 : i32
    %ne3A_254 = arith.cmpi ne, %rem3A_252, %ne3A_253 : i32
    %and3A_255 = arith.andi %ne3A_251, %ne3A_254 : i1
    %sub3A_256 = arith.constant 1 : i32
    %sub3A_257 = arith.subi %div3A_236, %sub3A_256 : i32
    %select_n3A_258 = arith.select %and3A_255, %sub3A_257, %div3A_236 : i32
    %mul3A_259 = arith.constant 8 : i32
    %mul3A_260 = arith.muli %select_n3A_258, %mul3A_259 : i32
    %add3A_261 = arith.constant 0 : i32
    %add3A_262 = arith.addi %mul3A_260, %add3A_261 : i32
    %run_scoped3A = arith.constant 0 : i32
    "tpu.region"() ({
      %run_scoped3A_714 = tpu.sem_alloc : memref<!tpu.dma_semaphore, #tpu.memory_space<semaphore_mem>>
      %dma_start3A_715 = arith.constant 0 : i32
      %dma_start3A_716 = tpu.memref_slice %arg11[%run_scoped3A, %dma_start3A_715] : memref<8x512xf32, #tpu.memory_space<vmem>> -> memref<1x512xf32, #tpu.memory_space<vmem>>
      %dma_start3A_717 = tpu.memref_squeeze %dma_start3A_716 : memref<1x512xf32, #tpu.memory_space<vmem>> -> memref<512xf32, #tpu.memory_space<vmem>>
      %dma_start3A_718 = arith.constant 0 : i32
      %dma_start3A_719 = tpu.memref_slice %arg10[%add3A_262, %dma_start3A_718] : memref<16x512xf32, #tpu.memory_space<vmem_shared>> -> memref<1x512xf32, #tpu.memory_space<vmem_shared>>
      %dma_start3A_720 = tpu.memref_squeeze %dma_start3A_719 : memref<1x512xf32, #tpu.memory_space<vmem_shared>> -> memref<512xf32, #tpu.memory_space<vmem_shared>>
      %dma_start3A_721 = arith.constant 0 : i32
      %dma_start3A_722 = tpu.memref_slice %arg11[%run_scoped3A, %dma_start3A_721] : memref<8x512xf32, #tpu.memory_space<vmem>> -> memref<1x512xf32, #tpu.memory_space<vmem>>
      %dma_start3A_723 = tpu.memref_squeeze %dma_start3A_722 : memref<1x512xf32, #tpu.memory_space<vmem>> -> memref<512xf32, #tpu.memory_space<vmem>>
      %dma_start3A_724 = arith.constant 0 : i32
      %dma_start3A_725 = tpu.memref_slice %arg10[%add3A_262, %dma_start3A_724] : memref<16x512xf32, #tpu.memory_space<vmem_shared>> -> memref<1x512xf32, #tpu.memory_space<vmem_shared>>
      %dma_start3A_726 = tpu.memref_squeeze %dma_start3A_725 : memref<1x512xf32, #tpu.memory_space<vmem_shared>> -> memref<512xf32, #tpu.memory_space<vmem_shared>>
      tpu.enqueue_dma source(%dma_start3A_726 : memref<512xf32, #tpu.memory_space<vmem_shared>>) target(%dma_start3A_723 : memref<512xf32, #tpu.memory_space<vmem>>) target_semaphore(%run_scoped3A_714 : memref<!tpu.dma_semaphore, #tpu.memory_space<semaphore_mem>>)
      %dma_wait3A_727 = arith.constant 0 : i32
      %dma_wait3A_728 = tpu.memref_slice %arg11[%run_scoped3A, %dma_wait3A_727] : memref<8x512xf32, #tpu.memory_space<vmem>> -> memref<1x512xf32, #tpu.memory_space<vmem>>
      %dma_wait3A_729 = tpu.memref_squeeze %dma_wait3A_728 : memref<1x512xf32, #tpu.memory_space<vmem>> -> memref<512xf32, #tpu.memory_space<vmem>>
      %dma_wait3A_730 = arith.constant 0 : i32
      %dma_wait3A_731 = tpu.memref_slice %arg10[%add3A_262, %dma_wait3A_730] : memref<16x512xf32, #tpu.memory_space<vmem_shared>> -> memref<1x512xf32, #tpu.memory_space<vmem_shared>>
      %dma_wait3A_732 = tpu.memref_squeeze %dma_wait3A_731 : memref<1x512xf32, #tpu.memory_space<vmem_shared>> -> memref<512xf32, #tpu.memory_space<vmem_shared>>
      %dma_wait3A_733 = arith.constant 0 : i32
      %dma_wait3A_734 = tpu.memref_slice %arg11[%run_scoped3A, %dma_wait3A_733] : memref<8x512xf32, #tpu.memory_space<vmem>> -> memref<1x512xf32, #tpu.memory_space<vmem>>
      %dma_wait3A_735 = tpu.memref_squeeze %dma_wait3A_734 : memref<1x512xf32, #tpu.memory_space<vmem>> -> memref<512xf32, #tpu.memory_space<vmem>>
      %dma_wait3A_736 = arith.constant 0 : i32
      %dma_wait3A_737 = tpu.memref_slice %arg10[%add3A_262, %dma_wait3A_736] : memref<16x512xf32, #tpu.memory_space<vmem_shared>> -> memref<1x512xf32, #tpu.memory_space<vmem_shared>>
      %dma_wait3A_738 = tpu.memref_squeeze %dma_wait3A_737 : memref<1x512xf32, #tpu.memory_space<vmem_shared>> -> memref<512xf32, #tpu.memory_space<vmem_shared>>
      tpu.wait_dma2 semaphore(%run_scoped3A_714 : memref<!tpu.dma_semaphore, #tpu.memory_space<semaphore_mem>>) src(%dma_wait3A_738 : memref<512xf32, #tpu.memory_space<vmem_shared>>) dst(%dma_wait3A_735 : memref<512xf32, #tpu.memory_space<vmem>>)
      tpu.yield
    }) : () -> ()
    %add3A_263 = arith.constant 1 : i32
    %add3A_264 = arith.addi %mul3A_260, %add3A_263 : i32
    %run_scoped3A_265 = arith.constant 1 : i32
    "tpu.region"() ({
      %run_scoped3A_714 = tpu.sem_alloc : memref<!tpu.dma_semaphore, #tpu.memory_space<semaphore_mem>>
      %dma_start3A_715 = arith.constant 0 : i32
      %dma_start3A_716 = tpu.memref_slice %arg11[%run_scoped3A_265, %dma_start3A_715] : memref<8x512xf32, #tpu.memory_space<vmem>> -> memref<1x512xf32, #tpu.memory_space<vmem>>
      %dma_start3A_717 = tpu.memref_squeeze %dma_start3A_716 : memref<1x512xf32, #tpu.memory_space<vmem>> -> memref<512xf32, #tpu.memory_space<vmem>>
      %dma_start3A_718 = arith.constant 0 : i32
      %dma_start3A_719 = tpu.memref_slice %arg10[%add3A_264, %dma_start3A_718] : memref<16x512xf32, #tpu.memory_space<vmem_shared>> -> memref<1x512xf32, #tpu.memory_space<vmem_shared>>
      %dma_start3A_720 = tpu.memref_squeeze %dma_start3A_719 : memref<1x512xf32, #tpu.memory_space<vmem_shared>> -> memref<512xf32, #tpu.memory_space<vmem_shared>>
      %dma_start3A_721 = arith.constant 0 : i32
      %dma_start3A_722 = tpu.memref_slice %arg11[%run_scoped3A_265, %dma_start3A_721] : memref<8x512xf32, #tpu.memory_space<vmem>> -> memref<1x512xf32, #tpu.memory_space<vmem>>
      %dma_start3A_723 = tpu.memref_squeeze %dma_start3A_722 : memref<1x512xf32, #tpu.memory_space<vmem>> -> memref<512xf32, #tpu.memory_space<vmem>>
      %dma_start3A_724 = arith.constant 0 : i32
      %dma_start3A_725 = tpu.memref_slice %arg10[%add3A_264, %dma_start3A_724] : memref<16x512xf32, #tpu.memory_space<vmem_shared>> -> memref<1x512xf32, #tpu.memory_space<vmem_shared>>
      %dma_start3A_726 = tpu.memref_squeeze %dma_start3A_725 : memref<1x512xf32, #tpu.memory_space<vmem_shared>> -> memref<512xf32, #tpu.memory_space<vmem_shared>>
      tpu.enqueue_dma source(%dma_start3A_726 : memref<512xf32, #tpu.memory_space<vmem_shared>>) target(%dma_start3A_723 : memref<512xf32, #tpu.memory_space<vmem>>) target_semaphore(%run_scoped3A_714 : memref<!tpu.dma_semaphore, #tpu.memory_space<semaphore_mem>>)
      %dma_wait3A_727 = arith.constant 0 : i32
      %dma_wait3A_728 = tpu.memref_slice %arg11[%run_scoped3A_265, %dma_wait3A_727] : memref<8x512xf32, #tpu.memory_space<vmem>> -> memref<1x512xf32, #tpu.memory_space<vmem>>
      %dma_wait3A_729 = tpu.memref_squeeze %dma_wait3A_728 : memref<1x512xf32, #tpu.memory_space<vmem>> -> memref<512xf32, #tpu.memory_space<vmem>>
      %dma_wait3A_730 = arith.constant 0 : i32
      %dma_wait3A_731 = tpu.memref_slice %arg10[%add3A_264, %dma_wait3A_730] : memref<16x512xf32, #tpu.memory_space<vmem_shared>> -> memref<1x512xf32, #tpu.memory_space<vmem_shared>>
      %dma_wait3A_732 = tpu.memref_squeeze %dma_wait3A_731 : memref<1x512xf32, #tpu.memory_space<vmem_shared>> -> memref<512xf32, #tpu.memory_space<vmem_shared>>
      %dma_wait3A_733 = arith.constant 0 : i32
      %dma_wait3A_734 = tpu.memref_slice %arg11[%run_scoped3A_265, %dma_wait3A_733] : memref<8x512xf32, #tpu.memory_space<vmem>> -> memref<1x512xf32, #tpu.memory_space<vmem>>
      %dma_wait3A_735 = tpu.memref_squeeze %dma_wait3A_734 : memref<1x512xf32, #tpu.memory_space<vmem>> -> memref<512xf32, #tpu.memory_space<vmem>>
      %dma_wait3A_736 = arith.constant 0 : i32
      %dma_wait3A_737 = tpu.memref_slice %arg10[%add3A_264, %dma_wait3A_736] : memref<16x512xf32, #tpu.memory_space<vmem_shared>> -> memref<1x512xf32, #tpu.memory_space<vmem_shared>>
      %dma_wait3A_738 = tpu.memref_squeeze %dma_wait3A_737 : memref<1x512xf32, #tpu.memory_space<vmem_shared>> -> memref<512xf32, #tpu.memory_space<vmem_shared>>
      tpu.wait_dma2 semaphore(%run_scoped3A_714 : memref<!tpu.dma_semaphore, #tpu.memory_space<semaphore_mem>>) src(%dma_wait3A_738 : memref<512xf32, #tpu.memory_space<vmem_shared>>) dst(%dma_wait3A_735 : memref<512xf32, #tpu.memory_space<vmem>>)
      tpu.yield
    }) : () -> ()
    %add3A_266 = arith.constant 2 : i32
    %add3A_267 = arith.addi %mul3A_260, %add3A_266 : i32
    %run_scoped3A_268 = arith.constant 2 : i32
    "tpu.region"() ({
      %run_scoped3A_714 = tpu.sem_alloc : memref<!tpu.dma_semaphore, #tpu.memory_space<semaphore_mem>>
      %dma_start3A_715 = arith.constant 0 : i32
      %dma_start3A_716 = tpu.memref_slice %arg11[%run_scoped3A_268, %dma_start3A_715] : memref<8x512xf32, #tpu.memory_space<vmem>> -> memref<1x512xf32, #tpu.memory_space<vmem>>
      %dma_start3A_717 = tpu.memref_squeeze %dma_start3A_716 : memref<1x512xf32, #tpu.memory_space<vmem>> -> memref<512xf32, #tpu.memory_space<vmem>>
      %dma_start3A_718 = arith.constant 0 : i32
      %dma_start3A_719 = tpu.memref_slice %arg10[%add3A_267, %dma_start3A_718] : memref<16x512xf32, #tpu.memory_space<vmem_shared>> -> memref<1x512xf32, #tpu.memory_space<vmem_shared>>
      %dma_start3A_720 = tpu.memref_squeeze %dma_start3A_719 : memref<1x512xf32, #tpu.memory_space<vmem_shared>> -> memref<512xf32, #tpu.memory_space<vmem_shared>>
      %dma_start3A_721 = arith.constant 0 : i32
      %dma_start3A_722 = tpu.memref_slice %arg11[%run_scoped3A_268, %dma_start3A_721] : memref<8x512xf32, #tpu.memory_space<vmem>> -> memref<1x512xf32, #tpu.memory_space<vmem>>
      %dma_start3A_723 = tpu.memref_squeeze %dma_start3A_722 : memref<1x512xf32, #tpu.memory_space<vmem>> -> memref<512xf32, #tpu.memory_space<vmem>>
      %dma_start3A_724 = arith.constant 0 : i32
      %dma_start3A_725 = tpu.memref_slice %arg10[%add3A_267, %dma_start3A_724] : memref<16x512xf32, #tpu.memory_space<vmem_shared>> -> memref<1x512xf32, #tpu.memory_space<vmem_shared>>
      %dma_start3A_726 = tpu.memref_squeeze %dma_start3A_725 : memref<1x512xf32, #tpu.memory_space<vmem_shared>> -> memref<512xf32, #tpu.memory_space<vmem_shared>>
      tpu.enqueue_dma source(%dma_start3A_726 : memref<512xf32, #tpu.memory_space<vmem_shared>>) target(%dma_start3A_723 : memref<512xf32, #tpu.memory_space<vmem>>) target_semaphore(%run_scoped3A_714 : memref<!tpu.dma_semaphore, #tpu.memory_space<semaphore_mem>>)
      %dma_wait3A_727 = arith.constant 0 : i32
      %dma_wait3A_728 = tpu.memref_slice %arg11[%run_scoped3A_268, %dma_wait3A_727] : memref<8x512xf32, #tpu.memory_space<vmem>> -> memref<1x512xf32, #tpu.memory_space<vmem>>
      %dma_wait3A_729 = tpu.memref_squeeze %dma_wait3A_728 : memref<1x512xf32, #tpu.memory_space<vmem>> -> memref<512xf32, #tpu.memory_space<vmem>>
      %dma_wait3A_730 = arith.constant 0 : i32
      %dma_wait3A_731 = tpu.memref_slice %arg10[%add3A_267, %dma_wait3A_730] : memref<16x512xf32, #tpu.memory_space<vmem_shared>> -> memref<1x512xf32, #tpu.memory_space<vmem_shared>>
      %dma_wait3A_732 = tpu.memref_squeeze %dma_wait3A_731 : memref<1x512xf32, #tpu.memory_space<vmem_shared>> -> memref<512xf32, #tpu.memory_space<vmem_shared>>
      %dma_wait3A_733 = arith.constant 0 : i32
      %dma_wait3A_734 = tpu.memref_slice %arg11[%run_scoped3A_268, %dma_wait3A_733] : memref<8x512xf32, #tpu.memory_space<vmem>> -> memref<1x512xf32, #tpu.memory_space<vmem>>
      %dma_wait3A_735 = tpu.memref_squeeze %dma_wait3A_734 : memref<1x512xf32, #tpu.memory_space<vmem>> -> memref<512xf32, #tpu.memory_space<vmem>>
      %dma_wait3A_736 = arith.constant 0 : i32
      %dma_wait3A_737 = tpu.memref_slice %arg10[%add3A_267, %dma_wait3A_736] : memref<16x512xf32, #tpu.memory_space<vmem_shared>> -> memref<1x512xf32, #tpu.memory_space<vmem_shared>>
      %dma_wait3A_738 = tpu.memref_squeeze %dma_wait3A_737 : memref<1x512xf32, #tpu.memory_space<vmem_shared>> -> memref<512xf32, #tpu.memory_space<vmem_shared>>
      tpu.wait_dma2 semaphore(%run_scoped3A_714 : memref<!tpu.dma_semaphore, #tpu.memory_space<semaphore_mem>>) src(%dma_wait3A_738 : memref<512xf32, #tpu.memory_space<vmem_shared>>) dst(%dma_wait3A_735 : memref<512xf32, #tpu.memory_space<vmem>>)
      tpu.yield
    }) : () -> ()
    %add3A_269 = arith.constant 3 : i32
    %add3A_270 = arith.addi %mul3A_260, %add3A_269 : i32
    %run_scoped3A_271 = arith.constant 3 : i32
    "tpu.region"() ({
      %run_scoped3A_714 = tpu.sem_alloc : memref<!tpu.dma_semaphore, #tpu.memory_space<semaphore_mem>>
      %dma_start3A_715 = arith.constant 0 : i32
      %dma_start3A_716 = tpu.memref_slice %arg11[%run_scoped3A_271, %dma_start3A_715] : memref<8x512xf32, #tpu.memory_space<vmem>> -> memref<1x512xf32, #tpu.memory_space<vmem>>
      %dma_start3A_717 = tpu.memref_squeeze %dma_start3A_716 : memref<1x512xf32, #tpu.memory_space<vmem>> -> memref<512xf32, #tpu.memory_space<vmem>>
      %dma_start3A_718 = arith.constant 0 : i32
      %dma_start3A_719 = tpu.memref_slice %arg10[%add3A_270, %dma_start3A_718] : memref<16x512xf32, #tpu.memory_space<vmem_shared>> -> memref<1x512xf32, #tpu.memory_space<vmem_shared>>
      %dma_start3A_720 = tpu.memref_squeeze %dma_start3A_719 : memref<1x512xf32, #tpu.memory_space<vmem_shared>> -> memref<512xf32, #tpu.memory_space<vmem_shared>>
      %dma_start3A_721 = arith.constant 0 : i32
      %dma_start3A_722 = tpu.memref_slice %arg11[%run_scoped3A_271, %dma_start3A_721] : memref<8x512xf32, #tpu.memory_space<vmem>> -> memref<1x512xf32, #tpu.memory_space<vmem>>
      %dma_start3A_723 = tpu.memref_squeeze %dma_start3A_722 : memref<1x512xf32, #tpu.memory_space<vmem>> -> memref<512xf32, #tpu.memory_space<vmem>>
      %dma_start3A_724 = arith.constant 0 : i32
      %dma_start3A_725 = tpu.memref_slice %arg10[%add3A_270, %dma_start3A_724] : memref<16x512xf32, #tpu.memory_space<vmem_shared>> -> memref<1x512xf32, #tpu.memory_space<vmem_shared>>
      %dma_start3A_726 = tpu.memref_squeeze %dma_start3A_725 : memref<1x512xf32, #tpu.memory_space<vmem_shared>> -> memref<512xf32, #tpu.memory_space<vmem_shared>>
      tpu.enqueue_dma source(%dma_start3A_726 : memref<512xf32, #tpu.memory_space<vmem_shared>>) target(%dma_start3A_723 : memref<512xf32, #tpu.memory_space<vmem>>) target_semaphore(%run_scoped3A_714 : memref<!tpu.dma_semaphore, #tpu.memory_space<semaphore_mem>>)
      %dma_wait3A_727 = arith.constant 0 : i32
      %dma_wait3A_728 = tpu.memref_slice %arg11[%run_scoped3A_271, %dma_wait3A_727] : memref<8x512xf32, #tpu.memory_space<vmem>> -> memref<1x512xf32, #tpu.memory_space<vmem>>
      %dma_wait3A_729 = tpu.memref_squeeze %dma_wait3A_728 : memref<1x512xf32, #tpu.memory_space<vmem>> -> memref<512xf32, #tpu.memory_space<vmem>>
      %dma_wait3A_730 = arith.constant 0 : i32
      %dma_wait3A_731 = tpu.memref_slice %arg10[%add3A_270, %dma_wait3A_730] : memref<16x512xf32, #tpu.memory_space<vmem_shared>> -> memref<1x512xf32, #tpu.memory_space<vmem_shared>>
      %dma_wait3A_732 = tpu.memref_squeeze %dma_wait3A_731 : memref<1x512xf32, #tpu.memory_space<vmem_shared>> -> memref<512xf32, #tpu.memory_space<vmem_shared>>
      %dma_wait3A_733 = arith.constant 0 : i32
      %dma_wait3A_734 = tpu.memref_slice %arg11[%run_scoped3A_271, %dma_wait3A_733] : memref<8x512xf32, #tpu.memory_space<vmem>> -> memref<1x512xf32, #tpu.memory_space<vmem>>
      %dma_wait3A_735 = tpu.memref_squeeze %dma_wait3A_734 : memref<1x512xf32, #tpu.memory_space<vmem>> -> memref<512xf32, #tpu.memory_space<vmem>>
      %dma_wait3A_736 = arith.constant 0 : i32
      %dma_wait3A_737 = tpu.memref_slice %arg10[%add3A_270, %dma_wait3A_736] : memref<16x512xf32, #tpu.memory_space<vmem_shared>> -> memref<1x512xf32, #tpu.memory_space<vmem_shared>>
      %dma_wait3A_738 = tpu.memref_squeeze %dma_wait3A_737 : memref<1x512xf32, #tpu.memory_space<vmem_shared>> -> memref<512xf32, #tpu.memory_space<vmem_shared>>
      tpu.wait_dma2 semaphore(%run_scoped3A_714 : memref<!tpu.dma_semaphore, #tpu.memory_space<semaphore_mem>>) src(%dma_wait3A_738 : memref<512xf32, #tpu.memory_space<vmem_shared>>) dst(%dma_wait3A_735 : memref<512xf32, #tpu.memory_space<vmem>>)
      tpu.yield
    }) : () -> ()
    %add3A_272 = arith.constant 4 : i32
    %add3A_273 = arith.addi %mul3A_260, %add3A_272 : i32
    %run_scoped3A_274 = arith.constant 4 : i32
    "tpu.region"() ({
      %run_scoped3A_714 = tpu.sem_alloc : memref<!tpu.dma_semaphore, #tpu.memory_space<semaphore_mem>>
      %dma_start3A_715 = arith.constant 0 : i32
      %dma_start3A_716 = tpu.memref_slice %arg11[%run_scoped3A_274, %dma_start3A_715] : memref<8x512xf32, #tpu.memory_space<vmem>> -> memref<1x512xf32, #tpu.memory_space<vmem>>
      %dma_start3A_717 = tpu.memref_squeeze %dma_start3A_716 : memref<1x512xf32, #tpu.memory_space<vmem>> -> memref<512xf32, #tpu.memory_space<vmem>>
      %dma_start3A_718 = arith.constant 0 : i32
      %dma_start3A_719 = tpu.memref_slice %arg10[%add3A_273, %dma_start3A_718] : memref<16x512xf32, #tpu.memory_space<vmem_shared>> -> memref<1x512xf32, #tpu.memory_space<vmem_shared>>
      %dma_start3A_720 = tpu.memref_squeeze %dma_start3A_719 : memref<1x512xf32, #tpu.memory_space<vmem_shared>> -> memref<512xf32, #tpu.memory_space<vmem_shared>>
      %dma_start3A_721 = arith.constant 0 : i32
      %dma_start3A_722 = tpu.memref_slice %arg11[%run_scoped3A_274, %dma_start3A_721] : memref<8x512xf32, #tpu.memory_space<vmem>> -> memref<1x512xf32, #tpu.memory_space<vmem>>
      %dma_start3A_723 = tpu.memref_squeeze %dma_start3A_722 : memref<1x512xf32, #tpu.memory_space<vmem>> -> memref<512xf32, #tpu.memory_space<vmem>>
      %dma_start3A_724 = arith.constant 0 : i32
      %dma_start3A_725 = tpu.memref_slice %arg10[%add3A_273, %dma_start3A_724] : memref<16x512xf32, #tpu.memory_space<vmem_shared>> -> memref<1x512xf32, #tpu.memory_space<vmem_shared>>
      %dma_start3A_726 = tpu.memref_squeeze %dma_start3A_725 : memref<1x512xf32, #tpu.memory_space<vmem_shared>> -> memref<512xf32, #tpu.memory_space<vmem_shared>>
      tpu.enqueue_dma source(%dma_start3A_726 : memref<512xf32, #tpu.memory_space<vmem_shared>>) target(%dma_start3A_723 : memref<512xf32, #tpu.memory_space<vmem>>) target_semaphore(%run_scoped3A_714 : memref<!tpu.dma_semaphore, #tpu.memory_space<semaphore_mem>>)
      %dma_wait3A_727 = arith.constant 0 : i32
      %dma_wait3A_728 = tpu.memref_slice %arg11[%run_scoped3A_274, %dma_wait3A_727] : memref<8x512xf32, #tpu.memory_space<vmem>> -> memref<1x512xf32, #tpu.memory_space<vmem>>
      %dma_wait3A_729 = tpu.memref_squeeze %dma_wait3A_728 : memref<1x512xf32, #tpu.memory_space<vmem>> -> memref<512xf32, #tpu.memory_space<vmem>>
      %dma_wait3A_730 = arith.constant 0 : i32
      %dma_wait3A_731 = tpu.memref_slice %arg10[%add3A_273, %dma_wait3A_730] : memref<16x512xf32, #tpu.memory_space<vmem_shared>> -> memref<1x512xf32, #tpu.memory_space<vmem_shared>>
      %dma_wait3A_732 = tpu.memref_squeeze %dma_wait3A_731 : memref<1x512xf32, #tpu.memory_space<vmem_shared>> -> memref<512xf32, #tpu.memory_space<vmem_shared>>
      %dma_wait3A_733 = arith.constant 0 : i32
      %dma_wait3A_734 = tpu.memref_slice %arg11[%run_scoped3A_274, %dma_wait3A_733] : memref<8x512xf32, #tpu.memory_space<vmem>> -> memref<1x512xf32, #tpu.memory_space<vmem>>
      %dma_wait3A_735 = tpu.memref_squeeze %dma_wait3A_734 : memref<1x512xf32, #tpu.memory_space<vmem>> -> memref<512xf32, #tpu.memory_space<vmem>>
      %dma_wait3A_736 = arith.constant 0 : i32
      %dma_wait3A_737 = tpu.memref_slice %arg10[%add3A_273, %dma_wait3A_736] : memref<16x512xf32, #tpu.memory_space<vmem_shared>> -> memref<1x512xf32, #tpu.memory_space<vmem_shared>>
      %dma_wait3A_738 = tpu.memref_squeeze %dma_wait3A_737 : memref<1x512xf32, #tpu.memory_space<vmem_shared>> -> memref<512xf32, #tpu.memory_space<vmem_shared>>
      tpu.wait_dma2 semaphore(%run_scoped3A_714 : memref<!tpu.dma_semaphore, #tpu.memory_space<semaphore_mem>>) src(%dma_wait3A_738 : memref<512xf32, #tpu.memory_space<vmem_shared>>) dst(%dma_wait3A_735 : memref<512xf32, #tpu.memory_space<vmem>>)
      tpu.yield
    }) : () -> ()
    %add3A_275 = arith.constant 5 : i32
    %add3A_276 = arith.addi %mul3A_260, %add3A_275 : i32
    %run_scoped3A_277 = arith.constant 5 : i32
    "tpu.region"() ({
      %run_scoped3A_714 = tpu.sem_alloc : memref<!tpu.dma_semaphore, #tpu.memory_space<semaphore_mem>>
      %dma_start3A_715 = arith.constant 0 : i32
      %dma_start3A_716 = tpu.memref_slice %arg11[%run_scoped3A_277, %dma_start3A_715] : memref<8x512xf32, #tpu.memory_space<vmem>> -> memref<1x512xf32, #tpu.memory_space<vmem>>
      %dma_start3A_717 = tpu.memref_squeeze %dma_start3A_716 : memref<1x512xf32, #tpu.memory_space<vmem>> -> memref<512xf32, #tpu.memory_space<vmem>>
      %dma_start3A_718 = arith.constant 0 : i32
      %dma_start3A_719 = tpu.memref_slice %arg10[%add3A_276, %dma_start3A_718] : memref<16x512xf32, #tpu.memory_space<vmem_shared>> -> memref<1x512xf32, #tpu.memory_space<vmem_shared>>
      %dma_start3A_720 = tpu.memref_squeeze %dma_start3A_719 : memref<1x512xf32, #tpu.memory_space<vmem_shared>> -> memref<512xf32, #tpu.memory_space<vmem_shared>>
      %dma_start3A_721 = arith.constant 0 : i32
      %dma_start3A_722 = tpu.memref_slice %arg11[%run_scoped3A_277, %dma_start3A_721] : memref<8x512xf32, #tpu.memory_space<vmem>> -> memref<1x512xf32, #tpu.memory_space<vmem>>
      %dma_start3A_723 = tpu.memref_squeeze %dma_start3A_722 : memref<1x512xf32, #tpu.memory_space<vmem>> -> memref<512xf32, #tpu.memory_space<vmem>>
      %dma_start3A_724 = arith.constant 0 : i32
      %dma_start3A_725 = tpu.memref_slice %arg10[%add3A_276, %dma_start3A_724] : memref<16x512xf32, #tpu.memory_space<vmem_shared>> -> memref<1x512xf32, #tpu.memory_space<vmem_shared>>
      %dma_start3A_726 = tpu.memref_squeeze %dma_start3A_725 : memref<1x512xf32, #tpu.memory_space<vmem_shared>> -> memref<512xf32, #tpu.memory_space<vmem_shared>>
      tpu.enqueue_dma source(%dma_start3A_726 : memref<512xf32, #tpu.memory_space<vmem_shared>>) target(%dma_start3A_723 : memref<512xf32, #tpu.memory_space<vmem>>) target_semaphore(%run_scoped3A_714 : memref<!tpu.dma_semaphore, #tpu.memory_space<semaphore_mem>>)
      %dma_wait3A_727 = arith.constant 0 : i32
      %dma_wait3A_728 = tpu.memref_slice %arg11[%run_scoped3A_277, %dma_wait3A_727] : memref<8x512xf32, #tpu.memory_space<vmem>> -> memref<1x512xf32, #tpu.memory_space<vmem>>
      %dma_wait3A_729 = tpu.memref_squeeze %dma_wait3A_728 : memref<1x512xf32, #tpu.memory_space<vmem>> -> memref<512xf32, #tpu.memory_space<vmem>>
      %dma_wait3A_730 = arith.constant 0 : i32
      %dma_wait3A_731 = tpu.memref_slice %arg10[%add3A_276, %dma_wait3A_730] : memref<16x512xf32, #tpu.memory_space<vmem_shared>> -> memref<1x512xf32, #tpu.memory_space<vmem_shared>>
      %dma_wait3A_732 = tpu.memref_squeeze %dma_wait3A_731 : memref<1x512xf32, #tpu.memory_space<vmem_shared>> -> memref<512xf32, #tpu.memory_space<vmem_shared>>
      %dma_wait3A_733 = arith.constant 0 : i32
      %dma_wait3A_734 = tpu.memref_slice %arg11[%run_scoped3A_277, %dma_wait3A_733] : memref<8x512xf32, #tpu.memory_space<vmem>> -> memref<1x512xf32, #tpu.memory_space<vmem>>
      %dma_wait3A_735 = tpu.memref_squeeze %dma_wait3A_734 : memref<1x512xf32, #tpu.memory_space<vmem>> -> memref<512xf32, #tpu.memory_space<vmem>>
      %dma_wait3A_736 = arith.constant 0 : i32
      %dma_wait3A_737 = tpu.memref_slice %arg10[%add3A_276, %dma_wait3A_736] : memref<16x512xf32, #tpu.memory_space<vmem_shared>> -> memref<1x512xf32, #tpu.memory_space<vmem_shared>>
      %dma_wait3A_738 = tpu.memref_squeeze %dma_wait3A_737 : memref<1x512xf32, #tpu.memory_space<vmem_shared>> -> memref<512xf32, #tpu.memory_space<vmem_shared>>
      tpu.wait_dma2 semaphore(%run_scoped3A_714 : memref<!tpu.dma_semaphore, #tpu.memory_space<semaphore_mem>>) src(%dma_wait3A_738 : memref<512xf32, #tpu.memory_space<vmem_shared>>) dst(%dma_wait3A_735 : memref<512xf32, #tpu.memory_space<vmem>>)
      tpu.yield
    }) : () -> ()
    %add3A_278 = arith.constant 6 : i32
    %add3A_279 = arith.addi %mul3A_260, %add3A_278 : i32
    %run_scoped3A_280 = arith.constant 6 : i32
    "tpu.region"() ({
      %run_scoped3A_714 = tpu.sem_alloc : memref<!tpu.dma_semaphore, #tpu.memory_space<semaphore_mem>>
      %dma_start3A_715 = arith.constant 0 : i32
      %dma_start3A_716 = tpu.memref_slice %arg11[%run_scoped3A_280, %dma_start3A_715] : memref<8x512xf32, #tpu.memory_space<vmem>> -> memref<1x512xf32, #tpu.memory_space<vmem>>
      %dma_start3A_717 = tpu.memref_squeeze %dma_start3A_716 : memref<1x512xf32, #tpu.memory_space<vmem>> -> memref<512xf32, #tpu.memory_space<vmem>>
      %dma_start3A_718 = arith.constant 0 : i32
      %dma_start3A_719 = tpu.memref_slice %arg10[%add3A_279, %dma_start3A_718] : memref<16x512xf32, #tpu.memory_space<vmem_shared>> -> memref<1x512xf32, #tpu.memory_space<vmem_shared>>
      %dma_start3A_720 = tpu.memref_squeeze %dma_start3A_719 : memref<1x512xf32, #tpu.memory_space<vmem_shared>> -> memref<512xf32, #tpu.memory_space<vmem_shared>>
      %dma_start3A_721 = arith.constant 0 : i32
      %dma_start3A_722 = tpu.memref_slice %arg11[%run_scoped3A_280, %dma_start3A_721] : memref<8x512xf32, #tpu.memory_space<vmem>> -> memref<1x512xf32, #tpu.memory_space<vmem>>
      %dma_start3A_723 = tpu.memref_squeeze %dma_start3A_722 : memref<1x512xf32, #tpu.memory_space<vmem>> -> memref<512xf32, #tpu.memory_space<vmem>>
      %dma_start3A_724 = arith.constant 0 : i32
      %dma_start3A_725 = tpu.memref_slice %arg10[%add3A_279, %dma_start3A_724] : memref<16x512xf32, #tpu.memory_space<vmem_shared>> -> memref<1x512xf32, #tpu.memory_space<vmem_shared>>
      %dma_start3A_726 = tpu.memref_squeeze %dma_start3A_725 : memref<1x512xf32, #tpu.memory_space<vmem_shared>> -> memref<512xf32, #tpu.memory_space<vmem_shared>>
      tpu.enqueue_dma source(%dma_start3A_726 : memref<512xf32, #tpu.memory_space<vmem_shared>>) target(%dma_start3A_723 : memref<512xf32, #tpu.memory_space<vmem>>) target_semaphore(%run_scoped3A_714 : memref<!tpu.dma_semaphore, #tpu.memory_space<semaphore_mem>>)
      %dma_wait3A_727 = arith.constant 0 : i32
      %dma_wait3A_728 = tpu.memref_slice %arg11[%run_scoped3A_280, %dma_wait3A_727] : memref<8x512xf32, #tpu.memory_space<vmem>> -> memref<1x512xf32, #tpu.memory_space<vmem>>
      %dma_wait3A_729 = tpu.memref_squeeze %dma_wait3A_728 : memref<1x512xf32, #tpu.memory_space<vmem>> -> memref<512xf32, #tpu.memory_space<vmem>>
      %dma_wait3A_730 = arith.constant 0 : i32
      %dma_wait3A_731 = tpu.memref_slice %arg10[%add3A_279, %dma_wait3A_730] : memref<16x512xf32, #tpu.memory_space<vmem_shared>> -> memref<1x512xf32, #tpu.memory_space<vmem_shared>>
      %dma_wait3A_732 = tpu.memref_squeeze %dma_wait3A_731 : memref<1x512xf32, #tpu.memory_space<vmem_shared>> -> memref<512xf32, #tpu.memory_space<vmem_shared>>
      %dma_wait3A_733 = arith.constant 0 : i32
      %dma_wait3A_734 = tpu.memref_slice %arg11[%run_scoped3A_280, %dma_wait3A_733] : memref<8x512xf32, #tpu.memory_space<vmem>> -> memref<1x512xf32, #tpu.memory_space<vmem>>
      %dma_wait3A_735 = tpu.memref_squeeze %dma_wait3A_734 : memref<1x512xf32, #tpu.memory_space<vmem>> -> memref<512xf32, #tpu.memory_space<vmem>>
      %dma_wait3A_736 = arith.constant 0 : i32
      %dma_wait3A_737 = tpu.memref_slice %arg10[%add3A_279, %dma_wait3A_736] : memref<16x512xf32, #tpu.memory_space<vmem_shared>> -> memref<1x512xf32, #tpu.memory_space<vmem_shared>>
      %dma_wait3A_738 = tpu.memref_squeeze %dma_wait3A_737 : memref<1x512xf32, #tpu.memory_space<vmem_shared>> -> memref<512xf32, #tpu.memory_space<vmem_shared>>
      tpu.wait_dma2 semaphore(%run_scoped3A_714 : memref<!tpu.dma_semaphore, #tpu.memory_space<semaphore_mem>>) src(%dma_wait3A_738 : memref<512xf32, #tpu.memory_space<vmem_shared>>) dst(%dma_wait3A_735 : memref<512xf32, #tpu.memory_space<vmem>>)
      tpu.yield
    }) : () -> ()
    %add3A_281 = arith.constant 7 : i32
    %add3A_282 = arith.addi %mul3A_260, %add3A_281 : i32
    %run_scoped3A_283 = arith.constant 7 : i32
    "tpu.region"() ({
      %run_scoped3A_714 = tpu.sem_alloc : memref<!tpu.dma_semaphore, #tpu.memory_space<semaphore_mem>>
      %dma_start3A_715 = arith.constant 0 : i32
      %dma_start3A_716 = tpu.memref_slice %arg11[%run_scoped3A_283, %dma_start3A_715] : memref<8x512xf32, #tpu.memory_space<vmem>> -> memref<1x512xf32, #tpu.memory_space<vmem>>
      %dma_start3A_717 = tpu.memref_squeeze %dma_start3A_716 : memref<1x512xf32, #tpu.memory_space<vmem>> -> memref<512xf32, #tpu.memory_space<vmem>>
      %dma_start3A_718 = arith.constant 0 : i32
      %dma_start3A_719 = tpu.memref_slice %arg10[%add3A_282, %dma_start3A_718] : memref<16x512xf32, #tpu.memory_space<vmem_shared>> -> memref<1x512xf32, #tpu.memory_space<vmem_shared>>
      %dma_start3A_720 = tpu.memref_squeeze %dma_start3A_719 : memref<1x512xf32, #tpu.memory_space<vmem_shared>> -> memref<512xf32, #tpu.memory_space<vmem_shared>>
      %dma_start3A_721 = arith.constant 0 : i32
      %dma_start3A_722 = tpu.memref_slice %arg11[%run_scoped3A_283, %dma_start3A_721] : memref<8x512xf32, #tpu.memory_space<vmem>> -> memref<1x512xf32, #tpu.memory_space<vmem>>
      %dma_start3A_723 = tpu.memref_squeeze %dma_start3A_722 : memref<1x512xf32, #tpu.memory_space<vmem>> -> memref<512xf32, #tpu.memory_space<vmem>>
      %dma_start3A_724 = arith.constant 0 : i32
      %dma_start3A_725 = tpu.memref_slice %arg10[%add3A_282, %dma_start3A_724] : memref<16x512xf32, #tpu.memory_space<vmem_shared>> -> memref<1x512xf32, #tpu.memory_space<vmem_shared>>
      %dma_start3A_726 = tpu.memref_squeeze %dma_start3A_725 : memref<1x512xf32, #tpu.memory_space<vmem_shared>> -> memref<512xf32, #tpu.memory_space<vmem_shared>>
      tpu.enqueue_dma source(%dma_start3A_726 : memref<512xf32, #tpu.memory_space<vmem_shared>>) target(%dma_start3A_723 : memref<512xf32, #tpu.memory_space<vmem>>) target_semaphore(%run_scoped3A_714 : memref<!tpu.dma_semaphore, #tpu.memory_space<semaphore_mem>>)
      %dma_wait3A_727 = arith.constant 0 : i32
      %dma_wait3A_728 = tpu.memref_slice %arg11[%run_scoped3A_283, %dma_wait3A_727] : memref<8x512xf32, #tpu.memory_space<vmem>> -> memref<1x512xf32, #tpu.memory_space<vmem>>
      %dma_wait3A_729 = tpu.memref_squeeze %dma_wait3A_728 : memref<1x512xf32, #tpu.memory_space<vmem>> -> memref<512xf32, #tpu.memory_space<vmem>>
      %dma_wait3A_730 = arith.constant 0 : i32
      %dma_wait3A_731 = tpu.memref_slice %arg10[%add3A_282, %dma_wait3A_730] : memref<16x512xf32, #tpu.memory_space<vmem_shared>> -> memref<1x512xf32, #tpu.memory_space<vmem_shared>>
      %dma_wait3A_732 = tpu.memref_squeeze %dma_wait3A_731 : memref<1x512xf32, #tpu.memory_space<vmem_shared>> -> memref<512xf32, #tpu.memory_space<vmem_shared>>
      %dma_wait3A_733 = arith.constant 0 : i32
      %dma_wait3A_734 = tpu.memref_slice %arg11[%run_scoped3A_283, %dma_wait3A_733] : memref<8x512xf32, #tpu.memory_space<vmem>> -> memref<1x512xf32, #tpu.memory_space<vmem>>
      %dma_wait3A_735 = tpu.memref_squeeze %dma_wait3A_734 : memref<1x512xf32, #tpu.memory_space<vmem>> -> memref<512xf32, #tpu.memory_space<vmem>>
      %dma_wait3A_736 = arith.constant 0 : i32
      %dma_wait3A_737 = tpu.memref_slice %arg10[%add3A_282, %dma_wait3A_736] : memref<16x512xf32, #tpu.memory_space<vmem_shared>> -> memref<1x512xf32, #tpu.memory_space<vmem_shared>>
      %dma_wait3A_738 = tpu.memref_squeeze %dma_wait3A_737 : memref<1x512xf32, #tpu.memory_space<vmem_shared>> -> memref<512xf32, #tpu.memory_space<vmem_shared>>
      tpu.wait_dma2 semaphore(%run_scoped3A_714 : memref<!tpu.dma_semaphore, #tpu.memory_space<semaphore_mem>>) src(%dma_wait3A_738 : memref<512xf32, #tpu.memory_space<vmem_shared>>) dst(%dma_wait3A_735 : memref<512xf32, #tpu.memory_space<vmem>>)
      tpu.yield
    }) : () -> ()
    %scan3A_284 = arith.constant 0 : i32
    %scan3A_285 = arith.constant 0 : i32
    %scan3A_286 = arith.constant 19 : i32
    %scan3A_287 = arith.addi %scan3A_285, %scan3A_286 : i32
    %scan3A_288 = arith.constant 1 : i32
    %scan3A_289 = scf.for %scan3A_714 = %scan3A_285 to %scan3A_287 step %scan3A_288 iter_args(%scan3A_715 = %scan3A_284) -> (i32)  : i32 {
      %mul3A_716 = arith.constant 16 : i32
      %mul3A_717 = arith.muli %scan3A_714, %mul3A_716 : i32
      %get3A_718 = arith.constant 0 : i32
      %get3A_719 = arith.index_cast %get3A_718 : i32 to index
      %get3A_720 = arith.index_cast %mul3A_717 : i32 to index
      %get3A_721 = tpu.vector_load %arg11[%get3A_719, %get3A_720] {strides = array<i32>} : memref<8x512xf32, #tpu.memory_space<vmem>>, vector<16xf32>,
      %get3A_722 = arith.constant 1 : i32
      %get3A_723 = arith.index_cast %get3A_722 : i32 to index
      %get3A_724 = arith.index_cast %mul3A_717 : i32 to index
      %get3A_725 = tpu.vector_load %arg11[%get3A_723, %get3A_724] {strides = array<i32>} : memref<8x512xf32, #tpu.memory_space<vmem>>, vector<16xf32>,
      %add3A_726 = arith.addf %get3A_721, %get3A_725 : vector<16xf32>
      %get3A_727 = arith.constant 2 : i32
      %get3A_728 = arith.index_cast %get3A_727 : i32 to index
      %get3A_729 = arith.index_cast %mul3A_717 : i32 to index
      %get3A_730 = tpu.vector_load %arg11[%get3A_728, %get3A_729] {strides = array<i32>} : memref<8x512xf32, #tpu.memory_space<vmem>>, vector<16xf32>,
      %add3A_731 = arith.addf %add3A_726, %get3A_730 : vector<16xf32>
      %get3A_732 = arith.constant 3 : i32
      %get3A_733 = arith.index_cast %get3A_732 : i32 to index
      %get3A_734 = arith.index_cast %mul3A_717 : i32 to index
      %get3A_735 = tpu.vector_load %arg11[%get3A_733, %get3A_734] {strides = array<i32>} : memref<8x512xf32, #tpu.memory_space<vmem>>, vector<16xf32>,
      %add3A_736 = arith.addf %add3A_731, %get3A_735 : vector<16xf32>
      %get3A_737 = arith.constant 4 : i32
      %get3A_738 = arith.index_cast %get3A_737 : i32 to index
      %get3A_739 = arith.index_cast %mul3A_717 : i32 to index
      %get3A_740 = tpu.vector_load %arg11[%get3A_738, %get3A_739] {strides = array<i32>} : memref<8x512xf32, #tpu.memory_space<vmem>>, vector<16xf32>,
      %add3A_741 = arith.addf %add3A_736, %get3A_740 : vector<16xf32>
      %get3A_742 = arith.constant 5 : i32
      %get3A_743 = arith.index_cast %get3A_742 : i32 to index
      %get3A_744 = arith.index_cast %mul3A_717 : i32 to index
      %get3A_745 = tpu.vector_load %arg11[%get3A_743, %get3A_744] {strides = array<i32>} : memref<8x512xf32, #tpu.memory_space<vmem>>, vector<16xf32>,
      %add3A_746 = arith.addf %add3A_741, %get3A_745 : vector<16xf32>
      %get3A_747 = arith.constant 6 : i32
      %get3A_748 = arith.index_cast %get3A_747 : i32 to index
      %get3A_749 = arith.index_cast %mul3A_717 : i32 to index
      %get3A_750 = tpu.vector_load %arg11[%get3A_748, %get3A_749] {strides = array<i32>} : memref<8x512xf32, #tpu.memory_space<vmem>>, vector<16xf32>,
      %add3A_751 = arith.addf %add3A_746, %get3A_750 : vector<16xf32>
      %get3A_752 = arith.constant 7 : i32
      %get3A_753 = arith.index_cast %get3A_752 : i32 to index
      %get3A_754 = arith.index_cast %mul3A_717 : i32 to index
      %get3A_755 = tpu.vector_load %arg11[%get3A_753, %get3A_754] {strides = array<i32>} : memref<8x512xf32, #tpu.memory_space<vmem>>, vector<16xf32>,
      %add3A_756 = arith.addf %add3A_751, %get3A_755 : vector<16xf32>
      %swap3A_757 = arith.index_cast %mul3A_717 : i32 to index
      %swap3A_758 = tpu.vector_load %arg12[%swap3A_757] {strides = array<i32>} : memref<320xf32, #tpu.memory_space<vmem>>, vector<16xf32>,
      tpu.vector_store %arg12[%swap3A_757], %add3A_756 {strides = array<i32>} : memref<320xf32, #tpu.memory_space<vmem>>, vector<16xf32>,
      %scan3A_759 = arith.constant 0 : i32
      scf.yield %scan3A_759 : i32
    }
    %scan3A_290 = arith.constant 19 : i32
    %get3A = arith.constant 0 : i32
    %get3A_291 = arith.index_cast %get3A : i32 to index
    %get3A_292 = arith.constant 304 : index
    %get3A_293 = tpu.vector_load %arg11[%get3A_291, %get3A_292] {strides = array<i32>} : memref<8x512xf32, #tpu.memory_space<vmem>>, vector<16xf32>,
    %get3A_294 = arith.constant 1 : i32
    %get3A_295 = arith.index_cast %get3A_294 : i32 to index
    %get3A_296 = arith.constant 304 : index
    %get3A_297 = tpu.vector_load %arg11[%get3A_295, %get3A_296] {strides = array<i32>} : memref<8x512xf32, #tpu.memory_space<vmem>>, vector<16xf32>,
    %max3A = arith.maximumf %get3A_293, %get3A_297 : vector<16xf32>
    %get3A_298 = arith.constant 2 : i32
    %get3A_299 = arith.index_cast %get3A_298 : i32 to index
    %get3A_300 = arith.constant 304 : index
    %get3A_301 = tpu.vector_load %arg11[%get3A_299, %get3A_300] {strides = array<i32>} : memref<8x512xf32, #tpu.memory_space<vmem>>, vector<16xf32>,
    %max3A_302 = arith.maximumf %max3A, %get3A_301 : vector<16xf32>
    %get3A_303 = arith.constant 3 : i32
    %get3A_304 = arith.index_cast %get3A_303 : i32 to index
    %get3A_305 = arith.constant 304 : index
    %get3A_306 = tpu.vector_load %arg11[%get3A_304, %get3A_305] {strides = array<i32>} : memref<8x512xf32, #tpu.memory_space<vmem>>, vector<16xf32>,
    %max3A_307 = arith.maximumf %max3A_302, %get3A_306 : vector<16xf32>
    %get3A_308 = arith.constant 4 : i32
    %get3A_309 = arith.index_cast %get3A_308 : i32 to index
    %get3A_310 = arith.constant 304 : index
    %get3A_311 = tpu.vector_load %arg11[%get3A_309, %get3A_310] {strides = array<i32>} : memref<8x512xf32, #tpu.memory_space<vmem>>, vector<16xf32>,
    %max3A_312 = arith.maximumf %max3A_307, %get3A_311 : vector<16xf32>
    %get3A_313 = arith.constant 5 : i32
    %get3A_314 = arith.index_cast %get3A_313 : i32 to index
    %get3A_315 = arith.constant 304 : index
    %get3A_316 = tpu.vector_load %arg11[%get3A_314, %get3A_315] {strides = array<i32>} : memref<8x512xf32, #tpu.memory_space<vmem>>, vector<16xf32>,
    %max3A_317 = arith.maximumf %max3A_312, %get3A_316 : vector<16xf32>
    %get3A_318 = arith.constant 6 : i32
    %get3A_319 = arith.index_cast %get3A_318 : i32 to index
    %get3A_320 = arith.constant 304 : index
    %get3A_321 = tpu.vector_load %arg11[%get3A_319, %get3A_320] {strides = array<i32>} : memref<8x512xf32, #tpu.memory_space<vmem>>, vector<16xf32>,
    %max3A_322 = arith.maximumf %max3A_317, %get3A_321 : vector<16xf32>
    %get3A_323 = arith.constant 7 : i32
    %get3A_324 = arith.index_cast %get3A_323 : i32 to index
    %get3A_325 = arith.constant 304 : index
    %get3A_326 = tpu.vector_load %arg11[%get3A_324, %get3A_325] {strides = array<i32>} : memref<8x512xf32, #tpu.memory_space<vmem>>, vector<16xf32>,
    %max3A_327 = arith.maximumf %max3A_322, %get3A_326 : vector<16xf32>
    %swap3A_328 = arith.constant 304 : index
    %swap3A_329 = tpu.vector_load %arg12[%swap3A_328] {strides = array<i32>} : memref<320xf32, #tpu.memory_space<vmem>>, vector<16xf32>,
    tpu.vector_store %arg12[%swap3A_328], %max3A_327 {strides = array<i32>} : memref<320xf32, #tpu.memory_space<vmem>>, vector<16xf32>,
    %scan3A_330 = arith.constant 0 : i32
    %scan3A_331 = arith.constant 0 : i32
    %scan3A_332 = arith.constant 17 : i32
    %scan3A_333 = arith.addi %scan3A_331, %scan3A_332 : i32
    %scan3A_334 = arith.constant 1 : i32
    %scan3A_335 = scf.for %scan3A_714 = %scan3A_331 to %scan3A_333 step %scan3A_334 iter_args(%scan3A_715 = %scan3A_330) -> (i32)  : i32 {
      %broadcast_in_dim3A_716 = arith.constant 272 : i32
      %broadcast_in_dim3A_717 = vector.broadcast %broadcast_in_dim3A_716 : i32 to vector<16xi32>
      %add3A_718 = vector.broadcast %scan3A_714 : i32 to vector<16xi32>
      %add3A_719 = arith.addi %broadcast_in_dim3A_717, %add3A_718 : vector<16xi32>
      %gather3A_720 = tpu.vector_load_idx %arg12[%add3A_719] : memref<320xf32, #tpu.memory_space<vmem>>[vector<16xi32>], vector<16xf32>,
      %mul3A_721 = arith.constant 16 : i32
      %mul3A_722 = arith.muli %scan3A_714, %mul3A_721 : i32
      %get3A_723 = arith.index_cast %mul3A_722 : i32 to index
      %get3A_724 = tpu.vector_load %arg12[%get3A_723] {strides = array<i32>} : memref<320xf32, #tpu.memory_space<vmem>>, vector<16xf32>,
      %gt3A_725 = arith.constant 0.000000e+00 : f32
      %gt3A_726 = vector.broadcast %gt3A_725 : f32 to vector<16xf32>
      %gt3A_727 = arith.cmpf ogt, %gather3A_720, %gt3A_726 : vector<16xf32>
      %max3A_728 = arith.constant 1.000000e+00 : f32
      %max3A_729 = vector.broadcast %max3A_728 : f32 to vector<16xf32>
      %max3A_730 = arith.maximumf %gather3A_720, %max3A_729 : vector<16xf32>
      %div3A_731 = arith.divf %get3A_724, %max3A_730 : vector<16xf32>
      %jit3A_732 = arith.constant 0.000000e+00 : f32
      %broadcast_in_dim3A_733 = vector.broadcast %jit3A_732 : f32 to vector<16xf32>
      %select_n3A_734 = arith.select %gt3A_727, %div3A_731, %broadcast_in_dim3A_733 : vector<16xi1>, vector<16xf32>
      %mul3A_735 = arith.constant 16 : i32
      %mul3A_736 = arith.muli %scan3A_714, %mul3A_735 : i32
      %swap3A_737 = arith.index_cast %mul3A_736 : i32 to index
      %swap3A_738 = tpu.vector_load %arg13[%swap3A_737] {strides = array<i32>} : memref<272xf32, #tpu.memory_space<vmem>>, vector<16xf32>,
      tpu.vector_store %arg13[%swap3A_737], %select_n3A_734 {strides = array<i32>} : memref<272xf32, #tpu.memory_space<vmem>>, vector<16xf32>,
      %scan3A_739 = arith.constant 0 : i32
      scf.yield %scan3A_739 : i32
    }
    %scan3A_336 = arith.constant 17 : i32
    %broadcast_in_dim3A_337 = arith.constant 0.000000e+00 : f32
    %broadcast_in_dim3A_338 = vector.broadcast %broadcast_in_dim3A_337 : f32 to vector<16xf32>
    %scan3A_339 = arith.constant 0 : i32
    %scan3A_340 = arith.constant 0 : i32
    %scan3A_341 = arith.constant 17 : i32
    %scan3A_342 = arith.addi %scan3A_340, %scan3A_341 : i32
    %scan3A_343 = arith.constant 1 : i32
    %scan3A_344 = scf.for %scan3A_714 = %scan3A_340 to %scan3A_342 step %scan3A_343 iter_args(%scan3A_715 = %scan3A_339) -> (i32)  : i32 {
      %mul3A_716 = arith.constant 16 : i32
      %mul3A_717 = arith.muli %scan3A_714, %mul3A_716 : i32
      %swap3A_718 = arith.index_cast %mul3A_717 : i32 to index
      %swap3A_719 = tpu.vector_load %arg8[%swap3A_718] {strides = array<i32>} : memref<272xf32, #tpu.memory_space<vmem>>, vector<16xf32>,
      tpu.vector_store %arg8[%swap3A_718], %broadcast_in_dim3A_338 {strides = array<i32>} : memref<272xf32, #tpu.memory_space<vmem>>, vector<16xf32>,
      %scan3A_720 = arith.constant 0 : i32
      scf.yield %scan3A_720 : i32
    }
    %scan3A_345 = arith.constant 17 : i32
    %dma_start3A_346 = arith.constant 0 : i32
    %dma_start3A_347 = arith.constant 0 : i32
    %dma_start3A_348 = arith.constant 0 : i32
    %dma_start3A_349 = tpu.memref_slice %arg5[%dma_start3A_346, %dma_start3A_347, %dma_start3A_348] : memref<2x16x2048xf32, #tpu.memory_space<vmem>> -> memref<1x16x2048xf32, #tpu.memory_space<vmem>>
    %dma_start3A_350 = tpu.memref_squeeze %dma_start3A_349 : memref<1x16x2048xf32, #tpu.memory_space<vmem>> -> memref<16x2048xf32, #tpu.memory_space<vmem>>
    %dma_start3A_351 = arith.constant 0 : i32
    %dma_start3A_352 = tpu.memref_slice %arg2[%add3A, %dma_start3A_351, %mul3A_32] : memref<4x16x262144xf32, #tpu.memory_space<hbm>> -> memref<1x16x2048xf32, #tpu.memory_space<hbm>>
    %dma_start3A_353 = tpu.memref_squeeze %dma_start3A_352 : memref<1x16x2048xf32, #tpu.memory_space<hbm>> -> memref<16x2048xf32, #tpu.memory_space<hbm>>
    %dma_start3A_354 = arith.constant 0 : i32
    %dma_start3A_355 = arith.constant 0 : i32
    %dma_start3A_356 = tpu.memref_slice %arg5[%dma_start3A_346, %dma_start3A_354, %dma_start3A_355] : memref<2x16x2048xf32, #tpu.memory_space<vmem>> -> memref<1x16x2048xf32, #tpu.memory_space<vmem>>
    %dma_start3A_357 = tpu.memref_squeeze %dma_start3A_356 : memref<1x16x2048xf32, #tpu.memory_space<vmem>> -> memref<16x2048xf32, #tpu.memory_space<vmem>>
    %dma_start3A_358 = arith.constant 0 : i32
    %dma_start3A_359 = tpu.memref_slice %arg2[%add3A, %dma_start3A_358, %mul3A_32] : memref<4x16x262144xf32, #tpu.memory_space<hbm>> -> memref<1x16x2048xf32, #tpu.memory_space<hbm>>
    %dma_start3A_360 = tpu.memref_squeeze %dma_start3A_359 : memref<1x16x2048xf32, #tpu.memory_space<hbm>> -> memref<16x2048xf32, #tpu.memory_space<hbm>>
    tpu.enqueue_dma source(%dma_start3A_360 : memref<16x2048xf32, #tpu.memory_space<hbm>>) target(%dma_start3A_357 : memref<16x2048xf32, #tpu.memory_space<vmem>>) target_semaphore(%arg15 : memref<!tpu.dma_semaphore, #tpu.memory_space<semaphore_mem>>)
    %dma_start3A_361 = arith.constant 0 : i32
    %dma_start3A_362 = arith.constant 0 : i32
    %dma_start3A_363 = tpu.memref_slice %arg6[%dma_start3A_361, %dma_start3A_362] : memref<2x2048xi32, #tpu.memory_space<vmem>> -> memref<1x2048xi32, #tpu.memory_space<vmem>>
    %dma_start3A_364 = tpu.memref_squeeze %dma_start3A_363 : memref<1x2048xi32, #tpu.memory_space<vmem>> -> memref<2048xi32, #tpu.memory_space<vmem>>
    %dma_start3A_365 = tpu.memref_slice %arg3[%add3A, %mul3A_32] : memref<4x262144xi32, #tpu.memory_space<hbm>> -> memref<1x2048xi32, #tpu.memory_space<hbm>>
    %dma_start3A_366 = tpu.memref_squeeze %dma_start3A_365 : memref<1x2048xi32, #tpu.memory_space<hbm>> -> memref<2048xi32, #tpu.memory_space<hbm>>
    %dma_start3A_367 = arith.constant 0 : i32
    %dma_start3A_368 = tpu.memref_slice %arg6[%dma_start3A_361, %dma_start3A_367] : memref<2x2048xi32, #tpu.memory_space<vmem>> -> memref<1x2048xi32, #tpu.memory_space<vmem>>
    %dma_start3A_369 = tpu.memref_squeeze %dma_start3A_368 : memref<1x2048xi32, #tpu.memory_space<vmem>> -> memref<2048xi32, #tpu.memory_space<vmem>>
    %dma_start3A_370 = tpu.memref_slice %arg3[%add3A, %mul3A_32] : memref<4x262144xi32, #tpu.memory_space<hbm>> -> memref<1x2048xi32, #tpu.memory_space<hbm>>
    %dma_start3A_371 = tpu.memref_squeeze %dma_start3A_370 : memref<1x2048xi32, #tpu.memory_space<hbm>> -> memref<2048xi32, #tpu.memory_space<hbm>>
    tpu.enqueue_dma source(%dma_start3A_371 : memref<2048xi32, #tpu.memory_space<hbm>>) target(%dma_start3A_369 : memref<2048xi32, #tpu.memory_space<vmem>>) target_semaphore(%arg15 : memref<!tpu.dma_semaphore, #tpu.memory_space<semaphore_mem>>)
    %scan3A_372 = arith.constant 0 : i32
    %scan3A_373 = arith.constant 0 : i32
    %scan3A_374 = arith.constant 8 : i32
    %scan3A_375 = arith.addi %scan3A_373, %scan3A_374 : i32
    %scan3A_376 = arith.constant 1 : i32
    scf.for %scan3A_714 = %scan3A_373 to %scan3A_375 step %scan3A_376  : i32 {
      %mul3A_715 = arith.constant 2 : i32
      %mul3A_716 = arith.muli %mul3A_715, %scan3A_714 : i32
      %mul3A_717 = arith.constant 2048 : i32
      %mul3A_718 = arith.muli %mul3A_716, %mul3A_717 : i32
      %add3A_719 = arith.addi %mul3A_32, %mul3A_718 : i32
      %add3A_720 = arith.constant 2048 : i32
      %add3A_721 = arith.addi %add3A_719, %add3A_720 : i32
      %dma_start3A_722 = arith.constant 1 : i32
      %dma_start3A_723 = arith.constant 0 : i32
      %dma_start3A_724 = arith.constant 0 : i32
      %dma_start3A_725 = tpu.memref_slice %arg5[%dma_start3A_722, %dma_start3A_723, %dma_start3A_724] : memref<2x16x2048xf32, #tpu.memory_space<vmem>> -> memref<1x16x2048xf32, #tpu.memory_space<vmem>>
      %dma_start3A_726 = tpu.memref_squeeze %dma_start3A_725 : memref<1x16x2048xf32, #tpu.memory_space<vmem>> -> memref<16x2048xf32, #tpu.memory_space<vmem>>
      %dma_start3A_727 = arith.constant 0 : i32
      %dma_start3A_728 = tpu.memref_slice %arg2[%add3A, %dma_start3A_727, %add3A_721] : memref<4x16x262144xf32, #tpu.memory_space<hbm>> -> memref<1x16x2048xf32, #tpu.memory_space<hbm>>
      %dma_start3A_729 = tpu.memref_squeeze %dma_start3A_728 : memref<1x16x2048xf32, #tpu.memory_space<hbm>> -> memref<16x2048xf32, #tpu.memory_space<hbm>>
      %dma_start3A_730 = arith.constant 0 : i32
      %dma_start3A_731 = arith.constant 0 : i32
      %dma_start3A_732 = tpu.memref_slice %arg5[%dma_start3A_722, %dma_start3A_730, %dma_start3A_731] : memref<2x16x2048xf32, #tpu.memory_space<vmem>> -> memref<1x16x2048xf32, #tpu.memory_space<vmem>>
      %dma_start3A_733 = tpu.memref_squeeze %dma_start3A_732 : memref<1x16x2048xf32, #tpu.memory_space<vmem>> -> memref<16x2048xf32, #tpu.memory_space<vmem>>
      %dma_start3A_734 = arith.constant 0 : i32
      %dma_start3A_735 = tpu.memref_slice %arg2[%add3A, %dma_start3A_734, %add3A_721] : memref<4x16x262144xf32, #tpu.memory_space<hbm>> -> memref<1x16x2048xf32, #tpu.memory_space<hbm>>
      %dma_start3A_736 = tpu.memref_squeeze %dma_start3A_735 : memref<1x16x2048xf32, #tpu.memory_space<hbm>> -> memref<16x2048xf32, #tpu.memory_space<hbm>>
      tpu.enqueue_dma source(%dma_start3A_736 : memref<16x2048xf32, #tpu.memory_space<hbm>>) target(%dma_start3A_733 : memref<16x2048xf32, #tpu.memory_space<vmem>>) target_semaphore(%arg16 : memref<!tpu.dma_semaphore, #tpu.memory_space<semaphore_mem>>)
      %dma_start3A_737 = arith.constant 1 : i32
      %dma_start3A_738 = arith.constant 0 : i32
      %dma_start3A_739 = tpu.memref_slice %arg6[%dma_start3A_737, %dma_start3A_738] : memref<2x2048xi32, #tpu.memory_space<vmem>> -> memref<1x2048xi32, #tpu.memory_space<vmem>>
      %dma_start3A_740 = tpu.memref_squeeze %dma_start3A_739 : memref<1x2048xi32, #tpu.memory_space<vmem>> -> memref<2048xi32, #tpu.memory_space<vmem>>
      %dma_start3A_741 = tpu.memref_slice %arg3[%add3A, %add3A_721] : memref<4x262144xi32, #tpu.memory_space<hbm>> -> memref<1x2048xi32, #tpu.memory_space<hbm>>
      %dma_start3A_742 = tpu.memref_squeeze %dma_start3A_741 : memref<1x2048xi32, #tpu.memory_space<hbm>> -> memref<2048xi32, #tpu.memory_space<hbm>>
      %dma_start3A_743 = arith.constant 0 : i32
      %dma_start3A_744 = tpu.memref_slice %arg6[%dma_start3A_737, %dma_start3A_743] : memref<2x2048xi32, #tpu.memory_space<vmem>> -> memref<1x2048xi32, #tpu.memory_space<vmem>>
      %dma_start3A_745 = tpu.memref_squeeze %dma_start3A_744 : memref<1x2048xi32, #tpu.memory_space<vmem>> -> memref<2048xi32, #tpu.memory_space<vmem>>
      %dma_start3A_746 = tpu.memref_slice %arg3[%add3A, %add3A_721] : memref<4x262144xi32, #tpu.memory_space<hbm>> -> memref<1x2048xi32, #tpu.memory_space<hbm>>
      %dma_start3A_747 = tpu.memref_squeeze %dma_start3A_746 : memref<1x2048xi32, #tpu.memory_space<hbm>> -> memref<2048xi32, #tpu.memory_space<hbm>>
      tpu.enqueue_dma source(%dma_start3A_747 : memref<2048xi32, #tpu.memory_space<hbm>>) target(%dma_start3A_745 : memref<2048xi32, #tpu.memory_space<vmem>>) target_semaphore(%arg16 : memref<!tpu.dma_semaphore, #tpu.memory_space<semaphore_mem>>)
      %dma_wait3A_748 = arith.constant 0 : i32
      %dma_wait3A_749 = arith.constant 0 : i32
      %dma_wait3A_750 = arith.constant 0 : i32
      %dma_wait3A_751 = arith.constant 0 : i32
      %dma_wait3A_752 = tpu.memref_slice %arg5[%dma_wait3A_749, %dma_wait3A_750, %dma_wait3A_751] : memref<2x16x2048xf32, #tpu.memory_space<vmem>> -> memref<1x16x2048xf32, #tpu.memory_space<vmem>>
      %dma_wait3A_753 = tpu.memref_squeeze %dma_wait3A_752 : memref<1x16x2048xf32, #tpu.memory_space<vmem>> -> memref<16x2048xf32, #tpu.memory_space<vmem>>
      %dma_wait3A_754 = arith.constant 0 : i32
      %dma_wait3A_755 = arith.constant 0 : i32
      %dma_wait3A_756 = tpu.memref_slice %arg2[%dma_wait3A_748, %dma_wait3A_754, %dma_wait3A_755] : memref<4x16x262144xf32, #tpu.memory_space<hbm>> -> memref<1x16x2048xf32, #tpu.memory_space<hbm>>
      %dma_wait3A_757 = tpu.memref_squeeze %dma_wait3A_756 : memref<1x16x2048xf32, #tpu.memory_space<hbm>> -> memref<16x2048xf32, #tpu.memory_space<hbm>>
      %dma_wait3A_758 = arith.constant 0 : i32
      %dma_wait3A_759 = arith.constant 0 : i32
      %dma_wait3A_760 = tpu.memref_slice %arg5[%dma_wait3A_749, %dma_wait3A_758, %dma_wait3A_759] : memref<2x16x2048xf32, #tpu.memory_space<vmem>> -> memref<1x16x2048xf32, #tpu.memory_space<vmem>>
      %dma_wait3A_761 = tpu.memref_squeeze %dma_wait3A_760 : memref<1x16x2048xf32, #tpu.memory_space<vmem>> -> memref<16x2048xf32, #tpu.memory_space<vmem>>
      %dma_wait3A_762 = arith.constant 0 : i32
      %dma_wait3A_763 = arith.constant 0 : i32
      %dma_wait3A_764 = tpu.memref_slice %arg2[%dma_wait3A_748, %dma_wait3A_762, %dma_wait3A_763] : memref<4x16x262144xf32, #tpu.memory_space<hbm>> -> memref<1x16x2048xf32, #tpu.memory_space<hbm>>
      %dma_wait3A_765 = tpu.memref_squeeze %dma_wait3A_764 : memref<1x16x2048xf32, #tpu.memory_space<hbm>> -> memref<16x2048xf32, #tpu.memory_space<hbm>>
      tpu.wait_dma2 semaphore(%arg15 : memref<!tpu.dma_semaphore, #tpu.memory_space<semaphore_mem>>) src(%dma_wait3A_765 : memref<16x2048xf32, #tpu.memory_space<hbm>>) dst(%dma_wait3A_761 : memref<16x2048xf32, #tpu.memory_space<vmem>>)
      %dma_wait3A_766 = arith.constant 0 : i32
      %dma_wait3A_767 = arith.constant 0 : i32
      %dma_wait3A_768 = arith.constant 0 : i32
      %dma_wait3A_769 = tpu.memref_slice %arg6[%dma_wait3A_767, %dma_wait3A_768] : memref<2x2048xi32, #tpu.memory_space<vmem>> -> memref<1x2048xi32, #tpu.memory_space<vmem>>
      %dma_wait3A_770 = tpu.memref_squeeze %dma_wait3A_769 : memref<1x2048xi32, #tpu.memory_space<vmem>> -> memref<2048xi32, #tpu.memory_space<vmem>>
      %dma_wait3A_771 = arith.constant 0 : i32
      %dma_wait3A_772 = tpu.memref_slice %arg3[%dma_wait3A_766, %dma_wait3A_771] : memref<4x262144xi32, #tpu.memory_space<hbm>> -> memref<1x2048xi32, #tpu.memory_space<hbm>>
      %dma_wait3A_773 = tpu.memref_squeeze %dma_wait3A_772 : memref<1x2048xi32, #tpu.memory_space<hbm>> -> memref<2048xi32, #tpu.memory_space<hbm>>
      %dma_wait3A_774 = arith.constant 0 : i32
      %dma_wait3A_775 = tpu.memref_slice %arg6[%dma_wait3A_767, %dma_wait3A_774] : memref<2x2048xi32, #tpu.memory_space<vmem>> -> memref<1x2048xi32, #tpu.memory_space<vmem>>
      %dma_wait3A_776 = tpu.memref_squeeze %dma_wait3A_775 : memref<1x2048xi32, #tpu.memory_space<vmem>> -> memref<2048xi32, #tpu.memory_space<vmem>>
      %dma_wait3A_777 = arith.constant 0 : i32
      %dma_wait3A_778 = tpu.memref_slice %arg3[%dma_wait3A_766, %dma_wait3A_777] : memref<4x262144xi32, #tpu.memory_space<hbm>> -> memref<1x2048xi32, #tpu.memory_space<hbm>>
      %dma_wait3A_779 = tpu.memref_squeeze %dma_wait3A_778 : memref<1x2048xi32, #tpu.memory_space<hbm>> -> memref<2048xi32, #tpu.memory_space<hbm>>
      tpu.wait_dma2 semaphore(%arg15 : memref<!tpu.dma_semaphore, #tpu.memory_space<semaphore_mem>>) src(%dma_wait3A_779 : memref<2048xi32, #tpu.memory_space<hbm>>) dst(%dma_wait3A_776 : memref<2048xi32, #tpu.memory_space<vmem>>)
      %parallel_loop3A = arith.constant 0 : i32
      %parallel_loop3A_780 = arith.constant 128 : i32
      %parallel_loop3A_781 = arith.constant 1 : i32
      scf.for %parallel_loop3A_846 = %parallel_loop3A to %parallel_loop3A_780 step %parallel_loop3A_781  : i32 {
        %parallel_loop3A_847 = arith.constant 16 : i32
        %parallel_loop3A_848 = arith.muli %parallel_loop3A_846, %parallel_loop3A_847 : i32
        %parallel_loop3A_849 = arith.constant 0 : i32
        %parallel_loop3A_850 = arith.index_cast %parallel_loop3A_849 : i32 to index
        %parallel_loop3A_851 = arith.index_cast %parallel_loop3A_848 : i32 to index
        %parallel_loop3A_852 = tpu.vector_load %arg6[%parallel_loop3A_850, %parallel_loop3A_851] {strides = array<i32>} : memref<2x2048xi32, #tpu.memory_space<vmem>>, vector<16xi32>,
        %parallel_loop3A_853 = arith.constant 4 : i32
        %parallel_loop3A_854 = vector.broadcast %parallel_loop3A_853 : i32 to vector<16xi32>
        %parallel_loop3A_855 = arith.shli %parallel_loop3A_852, %parallel_loop3A_854 : vector<16xi32>
        %parallel_loop3A_856 = arith.constant 0 : i32
        %parallel_loop3A_857 = arith.constant 0 : i32
        %parallel_loop3A_858 = arith.index_cast %parallel_loop3A_856 : i32 to index
        %parallel_loop3A_859 = arith.index_cast %parallel_loop3A_857 : i32 to index
        %parallel_loop3A_860 = arith.index_cast %parallel_loop3A_848 : i32 to index
        %parallel_loop3A_861 = tpu.vector_load %arg5[%parallel_loop3A_858, %parallel_loop3A_859, %parallel_loop3A_860] {strides = array<i32>} : memref<2x16x2048xf32, #tpu.memory_space<vmem>>, vector<16xf32>,
        %parallel_loop3A_862 = arith.constant 0 : i32
        %parallel_loop3A_863 = vector.broadcast %parallel_loop3A_862 : i32 to vector<16xi32>
        %parallel_loop3A_864 = arith.addi %parallel_loop3A_855, %parallel_loop3A_863 : vector<16xi32>
        %parallel_loop3A_865 = tpu.vector_load_idx %arg13[%parallel_loop3A_864] : memref<272xf32, #tpu.memory_space<vmem>>[vector<16xi32>], vector<16xf32>,
        %parallel_loop3A_866 = arith.subf %parallel_loop3A_861, %parallel_loop3A_865 : vector<16xf32>
        %parallel_loop3A_867 = arith.mulf %parallel_loop3A_866, %parallel_loop3A_866 : vector<16xf32>
        %parallel_loop3A_868 = arith.addf %broadcast_in_dim3A_44, %parallel_loop3A_867 : vector<16xf32>
        %parallel_loop3A_869 = arith.constant 0 : i32
        %parallel_loop3A_870 = arith.constant 1 : i32
        %parallel_loop3A_871 = arith.index_cast %parallel_loop3A_869 : i32 to index
        %parallel_loop3A_872 = arith.index_cast %parallel_loop3A_870 : i32 to index
        %parallel_loop3A_873 = arith.index_cast %parallel_loop3A_848 : i32 to index
        %parallel_loop3A_874 = tpu.vector_load %arg5[%parallel_loop3A_871, %parallel_loop3A_872, %parallel_loop3A_873] {strides = array<i32>} : memref<2x16x2048xf32, #tpu.memory_space<vmem>>, vector<16xf32>,
        %parallel_loop3A_875 = arith.constant 1 : i32
        %parallel_loop3A_876 = vector.broadcast %parallel_loop3A_875 : i32 to vector<16xi32>
        %parallel_loop3A_877 = arith.addi %parallel_loop3A_855, %parallel_loop3A_876 : vector<16xi32>
        %parallel_loop3A_878 = tpu.vector_load_idx %arg13[%parallel_loop3A_877] : memref<272xf32, #tpu.memory_space<vmem>>[vector<16xi32>], vector<16xf32>,
        %parallel_loop3A_879 = arith.subf %parallel_loop3A_874, %parallel_loop3A_878 : vector<16xf32>
        %parallel_loop3A_880 = arith.mulf %parallel_loop3A_879, %parallel_loop3A_879 : vector<16xf32>
        %parallel_loop3A_881 = arith.addf %broadcast_in_dim3A_44, %parallel_loop3A_880 : vector<16xf32>
        %parallel_loop3A_882 = arith.constant 0 : i32
        %parallel_loop3A_883 = arith.constant 2 : i32
        %parallel_loop3A_884 = arith.index_cast %parallel_loop3A_882 : i32 to index
        %parallel_loop3A_885 = arith.index_cast %parallel_loop3A_883 : i32 to index
        %parallel_loop3A_886 = arith.index_cast %parallel_loop3A_848 : i32 to index
        %parallel_loop3A_887 = tpu.vector_load %arg5[%parallel_loop3A_884, %parallel_loop3A_885, %parallel_loop3A_886] {strides = array<i32>} : memref<2x16x2048xf32, #tpu.memory_space<vmem>>, vector<16xf32>,
        %parallel_loop3A_888 = arith.constant 2 : i32
        %parallel_loop3A_889 = vector.broadcast %parallel_loop3A_888 : i32 to vector<16xi32>
        %parallel_loop3A_890 = arith.addi %parallel_loop3A_855, %parallel_loop3A_889 : vector<16xi32>
        %parallel_loop3A_891 = tpu.vector_load_idx %arg13[%parallel_loop3A_890] : memref<272xf32, #tpu.memory_space<vmem>>[vector<16xi32>], vector<16xf32>,
        %parallel_loop3A_892 = arith.subf %parallel_loop3A_887, %parallel_loop3A_891 : vector<16xf32>
        %parallel_loop3A_893 = arith.mulf %parallel_loop3A_892, %parallel_loop3A_892 : vector<16xf32>
        %parallel_loop3A_894 = arith.addf %broadcast_in_dim3A_44, %parallel_loop3A_893 : vector<16xf32>
        %parallel_loop3A_895 = arith.constant 0 : i32
        %parallel_loop3A_896 = arith.constant 3 : i32
        %parallel_loop3A_897 = arith.index_cast %parallel_loop3A_895 : i32 to index
        %parallel_loop3A_898 = arith.index_cast %parallel_loop3A_896 : i32 to index
        %parallel_loop3A_899 = arith.index_cast %parallel_loop3A_848 : i32 to index
        %parallel_loop3A_900 = tpu.vector_load %arg5[%parallel_loop3A_897, %parallel_loop3A_898, %parallel_loop3A_899] {strides = array<i32>} : memref<2x16x2048xf32, #tpu.memory_space<vmem>>, vector<16xf32>,
        %parallel_loop3A_901 = arith.constant 3 : i32
        %parallel_loop3A_902 = vector.broadcast %parallel_loop3A_901 : i32 to vector<16xi32>
        %parallel_loop3A_903 = arith.addi %parallel_loop3A_855, %parallel_loop3A_902 : vector<16xi32>
        %parallel_loop3A_904 = tpu.vector_load_idx %arg13[%parallel_loop3A_903] : memref<272xf32, #tpu.memory_space<vmem>>[vector<16xi32>], vector<16xf32>,
        %parallel_loop3A_905 = arith.subf %parallel_loop3A_900, %parallel_loop3A_904 : vector<16xf32>
        %parallel_loop3A_906 = arith.mulf %parallel_loop3A_905, %parallel_loop3A_905 : vector<16xf32>
        %parallel_loop3A_907 = arith.addf %broadcast_in_dim3A_44, %parallel_loop3A_906 : vector<16xf32>
        %parallel_loop3A_908 = arith.constant 0 : i32
        %parallel_loop3A_909 = arith.constant 4 : i32
        %parallel_loop3A_910 = arith.index_cast %parallel_loop3A_908 : i32 to index
        %parallel_loop3A_911 = arith.index_cast %parallel_loop3A_909 : i32 to index
        %parallel_loop3A_912 = arith.index_cast %parallel_loop3A_848 : i32 to index
        %parallel_loop3A_913 = tpu.vector_load %arg5[%parallel_loop3A_910, %parallel_loop3A_911, %parallel_loop3A_912] {strides = array<i32>} : memref<2x16x2048xf32, #tpu.memory_space<vmem>>, vector<16xf32>,
        %parallel_loop3A_914 = arith.constant 4 : i32
        %parallel_loop3A_915 = vector.broadcast %parallel_loop3A_914 : i32 to vector<16xi32>
        %parallel_loop3A_916 = arith.addi %parallel_loop3A_855, %parallel_loop3A_915 : vector<16xi32>
        %parallel_loop3A_917 = tpu.vector_load_idx %arg13[%parallel_loop3A_916] : memref<272xf32, #tpu.memory_space<vmem>>[vector<16xi32>], vector<16xf32>,
        %parallel_loop3A_918 = arith.subf %parallel_loop3A_913, %parallel_loop3A_917 : vector<16xf32>
        %parallel_loop3A_919 = arith.mulf %parallel_loop3A_918, %parallel_loop3A_918 : vector<16xf32>
        %parallel_loop3A_920 = arith.addf %parallel_loop3A_868, %parallel_loop3A_919 : vector<16xf32>
        %parallel_loop3A_921 = arith.constant 0 : i32
        %parallel_loop3A_922 = arith.constant 5 : i32
        %parallel_loop3A_923 = arith.index_cast %parallel_loop3A_921 : i32 to index
        %parallel_loop3A_924 = arith.index_cast %parallel_loop3A_922 : i32 to index
        %parallel_loop3A_925 = arith.index_cast %parallel_loop3A_848 : i32 to index
        %parallel_loop3A_926 = tpu.vector_load %arg5[%parallel_loop3A_923, %parallel_loop3A_924, %parallel_loop3A_925] {strides = array<i32>} : memref<2x16x2048xf32, #tpu.memory_space<vmem>>, vector<16xf32>,
        %parallel_loop3A_927 = arith.constant 5 : i32
        %parallel_loop3A_928 = vector.broadcast %parallel_loop3A_927 : i32 to vector<16xi32>
        %parallel_loop3A_929 = arith.addi %parallel_loop3A_855, %parallel_loop3A_928 : vector<16xi32>
        %parallel_loop3A_930 = tpu.vector_load_idx %arg13[%parallel_loop3A_929] : memref<272xf32, #tpu.memory_space<vmem>>[vector<16xi32>], vector<16xf32>,
        %parallel_loop3A_931 = arith.subf %parallel_loop3A_926, %parallel_loop3A_930 : vector<16xf32>
        %parallel_loop3A_932 = arith.mulf %parallel_loop3A_931, %parallel_loop3A_931 : vector<16xf32>
        %parallel_loop3A_933 = arith.addf %parallel_loop3A_881, %parallel_loop3A_932 : vector<16xf32>
        %parallel_loop3A_934 = arith.constant 0 : i32
        %parallel_loop3A_935 = arith.constant 6 : i32
        %parallel_loop3A_936 = arith.index_cast %parallel_loop3A_934 : i32 to index
        %parallel_loop3A_937 = arith.index_cast %parallel_loop3A_935 : i32 to index
        %parallel_loop3A_938 = arith.index_cast %parallel_loop3A_848 : i32 to index
        %parallel_loop3A_939 = tpu.vector_load %arg5[%parallel_loop3A_936, %parallel_loop3A_937, %parallel_loop3A_938] {strides = array<i32>} : memref<2x16x2048xf32, #tpu.memory_space<vmem>>, vector<16xf32>,
        %parallel_loop3A_940 = arith.constant 6 : i32
        %parallel_loop3A_941 = vector.broadcast %parallel_loop3A_940 : i32 to vector<16xi32>
        %parallel_loop3A_942 = arith.addi %parallel_loop3A_855, %parallel_loop3A_941 : vector<16xi32>
        %parallel_loop3A_943 = tpu.vector_load_idx %arg13[%parallel_loop3A_942] : memref<272xf32, #tpu.memory_space<vmem>>[vector<16xi32>], vector<16xf32>,
        %parallel_loop3A_944 = arith.subf %parallel_loop3A_939, %parallel_loop3A_943 : vector<16xf32>
        %parallel_loop3A_945 = arith.mulf %parallel_loop3A_944, %parallel_loop3A_944 : vector<16xf32>
        %parallel_loop3A_946 = arith.addf %parallel_loop3A_894, %parallel_loop3A_945 : vector<16xf32>
        %parallel_loop3A_947 = arith.constant 0 : i32
        %parallel_loop3A_948 = arith.constant 7 : i32
        %parallel_loop3A_949 = arith.index_cast %parallel_loop3A_947 : i32 to index
        %parallel_loop3A_950 = arith.index_cast %parallel_loop3A_948 : i32 to index
        %parallel_loop3A_951 = arith.index_cast %parallel_loop3A_848 : i32 to index
        %parallel_loop3A_952 = tpu.vector_load %arg5[%parallel_loop3A_949, %parallel_loop3A_950, %parallel_loop3A_951] {strides = array<i32>} : memref<2x16x2048xf32, #tpu.memory_space<vmem>>, vector<16xf32>,
        %parallel_loop3A_953 = arith.constant 7 : i32
        %parallel_loop3A_954 = vector.broadcast %parallel_loop3A_953 : i32 to vector<16xi32>
        %parallel_loop3A_955 = arith.addi %parallel_loop3A_855, %parallel_loop3A_954 : vector<16xi32>
        %parallel_loop3A_956 = tpu.vector_load_idx %arg13[%parallel_loop3A_955] : memref<272xf32, #tpu.memory_space<vmem>>[vector<16xi32>], vector<16xf32>,
        %parallel_loop3A_957 = arith.subf %parallel_loop3A_952, %parallel_loop3A_956 : vector<16xf32>
        %parallel_loop3A_958 = arith.mulf %parallel_loop3A_957, %parallel_loop3A_957 : vector<16xf32>
        %parallel_loop3A_959 = arith.addf %parallel_loop3A_907, %parallel_loop3A_958 : vector<16xf32>
        %parallel_loop3A_960 = arith.constant 0 : i32
        %parallel_loop3A_961 = arith.constant 8 : i32
        %parallel_loop3A_962 = arith.index_cast %parallel_loop3A_960 : i32 to index
        %parallel_loop3A_963 = arith.index_cast %parallel_loop3A_961 : i32 to index
        %parallel_loop3A_964 = arith.index_cast %parallel_loop3A_848 : i32 to index
        %parallel_loop3A_965 = tpu.vector_load %arg5[%parallel_loop3A_962, %parallel_loop3A_963, %parallel_loop3A_964] {strides = array<i32>} : memref<2x16x2048xf32, #tpu.memory_space<vmem>>, vector<16xf32>,
        %parallel_loop3A_966 = arith.constant 8 : i32
        %parallel_loop3A_967 = vector.broadcast %parallel_loop3A_966 : i32 to vector<16xi32>
        %parallel_loop3A_968 = arith.addi %parallel_loop3A_855, %parallel_loop3A_967 : vector<16xi32>
        %parallel_loop3A_969 = tpu.vector_load_idx %arg13[%parallel_loop3A_968] : memref<272xf32, #tpu.memory_space<vmem>>[vector<16xi32>], vector<16xf32>,
        %parallel_loop3A_970 = arith.subf %parallel_loop3A_965, %parallel_loop3A_969 : vector<16xf32>
        %parallel_loop3A_971 = arith.mulf %parallel_loop3A_970, %parallel_loop3A_970 : vector<16xf32>
        %parallel_loop3A_972 = arith.addf %parallel_loop3A_920, %parallel_loop3A_971 : vector<16xf32>
        %parallel_loop3A_973 = arith.constant 0 : i32
        %parallel_loop3A_974 = arith.constant 9 : i32
        %parallel_loop3A_975 = arith.index_cast %parallel_loop3A_973 : i32 to index
        %parallel_loop3A_976 = arith.index_cast %parallel_loop3A_974 : i32 to index
        %parallel_loop3A_977 = arith.index_cast %parallel_loop3A_848 : i32 to index
        %parallel_loop3A_978 = tpu.vector_load %arg5[%parallel_loop3A_975, %parallel_loop3A_976, %parallel_loop3A_977] {strides = array<i32>} : memref<2x16x2048xf32, #tpu.memory_space<vmem>>, vector<16xf32>,
        %parallel_loop3A_979 = arith.constant 9 : i32
        %parallel_loop3A_980 = vector.broadcast %parallel_loop3A_979 : i32 to vector<16xi32>
        %parallel_loop3A_981 = arith.addi %parallel_loop3A_855, %parallel_loop3A_980 : vector<16xi32>
        %parallel_loop3A_982 = tpu.vector_load_idx %arg13[%parallel_loop3A_981] : memref<272xf32, #tpu.memory_space<vmem>>[vector<16xi32>], vector<16xf32>,
        %parallel_loop3A_983 = arith.subf %parallel_loop3A_978, %parallel_loop3A_982 : vector<16xf32>
        %parallel_loop3A_984 = arith.mulf %parallel_loop3A_983, %parallel_loop3A_983 : vector<16xf32>
        %parallel_loop3A_985 = arith.addf %parallel_loop3A_933, %parallel_loop3A_984 : vector<16xf32>
        %parallel_loop3A_986 = arith.constant 0 : i32
        %parallel_loop3A_987 = arith.constant 10 : i32
        %parallel_loop3A_988 = arith.index_cast %parallel_loop3A_986 : i32 to index
        %parallel_loop3A_989 = arith.index_cast %parallel_loop3A_987 : i32 to index
        %parallel_loop3A_990 = arith.index_cast %parallel_loop3A_848 : i32 to index
        %parallel_loop3A_991 = tpu.vector_load %arg5[%parallel_loop3A_988, %parallel_loop3A_989, %parallel_loop3A_990] {strides = array<i32>} : memref<2x16x2048xf32, #tpu.memory_space<vmem>>, vector<16xf32>,
        %parallel_loop3A_992 = arith.constant 10 : i32
        %parallel_loop3A_993 = vector.broadcast %parallel_loop3A_992 : i32 to vector<16xi32>
        %parallel_loop3A_994 = arith.addi %parallel_loop3A_855, %parallel_loop3A_993 : vector<16xi32>
        %parallel_loop3A_995 = tpu.vector_load_idx %arg13[%parallel_loop3A_994] : memref<272xf32, #tpu.memory_space<vmem>>[vector<16xi32>], vector<16xf32>,
        %parallel_loop3A_996 = arith.subf %parallel_loop3A_991, %parallel_loop3A_995 : vector<16xf32>
        %parallel_loop3A_997 = arith.mulf %parallel_loop3A_996, %parallel_loop3A_996 : vector<16xf32>
        %parallel_loop3A_998 = arith.addf %parallel_loop3A_946, %parallel_loop3A_997 : vector<16xf32>
        %parallel_loop3A_999 = arith.constant 0 : i32
        %parallel_loop3A_1000 = arith.constant 11 : i32
        %parallel_loop3A_1001 = arith.index_cast %parallel_loop3A_999 : i32 to index
        %parallel_loop3A_1002 = arith.index_cast %parallel_loop3A_1000 : i32 to index
        %parallel_loop3A_1003 = arith.index_cast %parallel_loop3A_848 : i32 to index
        %parallel_loop3A_1004 = tpu.vector_load %arg5[%parallel_loop3A_1001, %parallel_loop3A_1002, %parallel_loop3A_1003] {strides = array<i32>} : memref<2x16x2048xf32, #tpu.memory_space<vmem>>, vector<16xf32>,
        %parallel_loop3A_1005 = arith.constant 11 : i32
        %parallel_loop3A_1006 = vector.broadcast %parallel_loop3A_1005 : i32 to vector<16xi32>
        %parallel_loop3A_1007 = arith.addi %parallel_loop3A_855, %parallel_loop3A_1006 : vector<16xi32>
        %parallel_loop3A_1008 = tpu.vector_load_idx %arg13[%parallel_loop3A_1007] : memref<272xf32, #tpu.memory_space<vmem>>[vector<16xi32>], vector<16xf32>,
        %parallel_loop3A_1009 = arith.subf %parallel_loop3A_1004, %parallel_loop3A_1008 : vector<16xf32>
        %parallel_loop3A_1010 = arith.mulf %parallel_loop3A_1009, %parallel_loop3A_1009 : vector<16xf32>
        %parallel_loop3A_1011 = arith.addf %parallel_loop3A_959, %parallel_loop3A_1010 : vector<16xf32>
        %parallel_loop3A_1012 = arith.constant 0 : i32
        %parallel_loop3A_1013 = arith.constant 12 : i32
        %parallel_loop3A_1014 = arith.index_cast %parallel_loop3A_1012 : i32 to index
        %parallel_loop3A_1015 = arith.index_cast %parallel_loop3A_1013 : i32 to index
        %parallel_loop3A_1016 = arith.index_cast %parallel_loop3A_848 : i32 to index
        %parallel_loop3A_1017 = tpu.vector_load %arg5[%parallel_loop3A_1014, %parallel_loop3A_1015, %parallel_loop3A_1016] {strides = array<i32>} : memref<2x16x2048xf32, #tpu.memory_space<vmem>>, vector<16xf32>,
        %parallel_loop3A_1018 = arith.constant 12 : i32
        %parallel_loop3A_1019 = vector.broadcast %parallel_loop3A_1018 : i32 to vector<16xi32>
        %parallel_loop3A_1020 = arith.addi %parallel_loop3A_855, %parallel_loop3A_1019 : vector<16xi32>
        %parallel_loop3A_1021 = tpu.vector_load_idx %arg13[%parallel_loop3A_1020] : memref<272xf32, #tpu.memory_space<vmem>>[vector<16xi32>], vector<16xf32>,
        %parallel_loop3A_1022 = arith.subf %parallel_loop3A_1017, %parallel_loop3A_1021 : vector<16xf32>
        %parallel_loop3A_1023 = arith.mulf %parallel_loop3A_1022, %parallel_loop3A_1022 : vector<16xf32>
        %parallel_loop3A_1024 = arith.addf %parallel_loop3A_972, %parallel_loop3A_1023 : vector<16xf32>
        %parallel_loop3A_1025 = arith.constant 0 : i32
        %parallel_loop3A_1026 = arith.constant 13 : i32
        %parallel_loop3A_1027 = arith.index_cast %parallel_loop3A_1025 : i32 to index
        %parallel_loop3A_1028 = arith.index_cast %parallel_loop3A_1026 : i32 to index
        %parallel_loop3A_1029 = arith.index_cast %parallel_loop3A_848 : i32 to index
        %parallel_loop3A_1030 = tpu.vector_load %arg5[%parallel_loop3A_1027, %parallel_loop3A_1028, %parallel_loop3A_1029] {strides = array<i32>} : memref<2x16x2048xf32, #tpu.memory_space<vmem>>, vector<16xf32>,
        %parallel_loop3A_1031 = arith.constant 13 : i32
        %parallel_loop3A_1032 = vector.broadcast %parallel_loop3A_1031 : i32 to vector<16xi32>
        %parallel_loop3A_1033 = arith.addi %parallel_loop3A_855, %parallel_loop3A_1032 : vector<16xi32>
        %parallel_loop3A_1034 = tpu.vector_load_idx %arg13[%parallel_loop3A_1033] : memref<272xf32, #tpu.memory_space<vmem>>[vector<16xi32>], vector<16xf32>,
        %parallel_loop3A_1035 = arith.subf %parallel_loop3A_1030, %parallel_loop3A_1034 : vector<16xf32>
        %parallel_loop3A_1036 = arith.mulf %parallel_loop3A_1035, %parallel_loop3A_1035 : vector<16xf32>
        %parallel_loop3A_1037 = arith.addf %parallel_loop3A_985, %parallel_loop3A_1036 : vector<16xf32>
        %parallel_loop3A_1038 = arith.constant 0 : i32
        %parallel_loop3A_1039 = arith.constant 14 : i32
        %parallel_loop3A_1040 = arith.index_cast %parallel_loop3A_1038 : i32 to index
        %parallel_loop3A_1041 = arith.index_cast %parallel_loop3A_1039 : i32 to index
        %parallel_loop3A_1042 = arith.index_cast %parallel_loop3A_848 : i32 to index
        %parallel_loop3A_1043 = tpu.vector_load %arg5[%parallel_loop3A_1040, %parallel_loop3A_1041, %parallel_loop3A_1042] {strides = array<i32>} : memref<2x16x2048xf32, #tpu.memory_space<vmem>>, vector<16xf32>,
        %parallel_loop3A_1044 = arith.constant 14 : i32
        %parallel_loop3A_1045 = vector.broadcast %parallel_loop3A_1044 : i32 to vector<16xi32>
        %parallel_loop3A_1046 = arith.addi %parallel_loop3A_855, %parallel_loop3A_1045 : vector<16xi32>
        %parallel_loop3A_1047 = tpu.vector_load_idx %arg13[%parallel_loop3A_1046] : memref<272xf32, #tpu.memory_space<vmem>>[vector<16xi32>], vector<16xf32>,
        %parallel_loop3A_1048 = arith.subf %parallel_loop3A_1043, %parallel_loop3A_1047 : vector<16xf32>
        %parallel_loop3A_1049 = arith.mulf %parallel_loop3A_1048, %parallel_loop3A_1048 : vector<16xf32>
        %parallel_loop3A_1050 = arith.addf %parallel_loop3A_998, %parallel_loop3A_1049 : vector<16xf32>
        %parallel_loop3A_1051 = arith.constant 0 : i32
        %parallel_loop3A_1052 = arith.constant 15 : i32
        %parallel_loop3A_1053 = arith.index_cast %parallel_loop3A_1051 : i32 to index
        %parallel_loop3A_1054 = arith.index_cast %parallel_loop3A_1052 : i32 to index
        %parallel_loop3A_1055 = arith.index_cast %parallel_loop3A_848 : i32 to index
        %parallel_loop3A_1056 = tpu.vector_load %arg5[%parallel_loop3A_1053, %parallel_loop3A_1054, %parallel_loop3A_1055] {strides = array<i32>} : memref<2x16x2048xf32, #tpu.memory_space<vmem>>, vector<16xf32>,
        %parallel_loop3A_1057 = arith.constant 15 : i32
        %parallel_loop3A_1058 = vector.broadcast %parallel_loop3A_1057 : i32 to vector<16xi32>
        %parallel_loop3A_1059 = arith.addi %parallel_loop3A_855, %parallel_loop3A_1058 : vector<16xi32>
        %parallel_loop3A_1060 = tpu.vector_load_idx %arg13[%parallel_loop3A_1059] : memref<272xf32, #tpu.memory_space<vmem>>[vector<16xi32>], vector<16xf32>,
        %parallel_loop3A_1061 = arith.subf %parallel_loop3A_1056, %parallel_loop3A_1060 : vector<16xf32>
        %parallel_loop3A_1062 = arith.mulf %parallel_loop3A_1061, %parallel_loop3A_1061 : vector<16xf32>
        %parallel_loop3A_1063 = arith.addf %parallel_loop3A_1011, %parallel_loop3A_1062 : vector<16xf32>
        %parallel_loop3A_1064 = arith.addf %parallel_loop3A_1024, %parallel_loop3A_1037 : vector<16xf32>
        %parallel_loop3A_1065 = arith.addf %parallel_loop3A_1050, %parallel_loop3A_1063 : vector<16xf32>
        %parallel_loop3A_1066 = arith.addf %parallel_loop3A_1064, %parallel_loop3A_1065 : vector<16xf32>
        %parallel_loop3A_1067 = tpu.bitcast %parallel_loop3A_1066 : vector<16xf32> -> vector<16xi32>
        %parallel_loop3A_1068 = arith.constant 1 : i32
        %parallel_loop3A_1069 = vector.broadcast %parallel_loop3A_1068 : i32 to vector<16xi32>
        %parallel_loop3A_1070 = arith.shrsi %parallel_loop3A_1067, %parallel_loop3A_1069 : vector<16xi32>
        %parallel_loop3A_1071 = arith.constant 1597463007 : i32
        %parallel_loop3A_1072 = vector.broadcast %parallel_loop3A_1071 : i32 to vector<16xi32>
        %parallel_loop3A_1073 = arith.subi %parallel_loop3A_1072, %parallel_loop3A_1070 : vector<16xi32>
        %parallel_loop3A_1074 = tpu.bitcast %parallel_loop3A_1073 : vector<16xi32> -> vector<16xf32>
        %parallel_loop3A_1075 = arith.constant 5.000000e-01 : f32
        %parallel_loop3A_1076 = vector.broadcast %parallel_loop3A_1075 : f32 to vector<16xf32>
        %parallel_loop3A_1077 = arith.mulf %parallel_loop3A_1076, %parallel_loop3A_1066 : vector<16xf32>
        %parallel_loop3A_1078 = arith.mulf %parallel_loop3A_1077, %parallel_loop3A_1074 : vector<16xf32>
        %parallel_loop3A_1079 = arith.mulf %parallel_loop3A_1078, %parallel_loop3A_1074 : vector<16xf32>
        %parallel_loop3A_1080 = arith.constant 1.500000e+00 : f32
        %parallel_loop3A_1081 = vector.broadcast %parallel_loop3A_1080 : f32 to vector<16xf32>
        %parallel_loop3A_1082 = arith.subf %parallel_loop3A_1081, %parallel_loop3A_1079 : vector<16xf32>
        %parallel_loop3A_1083 = arith.mulf %parallel_loop3A_1074, %parallel_loop3A_1082 : vector<16xf32>
        %parallel_loop3A_1084 = arith.constant 5.000000e-01 : f32
        %parallel_loop3A_1085 = vector.broadcast %parallel_loop3A_1084 : f32 to vector<16xf32>
        %parallel_loop3A_1086 = arith.mulf %parallel_loop3A_1085, %parallel_loop3A_1066 : vector<16xf32>
        %parallel_loop3A_1087 = arith.mulf %parallel_loop3A_1086, %parallel_loop3A_1083 : vector<16xf32>
        %parallel_loop3A_1088 = arith.mulf %parallel_loop3A_1087, %parallel_loop3A_1083 : vector<16xf32>
        %parallel_loop3A_1089 = arith.constant 1.500000e+00 : f32
        %parallel_loop3A_1090 = vector.broadcast %parallel_loop3A_1089 : f32 to vector<16xf32>
        %parallel_loop3A_1091 = arith.subf %parallel_loop3A_1090, %parallel_loop3A_1088 : vector<16xf32>
        %parallel_loop3A_1092 = arith.mulf %parallel_loop3A_1083, %parallel_loop3A_1091 : vector<16xf32>
        %parallel_loop3A_1093 = arith.constant 5.000000e-01 : f32
        %parallel_loop3A_1094 = vector.broadcast %parallel_loop3A_1093 : f32 to vector<16xf32>
        %parallel_loop3A_1095 = arith.mulf %parallel_loop3A_1094, %parallel_loop3A_1066 : vector<16xf32>
        %parallel_loop3A_1096 = arith.mulf %parallel_loop3A_1095, %parallel_loop3A_1092 : vector<16xf32>
        %parallel_loop3A_1097 = arith.mulf %parallel_loop3A_1096, %parallel_loop3A_1092 : vector<16xf32>
        %parallel_loop3A_1098 = arith.constant 1.500000e+00 : f32
        %parallel_loop3A_1099 = vector.broadcast %parallel_loop3A_1098 : f32 to vector<16xf32>
        %parallel_loop3A_1100 = arith.subf %parallel_loop3A_1099, %parallel_loop3A_1097 : vector<16xf32>
        %parallel_loop3A_1101 = arith.mulf %parallel_loop3A_1092, %parallel_loop3A_1100 : vector<16xf32>
        %parallel_loop3A_1102 = arith.mulf %parallel_loop3A_1066, %parallel_loop3A_1101 : vector<16xf32>
        %parallel_loop3A_1103 = arith.constant 5.000000e-01 : f32
        %parallel_loop3A_1104 = vector.broadcast %parallel_loop3A_1103 : f32 to vector<16xf32>
        %parallel_loop3A_1105 = arith.subf %parallel_loop3A_1102, %parallel_loop3A_1104 : vector<16xf32>
        %parallel_loop3A_1106 = arith.constant 0.000000e+00 : f32
        %parallel_loop3A_1107 = vector.broadcast %parallel_loop3A_1106 : f32 to vector<16xf32>
        %parallel_loop3A_1108 = arith.maximumf %parallel_loop3A_1105, %parallel_loop3A_1107 : vector<16xf32>
        %parallel_loop3A_1109 = arith.addi %mul3A_41, %parallel_loop3A_852 : vector<16xi32>
        %parallel_loop3A_1110 = arith.mulf %parallel_loop3A_1108, %parallel_loop3A_1108 : vector<16xf32>
        tpu.vector_store_idx %arg8[%parallel_loop3A_1109], %parallel_loop3A_1110 {add = true} : memref<272xf32, #tpu.memory_space<vmem>>[vector<16xi32>], vector<16xf32>,
      } {sc.loop_unroll_factor = 2 : i64, sc.parallel_access}
      %add3A_782 = arith.constant 4096 : i32
      %add3A_783 = arith.addi %add3A_719, %add3A_782 : i32
      %min3A = arith.constant 260096 : i32
      %min3A_784 = arith.minsi %add3A_783, %min3A : i32
      %dma_start3A_785 = arith.constant 0 : i32
      %dma_start3A_786 = arith.constant 0 : i32
      %dma_start3A_787 = arith.constant 0 : i32
      %dma_start3A_788 = tpu.memref_slice %arg5[%dma_start3A_785, %dma_start3A_786, %dma_start3A_787] : memref<2x16x2048xf32, #tpu.memory_space<vmem>> -> memref<1x16x2048xf32, #tpu.memory_space<vmem>>
      %dma_start3A_789 = tpu.memref_squeeze %dma_start3A_788 : memref<1x16x2048xf32, #tpu.memory_space<vmem>> -> memref<16x2048xf32, #tpu.memory_space<vmem>>
      %dma_start3A_790 = arith.constant 0 : i32
      %dma_start3A_791 = tpu.memref_slice %arg2[%add3A, %dma_start3A_790, %min3A_784] : memref<4x16x262144xf32, #tpu.memory_space<hbm>> -> memref<1x16x2048xf32, #tpu.memory_space<hbm>>
      %dma_start3A_792 = tpu.memref_squeeze %dma_start3A_791 : memref<1x16x2048xf32, #tpu.memory_space<hbm>> -> memref<16x2048xf32, #tpu.memory_space<hbm>>
      %dma_start3A_793 = arith.constant 0 : i32
      %dma_start3A_794 = arith.constant 0 : i32
      %dma_start3A_795 = tpu.memref_slice %arg5[%dma_start3A_785, %dma_start3A_793, %dma_start3A_794] : memref<2x16x2048xf32, #tpu.memory_space<vmem>> -> memref<1x16x2048xf32, #tpu.memory_space<vmem>>
      %dma_start3A_796 = tpu.memref_squeeze %dma_start3A_795 : memref<1x16x2048xf32, #tpu.memory_space<vmem>> -> memref<16x2048xf32, #tpu.memory_space<vmem>>
      %dma_start3A_797 = arith.constant 0 : i32
      %dma_start3A_798 = tpu.memref_slice %arg2[%add3A, %dma_start3A_797, %min3A_784] : memref<4x16x262144xf32, #tpu.memory_space<hbm>> -> memref<1x16x2048xf32, #tpu.memory_space<hbm>>
      %dma_start3A_799 = tpu.memref_squeeze %dma_start3A_798 : memref<1x16x2048xf32, #tpu.memory_space<hbm>> -> memref<16x2048xf32, #tpu.memory_space<hbm>>
      tpu.enqueue_dma source(%dma_start3A_799 : memref<16x2048xf32, #tpu.memory_space<hbm>>) target(%dma_start3A_796 : memref<16x2048xf32, #tpu.memory_space<vmem>>) target_semaphore(%arg15 : memref<!tpu.dma_semaphore, #tpu.memory_space<semaphore_mem>>)
      %dma_start3A_800 = arith.constant 0 : i32
      %dma_start3A_801 = arith.constant 0 : i32
      %dma_start3A_802 = tpu.memref_slice %arg6[%dma_start3A_800, %dma_start3A_801] : memref<2x2048xi32, #tpu.memory_space<vmem>> -> memref<1x2048xi32, #tpu.memory_space<vmem>>
      %dma_start3A_803 = tpu.memref_squeeze %dma_start3A_802 : memref<1x2048xi32, #tpu.memory_space<vmem>> -> memref<2048xi32, #tpu.memory_space<vmem>>
      %dma_start3A_804 = tpu.memref_slice %arg3[%add3A, %min3A_784] : memref<4x262144xi32, #tpu.memory_space<hbm>> -> memref<1x2048xi32, #tpu.memory_space<hbm>>
      %dma_start3A_805 = tpu.memref_squeeze %dma_start3A_804 : memref<1x2048xi32, #tpu.memory_space<hbm>> -> memref<2048xi32, #tpu.memory_space<hbm>>
      %dma_start3A_806 = arith.constant 0 : i32
      %dma_start3A_807 = tpu.memref_slice %arg6[%dma_start3A_800, %dma_start3A_806] : memref<2x2048xi32, #tpu.memory_space<vmem>> -> memref<1x2048xi32, #tpu.memory_space<vmem>>
      %dma_start3A_808 = tpu.memref_squeeze %dma_start3A_807 : memref<1x2048xi32, #tpu.memory_space<vmem>> -> memref<2048xi32, #tpu.memory_space<vmem>>
      %dma_start3A_809 = tpu.memref_slice %arg3[%add3A, %min3A_784] : memref<4x262144xi32, #tpu.memory_space<hbm>> -> memref<1x2048xi32, #tpu.memory_space<hbm>>
      %dma_start3A_810 = tpu.memref_squeeze %dma_start3A_809 : memref<1x2048xi32, #tpu.memory_space<hbm>> -> memref<2048xi32, #tpu.memory_space<hbm>>
      tpu.enqueue_dma source(%dma_start3A_810 : memref<2048xi32, #tpu.memory_space<hbm>>) target(%dma_start3A_808 : memref<2048xi32, #tpu.memory_space<vmem>>) target_semaphore(%arg15 : memref<!tpu.dma_semaphore, #tpu.memory_space<semaphore_mem>>)
      %dma_wait3A_811 = arith.constant 0 : i32
      %dma_wait3A_812 = arith.constant 1 : i32
      %dma_wait3A_813 = arith.constant 0 : i32
      %dma_wait3A_814 = arith.constant 0 : i32
      %dma_wait3A_815 = tpu.memref_slice %arg5[%dma_wait3A_812, %dma_wait3A_813, %dma_wait3A_814] : memref<2x16x2048xf32, #tpu.memory_space<vmem>> -> memref<1x16x2048xf32, #tpu.memory_space<vmem>>
      %dma_wait3A_816 = tpu.memref_squeeze %dma_wait3A_815 : memref<1x16x2048xf32, #tpu.memory_space<vmem>> -> memref<16x2048xf32, #tpu.memory_space<vmem>>
      %dma_wait3A_817 = arith.constant 0 : i32
      %dma_wait3A_818 = arith.constant 0 : i32
      %dma_wait3A_819 = tpu.memref_slice %arg2[%dma_wait3A_811, %dma_wait3A_817, %dma_wait3A_818] : memref<4x16x262144xf32, #tpu.memory_space<hbm>> -> memref<1x16x2048xf32, #tpu.memory_space<hbm>>
      %dma_wait3A_820 = tpu.memref_squeeze %dma_wait3A_819 : memref<1x16x2048xf32, #tpu.memory_space<hbm>> -> memref<16x2048xf32, #tpu.memory_space<hbm>>
      %dma_wait3A_821 = arith.constant 0 : i32
      %dma_wait3A_822 = arith.constant 0 : i32
      %dma_wait3A_823 = tpu.memref_slice %arg5[%dma_wait3A_812, %dma_wait3A_821, %dma_wait3A_822] : memref<2x16x2048xf32, #tpu.memory_space<vmem>> -> memref<1x16x2048xf32, #tpu.memory_space<vmem>>
      %dma_wait3A_824 = tpu.memref_squeeze %dma_wait3A_823 : memref<1x16x2048xf32, #tpu.memory_space<vmem>> -> memref<16x2048xf32, #tpu.memory_space<vmem>>
      %dma_wait3A_825 = arith.constant 0 : i32
      %dma_wait3A_826 = arith.constant 0 : i32
      %dma_wait3A_827 = tpu.memref_slice %arg2[%dma_wait3A_811, %dma_wait3A_825, %dma_wait3A_826] : memref<4x16x262144xf32, #tpu.memory_space<hbm>> -> memref<1x16x2048xf32, #tpu.memory_space<hbm>>
      %dma_wait3A_828 = tpu.memref_squeeze %dma_wait3A_827 : memref<1x16x2048xf32, #tpu.memory_space<hbm>> -> memref<16x2048xf32, #tpu.memory_space<hbm>>
      tpu.wait_dma2 semaphore(%arg16 : memref<!tpu.dma_semaphore, #tpu.memory_space<semaphore_mem>>) src(%dma_wait3A_828 : memref<16x2048xf32, #tpu.memory_space<hbm>>) dst(%dma_wait3A_824 : memref<16x2048xf32, #tpu.memory_space<vmem>>)
      %dma_wait3A_829 = arith.constant 0 : i32
      %dma_wait3A_830 = arith.constant 1 : i32
      %dma_wait3A_831 = arith.constant 0 : i32
      %dma_wait3A_832 = tpu.memref_slice %arg6[%dma_wait3A_830, %dma_wait3A_831] : memref<2x2048xi32, #tpu.memory_space<vmem>> -> memref<1x2048xi32, #tpu.memory_space<vmem>>
      %dma_wait3A_833 = tpu.memref_squeeze %dma_wait3A_832 : memref<1x2048xi32, #tpu.memory_space<vmem>> -> memref<2048xi32, #tpu.memory_space<vmem>>
      %dma_wait3A_834 = arith.constant 0 : i32
      %dma_wait3A_835 = tpu.memref_slice %arg3[%dma_wait3A_829, %dma_wait3A_834] : memref<4x262144xi32, #tpu.memory_space<hbm>> -> memref<1x2048xi32, #tpu.memory_space<hbm>>
      %dma_wait3A_836 = tpu.memref_squeeze %dma_wait3A_835 : memref<1x2048xi32, #tpu.memory_space<hbm>> -> memref<2048xi32, #tpu.memory_space<hbm>>
      %dma_wait3A_837 = arith.constant 0 : i32
      %dma_wait3A_838 = tpu.memref_slice %arg6[%dma_wait3A_830, %dma_wait3A_837] : memref<2x2048xi32, #tpu.memory_space<vmem>> -> memref<1x2048xi32, #tpu.memory_space<vmem>>
      %dma_wait3A_839 = tpu.memref_squeeze %dma_wait3A_838 : memref<1x2048xi32, #tpu.memory_space<vmem>> -> memref<2048xi32, #tpu.memory_space<vmem>>
      %dma_wait3A_840 = arith.constant 0 : i32
      %dma_wait3A_841 = tpu.memref_slice %arg3[%dma_wait3A_829, %dma_wait3A_840] : memref<4x262144xi32, #tpu.memory_space<hbm>> -> memref<1x2048xi32, #tpu.memory_space<hbm>>
      %dma_wait3A_842 = tpu.memref_squeeze %dma_wait3A_841 : memref<1x2048xi32, #tpu.memory_space<hbm>> -> memref<2048xi32, #tpu.memory_space<hbm>>
      tpu.wait_dma2 semaphore(%arg16 : memref<!tpu.dma_semaphore, #tpu.memory_space<semaphore_mem>>) src(%dma_wait3A_842 : memref<2048xi32, #tpu.memory_space<hbm>>) dst(%dma_wait3A_839 : memref<2048xi32, #tpu.memory_space<vmem>>)
      %parallel_loop3A_843 = arith.constant 0 : i32
      %parallel_loop3A_844 = arith.constant 128 : i32
      %parallel_loop3A_845 = arith.constant 1 : i32
      scf.for %parallel_loop3A_846 = %parallel_loop3A_843 to %parallel_loop3A_844 step %parallel_loop3A_845  : i32 {
        %parallel_loop3A_847 = arith.constant 16 : i32
        %parallel_loop3A_848 = arith.muli %parallel_loop3A_846, %parallel_loop3A_847 : i32
        %parallel_loop3A_849 = arith.constant 1 : i32
        %parallel_loop3A_850 = arith.index_cast %parallel_loop3A_849 : i32 to index
        %parallel_loop3A_851 = arith.index_cast %parallel_loop3A_848 : i32 to index
        %parallel_loop3A_852 = tpu.vector_load %arg6[%parallel_loop3A_850, %parallel_loop3A_851] {strides = array<i32>} : memref<2x2048xi32, #tpu.memory_space<vmem>>, vector<16xi32>,
        %parallel_loop3A_853 = arith.constant 4 : i32
        %parallel_loop3A_854 = vector.broadcast %parallel_loop3A_853 : i32 to vector<16xi32>
        %parallel_loop3A_855 = arith.shli %parallel_loop3A_852, %parallel_loop3A_854 : vector<16xi32>
        %parallel_loop3A_856 = arith.constant 1 : i32
        %parallel_loop3A_857 = arith.constant 0 : i32
        %parallel_loop3A_858 = arith.index_cast %parallel_loop3A_856 : i32 to index
        %parallel_loop3A_859 = arith.index_cast %parallel_loop3A_857 : i32 to index
        %parallel_loop3A_860 = arith.index_cast %parallel_loop3A_848 : i32 to index
        %parallel_loop3A_861 = tpu.vector_load %arg5[%parallel_loop3A_858, %parallel_loop3A_859, %parallel_loop3A_860] {strides = array<i32>} : memref<2x16x2048xf32, #tpu.memory_space<vmem>>, vector<16xf32>,
        %parallel_loop3A_862 = arith.constant 0 : i32
        %parallel_loop3A_863 = vector.broadcast %parallel_loop3A_862 : i32 to vector<16xi32>
        %parallel_loop3A_864 = arith.addi %parallel_loop3A_855, %parallel_loop3A_863 : vector<16xi32>
        %parallel_loop3A_865 = tpu.vector_load_idx %arg13[%parallel_loop3A_864] : memref<272xf32, #tpu.memory_space<vmem>>[vector<16xi32>], vector<16xf32>,
        %parallel_loop3A_866 = arith.subf %parallel_loop3A_861, %parallel_loop3A_865 : vector<16xf32>
        %parallel_loop3A_867 = arith.mulf %parallel_loop3A_866, %parallel_loop3A_866 : vector<16xf32>
        %parallel_loop3A_868 = arith.addf %broadcast_in_dim3A_44, %parallel_loop3A_867 : vector<16xf32>
        %parallel_loop3A_869 = arith.constant 1 : i32
        %parallel_loop3A_870 = arith.constant 1 : i32
        %parallel_loop3A_871 = arith.index_cast %parallel_loop3A_869 : i32 to index
        %parallel_loop3A_872 = arith.index_cast %parallel_loop3A_870 : i32 to index
        %parallel_loop3A_873 = arith.index_cast %parallel_loop3A_848 : i32 to index
        %parallel_loop3A_874 = tpu.vector_load %arg5[%parallel_loop3A_871, %parallel_loop3A_872, %parallel_loop3A_873] {strides = array<i32>} : memref<2x16x2048xf32, #tpu.memory_space<vmem>>, vector<16xf32>,
        %parallel_loop3A_875 = arith.constant 1 : i32
        %parallel_loop3A_876 = vector.broadcast %parallel_loop3A_875 : i32 to vector<16xi32>
        %parallel_loop3A_877 = arith.addi %parallel_loop3A_855, %parallel_loop3A_876 : vector<16xi32>
        %parallel_loop3A_878 = tpu.vector_load_idx %arg13[%parallel_loop3A_877] : memref<272xf32, #tpu.memory_space<vmem>>[vector<16xi32>], vector<16xf32>,
        %parallel_loop3A_879 = arith.subf %parallel_loop3A_874, %parallel_loop3A_878 : vector<16xf32>
        %parallel_loop3A_880 = arith.mulf %parallel_loop3A_879, %parallel_loop3A_879 : vector<16xf32>
        %parallel_loop3A_881 = arith.addf %broadcast_in_dim3A_44, %parallel_loop3A_880 : vector<16xf32>
        %parallel_loop3A_882 = arith.constant 1 : i32
        %parallel_loop3A_883 = arith.constant 2 : i32
        %parallel_loop3A_884 = arith.index_cast %parallel_loop3A_882 : i32 to index
        %parallel_loop3A_885 = arith.index_cast %parallel_loop3A_883 : i32 to index
        %parallel_loop3A_886 = arith.index_cast %parallel_loop3A_848 : i32 to index
        %parallel_loop3A_887 = tpu.vector_load %arg5[%parallel_loop3A_884, %parallel_loop3A_885, %parallel_loop3A_886] {strides = array<i32>} : memref<2x16x2048xf32, #tpu.memory_space<vmem>>, vector<16xf32>,
        %parallel_loop3A_888 = arith.constant 2 : i32
        %parallel_loop3A_889 = vector.broadcast %parallel_loop3A_888 : i32 to vector<16xi32>
        %parallel_loop3A_890 = arith.addi %parallel_loop3A_855, %parallel_loop3A_889 : vector<16xi32>
        %parallel_loop3A_891 = tpu.vector_load_idx %arg13[%parallel_loop3A_890] : memref<272xf32, #tpu.memory_space<vmem>>[vector<16xi32>], vector<16xf32>,
        %parallel_loop3A_892 = arith.subf %parallel_loop3A_887, %parallel_loop3A_891 : vector<16xf32>
        %parallel_loop3A_893 = arith.mulf %parallel_loop3A_892, %parallel_loop3A_892 : vector<16xf32>
        %parallel_loop3A_894 = arith.addf %broadcast_in_dim3A_44, %parallel_loop3A_893 : vector<16xf32>
        %parallel_loop3A_895 = arith.constant 1 : i32
        %parallel_loop3A_896 = arith.constant 3 : i32
        %parallel_loop3A_897 = arith.index_cast %parallel_loop3A_895 : i32 to index
        %parallel_loop3A_898 = arith.index_cast %parallel_loop3A_896 : i32 to index
        %parallel_loop3A_899 = arith.index_cast %parallel_loop3A_848 : i32 to index
        %parallel_loop3A_900 = tpu.vector_load %arg5[%parallel_loop3A_897, %parallel_loop3A_898, %parallel_loop3A_899] {strides = array<i32>} : memref<2x16x2048xf32, #tpu.memory_space<vmem>>, vector<16xf32>,
        %parallel_loop3A_901 = arith.constant 3 : i32
        %parallel_loop3A_902 = vector.broadcast %parallel_loop3A_901 : i32 to vector<16xi32>
        %parallel_loop3A_903 = arith.addi %parallel_loop3A_855, %parallel_loop3A_902 : vector<16xi32>
        %parallel_loop3A_904 = tpu.vector_load_idx %arg13[%parallel_loop3A_903] : memref<272xf32, #tpu.memory_space<vmem>>[vector<16xi32>], vector<16xf32>,
        %parallel_loop3A_905 = arith.subf %parallel_loop3A_900, %parallel_loop3A_904 : vector<16xf32>
        %parallel_loop3A_906 = arith.mulf %parallel_loop3A_905, %parallel_loop3A_905 : vector<16xf32>
        %parallel_loop3A_907 = arith.addf %broadcast_in_dim3A_44, %parallel_loop3A_906 : vector<16xf32>
        %parallel_loop3A_908 = arith.constant 1 : i32
        %parallel_loop3A_909 = arith.constant 4 : i32
        %parallel_loop3A_910 = arith.index_cast %parallel_loop3A_908 : i32 to index
        %parallel_loop3A_911 = arith.index_cast %parallel_loop3A_909 : i32 to index
        %parallel_loop3A_912 = arith.index_cast %parallel_loop3A_848 : i32 to index
        %parallel_loop3A_913 = tpu.vector_load %arg5[%parallel_loop3A_910, %parallel_loop3A_911, %parallel_loop3A_912] {strides = array<i32>} : memref<2x16x2048xf32, #tpu.memory_space<vmem>>, vector<16xf32>,
        %parallel_loop3A_914 = arith.constant 4 : i32
        %parallel_loop3A_915 = vector.broadcast %parallel_loop3A_914 : i32 to vector<16xi32>
        %parallel_loop3A_916 = arith.addi %parallel_loop3A_855, %parallel_loop3A_915 : vector<16xi32>
        %parallel_loop3A_917 = tpu.vector_load_idx %arg13[%parallel_loop3A_916] : memref<272xf32, #tpu.memory_space<vmem>>[vector<16xi32>], vector<16xf32>,
        %parallel_loop3A_918 = arith.subf %parallel_loop3A_913, %parallel_loop3A_917 : vector<16xf32>
        %parallel_loop3A_919 = arith.mulf %parallel_loop3A_918, %parallel_loop3A_918 : vector<16xf32>
        %parallel_loop3A_920 = arith.addf %parallel_loop3A_868, %parallel_loop3A_919 : vector<16xf32>
        %parallel_loop3A_921 = arith.constant 1 : i32
        %parallel_loop3A_922 = arith.constant 5 : i32
        %parallel_loop3A_923 = arith.index_cast %parallel_loop3A_921 : i32 to index
        %parallel_loop3A_924 = arith.index_cast %parallel_loop3A_922 : i32 to index
        %parallel_loop3A_925 = arith.index_cast %parallel_loop3A_848 : i32 to index
        %parallel_loop3A_926 = tpu.vector_load %arg5[%parallel_loop3A_923, %parallel_loop3A_924, %parallel_loop3A_925] {strides = array<i32>} : memref<2x16x2048xf32, #tpu.memory_space<vmem>>, vector<16xf32>,
        %parallel_loop3A_927 = arith.constant 5 : i32
        %parallel_loop3A_928 = vector.broadcast %parallel_loop3A_927 : i32 to vector<16xi32>
        %parallel_loop3A_929 = arith.addi %parallel_loop3A_855, %parallel_loop3A_928 : vector<16xi32>
        %parallel_loop3A_930 = tpu.vector_load_idx %arg13[%parallel_loop3A_929] : memref<272xf32, #tpu.memory_space<vmem>>[vector<16xi32>], vector<16xf32>,
        %parallel_loop3A_931 = arith.subf %parallel_loop3A_926, %parallel_loop3A_930 : vector<16xf32>
        %parallel_loop3A_932 = arith.mulf %parallel_loop3A_931, %parallel_loop3A_931 : vector<16xf32>
        %parallel_loop3A_933 = arith.addf %parallel_loop3A_881, %parallel_loop3A_932 : vector<16xf32>
        %parallel_loop3A_934 = arith.constant 1 : i32
        %parallel_loop3A_935 = arith.constant 6 : i32
        %parallel_loop3A_936 = arith.index_cast %parallel_loop3A_934 : i32 to index
        %parallel_loop3A_937 = arith.index_cast %parallel_loop3A_935 : i32 to index
        %parallel_loop3A_938 = arith.index_cast %parallel_loop3A_848 : i32 to index
        %parallel_loop3A_939 = tpu.vector_load %arg5[%parallel_loop3A_936, %parallel_loop3A_937, %parallel_loop3A_938] {strides = array<i32>} : memref<2x16x2048xf32, #tpu.memory_space<vmem>>, vector<16xf32>,
        %parallel_loop3A_940 = arith.constant 6 : i32
        %parallel_loop3A_941 = vector.broadcast %parallel_loop3A_940 : i32 to vector<16xi32>
        %parallel_loop3A_942 = arith.addi %parallel_loop3A_855, %parallel_loop3A_941 : vector<16xi32>
        %parallel_loop3A_943 = tpu.vector_load_idx %arg13[%parallel_loop3A_942] : memref<272xf32, #tpu.memory_space<vmem>>[vector<16xi32>], vector<16xf32>,
        %parallel_loop3A_944 = arith.subf %parallel_loop3A_939, %parallel_loop3A_943 : vector<16xf32>
        %parallel_loop3A_945 = arith.mulf %parallel_loop3A_944, %parallel_loop3A_944 : vector<16xf32>
        %parallel_loop3A_946 = arith.addf %parallel_loop3A_894, %parallel_loop3A_945 : vector<16xf32>
        %parallel_loop3A_947 = arith.constant 1 : i32
        %parallel_loop3A_948 = arith.constant 7 : i32
        %parallel_loop3A_949 = arith.index_cast %parallel_loop3A_947 : i32 to index
        %parallel_loop3A_950 = arith.index_cast %parallel_loop3A_948 : i32 to index
        %parallel_loop3A_951 = arith.index_cast %parallel_loop3A_848 : i32 to index
        %parallel_loop3A_952 = tpu.vector_load %arg5[%parallel_loop3A_949, %parallel_loop3A_950, %parallel_loop3A_951] {strides = array<i32>} : memref<2x16x2048xf32, #tpu.memory_space<vmem>>, vector<16xf32>,
        %parallel_loop3A_953 = arith.constant 7 : i32
        %parallel_loop3A_954 = vector.broadcast %parallel_loop3A_953 : i32 to vector<16xi32>
        %parallel_loop3A_955 = arith.addi %parallel_loop3A_855, %parallel_loop3A_954 : vector<16xi32>
        %parallel_loop3A_956 = tpu.vector_load_idx %arg13[%parallel_loop3A_955] : memref<272xf32, #tpu.memory_space<vmem>>[vector<16xi32>], vector<16xf32>,
        %parallel_loop3A_957 = arith.subf %parallel_loop3A_952, %parallel_loop3A_956 : vector<16xf32>
        %parallel_loop3A_958 = arith.mulf %parallel_loop3A_957, %parallel_loop3A_957 : vector<16xf32>
        %parallel_loop3A_959 = arith.addf %parallel_loop3A_907, %parallel_loop3A_958 : vector<16xf32>
        %parallel_loop3A_960 = arith.constant 1 : i32
        %parallel_loop3A_961 = arith.constant 8 : i32
        %parallel_loop3A_962 = arith.index_cast %parallel_loop3A_960 : i32 to index
        %parallel_loop3A_963 = arith.index_cast %parallel_loop3A_961 : i32 to index
        %parallel_loop3A_964 = arith.index_cast %parallel_loop3A_848 : i32 to index
        %parallel_loop3A_965 = tpu.vector_load %arg5[%parallel_loop3A_962, %parallel_loop3A_963, %parallel_loop3A_964] {strides = array<i32>} : memref<2x16x2048xf32, #tpu.memory_space<vmem>>, vector<16xf32>,
        %parallel_loop3A_966 = arith.constant 8 : i32
        %parallel_loop3A_967 = vector.broadcast %parallel_loop3A_966 : i32 to vector<16xi32>
        %parallel_loop3A_968 = arith.addi %parallel_loop3A_855, %parallel_loop3A_967 : vector<16xi32>
        %parallel_loop3A_969 = tpu.vector_load_idx %arg13[%parallel_loop3A_968] : memref<272xf32, #tpu.memory_space<vmem>>[vector<16xi32>], vector<16xf32>,
        %parallel_loop3A_970 = arith.subf %parallel_loop3A_965, %parallel_loop3A_969 : vector<16xf32>
        %parallel_loop3A_971 = arith.mulf %parallel_loop3A_970, %parallel_loop3A_970 : vector<16xf32>
        %parallel_loop3A_972 = arith.addf %parallel_loop3A_920, %parallel_loop3A_971 : vector<16xf32>
        %parallel_loop3A_973 = arith.constant 1 : i32
        %parallel_loop3A_974 = arith.constant 9 : i32
        %parallel_loop3A_975 = arith.index_cast %parallel_loop3A_973 : i32 to index
        %parallel_loop3A_976 = arith.index_cast %parallel_loop3A_974 : i32 to index
        %parallel_loop3A_977 = arith.index_cast %parallel_loop3A_848 : i32 to index
        %parallel_loop3A_978 = tpu.vector_load %arg5[%parallel_loop3A_975, %parallel_loop3A_976, %parallel_loop3A_977] {strides = array<i32>} : memref<2x16x2048xf32, #tpu.memory_space<vmem>>, vector<16xf32>,
        %parallel_loop3A_979 = arith.constant 9 : i32
        %parallel_loop3A_980 = vector.broadcast %parallel_loop3A_979 : i32 to vector<16xi32>
        %parallel_loop3A_981 = arith.addi %parallel_loop3A_855, %parallel_loop3A_980 : vector<16xi32>
        %parallel_loop3A_982 = tpu.vector_load_idx %arg13[%parallel_loop3A_981] : memref<272xf32, #tpu.memory_space<vmem>>[vector<16xi32>], vector<16xf32>,
        %parallel_loop3A_983 = arith.subf %parallel_loop3A_978, %parallel_loop3A_982 : vector<16xf32>
        %parallel_loop3A_984 = arith.mulf %parallel_loop3A_983, %parallel_loop3A_983 : vector<16xf32>
        %parallel_loop3A_985 = arith.addf %parallel_loop3A_933, %parallel_loop3A_984 : vector<16xf32>
        %parallel_loop3A_986 = arith.constant 1 : i32
        %parallel_loop3A_987 = arith.constant 10 : i32
        %parallel_loop3A_988 = arith.index_cast %parallel_loop3A_986 : i32 to index
        %parallel_loop3A_989 = arith.index_cast %parallel_loop3A_987 : i32 to index
        %parallel_loop3A_990 = arith.index_cast %parallel_loop3A_848 : i32 to index
        %parallel_loop3A_991 = tpu.vector_load %arg5[%parallel_loop3A_988, %parallel_loop3A_989, %parallel_loop3A_990] {strides = array<i32>} : memref<2x16x2048xf32, #tpu.memory_space<vmem>>, vector<16xf32>,
        %parallel_loop3A_992 = arith.constant 10 : i32
        %parallel_loop3A_993 = vector.broadcast %parallel_loop3A_992 : i32 to vector<16xi32>
        %parallel_loop3A_994 = arith.addi %parallel_loop3A_855, %parallel_loop3A_993 : vector<16xi32>
        %parallel_loop3A_995 = tpu.vector_load_idx %arg13[%parallel_loop3A_994] : memref<272xf32, #tpu.memory_space<vmem>>[vector<16xi32>], vector<16xf32>,
        %parallel_loop3A_996 = arith.subf %parallel_loop3A_991, %parallel_loop3A_995 : vector<16xf32>
        %parallel_loop3A_997 = arith.mulf %parallel_loop3A_996, %parallel_loop3A_996 : vector<16xf32>
        %parallel_loop3A_998 = arith.addf %parallel_loop3A_946, %parallel_loop3A_997 : vector<16xf32>
        %parallel_loop3A_999 = arith.constant 1 : i32
        %parallel_loop3A_1000 = arith.constant 11 : i32
        %parallel_loop3A_1001 = arith.index_cast %parallel_loop3A_999 : i32 to index
        %parallel_loop3A_1002 = arith.index_cast %parallel_loop3A_1000 : i32 to index
        %parallel_loop3A_1003 = arith.index_cast %parallel_loop3A_848 : i32 to index
        %parallel_loop3A_1004 = tpu.vector_load %arg5[%parallel_loop3A_1001, %parallel_loop3A_1002, %parallel_loop3A_1003] {strides = array<i32>} : memref<2x16x2048xf32, #tpu.memory_space<vmem>>, vector<16xf32>,
        %parallel_loop3A_1005 = arith.constant 11 : i32
        %parallel_loop3A_1006 = vector.broadcast %parallel_loop3A_1005 : i32 to vector<16xi32>
        %parallel_loop3A_1007 = arith.addi %parallel_loop3A_855, %parallel_loop3A_1006 : vector<16xi32>
        %parallel_loop3A_1008 = tpu.vector_load_idx %arg13[%parallel_loop3A_1007] : memref<272xf32, #tpu.memory_space<vmem>>[vector<16xi32>], vector<16xf32>,
        %parallel_loop3A_1009 = arith.subf %parallel_loop3A_1004, %parallel_loop3A_1008 : vector<16xf32>
        %parallel_loop3A_1010 = arith.mulf %parallel_loop3A_1009, %parallel_loop3A_1009 : vector<16xf32>
        %parallel_loop3A_1011 = arith.addf %parallel_loop3A_959, %parallel_loop3A_1010 : vector<16xf32>
        %parallel_loop3A_1012 = arith.constant 1 : i32
        %parallel_loop3A_1013 = arith.constant 12 : i32
        %parallel_loop3A_1014 = arith.index_cast %parallel_loop3A_1012 : i32 to index
        %parallel_loop3A_1015 = arith.index_cast %parallel_loop3A_1013 : i32 to index
        %parallel_loop3A_1016 = arith.index_cast %parallel_loop3A_848 : i32 to index
        %parallel_loop3A_1017 = tpu.vector_load %arg5[%parallel_loop3A_1014, %parallel_loop3A_1015, %parallel_loop3A_1016] {strides = array<i32>} : memref<2x16x2048xf32, #tpu.memory_space<vmem>>, vector<16xf32>,
        %parallel_loop3A_1018 = arith.constant 12 : i32
        %parallel_loop3A_1019 = vector.broadcast %parallel_loop3A_1018 : i32 to vector<16xi32>
        %parallel_loop3A_1020 = arith.addi %parallel_loop3A_855, %parallel_loop3A_1019 : vector<16xi32>
        %parallel_loop3A_1021 = tpu.vector_load_idx %arg13[%parallel_loop3A_1020] : memref<272xf32, #tpu.memory_space<vmem>>[vector<16xi32>], vector<16xf32>,
        %parallel_loop3A_1022 = arith.subf %parallel_loop3A_1017, %parallel_loop3A_1021 : vector<16xf32>
        %parallel_loop3A_1023 = arith.mulf %parallel_loop3A_1022, %parallel_loop3A_1022 : vector<16xf32>
        %parallel_loop3A_1024 = arith.addf %parallel_loop3A_972, %parallel_loop3A_1023 : vector<16xf32>
        %parallel_loop3A_1025 = arith.constant 1 : i32
        %parallel_loop3A_1026 = arith.constant 13 : i32
        %parallel_loop3A_1027 = arith.index_cast %parallel_loop3A_1025 : i32 to index
        %parallel_loop3A_1028 = arith.index_cast %parallel_loop3A_1026 : i32 to index
        %parallel_loop3A_1029 = arith.index_cast %parallel_loop3A_848 : i32 to index
        %parallel_loop3A_1030 = tpu.vector_load %arg5[%parallel_loop3A_1027, %parallel_loop3A_1028, %parallel_loop3A_1029] {strides = array<i32>} : memref<2x16x2048xf32, #tpu.memory_space<vmem>>, vector<16xf32>,
        %parallel_loop3A_1031 = arith.constant 13 : i32
        %parallel_loop3A_1032 = vector.broadcast %parallel_loop3A_1031 : i32 to vector<16xi32>
        %parallel_loop3A_1033 = arith.addi %parallel_loop3A_855, %parallel_loop3A_1032 : vector<16xi32>
        %parallel_loop3A_1034 = tpu.vector_load_idx %arg13[%parallel_loop3A_1033] : memref<272xf32, #tpu.memory_space<vmem>>[vector<16xi32>], vector<16xf32>,
        %parallel_loop3A_1035 = arith.subf %parallel_loop3A_1030, %parallel_loop3A_1034 : vector<16xf32>
        %parallel_loop3A_1036 = arith.mulf %parallel_loop3A_1035, %parallel_loop3A_1035 : vector<16xf32>
        %parallel_loop3A_1037 = arith.addf %parallel_loop3A_985, %parallel_loop3A_1036 : vector<16xf32>
        %parallel_loop3A_1038 = arith.constant 1 : i32
        %parallel_loop3A_1039 = arith.constant 14 : i32
        %parallel_loop3A_1040 = arith.index_cast %parallel_loop3A_1038 : i32 to index
        %parallel_loop3A_1041 = arith.index_cast %parallel_loop3A_1039 : i32 to index
        %parallel_loop3A_1042 = arith.index_cast %parallel_loop3A_848 : i32 to index
        %parallel_loop3A_1043 = tpu.vector_load %arg5[%parallel_loop3A_1040, %parallel_loop3A_1041, %parallel_loop3A_1042] {strides = array<i32>} : memref<2x16x2048xf32, #tpu.memory_space<vmem>>, vector<16xf32>,
        %parallel_loop3A_1044 = arith.constant 14 : i32
        %parallel_loop3A_1045 = vector.broadcast %parallel_loop3A_1044 : i32 to vector<16xi32>
        %parallel_loop3A_1046 = arith.addi %parallel_loop3A_855, %parallel_loop3A_1045 : vector<16xi32>
        %parallel_loop3A_1047 = tpu.vector_load_idx %arg13[%parallel_loop3A_1046] : memref<272xf32, #tpu.memory_space<vmem>>[vector<16xi32>], vector<16xf32>,
        %parallel_loop3A_1048 = arith.subf %parallel_loop3A_1043, %parallel_loop3A_1047 : vector<16xf32>
        %parallel_loop3A_1049 = arith.mulf %parallel_loop3A_1048, %parallel_loop3A_1048 : vector<16xf32>
        %parallel_loop3A_1050 = arith.addf %parallel_loop3A_998, %parallel_loop3A_1049 : vector<16xf32>
        %parallel_loop3A_1051 = arith.constant 1 : i32
        %parallel_loop3A_1052 = arith.constant 15 : i32
        %parallel_loop3A_1053 = arith.index_cast %parallel_loop3A_1051 : i32 to index
        %parallel_loop3A_1054 = arith.index_cast %parallel_loop3A_1052 : i32 to index
        %parallel_loop3A_1055 = arith.index_cast %parallel_loop3A_848 : i32 to index
        %parallel_loop3A_1056 = tpu.vector_load %arg5[%parallel_loop3A_1053, %parallel_loop3A_1054, %parallel_loop3A_1055] {strides = array<i32>} : memref<2x16x2048xf32, #tpu.memory_space<vmem>>, vector<16xf32>,
        %parallel_loop3A_1057 = arith.constant 15 : i32
        %parallel_loop3A_1058 = vector.broadcast %parallel_loop3A_1057 : i32 to vector<16xi32>
        %parallel_loop3A_1059 = arith.addi %parallel_loop3A_855, %parallel_loop3A_1058 : vector<16xi32>
        %parallel_loop3A_1060 = tpu.vector_load_idx %arg13[%parallel_loop3A_1059] : memref<272xf32, #tpu.memory_space<vmem>>[vector<16xi32>], vector<16xf32>,
        %parallel_loop3A_1061 = arith.subf %parallel_loop3A_1056, %parallel_loop3A_1060 : vector<16xf32>
        %parallel_loop3A_1062 = arith.mulf %parallel_loop3A_1061, %parallel_loop3A_1061 : vector<16xf32>
        %parallel_loop3A_1063 = arith.addf %parallel_loop3A_1011, %parallel_loop3A_1062 : vector<16xf32>
        %parallel_loop3A_1064 = arith.addf %parallel_loop3A_1024, %parallel_loop3A_1037 : vector<16xf32>
        %parallel_loop3A_1065 = arith.addf %parallel_loop3A_1050, %parallel_loop3A_1063 : vector<16xf32>
        %parallel_loop3A_1066 = arith.addf %parallel_loop3A_1064, %parallel_loop3A_1065 : vector<16xf32>
        %parallel_loop3A_1067 = tpu.bitcast %parallel_loop3A_1066 : vector<16xf32> -> vector<16xi32>
        %parallel_loop3A_1068 = arith.constant 1 : i32
        %parallel_loop3A_1069 = vector.broadcast %parallel_loop3A_1068 : i32 to vector<16xi32>
        %parallel_loop3A_1070 = arith.shrsi %parallel_loop3A_1067, %parallel_loop3A_1069 : vector<16xi32>
        %parallel_loop3A_1071 = arith.constant 1597463007 : i32
        %parallel_loop3A_1072 = vector.broadcast %parallel_loop3A_1071 : i32 to vector<16xi32>
        %parallel_loop3A_1073 = arith.subi %parallel_loop3A_1072, %parallel_loop3A_1070 : vector<16xi32>
        %parallel_loop3A_1074 = tpu.bitcast %parallel_loop3A_1073 : vector<16xi32> -> vector<16xf32>
        %parallel_loop3A_1075 = arith.constant 5.000000e-01 : f32
        %parallel_loop3A_1076 = vector.broadcast %parallel_loop3A_1075 : f32 to vector<16xf32>
        %parallel_loop3A_1077 = arith.mulf %parallel_loop3A_1076, %parallel_loop3A_1066 : vector<16xf32>
        %parallel_loop3A_1078 = arith.mulf %parallel_loop3A_1077, %parallel_loop3A_1074 : vector<16xf32>
        %parallel_loop3A_1079 = arith.mulf %parallel_loop3A_1078, %parallel_loop3A_1074 : vector<16xf32>
        %parallel_loop3A_1080 = arith.constant 1.500000e+00 : f32
        %parallel_loop3A_1081 = vector.broadcast %parallel_loop3A_1080 : f32 to vector<16xf32>
        %parallel_loop3A_1082 = arith.subf %parallel_loop3A_1081, %parallel_loop3A_1079 : vector<16xf32>
        %parallel_loop3A_1083 = arith.mulf %parallel_loop3A_1074, %parallel_loop3A_1082 : vector<16xf32>
        %parallel_loop3A_1084 = arith.constant 5.000000e-01 : f32
        %parallel_loop3A_1085 = vector.broadcast %parallel_loop3A_1084 : f32 to vector<16xf32>
        %parallel_loop3A_1086 = arith.mulf %parallel_loop3A_1085, %parallel_loop3A_1066 : vector<16xf32>
        %parallel_loop3A_1087 = arith.mulf %parallel_loop3A_1086, %parallel_loop3A_1083 : vector<16xf32>
        %parallel_loop3A_1088 = arith.mulf %parallel_loop3A_1087, %parallel_loop3A_1083 : vector<16xf32>
        %parallel_loop3A_1089 = arith.constant 1.500000e+00 : f32
        %parallel_loop3A_1090 = vector.broadcast %parallel_loop3A_1089 : f32 to vector<16xf32>
        %parallel_loop3A_1091 = arith.subf %parallel_loop3A_1090, %parallel_loop3A_1088 : vector<16xf32>
        %parallel_loop3A_1092 = arith.mulf %parallel_loop3A_1083, %parallel_loop3A_1091 : vector<16xf32>
        %parallel_loop3A_1093 = arith.constant 5.000000e-01 : f32
        %parallel_loop3A_1094 = vector.broadcast %parallel_loop3A_1093 : f32 to vector<16xf32>
        %parallel_loop3A_1095 = arith.mulf %parallel_loop3A_1094, %parallel_loop3A_1066 : vector<16xf32>
        %parallel_loop3A_1096 = arith.mulf %parallel_loop3A_1095, %parallel_loop3A_1092 : vector<16xf32>
        %parallel_loop3A_1097 = arith.mulf %parallel_loop3A_1096, %parallel_loop3A_1092 : vector<16xf32>
        %parallel_loop3A_1098 = arith.constant 1.500000e+00 : f32
        %parallel_loop3A_1099 = vector.broadcast %parallel_loop3A_1098 : f32 to vector<16xf32>
        %parallel_loop3A_1100 = arith.subf %parallel_loop3A_1099, %parallel_loop3A_1097 : vector<16xf32>
        %parallel_loop3A_1101 = arith.mulf %parallel_loop3A_1092, %parallel_loop3A_1100 : vector<16xf32>
        %parallel_loop3A_1102 = arith.mulf %parallel_loop3A_1066, %parallel_loop3A_1101 : vector<16xf32>
        %parallel_loop3A_1103 = arith.constant 5.000000e-01 : f32
        %parallel_loop3A_1104 = vector.broadcast %parallel_loop3A_1103 : f32 to vector<16xf32>
        %parallel_loop3A_1105 = arith.subf %parallel_loop3A_1102, %parallel_loop3A_1104 : vector<16xf32>
        %parallel_loop3A_1106 = arith.constant 0.000000e+00 : f32
        %parallel_loop3A_1107 = vector.broadcast %parallel_loop3A_1106 : f32 to vector<16xf32>
        %parallel_loop3A_1108 = arith.maximumf %parallel_loop3A_1105, %parallel_loop3A_1107 : vector<16xf32>
        %parallel_loop3A_1109 = arith.addi %mul3A_41, %parallel_loop3A_852 : vector<16xi32>
        %parallel_loop3A_1110 = arith.mulf %parallel_loop3A_1108, %parallel_loop3A_1108 : vector<16xf32>
        tpu.vector_store_idx %arg8[%parallel_loop3A_1109], %parallel_loop3A_1110 {add = true} : memref<272xf32, #tpu.memory_space<vmem>>[vector<16xi32>], vector<16xf32>,
      } {sc.loop_unroll_factor = 2 : i64, sc.parallel_access}
    }
    %scan3A_377 = arith.constant 8 : i32
    %dma_wait3A_378 = arith.constant 0 : i32
    %dma_wait3A_379 = arith.constant 0 : i32
    %dma_wait3A_380 = arith.constant 0 : i32
    %dma_wait3A_381 = arith.constant 0 : i32
    %dma_wait3A_382 = tpu.memref_slice %arg5[%dma_wait3A_379, %dma_wait3A_380, %dma_wait3A_381] : memref<2x16x2048xf32, #tpu.memory_space<vmem>> -> memref<1x16x2048xf32, #tpu.memory_space<vmem>>
    %dma_wait3A_383 = tpu.memref_squeeze %dma_wait3A_382 : memref<1x16x2048xf32, #tpu.memory_space<vmem>> -> memref<16x2048xf32, #tpu.memory_space<vmem>>
    %dma_wait3A_384 = arith.constant 0 : i32
    %dma_wait3A_385 = arith.constant 0 : i32
    %dma_wait3A_386 = tpu.memref_slice %arg2[%dma_wait3A_378, %dma_wait3A_384, %dma_wait3A_385] : memref<4x16x262144xf32, #tpu.memory_space<hbm>> -> memref<1x16x2048xf32, #tpu.memory_space<hbm>>
    %dma_wait3A_387 = tpu.memref_squeeze %dma_wait3A_386 : memref<1x16x2048xf32, #tpu.memory_space<hbm>> -> memref<16x2048xf32, #tpu.memory_space<hbm>>
    %dma_wait3A_388 = arith.constant 0 : i32
    %dma_wait3A_389 = arith.constant 0 : i32
    %dma_wait3A_390 = tpu.memref_slice %arg5[%dma_wait3A_379, %dma_wait3A_388, %dma_wait3A_389] : memref<2x16x2048xf32, #tpu.memory_space<vmem>> -> memref<1x16x2048xf32, #tpu.memory_space<vmem>>
    %dma_wait3A_391 = tpu.memref_squeeze %dma_wait3A_390 : memref<1x16x2048xf32, #tpu.memory_space<vmem>> -> memref<16x2048xf32, #tpu.memory_space<vmem>>
    %dma_wait3A_392 = arith.constant 0 : i32
    %dma_wait3A_393 = arith.constant 0 : i32
    %dma_wait3A_394 = tpu.memref_slice %arg2[%dma_wait3A_378, %dma_wait3A_392, %dma_wait3A_393] : memref<4x16x262144xf32, #tpu.memory_space<hbm>> -> memref<1x16x2048xf32, #tpu.memory_space<hbm>>
    %dma_wait3A_395 = tpu.memref_squeeze %dma_wait3A_394 : memref<1x16x2048xf32, #tpu.memory_space<hbm>> -> memref<16x2048xf32, #tpu.memory_space<hbm>>
    tpu.wait_dma2 semaphore(%arg15 : memref<!tpu.dma_semaphore, #tpu.memory_space<semaphore_mem>>) src(%dma_wait3A_395 : memref<16x2048xf32, #tpu.memory_space<hbm>>) dst(%dma_wait3A_391 : memref<16x2048xf32, #tpu.memory_space<vmem>>)
    %dma_wait3A_396 = arith.constant 0 : i32
    %dma_wait3A_397 = arith.constant 0 : i32
    %dma_wait3A_398 = arith.constant 0 : i32
    %dma_wait3A_399 = tpu.memref_slice %arg6[%dma_wait3A_397, %dma_wait3A_398] : memref<2x2048xi32, #tpu.memory_space<vmem>> -> memref<1x2048xi32, #tpu.memory_space<vmem>>
    %dma_wait3A_400 = tpu.memref_squeeze %dma_wait3A_399 : memref<1x2048xi32, #tpu.memory_space<vmem>> -> memref<2048xi32, #tpu.memory_space<vmem>>
    %dma_wait3A_401 = arith.constant 0 : i32
    %dma_wait3A_402 = tpu.memref_slice %arg3[%dma_wait3A_396, %dma_wait3A_401] : memref<4x262144xi32, #tpu.memory_space<hbm>> -> memref<1x2048xi32, #tpu.memory_space<hbm>>
    %dma_wait3A_403 = tpu.memref_squeeze %dma_wait3A_402 : memref<1x2048xi32, #tpu.memory_space<hbm>> -> memref<2048xi32, #tpu.memory_space<hbm>>
    %dma_wait3A_404 = arith.constant 0 : i32
    %dma_wait3A_405 = tpu.memref_slice %arg6[%dma_wait3A_397, %dma_wait3A_404] : memref<2x2048xi32, #tpu.memory_space<vmem>> -> memref<1x2048xi32, #tpu.memory_space<vmem>>
    %dma_wait3A_406 = tpu.memref_squeeze %dma_wait3A_405 : memref<1x2048xi32, #tpu.memory_space<vmem>> -> memref<2048xi32, #tpu.memory_space<vmem>>
    %dma_wait3A_407 = arith.constant 0 : i32
    %dma_wait3A_408 = tpu.memref_slice %arg3[%dma_wait3A_396, %dma_wait3A_407] : memref<4x262144xi32, #tpu.memory_space<hbm>> -> memref<1x2048xi32, #tpu.memory_space<hbm>>
    %dma_wait3A_409 = tpu.memref_squeeze %dma_wait3A_408 : memref<1x2048xi32, #tpu.memory_space<hbm>> -> memref<2048xi32, #tpu.memory_space<hbm>>
    tpu.wait_dma2 semaphore(%arg15 : memref<!tpu.dma_semaphore, #tpu.memory_space<semaphore_mem>>) src(%dma_wait3A_409 : memref<2048xi32, #tpu.memory_space<hbm>>) dst(%dma_wait3A_406 : memref<2048xi32, #tpu.memory_space<vmem>>)
    %scan3A_410 = arith.constant 0 : i32
    %scan3A_411 = arith.constant 0 : i32
    %scan3A_412 = arith.constant 17 : i32
    %scan3A_413 = arith.addi %scan3A_411, %scan3A_412 : i32
    %scan3A_414 = arith.constant 1 : i32
    %scan3A_415 = scf.for %scan3A_714 = %scan3A_411 to %scan3A_413 step %scan3A_414 iter_args(%scan3A_715 = %scan3A_410) -> (i32)  : i32 {
      %add3A_716 = vector.broadcast %scan3A_714 : i32 to vector<16xi32>
      %add3A_717 = arith.addi %mul3A_41, %add3A_716 : vector<16xi32>
      %gather3A_718 = tpu.vector_load_idx %arg8[%add3A_717] : memref<272xf32, #tpu.memory_space<vmem>>[vector<16xi32>], vector<16xf32>,
      %reduce_sum3A_719 = arith.constant true
      %reduce_sum3A_720 = vector.broadcast %reduce_sum3A_719 : i1 to vector<16xi1>
      %reduce_sum3A_721 = tpu.scan <sum>, %gather3A_718 masked %reduce_sum3A_720 : vector<16xf32>, vector<16xi1> -> vector<16xf32>
      %reduce_sum3A_722 = vector.extract %reduce_sum3A_721[15] : f32 from vector<16xf32>
      %broadcast_in_dim3A_723 = vector.broadcast %reduce_sum3A_722 : f32 to vector<16xf32>
      %mul3A_724 = arith.constant 16 : i32
      %mul3A_725 = arith.muli %scan3A_714, %mul3A_724 : i32
      %swap3A_726 = arith.index_cast %mul3A_725 : i32 to index
      %swap3A_727 = tpu.vector_load %arg14[%swap3A_726] {strides = array<i32>} : memref<640xf32, #tpu.memory_space<vmem>>, vector<16xf32>,
      tpu.vector_store %arg14[%swap3A_726], %broadcast_in_dim3A_723 {strides = array<i32>} : memref<640xf32, #tpu.memory_space<vmem>>, vector<16xf32>,
      %scan3A_728 = arith.constant 0 : i32
      scf.yield %scan3A_728 : i32
    }
    %scan3A_416 = arith.constant 17 : i32
    %get3A_417 = arith.constant 304 : index
    %get3A_418 = tpu.vector_load %arg12[%get3A_417] {strides = array<i32>} : memref<320xf32, #tpu.memory_space<vmem>>, vector<16xf32>,
    %add3A_419 = arith.constant 1 : i32
    %add3A_420 = vector.broadcast %add3A_419 : i32 to vector<16xi32>
    %add3A_421 = arith.addi %iota3A, %add3A_420 : vector<16xi32>
    %convert_element_type3A_422 = arith.sitofp %add3A_421 : vector<16xi32> to vector<16xf32>
    %add3A_423 = arith.constant 1 : i32
    %add3A_424 = vector.broadcast %add3A_423 : i32 to vector<16xi32>
    %add3A_425 = arith.addi %iota3A, %add3A_424 : vector<16xi32>
    %mul3A_426 = arith.constant 16 : i32
    %mul3A_427 = vector.broadcast %mul3A_426 : i32 to vector<16xi32>
    %mul3A_428 = arith.muli %add3A_425, %mul3A_427 : vector<16xi32>
    %add3A_429 = arith.constant 0 : i32
    %add3A_430 = vector.broadcast %add3A_429 : i32 to vector<16xi32>
    %add3A_431 = arith.addi %mul3A_428, %add3A_430 : vector<16xi32>
    %gather3A_432 = tpu.vector_load_idx %arg13[%add3A_431] : memref<272xf32, #tpu.memory_space<vmem>>[vector<16xi32>], vector<16xf32>,
    %add3A_433 = arith.constant 1 : i32
    %add3A_434 = vector.broadcast %add3A_433 : i32 to vector<16xi32>
    %add3A_435 = arith.addi %iota3A, %add3A_434 : vector<16xi32>
    %mul3A_436 = arith.constant 16 : i32
    %mul3A_437 = vector.broadcast %mul3A_436 : i32 to vector<16xi32>
    %mul3A_438 = arith.muli %add3A_435, %mul3A_437 : vector<16xi32>
    %add3A_439 = arith.constant 1 : i32
    %add3A_440 = vector.broadcast %add3A_439 : i32 to vector<16xi32>
    %add3A_441 = arith.addi %mul3A_438, %add3A_440 : vector<16xi32>
    %gather3A_442 = tpu.vector_load_idx %arg13[%add3A_441] : memref<272xf32, #tpu.memory_space<vmem>>[vector<16xi32>], vector<16xf32>,
    %add3A_443 = arith.constant 1 : i32
    %add3A_444 = vector.broadcast %add3A_443 : i32 to vector<16xi32>
    %add3A_445 = arith.addi %iota3A, %add3A_444 : vector<16xi32>
    %mul3A_446 = arith.constant 16 : i32
    %mul3A_447 = vector.broadcast %mul3A_446 : i32 to vector<16xi32>
    %mul3A_448 = arith.muli %add3A_445, %mul3A_447 : vector<16xi32>
    %add3A_449 = arith.constant 2 : i32
    %add3A_450 = vector.broadcast %add3A_449 : i32 to vector<16xi32>
    %add3A_451 = arith.addi %mul3A_448, %add3A_450 : vector<16xi32>
    %gather3A_452 = tpu.vector_load_idx %arg13[%add3A_451] : memref<272xf32, #tpu.memory_space<vmem>>[vector<16xi32>], vector<16xf32>,
    %add3A_453 = arith.constant 1 : i32
    %add3A_454 = vector.broadcast %add3A_453 : i32 to vector<16xi32>
    %add3A_455 = arith.addi %iota3A, %add3A_454 : vector<16xi32>
    %mul3A_456 = arith.constant 16 : i32
    %mul3A_457 = vector.broadcast %mul3A_456 : i32 to vector<16xi32>
    %mul3A_458 = arith.muli %add3A_455, %mul3A_457 : vector<16xi32>
    %add3A_459 = arith.constant 3 : i32
    %add3A_460 = vector.broadcast %add3A_459 : i32 to vector<16xi32>
    %add3A_461 = arith.addi %mul3A_458, %add3A_460 : vector<16xi32>
    %gather3A_462 = tpu.vector_load_idx %arg13[%add3A_461] : memref<272xf32, #tpu.memory_space<vmem>>[vector<16xi32>], vector<16xf32>,
    %add3A_463 = arith.constant 1 : i32
    %add3A_464 = vector.broadcast %add3A_463 : i32 to vector<16xi32>
    %add3A_465 = arith.addi %iota3A, %add3A_464 : vector<16xi32>
    %mul3A_466 = arith.constant 16 : i32
    %mul3A_467 = vector.broadcast %mul3A_466 : i32 to vector<16xi32>
    %mul3A_468 = arith.muli %add3A_465, %mul3A_467 : vector<16xi32>
    %add3A_469 = arith.constant 4 : i32
    %add3A_470 = vector.broadcast %add3A_469 : i32 to vector<16xi32>
    %add3A_471 = arith.addi %mul3A_468, %add3A_470 : vector<16xi32>
    %gather3A_472 = tpu.vector_load_idx %arg13[%add3A_471] : memref<272xf32, #tpu.memory_space<vmem>>[vector<16xi32>], vector<16xf32>,
    %add3A_473 = arith.constant 1 : i32
    %add3A_474 = vector.broadcast %add3A_473 : i32 to vector<16xi32>
    %add3A_475 = arith.addi %iota3A, %add3A_474 : vector<16xi32>
    %mul3A_476 = arith.constant 16 : i32
    %mul3A_477 = vector.broadcast %mul3A_476 : i32 to vector<16xi32>
    %mul3A_478 = arith.muli %add3A_475, %mul3A_477 : vector<16xi32>
    %add3A_479 = arith.constant 5 : i32
    %add3A_480 = vector.broadcast %add3A_479 : i32 to vector<16xi32>
    %add3A_481 = arith.addi %mul3A_478, %add3A_480 : vector<16xi32>
    %gather3A_482 = tpu.vector_load_idx %arg13[%add3A_481] : memref<272xf32, #tpu.memory_space<vmem>>[vector<16xi32>], vector<16xf32>,
    %add3A_483 = arith.constant 1 : i32
    %add3A_484 = vector.broadcast %add3A_483 : i32 to vector<16xi32>
    %add3A_485 = arith.addi %iota3A, %add3A_484 : vector<16xi32>
    %mul3A_486 = arith.constant 16 : i32
    %mul3A_487 = vector.broadcast %mul3A_486 : i32 to vector<16xi32>
    %mul3A_488 = arith.muli %add3A_485, %mul3A_487 : vector<16xi32>
    %add3A_489 = arith.constant 6 : i32
    %add3A_490 = vector.broadcast %add3A_489 : i32 to vector<16xi32>
    %add3A_491 = arith.addi %mul3A_488, %add3A_490 : vector<16xi32>
    %gather3A_492 = tpu.vector_load_idx %arg13[%add3A_491] : memref<272xf32, #tpu.memory_space<vmem>>[vector<16xi32>], vector<16xf32>,
    %add3A_493 = arith.constant 1 : i32
    %add3A_494 = vector.broadcast %add3A_493 : i32 to vector<16xi32>
    %add3A_495 = arith.addi %iota3A, %add3A_494 : vector<16xi32>
    %mul3A_496 = arith.constant 16 : i32
    %mul3A_497 = vector.broadcast %mul3A_496 : i32 to vector<16xi32>
    %mul3A_498 = arith.muli %add3A_495, %mul3A_497 : vector<16xi32>
    %add3A_499 = arith.constant 7 : i32
    %add3A_500 = vector.broadcast %add3A_499 : i32 to vector<16xi32>
    %add3A_501 = arith.addi %mul3A_498, %add3A_500 : vector<16xi32>
    %gather3A_502 = tpu.vector_load_idx %arg13[%add3A_501] : memref<272xf32, #tpu.memory_space<vmem>>[vector<16xi32>], vector<16xf32>,
    %add3A_503 = arith.constant 1 : i32
    %add3A_504 = vector.broadcast %add3A_503 : i32 to vector<16xi32>
    %add3A_505 = arith.addi %iota3A, %add3A_504 : vector<16xi32>
    %mul3A_506 = arith.constant 16 : i32
    %mul3A_507 = vector.broadcast %mul3A_506 : i32 to vector<16xi32>
    %mul3A_508 = arith.muli %add3A_505, %mul3A_507 : vector<16xi32>
    %add3A_509 = arith.constant 8 : i32
    %add3A_510 = vector.broadcast %add3A_509 : i32 to vector<16xi32>
    %add3A_511 = arith.addi %mul3A_508, %add3A_510 : vector<16xi32>
    %gather3A_512 = tpu.vector_load_idx %arg13[%add3A_511] : memref<272xf32, #tpu.memory_space<vmem>>[vector<16xi32>], vector<16xf32>,
    %add3A_513 = arith.constant 1 : i32
    %add3A_514 = vector.broadcast %add3A_513 : i32 to vector<16xi32>
    %add3A_515 = arith.addi %iota3A, %add3A_514 : vector<16xi32>
    %mul3A_516 = arith.constant 16 : i32
    %mul3A_517 = vector.broadcast %mul3A_516 : i32 to vector<16xi32>
    %mul3A_518 = arith.muli %add3A_515, %mul3A_517 : vector<16xi32>
    %add3A_519 = arith.constant 9 : i32
    %add3A_520 = vector.broadcast %add3A_519 : i32 to vector<16xi32>
    %add3A_521 = arith.addi %mul3A_518, %add3A_520 : vector<16xi32>
    %gather3A_522 = tpu.vector_load_idx %arg13[%add3A_521] : memref<272xf32, #tpu.memory_space<vmem>>[vector<16xi32>], vector<16xf32>,
    %add3A_523 = arith.constant 1 : i32
    %add3A_524 = vector.broadcast %add3A_523 : i32 to vector<16xi32>
    %add3A_525 = arith.addi %iota3A, %add3A_524 : vector<16xi32>
    %mul3A_526 = arith.constant 16 : i32
    %mul3A_527 = vector.broadcast %mul3A_526 : i32 to vector<16xi32>
    %mul3A_528 = arith.muli %add3A_525, %mul3A_527 : vector<16xi32>
    %add3A_529 = arith.constant 10 : i32
    %add3A_530 = vector.broadcast %add3A_529 : i32 to vector<16xi32>
    %add3A_531 = arith.addi %mul3A_528, %add3A_530 : vector<16xi32>
    %gather3A_532 = tpu.vector_load_idx %arg13[%add3A_531] : memref<272xf32, #tpu.memory_space<vmem>>[vector<16xi32>], vector<16xf32>,
    %add3A_533 = arith.constant 1 : i32
    %add3A_534 = vector.broadcast %add3A_533 : i32 to vector<16xi32>
    %add3A_535 = arith.addi %iota3A, %add3A_534 : vector<16xi32>
    %mul3A_536 = arith.constant 16 : i32
    %mul3A_537 = vector.broadcast %mul3A_536 : i32 to vector<16xi32>
    %mul3A_538 = arith.muli %add3A_535, %mul3A_537 : vector<16xi32>
    %add3A_539 = arith.constant 11 : i32
    %add3A_540 = vector.broadcast %add3A_539 : i32 to vector<16xi32>
    %add3A_541 = arith.addi %mul3A_538, %add3A_540 : vector<16xi32>
    %gather3A_542 = tpu.vector_load_idx %arg13[%add3A_541] : memref<272xf32, #tpu.memory_space<vmem>>[vector<16xi32>], vector<16xf32>,
    %add3A_543 = arith.constant 1 : i32
    %add3A_544 = vector.broadcast %add3A_543 : i32 to vector<16xi32>
    %add3A_545 = arith.addi %iota3A, %add3A_544 : vector<16xi32>
    %mul3A_546 = arith.constant 16 : i32
    %mul3A_547 = vector.broadcast %mul3A_546 : i32 to vector<16xi32>
    %mul3A_548 = arith.muli %add3A_545, %mul3A_547 : vector<16xi32>
    %add3A_549 = arith.constant 12 : i32
    %add3A_550 = vector.broadcast %add3A_549 : i32 to vector<16xi32>
    %add3A_551 = arith.addi %mul3A_548, %add3A_550 : vector<16xi32>
    %gather3A_552 = tpu.vector_load_idx %arg13[%add3A_551] : memref<272xf32, #tpu.memory_space<vmem>>[vector<16xi32>], vector<16xf32>,
    %add3A_553 = arith.constant 1 : i32
    %add3A_554 = vector.broadcast %add3A_553 : i32 to vector<16xi32>
    %add3A_555 = arith.addi %iota3A, %add3A_554 : vector<16xi32>
    %mul3A_556 = arith.constant 16 : i32
    %mul3A_557 = vector.broadcast %mul3A_556 : i32 to vector<16xi32>
    %mul3A_558 = arith.muli %add3A_555, %mul3A_557 : vector<16xi32>
    %add3A_559 = arith.constant 13 : i32
    %add3A_560 = vector.broadcast %add3A_559 : i32 to vector<16xi32>
    %add3A_561 = arith.addi %mul3A_558, %add3A_560 : vector<16xi32>
    %gather3A_562 = tpu.vector_load_idx %arg13[%add3A_561] : memref<272xf32, #tpu.memory_space<vmem>>[vector<16xi32>], vector<16xf32>,
    %add3A_563 = arith.constant 1 : i32
    %add3A_564 = vector.broadcast %add3A_563 : i32 to vector<16xi32>
    %add3A_565 = arith.addi %iota3A, %add3A_564 : vector<16xi32>
    %mul3A_566 = arith.constant 16 : i32
    %mul3A_567 = vector.broadcast %mul3A_566 : i32 to vector<16xi32>
    %mul3A_568 = arith.muli %add3A_565, %mul3A_567 : vector<16xi32>
    %add3A_569 = arith.constant 14 : i32
    %add3A_570 = vector.broadcast %add3A_569 : i32 to vector<16xi32>
    %add3A_571 = arith.addi %mul3A_568, %add3A_570 : vector<16xi32>
    %gather3A_572 = tpu.vector_load_idx %arg13[%add3A_571] : memref<272xf32, #tpu.memory_space<vmem>>[vector<16xi32>], vector<16xf32>,
    %add3A_573 = arith.constant 1 : i32
    %add3A_574 = vector.broadcast %add3A_573 : i32 to vector<16xi32>
    %add3A_575 = arith.addi %iota3A, %add3A_574 : vector<16xi32>
    %mul3A_576 = arith.constant 16 : i32
    %mul3A_577 = vector.broadcast %mul3A_576 : i32 to vector<16xi32>
    %mul3A_578 = arith.muli %add3A_575, %mul3A_577 : vector<16xi32>
    %add3A_579 = arith.constant 15 : i32
    %add3A_580 = vector.broadcast %add3A_579 : i32 to vector<16xi32>
    %add3A_581 = arith.addi %mul3A_578, %add3A_580 : vector<16xi32>
    %gather3A_582 = tpu.vector_load_idx %arg13[%add3A_581] : memref<272xf32, #tpu.memory_space<vmem>>[vector<16xi32>], vector<16xf32>,
    %le3A = arith.cmpf ole, %convert_element_type3A_422, %get3A_418 : vector<16xf32>
    %jit3A_583 = arith.constant 1.000000e+00 : f32
    %jit3A_584 = arith.constant 0.000000e+00 : f32
    %broadcast_in_dim3A_585 = vector.broadcast %jit3A_583 : f32 to vector<16xf32>
    %broadcast_in_dim3A_586 = vector.broadcast %jit3A_584 : f32 to vector<16xf32>
    %select_n3A_587 = arith.select %le3A, %broadcast_in_dim3A_585, %broadcast_in_dim3A_586 : vector<16xi1>, vector<16xf32>
    %scan3A_588 = arith.constant 0 : i32
    %scan3A_589 = arith.constant 16 : i32
    %scan3A_590 = arith.addi %scan3A_588, %scan3A_589 : i32
    %scan3A_591 = arith.constant 1 : i32
    %scan3A_592:2 = scf.for %scan3A_714 = %scan3A_588 to %scan3A_590 step %scan3A_591 iter_args(%scan3A_715 = %broadcast_in_dim3A_44, %scan3A_716 = %broadcast_in_dim3A_44) -> (vector<16xf32>, vector<16xf32>)  : i32 {
      %add3A_717 = arith.constant 1 : i32
      %add3A_718 = arith.addi %scan3A_714, %add3A_717 : i32
      %mul3A_719 = arith.constant 16 : i32
      %mul3A_720 = arith.muli %add3A_718, %mul3A_719 : i32
      %broadcast_in_dim3A_721 = vector.broadcast %mul3A_720 : i32 to vector<16xi32>
      %add3A_722 = arith.constant 0 : i32
      %add3A_723 = vector.broadcast %add3A_722 : i32 to vector<16xi32>
      %add3A_724 = arith.addi %broadcast_in_dim3A_721, %add3A_723 : vector<16xi32>
      %gather3A_725 = tpu.vector_load_idx %arg13[%add3A_724] : memref<272xf32, #tpu.memory_space<vmem>>[vector<16xi32>], vector<16xf32>,
      %sub3A_726 = arith.subf %gather3A_432, %gather3A_725 : vector<16xf32>
      %mul3A_727 = arith.mulf %sub3A_726, %sub3A_726 : vector<16xf32>
      %add3A_728 = arith.addf %broadcast_in_dim3A_44, %mul3A_727 : vector<16xf32>
      %broadcast_in_dim3A_729 = vector.broadcast %mul3A_720 : i32 to vector<16xi32>
      %add3A_730 = arith.constant 1 : i32
      %add3A_731 = vector.broadcast %add3A_730 : i32 to vector<16xi32>
      %add3A_732 = arith.addi %broadcast_in_dim3A_729, %add3A_731 : vector<16xi32>
      %gather3A_733 = tpu.vector_load_idx %arg13[%add3A_732] : memref<272xf32, #tpu.memory_space<vmem>>[vector<16xi32>], vector<16xf32>,
      %sub3A_734 = arith.subf %gather3A_442, %gather3A_733 : vector<16xf32>
      %mul3A_735 = arith.mulf %sub3A_734, %sub3A_734 : vector<16xf32>
      %add3A_736 = arith.addf %broadcast_in_dim3A_44, %mul3A_735 : vector<16xf32>
      %broadcast_in_dim3A_737 = vector.broadcast %mul3A_720 : i32 to vector<16xi32>
      %add3A_738 = arith.constant 2 : i32
      %add3A_739 = vector.broadcast %add3A_738 : i32 to vector<16xi32>
      %add3A_740 = arith.addi %broadcast_in_dim3A_737, %add3A_739 : vector<16xi32>
      %gather3A_741 = tpu.vector_load_idx %arg13[%add3A_740] : memref<272xf32, #tpu.memory_space<vmem>>[vector<16xi32>], vector<16xf32>,
      %sub3A_742 = arith.subf %gather3A_452, %gather3A_741 : vector<16xf32>
      %mul3A_743 = arith.mulf %sub3A_742, %sub3A_742 : vector<16xf32>
      %add3A_744 = arith.addf %broadcast_in_dim3A_44, %mul3A_743 : vector<16xf32>
      %broadcast_in_dim3A_745 = vector.broadcast %mul3A_720 : i32 to vector<16xi32>
      %add3A_746 = arith.constant 3 : i32
      %add3A_747 = vector.broadcast %add3A_746 : i32 to vector<16xi32>
      %add3A_748 = arith.addi %broadcast_in_dim3A_745, %add3A_747 : vector<16xi32>
      %gather3A_749 = tpu.vector_load_idx %arg13[%add3A_748] : memref<272xf32, #tpu.memory_space<vmem>>[vector<16xi32>], vector<16xf32>,
      %sub3A_750 = arith.subf %gather3A_462, %gather3A_749 : vector<16xf32>
      %mul3A_751 = arith.mulf %sub3A_750, %sub3A_750 : vector<16xf32>
      %add3A_752 = arith.addf %broadcast_in_dim3A_44, %mul3A_751 : vector<16xf32>
      %broadcast_in_dim3A_753 = vector.broadcast %mul3A_720 : i32 to vector<16xi32>
      %add3A_754 = arith.constant 4 : i32
      %add3A_755 = vector.broadcast %add3A_754 : i32 to vector<16xi32>
      %add3A_756 = arith.addi %broadcast_in_dim3A_753, %add3A_755 : vector<16xi32>
      %gather3A_757 = tpu.vector_load_idx %arg13[%add3A_756] : memref<272xf32, #tpu.memory_space<vmem>>[vector<16xi32>], vector<16xf32>,
      %sub3A_758 = arith.subf %gather3A_472, %gather3A_757 : vector<16xf32>
      %mul3A_759 = arith.mulf %sub3A_758, %sub3A_758 : vector<16xf32>
      %add3A_760 = arith.addf %add3A_728, %mul3A_759 : vector<16xf32>
      %broadcast_in_dim3A_761 = vector.broadcast %mul3A_720 : i32 to vector<16xi32>
      %add3A_762 = arith.constant 5 : i32
      %add3A_763 = vector.broadcast %add3A_762 : i32 to vector<16xi32>
      %add3A_764 = arith.addi %broadcast_in_dim3A_761, %add3A_763 : vector<16xi32>
      %gather3A_765 = tpu.vector_load_idx %arg13[%add3A_764] : memref<272xf32, #tpu.memory_space<vmem>>[vector<16xi32>], vector<16xf32>,
      %sub3A_766 = arith.subf %gather3A_482, %gather3A_765 : vector<16xf32>
      %mul3A_767 = arith.mulf %sub3A_766, %sub3A_766 : vector<16xf32>
      %add3A_768 = arith.addf %add3A_736, %mul3A_767 : vector<16xf32>
      %broadcast_in_dim3A_769 = vector.broadcast %mul3A_720 : i32 to vector<16xi32>
      %add3A_770 = arith.constant 6 : i32
      %add3A_771 = vector.broadcast %add3A_770 : i32 to vector<16xi32>
      %add3A_772 = arith.addi %broadcast_in_dim3A_769, %add3A_771 : vector<16xi32>
      %gather3A_773 = tpu.vector_load_idx %arg13[%add3A_772] : memref<272xf32, #tpu.memory_space<vmem>>[vector<16xi32>], vector<16xf32>,
      %sub3A_774 = arith.subf %gather3A_492, %gather3A_773 : vector<16xf32>
      %mul3A_775 = arith.mulf %sub3A_774, %sub3A_774 : vector<16xf32>
      %add3A_776 = arith.addf %add3A_744, %mul3A_775 : vector<16xf32>
      %broadcast_in_dim3A_777 = vector.broadcast %mul3A_720 : i32 to vector<16xi32>
      %add3A_778 = arith.constant 7 : i32
      %add3A_779 = vector.broadcast %add3A_778 : i32 to vector<16xi32>
      %add3A_780 = arith.addi %broadcast_in_dim3A_777, %add3A_779 : vector<16xi32>
      %gather3A_781 = tpu.vector_load_idx %arg13[%add3A_780] : memref<272xf32, #tpu.memory_space<vmem>>[vector<16xi32>], vector<16xf32>,
      %sub3A_782 = arith.subf %gather3A_502, %gather3A_781 : vector<16xf32>
      %mul3A_783 = arith.mulf %sub3A_782, %sub3A_782 : vector<16xf32>
      %add3A_784 = arith.addf %add3A_752, %mul3A_783 : vector<16xf32>
      %broadcast_in_dim3A_785 = vector.broadcast %mul3A_720 : i32 to vector<16xi32>
      %add3A_786 = arith.constant 8 : i32
      %add3A_787 = vector.broadcast %add3A_786 : i32 to vector<16xi32>
      %add3A_788 = arith.addi %broadcast_in_dim3A_785, %add3A_787 : vector<16xi32>
      %gather3A_789 = tpu.vector_load_idx %arg13[%add3A_788] : memref<272xf32, #tpu.memory_space<vmem>>[vector<16xi32>], vector<16xf32>,
      %sub3A_790 = arith.subf %gather3A_512, %gather3A_789 : vector<16xf32>
      %mul3A_791 = arith.mulf %sub3A_790, %sub3A_790 : vector<16xf32>
      %add3A_792 = arith.addf %add3A_760, %mul3A_791 : vector<16xf32>
      %broadcast_in_dim3A_793 = vector.broadcast %mul3A_720 : i32 to vector<16xi32>
      %add3A_794 = arith.constant 9 : i32
      %add3A_795 = vector.broadcast %add3A_794 : i32 to vector<16xi32>
      %add3A_796 = arith.addi %broadcast_in_dim3A_793, %add3A_795 : vector<16xi32>
      %gather3A_797 = tpu.vector_load_idx %arg13[%add3A_796] : memref<272xf32, #tpu.memory_space<vmem>>[vector<16xi32>], vector<16xf32>,
      %sub3A_798 = arith.subf %gather3A_522, %gather3A_797 : vector<16xf32>
      %mul3A_799 = arith.mulf %sub3A_798, %sub3A_798 : vector<16xf32>
      %add3A_800 = arith.addf %add3A_768, %mul3A_799 : vector<16xf32>
      %broadcast_in_dim3A_801 = vector.broadcast %mul3A_720 : i32 to vector<16xi32>
      %add3A_802 = arith.constant 10 : i32
      %add3A_803 = vector.broadcast %add3A_802 : i32 to vector<16xi32>
      %add3A_804 = arith.addi %broadcast_in_dim3A_801, %add3A_803 : vector<16xi32>
      %gather3A_805 = tpu.vector_load_idx %arg13[%add3A_804] : memref<272xf32, #tpu.memory_space<vmem>>[vector<16xi32>], vector<16xf32>,
      %sub3A_806 = arith.subf %gather3A_532, %gather3A_805 : vector<16xf32>
      %mul3A_807 = arith.mulf %sub3A_806, %sub3A_806 : vector<16xf32>
      %add3A_808 = arith.addf %add3A_776, %mul3A_807 : vector<16xf32>
      %broadcast_in_dim3A_809 = vector.broadcast %mul3A_720 : i32 to vector<16xi32>
      %add3A_810 = arith.constant 11 : i32
      %add3A_811 = vector.broadcast %add3A_810 : i32 to vector<16xi32>
      %add3A_812 = arith.addi %broadcast_in_dim3A_809, %add3A_811 : vector<16xi32>
      %gather3A_813 = tpu.vector_load_idx %arg13[%add3A_812] : memref<272xf32, #tpu.memory_space<vmem>>[vector<16xi32>], vector<16xf32>,
      %sub3A_814 = arith.subf %gather3A_542, %gather3A_813 : vector<16xf32>
      %mul3A_815 = arith.mulf %sub3A_814, %sub3A_814 : vector<16xf32>
      %add3A_816 = arith.addf %add3A_784, %mul3A_815 : vector<16xf32>
      %broadcast_in_dim3A_817 = vector.broadcast %mul3A_720 : i32 to vector<16xi32>
      %add3A_818 = arith.constant 12 : i32
      %add3A_819 = vector.broadcast %add3A_818 : i32 to vector<16xi32>
      %add3A_820 = arith.addi %broadcast_in_dim3A_817, %add3A_819 : vector<16xi32>
      %gather3A_821 = tpu.vector_load_idx %arg13[%add3A_820] : memref<272xf32, #tpu.memory_space<vmem>>[vector<16xi32>], vector<16xf32>,
      %sub3A_822 = arith.subf %gather3A_552, %gather3A_821 : vector<16xf32>
      %mul3A_823 = arith.mulf %sub3A_822, %sub3A_822 : vector<16xf32>
      %add3A_824 = arith.addf %add3A_792, %mul3A_823 : vector<16xf32>
      %broadcast_in_dim3A_825 = vector.broadcast %mul3A_720 : i32 to vector<16xi32>
      %add3A_826 = arith.constant 13 : i32
      %add3A_827 = vector.broadcast %add3A_826 : i32 to vector<16xi32>
      %add3A_828 = arith.addi %broadcast_in_dim3A_825, %add3A_827 : vector<16xi32>
      %gather3A_829 = tpu.vector_load_idx %arg13[%add3A_828] : memref<272xf32, #tpu.memory_space<vmem>>[vector<16xi32>], vector<16xf32>,
      %sub3A_830 = arith.subf %gather3A_562, %gather3A_829 : vector<16xf32>
      %mul3A_831 = arith.mulf %sub3A_830, %sub3A_830 : vector<16xf32>
      %add3A_832 = arith.addf %add3A_800, %mul3A_831 : vector<16xf32>
      %broadcast_in_dim3A_833 = vector.broadcast %mul3A_720 : i32 to vector<16xi32>
      %add3A_834 = arith.constant 14 : i32
      %add3A_835 = vector.broadcast %add3A_834 : i32 to vector<16xi32>
      %add3A_836 = arith.addi %broadcast_in_dim3A_833, %add3A_835 : vector<16xi32>
      %gather3A_837 = tpu.vector_load_idx %arg13[%add3A_836] : memref<272xf32, #tpu.memory_space<vmem>>[vector<16xi32>], vector<16xf32>,
      %sub3A_838 = arith.subf %gather3A_572, %gather3A_837 : vector<16xf32>
      %mul3A_839 = arith.mulf %sub3A_838, %sub3A_838 : vector<16xf32>
      %add3A_840 = arith.addf %add3A_808, %mul3A_839 : vector<16xf32>
      %broadcast_in_dim3A_841 = vector.broadcast %mul3A_720 : i32 to vector<16xi32>
      %add3A_842 = arith.constant 15 : i32
      %add3A_843 = vector.broadcast %add3A_842 : i32 to vector<16xi32>
      %add3A_844 = arith.addi %broadcast_in_dim3A_841, %add3A_843 : vector<16xi32>
      %gather3A_845 = tpu.vector_load_idx %arg13[%add3A_844] : memref<272xf32, #tpu.memory_space<vmem>>[vector<16xi32>], vector<16xf32>,
      %sub3A_846 = arith.subf %gather3A_582, %gather3A_845 : vector<16xf32>
      %mul3A_847 = arith.mulf %sub3A_846, %sub3A_846 : vector<16xf32>
      %add3A_848 = arith.addf %add3A_816, %mul3A_847 : vector<16xf32>
      %add3A_849 = arith.addf %add3A_824, %add3A_832 : vector<16xf32>
      %add3A_850 = arith.addf %add3A_840, %add3A_848 : vector<16xf32>
      %add3A_851 = arith.addf %add3A_849, %add3A_850 : vector<16xf32>
      %bitcast_convert_type3A_852 = tpu.bitcast %add3A_851 : vector<16xf32> -> vector<16xi32>
      %shift_right_arithmetic3A_853 = arith.constant 1 : i32
      %shift_right_arithmetic3A_854 = vector.broadcast %shift_right_arithmetic3A_853 : i32 to vector<16xi32>
      %shift_right_arithmetic3A_855 = arith.shrsi %bitcast_convert_type3A_852, %shift_right_arithmetic3A_854 : vector<16xi32>
      %sub3A_856 = arith.constant 1597463007 : i32
      %sub3A_857 = vector.broadcast %sub3A_856 : i32 to vector<16xi32>
      %sub3A_858 = arith.subi %sub3A_857, %shift_right_arithmetic3A_855 : vector<16xi32>
      %bitcast_convert_type3A_859 = tpu.bitcast %sub3A_858 : vector<16xi32> -> vector<16xf32>
      %mul3A_860 = arith.constant 5.000000e-01 : f32
      %mul3A_861 = vector.broadcast %mul3A_860 : f32 to vector<16xf32>
      %mul3A_862 = arith.mulf %mul3A_861, %add3A_851 : vector<16xf32>
      %mul3A_863 = arith.mulf %mul3A_862, %bitcast_convert_type3A_859 : vector<16xf32>
      %mul3A_864 = arith.mulf %mul3A_863, %bitcast_convert_type3A_859 : vector<16xf32>
      %sub3A_865 = arith.constant 1.500000e+00 : f32
      %sub3A_866 = vector.broadcast %sub3A_865 : f32 to vector<16xf32>
      %sub3A_867 = arith.subf %sub3A_866, %mul3A_864 : vector<16xf32>
      %mul3A_868 = arith.mulf %bitcast_convert_type3A_859, %sub3A_867 : vector<16xf32>
      %mul3A_869 = arith.constant 5.000000e-01 : f32
      %mul3A_870 = vector.broadcast %mul3A_869 : f32 to vector<16xf32>
      %mul3A_871 = arith.mulf %mul3A_870, %add3A_851 : vector<16xf32>
      %mul3A_872 = arith.mulf %mul3A_871, %mul3A_868 : vector<16xf32>
      %mul3A_873 = arith.mulf %mul3A_872, %mul3A_868 : vector<16xf32>
      %sub3A_874 = arith.constant 1.500000e+00 : f32
      %sub3A_875 = vector.broadcast %sub3A_874 : f32 to vector<16xf32>
      %sub3A_876 = arith.subf %sub3A_875, %mul3A_873 : vector<16xf32>
      %mul3A_877 = arith.mulf %mul3A_868, %sub3A_876 : vector<16xf32>
      %mul3A_878 = arith.constant 5.000000e-01 : f32
      %mul3A_879 = vector.broadcast %mul3A_878 : f32 to vector<16xf32>
      %mul3A_880 = arith.mulf %mul3A_879, %add3A_851 : vector<16xf32>
      %mul3A_881 = arith.mulf %mul3A_880, %mul3A_877 : vector<16xf32>
      %mul3A_882 = arith.mulf %mul3A_881, %mul3A_877 : vector<16xf32>
      %sub3A_883 = arith.constant 1.500000e+00 : f32
      %sub3A_884 = vector.broadcast %sub3A_883 : f32 to vector<16xf32>
      %sub3A_885 = arith.subf %sub3A_884, %mul3A_882 : vector<16xf32>
      %mul3A_886 = arith.mulf %mul3A_877, %sub3A_885 : vector<16xf32>
      %mul3A_887 = arith.mulf %add3A_851, %mul3A_886 : vector<16xf32>
      %sub3A_888 = arith.constant 3.000000e+00 : f32
      %sub3A_889 = vector.broadcast %sub3A_888 : f32 to vector<16xf32>
      %sub3A_890 = arith.subf %sub3A_889, %mul3A_887 : vector<16xf32>
      %max3A_891 = arith.constant 0.000000e+00 : f32
      %max3A_892 = vector.broadcast %max3A_891 : f32 to vector<16xf32>
      %max3A_893 = arith.maximumf %sub3A_890, %max3A_892 : vector<16xf32>
      %add3A_894 = arith.constant 1 : i32
      %add3A_895 = arith.addi %scan3A_714, %add3A_894 : i32
      %convert_element_type3A_896 = arith.sitofp %add3A_895 : i32 to f32
      %gt3A_897 = vector.broadcast %convert_element_type3A_896 : f32 to vector<16xf32>
      %gt3A_898 = arith.cmpf ogt, %convert_element_type3A_422, %gt3A_897 : vector<16xf32>
      %le3A_899 = vector.broadcast %convert_element_type3A_896 : f32 to vector<16xf32>
      %le3A_900 = arith.cmpf ole, %le3A_899, %get3A_418 : vector<16xf32>
      %and3A_901 = arith.andi %gt3A_898, %le3A_900 : vector<16xi1>
      %jit3A_902 = arith.constant 0.000000e+00 : f32
      %broadcast_in_dim3A_903 = vector.broadcast %jit3A_902 : f32 to vector<16xf32>
      %select_n3A_904 = arith.select %and3A_901, %select_n3A_587, %broadcast_in_dim3A_903 : vector<16xi1>, vector<16xf32>
      %mul3A_905 = arith.mulf %max3A_893, %max3A_893 : vector<16xf32>
      %mul3A_906 = arith.mulf %mul3A_905, %select_n3A_904 : vector<16xf32>
      %add3A_907 = arith.addf %scan3A_715, %mul3A_906 : vector<16xf32>
      %add3A_908 = arith.addf %scan3A_716, %select_n3A_904 : vector<16xf32>
      scf.yield %add3A_907, %add3A_908 : vector<16xf32>, vector<16xf32>
    }
    %scan3A_593 = arith.constant 16 : i32
    %reduce_sum3A_594 = arith.constant true
    %reduce_sum3A_595 = vector.broadcast %reduce_sum3A_594 : i1 to vector<16xi1>
    %reduce_sum3A_596 = tpu.scan <sum>, %scan3A_592#0 masked %reduce_sum3A_595 : vector<16xf32>, vector<16xi1> -> vector<16xf32>
    %reduce_sum3A_597 = vector.extract %reduce_sum3A_596[15] : f32 from vector<16xf32>
    %broadcast_in_dim3A_598 = vector.broadcast %reduce_sum3A_597 : f32 to vector<16xf32>
    %reduce_sum3A_599 = arith.constant true
    %reduce_sum3A_600 = vector.broadcast %reduce_sum3A_599 : i1 to vector<16xi1>
    %reduce_sum3A_601 = tpu.scan <sum>, %scan3A_592#1 masked %reduce_sum3A_600 : vector<16xf32>, vector<16xi1> -> vector<16xf32>
    %reduce_sum3A_602 = vector.extract %reduce_sum3A_601[15] : f32 from vector<16xf32>
    %broadcast_in_dim3A_603 = vector.broadcast %reduce_sum3A_602 : f32 to vector<16xf32>
    %gt3A = arith.constant 1.000000e+00 : f32
    %gt3A_604 = vector.broadcast %gt3A : f32 to vector<16xf32>
    %gt3A_605 = arith.cmpf ogt, %get3A_418, %gt3A_604 : vector<16xf32>
    %max3A_606 = arith.constant 1.000000e+00 : f32
    %max3A_607 = vector.broadcast %max3A_606 : f32 to vector<16xf32>
    %max3A_608 = arith.maximumf %broadcast_in_dim3A_603, %max3A_607 : vector<16xf32>
    %div3A_609 = arith.divf %broadcast_in_dim3A_598, %max3A_608 : vector<16xf32>
    %jit3A_610 = arith.constant 0.000000e+00 : f32
    %broadcast_in_dim3A_611 = vector.broadcast %jit3A_610 : f32 to vector<16xf32>
    %select_n3A_612 = arith.select %gt3A_605, %div3A_609, %broadcast_in_dim3A_611 : vector<16xi1>, vector<16xf32>
    %swap3A_613 = arith.constant 272 : index
    %swap3A_614 = tpu.vector_load %arg14[%swap3A_613] {strides = array<i32>} : memref<640xf32, #tpu.memory_space<vmem>>, vector<16xf32>,
    tpu.vector_store %arg14[%swap3A_613], %select_n3A_612 {strides = array<i32>} : memref<640xf32, #tpu.memory_space<vmem>>, vector<16xf32>,
    %mul3A_615 = arith.mulf %gather3A_432, %gather3A_432 : vector<16xf32>
    %add3A_616 = arith.addf %broadcast_in_dim3A_44, %mul3A_615 : vector<16xf32>
    %mul3A_617 = arith.mulf %gather3A_442, %gather3A_442 : vector<16xf32>
    %add3A_618 = arith.addf %add3A_616, %mul3A_617 : vector<16xf32>
    %mul3A_619 = arith.mulf %gather3A_452, %gather3A_452 : vector<16xf32>
    %add3A_620 = arith.addf %add3A_618, %mul3A_619 : vector<16xf32>
    %mul3A_621 = arith.mulf %gather3A_462, %gather3A_462 : vector<16xf32>
    %add3A_622 = arith.addf %add3A_620, %mul3A_621 : vector<16xf32>
    %mul3A_623 = arith.mulf %gather3A_472, %gather3A_472 : vector<16xf32>
    %add3A_624 = arith.addf %add3A_622, %mul3A_623 : vector<16xf32>
    %mul3A_625 = arith.mulf %gather3A_482, %gather3A_482 : vector<16xf32>
    %add3A_626 = arith.addf %add3A_624, %mul3A_625 : vector<16xf32>
    %mul3A_627 = arith.mulf %gather3A_492, %gather3A_492 : vector<16xf32>
    %add3A_628 = arith.addf %add3A_626, %mul3A_627 : vector<16xf32>
    %mul3A_629 = arith.mulf %gather3A_502, %gather3A_502 : vector<16xf32>
    %add3A_630 = arith.addf %add3A_628, %mul3A_629 : vector<16xf32>
    %mul3A_631 = arith.mulf %gather3A_512, %gather3A_512 : vector<16xf32>
    %add3A_632 = arith.addf %add3A_630, %mul3A_631 : vector<16xf32>
    %mul3A_633 = arith.mulf %gather3A_522, %gather3A_522 : vector<16xf32>
    %add3A_634 = arith.addf %add3A_632, %mul3A_633 : vector<16xf32>
    %mul3A_635 = arith.mulf %gather3A_532, %gather3A_532 : vector<16xf32>
    %add3A_636 = arith.addf %add3A_634, %mul3A_635 : vector<16xf32>
    %mul3A_637 = arith.mulf %gather3A_542, %gather3A_542 : vector<16xf32>
    %add3A_638 = arith.addf %add3A_636, %mul3A_637 : vector<16xf32>
    %mul3A_639 = arith.mulf %gather3A_552, %gather3A_552 : vector<16xf32>
    %add3A_640 = arith.addf %add3A_638, %mul3A_639 : vector<16xf32>
    %mul3A_641 = arith.mulf %gather3A_562, %gather3A_562 : vector<16xf32>
    %add3A_642 = arith.addf %add3A_640, %mul3A_641 : vector<16xf32>
    %mul3A_643 = arith.mulf %gather3A_572, %gather3A_572 : vector<16xf32>
    %add3A_644 = arith.addf %add3A_642, %mul3A_643 : vector<16xf32>
    %mul3A_645 = arith.mulf %gather3A_582, %gather3A_582 : vector<16xf32>
    %add3A_646 = arith.addf %add3A_644, %mul3A_645 : vector<16xf32>
    %bitcast_convert_type3A = tpu.bitcast %add3A_646 : vector<16xf32> -> vector<16xi32>
    %shift_right_arithmetic3A = arith.constant 1 : i32
    %shift_right_arithmetic3A_647 = vector.broadcast %shift_right_arithmetic3A : i32 to vector<16xi32>
    %shift_right_arithmetic3A_648 = arith.shrsi %bitcast_convert_type3A, %shift_right_arithmetic3A_647 : vector<16xi32>
    %sub3A_649 = arith.constant 1597463007 : i32
    %sub3A_650 = vector.broadcast %sub3A_649 : i32 to vector<16xi32>
    %sub3A_651 = arith.subi %sub3A_650, %shift_right_arithmetic3A_648 : vector<16xi32>
    %bitcast_convert_type3A_652 = tpu.bitcast %sub3A_651 : vector<16xi32> -> vector<16xf32>
    %mul3A_653 = arith.constant 5.000000e-01 : f32
    %mul3A_654 = vector.broadcast %mul3A_653 : f32 to vector<16xf32>
    %mul3A_655 = arith.mulf %mul3A_654, %add3A_646 : vector<16xf32>
    %mul3A_656 = arith.mulf %mul3A_655, %bitcast_convert_type3A_652 : vector<16xf32>
    %mul3A_657 = arith.mulf %mul3A_656, %bitcast_convert_type3A_652 : vector<16xf32>
    %sub3A_658 = arith.constant 1.500000e+00 : f32
    %sub3A_659 = vector.broadcast %sub3A_658 : f32 to vector<16xf32>
    %sub3A_660 = arith.subf %sub3A_659, %mul3A_657 : vector<16xf32>
    %mul3A_661 = arith.mulf %bitcast_convert_type3A_652, %sub3A_660 : vector<16xf32>
    %mul3A_662 = arith.constant 5.000000e-01 : f32
    %mul3A_663 = vector.broadcast %mul3A_662 : f32 to vector<16xf32>
    %mul3A_664 = arith.mulf %mul3A_663, %add3A_646 : vector<16xf32>
    %mul3A_665 = arith.mulf %mul3A_664, %mul3A_661 : vector<16xf32>
    %mul3A_666 = arith.mulf %mul3A_665, %mul3A_661 : vector<16xf32>
    %sub3A_667 = arith.constant 1.500000e+00 : f32
    %sub3A_668 = vector.broadcast %sub3A_667 : f32 to vector<16xf32>
    %sub3A_669 = arith.subf %sub3A_668, %mul3A_666 : vector<16xf32>
    %mul3A_670 = arith.mulf %mul3A_661, %sub3A_669 : vector<16xf32>
    %mul3A_671 = arith.constant 5.000000e-01 : f32
    %mul3A_672 = vector.broadcast %mul3A_671 : f32 to vector<16xf32>
    %mul3A_673 = arith.mulf %mul3A_672, %add3A_646 : vector<16xf32>
    %mul3A_674 = arith.mulf %mul3A_673, %mul3A_670 : vector<16xf32>
    %mul3A_675 = arith.mulf %mul3A_674, %mul3A_670 : vector<16xf32>
    %sub3A_676 = arith.constant 1.500000e+00 : f32
    %sub3A_677 = vector.broadcast %sub3A_676 : f32 to vector<16xf32>
    %sub3A_678 = arith.subf %sub3A_677, %mul3A_675 : vector<16xf32>
    %mul3A_679 = arith.mulf %mul3A_670, %sub3A_678 : vector<16xf32>
    %mul3A_680 = arith.mulf %add3A_646, %mul3A_679 : vector<16xf32>
    %mul3A_681 = arith.mulf %mul3A_680, %select_n3A_587 : vector<16xf32>
    %reduce_sum3A_682 = arith.constant true
    %reduce_sum3A_683 = vector.broadcast %reduce_sum3A_682 : i1 to vector<16xi1>
    %reduce_sum3A_684 = tpu.scan <sum>, %mul3A_681 masked %reduce_sum3A_683 : vector<16xf32>, vector<16xi1> -> vector<16xf32>
    %reduce_sum3A_685 = vector.extract %reduce_sum3A_684[15] : f32 from vector<16xf32>
    %broadcast_in_dim3A_686 = vector.broadcast %reduce_sum3A_685 : f32 to vector<16xf32>
    %gt3A_687 = arith.constant 0.000000e+00 : f32
    %gt3A_688 = vector.broadcast %gt3A_687 : f32 to vector<16xf32>
    %gt3A_689 = arith.cmpf ogt, %get3A_418, %gt3A_688 : vector<16xf32>
    %max3A_690 = arith.constant 1.000000e+00 : f32
    %max3A_691 = vector.broadcast %max3A_690 : f32 to vector<16xf32>
    %max3A_692 = arith.maximumf %get3A_418, %max3A_691 : vector<16xf32>
    %div3A_693 = arith.divf %broadcast_in_dim3A_686, %max3A_692 : vector<16xf32>
    %jit3A_694 = arith.constant 0.000000e+00 : f32
    %broadcast_in_dim3A_695 = vector.broadcast %jit3A_694 : f32 to vector<16xf32>
    %select_n3A_696 = arith.select %gt3A_689, %div3A_693, %broadcast_in_dim3A_695 : vector<16xi1>, vector<16xf32>
    %swap3A_697 = arith.constant 288 : index
    %swap3A_698 = tpu.vector_load %arg14[%swap3A_697] {strides = array<i32>} : memref<640xf32, #tpu.memory_space<vmem>>, vector<16xf32>,
    tpu.vector_store %arg14[%swap3A_697], %select_n3A_696 {strides = array<i32>} : memref<640xf32, #tpu.memory_space<vmem>>, vector<16xf32>,
    %scan3A_699 = arith.constant 0 : i32
    %scan3A_700 = arith.constant 0 : i32
    %scan3A_701 = arith.constant 17 : i32
    %scan3A_702 = arith.addi %scan3A_700, %scan3A_701 : i32
    %scan3A_703 = arith.constant 1 : i32
    %scan3A_704 = scf.for %scan3A_714 = %scan3A_700 to %scan3A_702 step %scan3A_703 iter_args(%scan3A_715 = %scan3A_699) -> (i32)  : i32 {
      %broadcast_in_dim3A_716 = arith.constant 272 : i32
      %broadcast_in_dim3A_717 = vector.broadcast %broadcast_in_dim3A_716 : i32 to vector<16xi32>
      %add3A_718 = vector.broadcast %scan3A_714 : i32 to vector<16xi32>
      %add3A_719 = arith.addi %broadcast_in_dim3A_717, %add3A_718 : vector<16xi32>
      %gather3A_720 = tpu.vector_load_idx %arg12[%add3A_719] : memref<320xf32, #tpu.memory_space<vmem>>[vector<16xi32>], vector<16xf32>,
      %mul3A_721 = arith.constant 16 : i32
      %mul3A_722 = arith.muli %scan3A_714, %mul3A_721 : i32
      %add3A_723 = arith.constant 304 : i32
      %add3A_724 = arith.addi %add3A_723, %mul3A_722 : i32
      %swap3A_725 = arith.index_cast %add3A_724 : i32 to index
      %swap3A_726 = tpu.vector_load %arg14[%swap3A_725] {strides = array<i32>} : memref<640xf32, #tpu.memory_space<vmem>>, vector<16xf32>,
      tpu.vector_store %arg14[%swap3A_725], %gather3A_720 {strides = array<i32>} : memref<640xf32, #tpu.memory_space<vmem>>, vector<16xf32>,
      %scan3A_727 = arith.constant 0 : i32
      scf.yield %scan3A_727 : i32
    }
    %scan3A_705 = arith.constant 17 : i32
    %swap3A_706 = arith.constant 576 : index
    %swap3A_707 = tpu.vector_load %arg14[%swap3A_706] {strides = array<i32>} : memref<640xf32, #tpu.memory_space<vmem>>, vector<16xf32>,
    tpu.vector_store %arg14[%swap3A_706], %get3A_418 {strides = array<i32>} : memref<640xf32, #tpu.memory_space<vmem>>, vector<16xf32>,
    %swap3A_708 = arith.constant 592 : index
    %swap3A_709 = tpu.vector_load %arg14[%swap3A_708] {strides = array<i32>} : memref<640xf32, #tpu.memory_space<vmem>>, vector<16xf32>,
    tpu.vector_store %arg14[%swap3A_708], %broadcast_in_dim3A_44 {strides = array<i32>} : memref<640xf32, #tpu.memory_space<vmem>>, vector<16xf32>,
    %swap3A_710 = arith.constant 608 : index
    %swap3A_711 = tpu.vector_load %arg14[%swap3A_710] {strides = array<i32>} : memref<640xf32, #tpu.memory_space<vmem>>, vector<16xf32>,
    tpu.vector_store %arg14[%swap3A_710], %broadcast_in_dim3A_44 {strides = array<i32>} : memref<640xf32, #tpu.memory_space<vmem>>, vector<16xf32>,
    %swap3A_712 = arith.constant 624 : index
    %swap3A_713 = tpu.vector_load %arg14[%swap3A_712] {strides = array<i32>} : memref<640xf32, #tpu.memory_space<vmem>>, vector<16xf32>,
    tpu.vector_store %arg14[%swap3A_712], %broadcast_in_dim3A_44 {strides = array<i32>} : memref<640xf32, #tpu.memory_space<vmem>>, vector<16xf32>,
    "tpu.region"() ({
      %run_scoped3A_714 = tpu.sem_alloc : memref<!tpu.dma_semaphore, #tpu.memory_space<semaphore_mem>>
      %dma_start3A_715 = arith.constant 0 : i32
      %dma_start3A_716 = tpu.memref_slice %arg4[%add3A_35, %dma_start3A_715] : memref<32x640xf32, #tpu.memory_space<hbm>> -> memref<1x640xf32, #tpu.memory_space<hbm>>
      %dma_start3A_717 = tpu.memref_squeeze %dma_start3A_716 : memref<1x640xf32, #tpu.memory_space<hbm>> -> memref<640xf32, #tpu.memory_space<hbm>>
      %dma_start3A_718 = arith.constant 0 : i32
      %dma_start3A_719 = tpu.memref_slice %arg4[%add3A_35, %dma_start3A_718] : memref<32x640xf32, #tpu.memory_space<hbm>> -> memref<1x640xf32, #tpu.memory_space<hbm>>
      %dma_start3A_720 = tpu.memref_squeeze %dma_start3A_719 : memref<1x640xf32, #tpu.memory_space<hbm>> -> memref<640xf32, #tpu.memory_space<hbm>>
      tpu.enqueue_dma source(%arg14 : memref<640xf32, #tpu.memory_space<vmem>>) target(%dma_start3A_720 : memref<640xf32, #tpu.memory_space<hbm>>) target_semaphore(%run_scoped3A_714 : memref<!tpu.dma_semaphore, #tpu.memory_space<semaphore_mem>>)
      %dma_wait3A_721 = arith.constant 0 : i32
      %dma_wait3A_722 = tpu.memref_slice %arg4[%add3A_35, %dma_wait3A_721] : memref<32x640xf32, #tpu.memory_space<hbm>> -> memref<1x640xf32, #tpu.memory_space<hbm>>
      %dma_wait3A_723 = tpu.memref_squeeze %dma_wait3A_722 : memref<1x640xf32, #tpu.memory_space<hbm>> -> memref<640xf32, #tpu.memory_space<hbm>>
      %dma_wait3A_724 = arith.constant 0 : i32
      %dma_wait3A_725 = tpu.memref_slice %arg4[%add3A_35, %dma_wait3A_724] : memref<32x640xf32, #tpu.memory_space<hbm>> -> memref<1x640xf32, #tpu.memory_space<hbm>>
      %dma_wait3A_726 = tpu.memref_squeeze %dma_wait3A_725 : memref<1x640xf32, #tpu.memory_space<hbm>> -> memref<640xf32, #tpu.memory_space<hbm>>
      tpu.wait_dma2 semaphore(%run_scoped3A_714 : memref<!tpu.dma_semaphore, #tpu.memory_space<semaphore_mem>>) src(%arg14 : memref<640xf32, #tpu.memory_space<vmem>>) dst(%dma_wait3A_726 : memref<640xf32, #tpu.memory_space<hbm>>)
      tpu.yield
    }) : () -> ()
    return
  }
}

module attributes {stable_mosaic.version = 14 : i64} {
  func.func @_fin_body(%arg0: memref<32x40x16xf32, #tpu.memory_space<vmem>>, %arg1: memref<8x128xf32, #tpu.memory_space<vmem>>) attributes {dimension_semantics = [], scalar_prefetch = 0 : i64, scratch_operands = 0 : i64, tpu.core_type = #tpu.core_type<tc>} {
    %get3A = arith.constant 0 : index
    %get3A_0 = arith.constant 0 : index
    %get3A_1 = arith.constant 0 : index
    %get3A_2 = vector.load %arg0[%get3A, %get3A_0, %get3A_1] : memref<32x40x16xf32, #tpu.memory_space<vmem>>, vector<1x40x16xf32>
    %get3A_3 = vector.shape_cast %get3A_2 : vector<1x40x16xf32> to vector<40x16xf32>
    %get3A_4 = arith.constant 1 : index
    %get3A_5 = arith.constant 0 : index
    %get3A_6 = arith.constant 0 : index
    %get3A_7 = vector.load %arg0[%get3A_4, %get3A_5, %get3A_6] : memref<32x40x16xf32, #tpu.memory_space<vmem>>, vector<1x40x16xf32>
    %get3A_8 = vector.shape_cast %get3A_7 : vector<1x40x16xf32> to vector<40x16xf32>
    %add3A = arith.addf %get3A_3, %get3A_8 : vector<40x16xf32>
    %get3A_9 = arith.constant 2 : index
    %get3A_10 = arith.constant 0 : index
    %get3A_11 = arith.constant 0 : index
    %get3A_12 = vector.load %arg0[%get3A_9, %get3A_10, %get3A_11] : memref<32x40x16xf32, #tpu.memory_space<vmem>>, vector<1x40x16xf32>
    %get3A_13 = vector.shape_cast %get3A_12 : vector<1x40x16xf32> to vector<40x16xf32>
    %add3A_14 = arith.addf %add3A, %get3A_13 : vector<40x16xf32>
    %get3A_15 = arith.constant 3 : index
    %get3A_16 = arith.constant 0 : index
    %get3A_17 = arith.constant 0 : index
    %get3A_18 = vector.load %arg0[%get3A_15, %get3A_16, %get3A_17] : memref<32x40x16xf32, #tpu.memory_space<vmem>>, vector<1x40x16xf32>
    %get3A_19 = vector.shape_cast %get3A_18 : vector<1x40x16xf32> to vector<40x16xf32>
    %add3A_20 = arith.addf %add3A_14, %get3A_19 : vector<40x16xf32>
    %get3A_21 = arith.constant 4 : index
    %get3A_22 = arith.constant 0 : index
    %get3A_23 = arith.constant 0 : index
    %get3A_24 = vector.load %arg0[%get3A_21, %get3A_22, %get3A_23] : memref<32x40x16xf32, #tpu.memory_space<vmem>>, vector<1x40x16xf32>
    %get3A_25 = vector.shape_cast %get3A_24 : vector<1x40x16xf32> to vector<40x16xf32>
    %add3A_26 = arith.addf %add3A_20, %get3A_25 : vector<40x16xf32>
    %get3A_27 = arith.constant 5 : index
    %get3A_28 = arith.constant 0 : index
    %get3A_29 = arith.constant 0 : index
    %get3A_30 = vector.load %arg0[%get3A_27, %get3A_28, %get3A_29] : memref<32x40x16xf32, #tpu.memory_space<vmem>>, vector<1x40x16xf32>
    %get3A_31 = vector.shape_cast %get3A_30 : vector<1x40x16xf32> to vector<40x16xf32>
    %add3A_32 = arith.addf %add3A_26, %get3A_31 : vector<40x16xf32>
    %get3A_33 = arith.constant 6 : index
    %get3A_34 = arith.constant 0 : index
    %get3A_35 = arith.constant 0 : index
    %get3A_36 = vector.load %arg0[%get3A_33, %get3A_34, %get3A_35] : memref<32x40x16xf32, #tpu.memory_space<vmem>>, vector<1x40x16xf32>
    %get3A_37 = vector.shape_cast %get3A_36 : vector<1x40x16xf32> to vector<40x16xf32>
    %add3A_38 = arith.addf %add3A_32, %get3A_37 : vector<40x16xf32>
    %get3A_39 = arith.constant 7 : index
    %get3A_40 = arith.constant 0 : index
    %get3A_41 = arith.constant 0 : index
    %get3A_42 = vector.load %arg0[%get3A_39, %get3A_40, %get3A_41] : memref<32x40x16xf32, #tpu.memory_space<vmem>>, vector<1x40x16xf32>
    %get3A_43 = vector.shape_cast %get3A_42 : vector<1x40x16xf32> to vector<40x16xf32>
    %add3A_44 = arith.addf %add3A_38, %get3A_43 : vector<40x16xf32>
    %slice3A = vector.extract_strided_slice %add3A_44 {offsets = [1, 0], sizes = [16, 16], strides = [1, 1]} : vector<40x16xf32> to vector<16x16xf32>
    %get3A_45 = arith.constant 0 : index
    %get3A_46 = arith.constant 0 : index
    %get3A_47 = arith.constant 0 : index
    %get3A_48 = vector.load %arg0[%get3A_45, %get3A_46, %get3A_47] : memref<32x40x16xf32, #tpu.memory_space<vmem>>, vector<1x40x16xf32>
    %get3A_49 = vector.shape_cast %get3A_48 : vector<1x40x16xf32> to vector<40x16xf32>
    %slice3A_50 = vector.extract_strided_slice %get3A_49 {offsets = [20, 0], sizes = [16, 16], strides = [1, 1]} : vector<40x16xf32> to vector<16x16xf32>
    %slice3A_51 = vector.extract_strided_slice %get3A_49 {offsets = [36, 0], sizes = [1, 16], strides = [1, 1]} : vector<40x16xf32> to vector<1x16xf32>
    %max3A = arith.constant 1.000000e+00 : f32
    %max3A_52 = vector.broadcast %max3A : f32 to vector<16x16xf32>
    %max3A_53 = arith.maximumf %slice3A_50, %max3A_52 : vector<16x16xf32>
    %div3A = arith.divf %slice3A, %max3A_53 : vector<16x16xf32>
    %gt3A = arith.constant 0.000000e+00 : f32
    %gt3A_54 = vector.broadcast %gt3A : f32 to vector<16x16xf32>
    %gt3A_55 = arith.cmpf ogt, %slice3A_50, %gt3A_54 : vector<16x16xf32>
    %jit3A = arith.constant 1.000000e+00 : f32
    %jit3A_56 = arith.constant 0.000000e+00 : f32
    %broadcast_in_dim3A = vector.broadcast %jit3A : f32 to vector<16x16xf32>
    %broadcast_in_dim3A_57 = vector.broadcast %jit3A_56 : f32 to vector<16x16xf32>
    %select_n3A = arith.select %gt3A_55, %broadcast_in_dim3A, %broadcast_in_dim3A_57 : vector<16x16xi1>, vector<16x16xf32>
    %slice3A_58 = vector.extract_strided_slice %select_n3A {offsets = [0, 0], sizes = [16, 1], strides = [1, 1]} : vector<16x16xf32> to vector<16x1xf32>
    %reduce_sum3A = vector.shape_cast %slice3A_58 : vector<16x1xf32> to vector<1x16x1xf32>
    %reduce_sum3A_59 = arith.constant dense<0.000000e+00> : vector<1xf32>
    %reduce_sum3A_60 = vector.multi_reduction <add>, %reduce_sum3A, %reduce_sum3A_59 [1, 2] : vector<1x16x1xf32> to vector<1xf32>
    %reduce_sum3A_61 = vector.shape_cast %reduce_sum3A_60 : vector<1xf32> to vector<1x1x1xf32>
    %reduce_sum3A_62 = vector.extract %reduce_sum3A_61[0, 0, 0] : f32 from vector<1x1x1xf32>
    %slice3A_63 = vector.extract_strided_slice %div3A {offsets = [0, 0], sizes = [16, 1], strides = [1, 1]} : vector<16x16xf32> to vector<16x1xf32>
    %reduce_sum3A_64 = vector.shape_cast %slice3A_63 : vector<16x1xf32> to vector<1x16x1xf32>
    %reduce_sum3A_65 = arith.constant dense<0.000000e+00> : vector<1xf32>
    %reduce_sum3A_66 = vector.multi_reduction <add>, %reduce_sum3A_64, %reduce_sum3A_65 [1, 2] : vector<1x16x1xf32> to vector<1xf32>
    %reduce_sum3A_67 = vector.shape_cast %reduce_sum3A_66 : vector<1xf32> to vector<1x1x1xf32>
    %reduce_sum3A_68 = vector.extract %reduce_sum3A_67[0, 0, 0] : f32 from vector<1x1x1xf32>
    %gt3A_69 = arith.constant 0.000000e+00 : f32
    %gt3A_70 = arith.cmpf ogt, %reduce_sum3A_62, %gt3A_69 : f32
    %max3A_71 = arith.constant 1.000000e+00 : f32
    %max3A_72 = arith.maximumf %reduce_sum3A_62, %max3A_71 : f32
    %div3A_73 = arith.divf %reduce_sum3A_68, %max3A_72 : f32
    %jit3A_74 = arith.constant 0.000000e+00 : f32
    %select_n3A_75 = arith.select %gt3A_70, %div3A_73, %jit3A_74 : f32
    %reduce_max3A = vector.shape_cast %slice3A_51 : vector<1x16xf32> to vector<1x1x16xf32>
    %reduce_max3A_76 = arith.constant dense<0xFF800000> : vector<1xf32>
    %reduce_max3A_77 = vector.multi_reduction <maximumf>, %reduce_max3A, %reduce_max3A_76 [1, 2] : vector<1x1x16xf32> to vector<1xf32>
    %reduce_max3A_78 = vector.shape_cast %reduce_max3A_77 : vector<1xf32> to vector<1x1x1xf32>
    %reduce_max3A_79 = vector.extract %reduce_max3A_78[0, 0, 0] : f32 from vector<1x1x1xf32>
    %gt3A_80 = arith.constant 0.000000e+00 : f32
    %gt3A_81 = arith.cmpf ogt, %reduce_max3A_79, %gt3A_80 : f32
    %jit3A_82 = arith.constant 1.000000e+00 : f32
    %jit3A_83 = arith.constant 0.000000e+00 : f32
    %select_n3A_84 = arith.select %gt3A_81, %jit3A_82, %jit3A_83 : f32
    %mul3A = arith.mulf %select_n3A_84, %select_n3A_75 : f32
    %add3A_85 = arith.constant 0.000000e+00 : f32
    %add3A_86 = arith.addf %add3A_85, %mul3A : f32
    %slice3A_87 = vector.extract_strided_slice %get3A_49 {offsets = [17, 0], sizes = [1, 16], strides = [1, 1]} : vector<40x16xf32> to vector<1x16xf32>
    %reduce_max3A_88 = vector.shape_cast %slice3A_87 : vector<1x16xf32> to vector<1x1x16xf32>
    %reduce_max3A_89 = arith.constant dense<0xFF800000> : vector<1xf32>
    %reduce_max3A_90 = vector.multi_reduction <maximumf>, %reduce_max3A_88, %reduce_max3A_89 [1, 2] : vector<1x1x16xf32> to vector<1xf32>
    %reduce_max3A_91 = vector.shape_cast %reduce_max3A_90 : vector<1xf32> to vector<1x1x1xf32>
    %reduce_max3A_92 = vector.extract %reduce_max3A_91[0, 0, 0] : f32 from vector<1x1x1xf32>
    %mul3A_93 = arith.mulf %select_n3A_84, %reduce_max3A_92 : f32
    %add3A_94 = arith.constant 0.000000e+00 : f32
    %add3A_95 = arith.addf %add3A_94, %mul3A_93 : f32
    %slice3A_96 = vector.extract_strided_slice %get3A_49 {offsets = [18, 0], sizes = [1, 16], strides = [1, 1]} : vector<40x16xf32> to vector<1x16xf32>
    %reduce_max3A_97 = vector.shape_cast %slice3A_96 : vector<1x16xf32> to vector<1x1x16xf32>
    %reduce_max3A_98 = arith.constant dense<0xFF800000> : vector<1xf32>
    %reduce_max3A_99 = vector.multi_reduction <maximumf>, %reduce_max3A_97, %reduce_max3A_98 [1, 2] : vector<1x1x16xf32> to vector<1xf32>
    %reduce_max3A_100 = vector.shape_cast %reduce_max3A_99 : vector<1xf32> to vector<1x1x1xf32>
    %reduce_max3A_101 = vector.extract %reduce_max3A_100[0, 0, 0] : f32 from vector<1x1x1xf32>
    %mul3A_102 = arith.mulf %select_n3A_84, %reduce_max3A_101 : f32
    %add3A_103 = arith.constant 0.000000e+00 : f32
    %add3A_104 = arith.addf %add3A_103, %mul3A_102 : f32
    %add3A_105 = arith.constant 0.000000e+00 : f32
    %add3A_106 = arith.addf %add3A_105, %select_n3A_84 : f32
    %get3A_107 = arith.constant 8 : index
    %get3A_108 = arith.constant 0 : index
    %get3A_109 = arith.constant 0 : index
    %get3A_110 = vector.load %arg0[%get3A_107, %get3A_108, %get3A_109] : memref<32x40x16xf32, #tpu.memory_space<vmem>>, vector<1x40x16xf32>
    %get3A_111 = vector.shape_cast %get3A_110 : vector<1x40x16xf32> to vector<40x16xf32>
    %get3A_112 = arith.constant 9 : index
    %get3A_113 = arith.constant 0 : index
    %get3A_114 = arith.constant 0 : index
    %get3A_115 = vector.load %arg0[%get3A_112, %get3A_113, %get3A_114] : memref<32x40x16xf32, #tpu.memory_space<vmem>>, vector<1x40x16xf32>
    %get3A_116 = vector.shape_cast %get3A_115 : vector<1x40x16xf32> to vector<40x16xf32>
    %add3A_117 = arith.addf %get3A_111, %get3A_116 : vector<40x16xf32>
    %get3A_118 = arith.constant 10 : index
    %get3A_119 = arith.constant 0 : index
    %get3A_120 = arith.constant 0 : index
    %get3A_121 = vector.load %arg0[%get3A_118, %get3A_119, %get3A_120] : memref<32x40x16xf32, #tpu.memory_space<vmem>>, vector<1x40x16xf32>
    %get3A_122 = vector.shape_cast %get3A_121 : vector<1x40x16xf32> to vector<40x16xf32>
    %add3A_123 = arith.addf %add3A_117, %get3A_122 : vector<40x16xf32>
    %get3A_124 = arith.constant 11 : index
    %get3A_125 = arith.constant 0 : index
    %get3A_126 = arith.constant 0 : index
    %get3A_127 = vector.load %arg0[%get3A_124, %get3A_125, %get3A_126] : memref<32x40x16xf32, #tpu.memory_space<vmem>>, vector<1x40x16xf32>
    %get3A_128 = vector.shape_cast %get3A_127 : vector<1x40x16xf32> to vector<40x16xf32>
    %add3A_129 = arith.addf %add3A_123, %get3A_128 : vector<40x16xf32>
    %get3A_130 = arith.constant 12 : index
    %get3A_131 = arith.constant 0 : index
    %get3A_132 = arith.constant 0 : index
    %get3A_133 = vector.load %arg0[%get3A_130, %get3A_131, %get3A_132] : memref<32x40x16xf32, #tpu.memory_space<vmem>>, vector<1x40x16xf32>
    %get3A_134 = vector.shape_cast %get3A_133 : vector<1x40x16xf32> to vector<40x16xf32>
    %add3A_135 = arith.addf %add3A_129, %get3A_134 : vector<40x16xf32>
    %get3A_136 = arith.constant 13 : index
    %get3A_137 = arith.constant 0 : index
    %get3A_138 = arith.constant 0 : index
    %get3A_139 = vector.load %arg0[%get3A_136, %get3A_137, %get3A_138] : memref<32x40x16xf32, #tpu.memory_space<vmem>>, vector<1x40x16xf32>
    %get3A_140 = vector.shape_cast %get3A_139 : vector<1x40x16xf32> to vector<40x16xf32>
    %add3A_141 = arith.addf %add3A_135, %get3A_140 : vector<40x16xf32>
    %get3A_142 = arith.constant 14 : index
    %get3A_143 = arith.constant 0 : index
    %get3A_144 = arith.constant 0 : index
    %get3A_145 = vector.load %arg0[%get3A_142, %get3A_143, %get3A_144] : memref<32x40x16xf32, #tpu.memory_space<vmem>>, vector<1x40x16xf32>
    %get3A_146 = vector.shape_cast %get3A_145 : vector<1x40x16xf32> to vector<40x16xf32>
    %add3A_147 = arith.addf %add3A_141, %get3A_146 : vector<40x16xf32>
    %get3A_148 = arith.constant 15 : index
    %get3A_149 = arith.constant 0 : index
    %get3A_150 = arith.constant 0 : index
    %get3A_151 = vector.load %arg0[%get3A_148, %get3A_149, %get3A_150] : memref<32x40x16xf32, #tpu.memory_space<vmem>>, vector<1x40x16xf32>
    %get3A_152 = vector.shape_cast %get3A_151 : vector<1x40x16xf32> to vector<40x16xf32>
    %add3A_153 = arith.addf %add3A_147, %get3A_152 : vector<40x16xf32>
    %slice3A_154 = vector.extract_strided_slice %add3A_153 {offsets = [1, 0], sizes = [16, 16], strides = [1, 1]} : vector<40x16xf32> to vector<16x16xf32>
    %get3A_155 = arith.constant 8 : index
    %get3A_156 = arith.constant 0 : index
    %get3A_157 = arith.constant 0 : index
    %get3A_158 = vector.load %arg0[%get3A_155, %get3A_156, %get3A_157] : memref<32x40x16xf32, #tpu.memory_space<vmem>>, vector<1x40x16xf32>
    %get3A_159 = vector.shape_cast %get3A_158 : vector<1x40x16xf32> to vector<40x16xf32>
    %slice3A_160 = vector.extract_strided_slice %get3A_159 {offsets = [20, 0], sizes = [16, 16], strides = [1, 1]} : vector<40x16xf32> to vector<16x16xf32>
    %slice3A_161 = vector.extract_strided_slice %get3A_159 {offsets = [36, 0], sizes = [1, 16], strides = [1, 1]} : vector<40x16xf32> to vector<1x16xf32>
    %max3A_162 = arith.constant 1.000000e+00 : f32
    %max3A_163 = vector.broadcast %max3A_162 : f32 to vector<16x16xf32>
    %max3A_164 = arith.maximumf %slice3A_160, %max3A_163 : vector<16x16xf32>
    %div3A_165 = arith.divf %slice3A_154, %max3A_164 : vector<16x16xf32>
    %gt3A_166 = arith.constant 0.000000e+00 : f32
    %gt3A_167 = vector.broadcast %gt3A_166 : f32 to vector<16x16xf32>
    %gt3A_168 = arith.cmpf ogt, %slice3A_160, %gt3A_167 : vector<16x16xf32>
    %jit3A_169 = arith.constant 1.000000e+00 : f32
    %jit3A_170 = arith.constant 0.000000e+00 : f32
    %broadcast_in_dim3A_171 = vector.broadcast %jit3A_169 : f32 to vector<16x16xf32>
    %broadcast_in_dim3A_172 = vector.broadcast %jit3A_170 : f32 to vector<16x16xf32>
    %select_n3A_173 = arith.select %gt3A_168, %broadcast_in_dim3A_171, %broadcast_in_dim3A_172 : vector<16x16xi1>, vector<16x16xf32>
    %slice3A_174 = vector.extract_strided_slice %select_n3A_173 {offsets = [0, 0], sizes = [16, 1], strides = [1, 1]} : vector<16x16xf32> to vector<16x1xf32>
    %reduce_sum3A_175 = vector.shape_cast %slice3A_174 : vector<16x1xf32> to vector<1x16x1xf32>
    %reduce_sum3A_176 = arith.constant dense<0.000000e+00> : vector<1xf32>
    %reduce_sum3A_177 = vector.multi_reduction <add>, %reduce_sum3A_175, %reduce_sum3A_176 [1, 2] : vector<1x16x1xf32> to vector<1xf32>
    %reduce_sum3A_178 = vector.shape_cast %reduce_sum3A_177 : vector<1xf32> to vector<1x1x1xf32>
    %reduce_sum3A_179 = vector.extract %reduce_sum3A_178[0, 0, 0] : f32 from vector<1x1x1xf32>
    %slice3A_180 = vector.extract_strided_slice %div3A_165 {offsets = [0, 0], sizes = [16, 1], strides = [1, 1]} : vector<16x16xf32> to vector<16x1xf32>
    %reduce_sum3A_181 = vector.shape_cast %slice3A_180 : vector<16x1xf32> to vector<1x16x1xf32>
    %reduce_sum3A_182 = arith.constant dense<0.000000e+00> : vector<1xf32>
    %reduce_sum3A_183 = vector.multi_reduction <add>, %reduce_sum3A_181, %reduce_sum3A_182 [1, 2] : vector<1x16x1xf32> to vector<1xf32>
    %reduce_sum3A_184 = vector.shape_cast %reduce_sum3A_183 : vector<1xf32> to vector<1x1x1xf32>
    %reduce_sum3A_185 = vector.extract %reduce_sum3A_184[0, 0, 0] : f32 from vector<1x1x1xf32>
    %gt3A_186 = arith.constant 0.000000e+00 : f32
    %gt3A_187 = arith.cmpf ogt, %reduce_sum3A_179, %gt3A_186 : f32
    %max3A_188 = arith.constant 1.000000e+00 : f32
    %max3A_189 = arith.maximumf %reduce_sum3A_179, %max3A_188 : f32
    %div3A_190 = arith.divf %reduce_sum3A_185, %max3A_189 : f32
    %jit3A_191 = arith.constant 0.000000e+00 : f32
    %select_n3A_192 = arith.select %gt3A_187, %div3A_190, %jit3A_191 : f32
    %reduce_max3A_193 = vector.shape_cast %slice3A_161 : vector<1x16xf32> to vector<1x1x16xf32>
    %reduce_max3A_194 = arith.constant dense<0xFF800000> : vector<1xf32>
    %reduce_max3A_195 = vector.multi_reduction <maximumf>, %reduce_max3A_193, %reduce_max3A_194 [1, 2] : vector<1x1x16xf32> to vector<1xf32>
    %reduce_max3A_196 = vector.shape_cast %reduce_max3A_195 : vector<1xf32> to vector<1x1x1xf32>
    %reduce_max3A_197 = vector.extract %reduce_max3A_196[0, 0, 0] : f32 from vector<1x1x1xf32>
    %gt3A_198 = arith.constant 0.000000e+00 : f32
    %gt3A_199 = arith.cmpf ogt, %reduce_max3A_197, %gt3A_198 : f32
    %jit3A_200 = arith.constant 1.000000e+00 : f32
    %jit3A_201 = arith.constant 0.000000e+00 : f32
    %select_n3A_202 = arith.select %gt3A_199, %jit3A_200, %jit3A_201 : f32
    %mul3A_203 = arith.mulf %select_n3A_202, %select_n3A_192 : f32
    %add3A_204 = arith.addf %add3A_86, %mul3A_203 : f32
    %slice3A_205 = vector.extract_strided_slice %get3A_159 {offsets = [17, 0], sizes = [1, 16], strides = [1, 1]} : vector<40x16xf32> to vector<1x16xf32>
    %reduce_max3A_206 = vector.shape_cast %slice3A_205 : vector<1x16xf32> to vector<1x1x16xf32>
    %reduce_max3A_207 = arith.constant dense<0xFF800000> : vector<1xf32>
    %reduce_max3A_208 = vector.multi_reduction <maximumf>, %reduce_max3A_206, %reduce_max3A_207 [1, 2] : vector<1x1x16xf32> to vector<1xf32>
    %reduce_max3A_209 = vector.shape_cast %reduce_max3A_208 : vector<1xf32> to vector<1x1x1xf32>
    %reduce_max3A_210 = vector.extract %reduce_max3A_209[0, 0, 0] : f32 from vector<1x1x1xf32>
    %mul3A_211 = arith.mulf %select_n3A_202, %reduce_max3A_210 : f32
    %add3A_212 = arith.addf %add3A_95, %mul3A_211 : f32
    %slice3A_213 = vector.extract_strided_slice %get3A_159 {offsets = [18, 0], sizes = [1, 16], strides = [1, 1]} : vector<40x16xf32> to vector<1x16xf32>
    %reduce_max3A_214 = vector.shape_cast %slice3A_213 : vector<1x16xf32> to vector<1x1x16xf32>
    %reduce_max3A_215 = arith.constant dense<0xFF800000> : vector<1xf32>
    %reduce_max3A_216 = vector.multi_reduction <maximumf>, %reduce_max3A_214, %reduce_max3A_215 [1, 2] : vector<1x1x16xf32> to vector<1xf32>
    %reduce_max3A_217 = vector.shape_cast %reduce_max3A_216 : vector<1xf32> to vector<1x1x1xf32>
    %reduce_max3A_218 = vector.extract %reduce_max3A_217[0, 0, 0] : f32 from vector<1x1x1xf32>
    %mul3A_219 = arith.mulf %select_n3A_202, %reduce_max3A_218 : f32
    %add3A_220 = arith.addf %add3A_104, %mul3A_219 : f32
    %add3A_221 = arith.addf %add3A_106, %select_n3A_202 : f32
    %get3A_222 = arith.constant 16 : index
    %get3A_223 = arith.constant 0 : index
    %get3A_224 = arith.constant 0 : index
    %get3A_225 = vector.load %arg0[%get3A_222, %get3A_223, %get3A_224] : memref<32x40x16xf32, #tpu.memory_space<vmem>>, vector<1x40x16xf32>
    %get3A_226 = vector.shape_cast %get3A_225 : vector<1x40x16xf32> to vector<40x16xf32>
    %get3A_227 = arith.constant 17 : index
    %get3A_228 = arith.constant 0 : index
    %get3A_229 = arith.constant 0 : index
    %get3A_230 = vector.load %arg0[%get3A_227, %get3A_228, %get3A_229] : memref<32x40x16xf32, #tpu.memory_space<vmem>>, vector<1x40x16xf32>
    %get3A_231 = vector.shape_cast %get3A_230 : vector<1x40x16xf32> to vector<40x16xf32>
    %add3A_232 = arith.addf %get3A_226, %get3A_231 : vector<40x16xf32>
    %get3A_233 = arith.constant 18 : index
    %get3A_234 = arith.constant 0 : index
    %get3A_235 = arith.constant 0 : index
    %get3A_236 = vector.load %arg0[%get3A_233, %get3A_234, %get3A_235] : memref<32x40x16xf32, #tpu.memory_space<vmem>>, vector<1x40x16xf32>
    %get3A_237 = vector.shape_cast %get3A_236 : vector<1x40x16xf32> to vector<40x16xf32>
    %add3A_238 = arith.addf %add3A_232, %get3A_237 : vector<40x16xf32>
    %get3A_239 = arith.constant 19 : index
    %get3A_240 = arith.constant 0 : index
    %get3A_241 = arith.constant 0 : index
    %get3A_242 = vector.load %arg0[%get3A_239, %get3A_240, %get3A_241] : memref<32x40x16xf32, #tpu.memory_space<vmem>>, vector<1x40x16xf32>
    %get3A_243 = vector.shape_cast %get3A_242 : vector<1x40x16xf32> to vector<40x16xf32>
    %add3A_244 = arith.addf %add3A_238, %get3A_243 : vector<40x16xf32>
    %get3A_245 = arith.constant 20 : index
    %get3A_246 = arith.constant 0 : index
    %get3A_247 = arith.constant 0 : index
    %get3A_248 = vector.load %arg0[%get3A_245, %get3A_246, %get3A_247] : memref<32x40x16xf32, #tpu.memory_space<vmem>>, vector<1x40x16xf32>
    %get3A_249 = vector.shape_cast %get3A_248 : vector<1x40x16xf32> to vector<40x16xf32>
    %add3A_250 = arith.addf %add3A_244, %get3A_249 : vector<40x16xf32>
    %get3A_251 = arith.constant 21 : index
    %get3A_252 = arith.constant 0 : index
    %get3A_253 = arith.constant 0 : index
    %get3A_254 = vector.load %arg0[%get3A_251, %get3A_252, %get3A_253] : memref<32x40x16xf32, #tpu.memory_space<vmem>>, vector<1x40x16xf32>
    %get3A_255 = vector.shape_cast %get3A_254 : vector<1x40x16xf32> to vector<40x16xf32>
    %add3A_256 = arith.addf %add3A_250, %get3A_255 : vector<40x16xf32>
    %get3A_257 = arith.constant 22 : index
    %get3A_258 = arith.constant 0 : index
    %get3A_259 = arith.constant 0 : index
    %get3A_260 = vector.load %arg0[%get3A_257, %get3A_258, %get3A_259] : memref<32x40x16xf32, #tpu.memory_space<vmem>>, vector<1x40x16xf32>
    %get3A_261 = vector.shape_cast %get3A_260 : vector<1x40x16xf32> to vector<40x16xf32>
    %add3A_262 = arith.addf %add3A_256, %get3A_261 : vector<40x16xf32>
    %get3A_263 = arith.constant 23 : index
    %get3A_264 = arith.constant 0 : index
    %get3A_265 = arith.constant 0 : index
    %get3A_266 = vector.load %arg0[%get3A_263, %get3A_264, %get3A_265] : memref<32x40x16xf32, #tpu.memory_space<vmem>>, vector<1x40x16xf32>
    %get3A_267 = vector.shape_cast %get3A_266 : vector<1x40x16xf32> to vector<40x16xf32>
    %add3A_268 = arith.addf %add3A_262, %get3A_267 : vector<40x16xf32>
    %slice3A_269 = vector.extract_strided_slice %add3A_268 {offsets = [1, 0], sizes = [16, 16], strides = [1, 1]} : vector<40x16xf32> to vector<16x16xf32>
    %get3A_270 = arith.constant 16 : index
    %get3A_271 = arith.constant 0 : index
    %get3A_272 = arith.constant 0 : index
    %get3A_273 = vector.load %arg0[%get3A_270, %get3A_271, %get3A_272] : memref<32x40x16xf32, #tpu.memory_space<vmem>>, vector<1x40x16xf32>
    %get3A_274 = vector.shape_cast %get3A_273 : vector<1x40x16xf32> to vector<40x16xf32>
    %slice3A_275 = vector.extract_strided_slice %get3A_274 {offsets = [20, 0], sizes = [16, 16], strides = [1, 1]} : vector<40x16xf32> to vector<16x16xf32>
    %slice3A_276 = vector.extract_strided_slice %get3A_274 {offsets = [36, 0], sizes = [1, 16], strides = [1, 1]} : vector<40x16xf32> to vector<1x16xf32>
    %max3A_277 = arith.constant 1.000000e+00 : f32
    %max3A_278 = vector.broadcast %max3A_277 : f32 to vector<16x16xf32>
    %max3A_279 = arith.maximumf %slice3A_275, %max3A_278 : vector<16x16xf32>
    %div3A_280 = arith.divf %slice3A_269, %max3A_279 : vector<16x16xf32>
    %gt3A_281 = arith.constant 0.000000e+00 : f32
    %gt3A_282 = vector.broadcast %gt3A_281 : f32 to vector<16x16xf32>
    %gt3A_283 = arith.cmpf ogt, %slice3A_275, %gt3A_282 : vector<16x16xf32>
    %jit3A_284 = arith.constant 1.000000e+00 : f32
    %jit3A_285 = arith.constant 0.000000e+00 : f32
    %broadcast_in_dim3A_286 = vector.broadcast %jit3A_284 : f32 to vector<16x16xf32>
    %broadcast_in_dim3A_287 = vector.broadcast %jit3A_285 : f32 to vector<16x16xf32>
    %select_n3A_288 = arith.select %gt3A_283, %broadcast_in_dim3A_286, %broadcast_in_dim3A_287 : vector<16x16xi1>, vector<16x16xf32>
    %slice3A_289 = vector.extract_strided_slice %select_n3A_288 {offsets = [0, 0], sizes = [16, 1], strides = [1, 1]} : vector<16x16xf32> to vector<16x1xf32>
    %reduce_sum3A_290 = vector.shape_cast %slice3A_289 : vector<16x1xf32> to vector<1x16x1xf32>
    %reduce_sum3A_291 = arith.constant dense<0.000000e+00> : vector<1xf32>
    %reduce_sum3A_292 = vector.multi_reduction <add>, %reduce_sum3A_290, %reduce_sum3A_291 [1, 2] : vector<1x16x1xf32> to vector<1xf32>
    %reduce_sum3A_293 = vector.shape_cast %reduce_sum3A_292 : vector<1xf32> to vector<1x1x1xf32>
    %reduce_sum3A_294 = vector.extract %reduce_sum3A_293[0, 0, 0] : f32 from vector<1x1x1xf32>
    %slice3A_295 = vector.extract_strided_slice %div3A_280 {offsets = [0, 0], sizes = [16, 1], strides = [1, 1]} : vector<16x16xf32> to vector<16x1xf32>
    %reduce_sum3A_296 = vector.shape_cast %slice3A_295 : vector<16x1xf32> to vector<1x16x1xf32>
    %reduce_sum3A_297 = arith.constant dense<0.000000e+00> : vector<1xf32>
    %reduce_sum3A_298 = vector.multi_reduction <add>, %reduce_sum3A_296, %reduce_sum3A_297 [1, 2] : vector<1x16x1xf32> to vector<1xf32>
    %reduce_sum3A_299 = vector.shape_cast %reduce_sum3A_298 : vector<1xf32> to vector<1x1x1xf32>
    %reduce_sum3A_300 = vector.extract %reduce_sum3A_299[0, 0, 0] : f32 from vector<1x1x1xf32>
    %gt3A_301 = arith.constant 0.000000e+00 : f32
    %gt3A_302 = arith.cmpf ogt, %reduce_sum3A_294, %gt3A_301 : f32
    %max3A_303 = arith.constant 1.000000e+00 : f32
    %max3A_304 = arith.maximumf %reduce_sum3A_294, %max3A_303 : f32
    %div3A_305 = arith.divf %reduce_sum3A_300, %max3A_304 : f32
    %jit3A_306 = arith.constant 0.000000e+00 : f32
    %select_n3A_307 = arith.select %gt3A_302, %div3A_305, %jit3A_306 : f32
    %reduce_max3A_308 = vector.shape_cast %slice3A_276 : vector<1x16xf32> to vector<1x1x16xf32>
    %reduce_max3A_309 = arith.constant dense<0xFF800000> : vector<1xf32>
    %reduce_max3A_310 = vector.multi_reduction <maximumf>, %reduce_max3A_308, %reduce_max3A_309 [1, 2] : vector<1x1x16xf32> to vector<1xf32>
    %reduce_max3A_311 = vector.shape_cast %reduce_max3A_310 : vector<1xf32> to vector<1x1x1xf32>
    %reduce_max3A_312 = vector.extract %reduce_max3A_311[0, 0, 0] : f32 from vector<1x1x1xf32>
    %gt3A_313 = arith.constant 0.000000e+00 : f32
    %gt3A_314 = arith.cmpf ogt, %reduce_max3A_312, %gt3A_313 : f32
    %jit3A_315 = arith.constant 1.000000e+00 : f32
    %jit3A_316 = arith.constant 0.000000e+00 : f32
    %select_n3A_317 = arith.select %gt3A_314, %jit3A_315, %jit3A_316 : f32
    %mul3A_318 = arith.mulf %select_n3A_317, %select_n3A_307 : f32
    %add3A_319 = arith.addf %add3A_204, %mul3A_318 : f32
    %slice3A_320 = vector.extract_strided_slice %get3A_274 {offsets = [17, 0], sizes = [1, 16], strides = [1, 1]} : vector<40x16xf32> to vector<1x16xf32>
    %reduce_max3A_321 = vector.shape_cast %slice3A_320 : vector<1x16xf32> to vector<1x1x16xf32>
    %reduce_max3A_322 = arith.constant dense<0xFF800000> : vector<1xf32>
    %reduce_max3A_323 = vector.multi_reduction <maximumf>, %reduce_max3A_321, %reduce_max3A_322 [1, 2] : vector<1x1x16xf32> to vector<1xf32>
    %reduce_max3A_324 = vector.shape_cast %reduce_max3A_323 : vector<1xf32> to vector<1x1x1xf32>
    %reduce_max3A_325 = vector.extract %reduce_max3A_324[0, 0, 0] : f32 from vector<1x1x1xf32>
    %mul3A_326 = arith.mulf %select_n3A_317, %reduce_max3A_325 : f32
    %add3A_327 = arith.addf %add3A_212, %mul3A_326 : f32
    %slice3A_328 = vector.extract_strided_slice %get3A_274 {offsets = [18, 0], sizes = [1, 16], strides = [1, 1]} : vector<40x16xf32> to vector<1x16xf32>
    %reduce_max3A_329 = vector.shape_cast %slice3A_328 : vector<1x16xf32> to vector<1x1x16xf32>
    %reduce_max3A_330 = arith.constant dense<0xFF800000> : vector<1xf32>
    %reduce_max3A_331 = vector.multi_reduction <maximumf>, %reduce_max3A_329, %reduce_max3A_330 [1, 2] : vector<1x1x16xf32> to vector<1xf32>
    %reduce_max3A_332 = vector.shape_cast %reduce_max3A_331 : vector<1xf32> to vector<1x1x1xf32>
    %reduce_max3A_333 = vector.extract %reduce_max3A_332[0, 0, 0] : f32 from vector<1x1x1xf32>
    %mul3A_334 = arith.mulf %select_n3A_317, %reduce_max3A_333 : f32
    %add3A_335 = arith.addf %add3A_220, %mul3A_334 : f32
    %add3A_336 = arith.addf %add3A_221, %select_n3A_317 : f32
    %get3A_337 = arith.constant 24 : index
    %get3A_338 = arith.constant 0 : index
    %get3A_339 = arith.constant 0 : index
    %get3A_340 = vector.load %arg0[%get3A_337, %get3A_338, %get3A_339] : memref<32x40x16xf32, #tpu.memory_space<vmem>>, vector<1x40x16xf32>
    %get3A_341 = vector.shape_cast %get3A_340 : vector<1x40x16xf32> to vector<40x16xf32>
    %get3A_342 = arith.constant 25 : index
    %get3A_343 = arith.constant 0 : index
    %get3A_344 = arith.constant 0 : index
    %get3A_345 = vector.load %arg0[%get3A_342, %get3A_343, %get3A_344] : memref<32x40x16xf32, #tpu.memory_space<vmem>>, vector<1x40x16xf32>
    %get3A_346 = vector.shape_cast %get3A_345 : vector<1x40x16xf32> to vector<40x16xf32>
    %add3A_347 = arith.addf %get3A_341, %get3A_346 : vector<40x16xf32>
    %get3A_348 = arith.constant 26 : index
    %get3A_349 = arith.constant 0 : index
    %get3A_350 = arith.constant 0 : index
    %get3A_351 = vector.load %arg0[%get3A_348, %get3A_349, %get3A_350] : memref<32x40x16xf32, #tpu.memory_space<vmem>>, vector<1x40x16xf32>
    %get3A_352 = vector.shape_cast %get3A_351 : vector<1x40x16xf32> to vector<40x16xf32>
    %add3A_353 = arith.addf %add3A_347, %get3A_352 : vector<40x16xf32>
    %get3A_354 = arith.constant 27 : index
    %get3A_355 = arith.constant 0 : index
    %get3A_356 = arith.constant 0 : index
    %get3A_357 = vector.load %arg0[%get3A_354, %get3A_355, %get3A_356] : memref<32x40x16xf32, #tpu.memory_space<vmem>>, vector<1x40x16xf32>
    %get3A_358 = vector.shape_cast %get3A_357 : vector<1x40x16xf32> to vector<40x16xf32>
    %add3A_359 = arith.addf %add3A_353, %get3A_358 : vector<40x16xf32>
    %get3A_360 = arith.constant 28 : index
    %get3A_361 = arith.constant 0 : index
    %get3A_362 = arith.constant 0 : index
    %get3A_363 = vector.load %arg0[%get3A_360, %get3A_361, %get3A_362] : memref<32x40x16xf32, #tpu.memory_space<vmem>>, vector<1x40x16xf32>
    %get3A_364 = vector.shape_cast %get3A_363 : vector<1x40x16xf32> to vector<40x16xf32>
    %add3A_365 = arith.addf %add3A_359, %get3A_364 : vector<40x16xf32>
    %get3A_366 = arith.constant 29 : index
    %get3A_367 = arith.constant 0 : index
    %get3A_368 = arith.constant 0 : index
    %get3A_369 = vector.load %arg0[%get3A_366, %get3A_367, %get3A_368] : memref<32x40x16xf32, #tpu.memory_space<vmem>>, vector<1x40x16xf32>
    %get3A_370 = vector.shape_cast %get3A_369 : vector<1x40x16xf32> to vector<40x16xf32>
    %add3A_371 = arith.addf %add3A_365, %get3A_370 : vector<40x16xf32>
    %get3A_372 = arith.constant 30 : index
    %get3A_373 = arith.constant 0 : index
    %get3A_374 = arith.constant 0 : index
    %get3A_375 = vector.load %arg0[%get3A_372, %get3A_373, %get3A_374] : memref<32x40x16xf32, #tpu.memory_space<vmem>>, vector<1x40x16xf32>
    %get3A_376 = vector.shape_cast %get3A_375 : vector<1x40x16xf32> to vector<40x16xf32>
    %add3A_377 = arith.addf %add3A_371, %get3A_376 : vector<40x16xf32>
    %get3A_378 = arith.constant 31 : index
    %get3A_379 = arith.constant 0 : index
    %get3A_380 = arith.constant 0 : index
    %get3A_381 = vector.load %arg0[%get3A_378, %get3A_379, %get3A_380] : memref<32x40x16xf32, #tpu.memory_space<vmem>>, vector<1x40x16xf32>
    %get3A_382 = vector.shape_cast %get3A_381 : vector<1x40x16xf32> to vector<40x16xf32>
    %add3A_383 = arith.addf %add3A_377, %get3A_382 : vector<40x16xf32>
    %slice3A_384 = vector.extract_strided_slice %add3A_383 {offsets = [1, 0], sizes = [16, 16], strides = [1, 1]} : vector<40x16xf32> to vector<16x16xf32>
    %get3A_385 = arith.constant 24 : index
    %get3A_386 = arith.constant 0 : index
    %get3A_387 = arith.constant 0 : index
    %get3A_388 = vector.load %arg0[%get3A_385, %get3A_386, %get3A_387] : memref<32x40x16xf32, #tpu.memory_space<vmem>>, vector<1x40x16xf32>
    %get3A_389 = vector.shape_cast %get3A_388 : vector<1x40x16xf32> to vector<40x16xf32>
    %slice3A_390 = vector.extract_strided_slice %get3A_389 {offsets = [20, 0], sizes = [16, 16], strides = [1, 1]} : vector<40x16xf32> to vector<16x16xf32>
    %slice3A_391 = vector.extract_strided_slice %get3A_389 {offsets = [36, 0], sizes = [1, 16], strides = [1, 1]} : vector<40x16xf32> to vector<1x16xf32>
    %max3A_392 = arith.constant 1.000000e+00 : f32
    %max3A_393 = vector.broadcast %max3A_392 : f32 to vector<16x16xf32>
    %max3A_394 = arith.maximumf %slice3A_390, %max3A_393 : vector<16x16xf32>
    %div3A_395 = arith.divf %slice3A_384, %max3A_394 : vector<16x16xf32>
    %gt3A_396 = arith.constant 0.000000e+00 : f32
    %gt3A_397 = vector.broadcast %gt3A_396 : f32 to vector<16x16xf32>
    %gt3A_398 = arith.cmpf ogt, %slice3A_390, %gt3A_397 : vector<16x16xf32>
    %jit3A_399 = arith.constant 1.000000e+00 : f32
    %jit3A_400 = arith.constant 0.000000e+00 : f32
    %broadcast_in_dim3A_401 = vector.broadcast %jit3A_399 : f32 to vector<16x16xf32>
    %broadcast_in_dim3A_402 = vector.broadcast %jit3A_400 : f32 to vector<16x16xf32>
    %select_n3A_403 = arith.select %gt3A_398, %broadcast_in_dim3A_401, %broadcast_in_dim3A_402 : vector<16x16xi1>, vector<16x16xf32>
    %slice3A_404 = vector.extract_strided_slice %select_n3A_403 {offsets = [0, 0], sizes = [16, 1], strides = [1, 1]} : vector<16x16xf32> to vector<16x1xf32>
    %reduce_sum3A_405 = vector.shape_cast %slice3A_404 : vector<16x1xf32> to vector<1x16x1xf32>
    %reduce_sum3A_406 = arith.constant dense<0.000000e+00> : vector<1xf32>
    %reduce_sum3A_407 = vector.multi_reduction <add>, %reduce_sum3A_405, %reduce_sum3A_406 [1, 2] : vector<1x16x1xf32> to vector<1xf32>
    %reduce_sum3A_408 = vector.shape_cast %reduce_sum3A_407 : vector<1xf32> to vector<1x1x1xf32>
    %reduce_sum3A_409 = vector.extract %reduce_sum3A_408[0, 0, 0] : f32 from vector<1x1x1xf32>
    %slice3A_410 = vector.extract_strided_slice %div3A_395 {offsets = [0, 0], sizes = [16, 1], strides = [1, 1]} : vector<16x16xf32> to vector<16x1xf32>
    %reduce_sum3A_411 = vector.shape_cast %slice3A_410 : vector<16x1xf32> to vector<1x16x1xf32>
    %reduce_sum3A_412 = arith.constant dense<0.000000e+00> : vector<1xf32>
    %reduce_sum3A_413 = vector.multi_reduction <add>, %reduce_sum3A_411, %reduce_sum3A_412 [1, 2] : vector<1x16x1xf32> to vector<1xf32>
    %reduce_sum3A_414 = vector.shape_cast %reduce_sum3A_413 : vector<1xf32> to vector<1x1x1xf32>
    %reduce_sum3A_415 = vector.extract %reduce_sum3A_414[0, 0, 0] : f32 from vector<1x1x1xf32>
    %gt3A_416 = arith.constant 0.000000e+00 : f32
    %gt3A_417 = arith.cmpf ogt, %reduce_sum3A_409, %gt3A_416 : f32
    %max3A_418 = arith.constant 1.000000e+00 : f32
    %max3A_419 = arith.maximumf %reduce_sum3A_409, %max3A_418 : f32
    %div3A_420 = arith.divf %reduce_sum3A_415, %max3A_419 : f32
    %jit3A_421 = arith.constant 0.000000e+00 : f32
    %select_n3A_422 = arith.select %gt3A_417, %div3A_420, %jit3A_421 : f32
    %reduce_max3A_423 = vector.shape_cast %slice3A_391 : vector<1x16xf32> to vector<1x1x16xf32>
    %reduce_max3A_424 = arith.constant dense<0xFF800000> : vector<1xf32>
    %reduce_max3A_425 = vector.multi_reduction <maximumf>, %reduce_max3A_423, %reduce_max3A_424 [1, 2] : vector<1x1x16xf32> to vector<1xf32>
    %reduce_max3A_426 = vector.shape_cast %reduce_max3A_425 : vector<1xf32> to vector<1x1x1xf32>
    %reduce_max3A_427 = vector.extract %reduce_max3A_426[0, 0, 0] : f32 from vector<1x1x1xf32>
    %gt3A_428 = arith.constant 0.000000e+00 : f32
    %gt3A_429 = arith.cmpf ogt, %reduce_max3A_427, %gt3A_428 : f32
    %jit3A_430 = arith.constant 1.000000e+00 : f32
    %jit3A_431 = arith.constant 0.000000e+00 : f32
    %select_n3A_432 = arith.select %gt3A_429, %jit3A_430, %jit3A_431 : f32
    %mul3A_433 = arith.mulf %select_n3A_432, %select_n3A_422 : f32
    %add3A_434 = arith.addf %add3A_319, %mul3A_433 : f32
    %slice3A_435 = vector.extract_strided_slice %get3A_389 {offsets = [17, 0], sizes = [1, 16], strides = [1, 1]} : vector<40x16xf32> to vector<1x16xf32>
    %reduce_max3A_436 = vector.shape_cast %slice3A_435 : vector<1x16xf32> to vector<1x1x16xf32>
    %reduce_max3A_437 = arith.constant dense<0xFF800000> : vector<1xf32>
    %reduce_max3A_438 = vector.multi_reduction <maximumf>, %reduce_max3A_436, %reduce_max3A_437 [1, 2] : vector<1x1x16xf32> to vector<1xf32>
    %reduce_max3A_439 = vector.shape_cast %reduce_max3A_438 : vector<1xf32> to vector<1x1x1xf32>
    %reduce_max3A_440 = vector.extract %reduce_max3A_439[0, 0, 0] : f32 from vector<1x1x1xf32>
    %mul3A_441 = arith.mulf %select_n3A_432, %reduce_max3A_440 : f32
    %add3A_442 = arith.addf %add3A_327, %mul3A_441 : f32
    %slice3A_443 = vector.extract_strided_slice %get3A_389 {offsets = [18, 0], sizes = [1, 16], strides = [1, 1]} : vector<40x16xf32> to vector<1x16xf32>
    %reduce_max3A_444 = vector.shape_cast %slice3A_443 : vector<1x16xf32> to vector<1x1x16xf32>
    %reduce_max3A_445 = arith.constant dense<0xFF800000> : vector<1xf32>
    %reduce_max3A_446 = vector.multi_reduction <maximumf>, %reduce_max3A_444, %reduce_max3A_445 [1, 2] : vector<1x1x16xf32> to vector<1xf32>
    %reduce_max3A_447 = vector.shape_cast %reduce_max3A_446 : vector<1xf32> to vector<1x1x1xf32>
    %reduce_max3A_448 = vector.extract %reduce_max3A_447[0, 0, 0] : f32 from vector<1x1x1xf32>
    %mul3A_449 = arith.mulf %select_n3A_432, %reduce_max3A_448 : f32
    %add3A_450 = arith.addf %add3A_335, %mul3A_449 : f32
    %add3A_451 = arith.addf %add3A_336, %select_n3A_432 : f32
    %max3A_452 = arith.constant 1.000000e+00 : f32
    %max3A_453 = arith.maximumf %add3A_451, %max3A_452 : f32
    %gt3A_454 = arith.constant 0.000000e+00 : f32
    %gt3A_455 = arith.cmpf ogt, %add3A_451, %gt3A_454 : f32
    %div3A_456 = arith.divf %add3A_434, %max3A_453 : f32
    %select_n3A_457 = arith.select %gt3A_455, %div3A_456, %add3A_434 : f32
    %gt3A_458 = arith.constant 0.000000e+00 : f32
    %gt3A_459 = arith.cmpf ogt, %add3A_451, %gt3A_458 : f32
    %div3A_460 = arith.divf %add3A_442, %max3A_453 : f32
    %select_n3A_461 = arith.select %gt3A_459, %div3A_460, %add3A_442 : f32
    %gt3A_462 = arith.constant 0.000000e+00 : f32
    %gt3A_463 = arith.cmpf ogt, %add3A_451, %gt3A_462 : f32
    %div3A_464 = arith.divf %add3A_450, %max3A_453 : f32
    %select_n3A_465 = arith.select %gt3A_463, %div3A_464, %add3A_450 : f32
    %mul3A_466 = arith.constant 1.000000e+00 : f32
    %mul3A_467 = arith.mulf %mul3A_466, %select_n3A_457 : f32
    %mul3A_468 = arith.constant 1.000000e+00 : f32
    %mul3A_469 = arith.mulf %mul3A_468, %select_n3A_461 : f32
    %add3A_470 = arith.addf %mul3A_467, %mul3A_469 : f32
    %mul3A_471 = arith.constant 1.000000e-03 : f32
    %mul3A_472 = arith.mulf %mul3A_471, %select_n3A_465 : f32
    %add3A_473 = arith.addf %add3A_470, %mul3A_472 : f32
    %broadcast_in_dim3A_474 = vector.broadcast %add3A_473 : f32 to vector<1x128xf32>
    %swap3A = arith.constant 0 : index
    %swap3A_475 = arith.constant 0 : index
    %swap3A_476 = vector.load %arg1[%swap3A, %swap3A_475] : memref<8x128xf32, #tpu.memory_space<vmem>>, vector<1x128xf32>
    tpu.vector_store %arg1[%swap3A, %swap3A_475], %broadcast_in_dim3A_474 {strides = array<i32>} : memref<8x128xf32, #tpu.memory_space<vmem>>, vector<1x128xf32>,
    %broadcast_in_dim3A_477 = vector.broadcast %select_n3A_457 : f32 to vector<1x128xf32>
    %swap3A_478 = arith.constant 1 : index
    %swap3A_479 = arith.constant 0 : index
    %swap3A_480 = vector.load %arg1[%swap3A_478, %swap3A_479] : memref<8x128xf32, #tpu.memory_space<vmem>>, vector<1x128xf32>
    tpu.vector_store %arg1[%swap3A_478, %swap3A_479], %broadcast_in_dim3A_477 {strides = array<i32>} : memref<8x128xf32, #tpu.memory_space<vmem>>, vector<1x128xf32>,
    %broadcast_in_dim3A_481 = vector.broadcast %select_n3A_461 : f32 to vector<1x128xf32>
    %swap3A_482 = arith.constant 2 : index
    %swap3A_483 = arith.constant 0 : index
    %swap3A_484 = vector.load %arg1[%swap3A_482, %swap3A_483] : memref<8x128xf32, #tpu.memory_space<vmem>>, vector<1x128xf32>
    tpu.vector_store %arg1[%swap3A_482, %swap3A_483], %broadcast_in_dim3A_481 {strides = array<i32>} : memref<8x128xf32, #tpu.memory_space<vmem>>, vector<1x128xf32>,
    %broadcast_in_dim3A_485 = vector.broadcast %select_n3A_465 : f32 to vector<1x128xf32>
    %swap3A_486 = arith.constant 3 : index
    %swap3A_487 = arith.constant 0 : index
    %swap3A_488 = vector.load %arg1[%swap3A_486, %swap3A_487] : memref<8x128xf32, #tpu.memory_space<vmem>>, vector<1x128xf32>
    tpu.vector_store %arg1[%swap3A_486, %swap3A_487], %broadcast_in_dim3A_485 {strides = array<i32>} : memref<8x128xf32, #tpu.memory_space<vmem>>, vector<1x128xf32>,
    %broadcast_in_dim3A_489 = arith.constant 0.000000e+00 : f32
    %broadcast_in_dim3A_490 = vector.broadcast %broadcast_in_dim3A_489 : f32 to vector<4x128xf32>
    %swap3A_491 = arith.constant 4 : index
    %swap3A_492 = arith.constant 0 : index
    %swap3A_493 = vector.load %arg1[%swap3A_491, %swap3A_492] : memref<8x128xf32, #tpu.memory_space<vmem>>, vector<4x128xf32>
    tpu.vector_store %arg1[%swap3A_491, %swap3A_492], %broadcast_in_dim3A_490 {strides = array<i32>} : memref<8x128xf32, #tpu.memory_space<vmem>>, vector<4x128xf32>,
    return
  }
}

</mosaic_0001>

<sc_bundles>
// kernel: kernel.4.cloned.1.call-start
scs
__scs_entry_jumppad:
0x0: {  	(pc) =	sbr.rel $0x88, $3  }
0x1: {  	(tag) =	ssettag $0x0;
	lr =	simm.s32 $0x1  }
0x2: {  	[smem:$0x3F9F] =	sst lr;
	_ =	strace $0xD0000000  }
0x3: {  	_ = 	snop  }
0x4: {  	_ = 	snop  }
0x5: {  	_ = 	snop  }
0x6: {  	_ = 	snop  }
0x7: {  	_ = 	snop  }
__scs_overlays_trampoline_lowered:
0x8: {  	[smem:$0x3FAE] =	sst s0  }
0x9: {  	[smem:$0x3FAF] =	sst s1  }
0xa: {  	[smem:$0x3FB0] =	sst s2  }
0xb: {  	[smem:$0x3FB1] =	sst s3  }
0xc: {  	[smem:$0x3FB2] =	sst s4  }
0xd: {  	[smem:$0x3FB3] =	sst s5  }
0xe: {  	[smem:$0x3FB4] =	sst s6  }
0xf: {  	[smem:$0x3FB5] =	sst s7  }
0x10: {  	[smem:$0x3FB6] =	sst s8  }
0x11: {  	[smem:$0x3FB7] =	sst s9;
	s0 =	simm.s32 @!p0 $0x0  }
0x12: {  	s1 =	sld [smem:$0x3F9D];
	s0 =	simm.s32 @p0 $0x1  }
0x13: {  	[smem:$0x3FB8] =	sst s0;
	s0 =	simm.s32 @!p1 $0x0  }
0x14: {  	s2 =	sld [smem:$0x3F9C];
	s0 =	simm.s32 @p1 $0x1  }
0x15: {  	[smem:$0x3FB9] =	sst s0;
	s0 =	simm.s32 @!p2 $0x0  }
0x16: {  	s3 =	sld [smem:$0x3FDB];
	s0 =	simm.s32 @p2 $0x1  }
0x17: {  	s4 =	simm.s32 $0x1BF5;
	[smem:$0x3FBB] =	sst s0  }
0x18: {  	s0 =	sld [smem:$0x3F9E];
	_ =	swait.ge [sflag:s4], $0x0  }
0x19: {  	s7 =	sld [smem:$0x3F9F]  }
0x1a: {  	s8 =	sadd.s32 $0xFFFFE003, lr  }
0x1b: {  	s9 =	sadd.s32 $0xFFFFFEF7, lr;
	s5 =	simm.s32 $0xFFFFFFFF;
	p2 =	slt.u32 s8, $0xFFFFF086  }
0x1c: {  	p1 =	slt.u32 s9, $0xF7A;
	s5 =	simm.s32 @!p2 $0x0  }
0x1d: {  	s5 =	simm.s32 @p1 $0x1;
	p0 =	seq.s32 s7, s2  }
0x1e: {  	s7 =	smul.u32 @!p0 $0xF7A, s2;
	p2 =	seq.s32 @!p0 s5, $0x0  }
0x1f: {  	s9 =	smul.u32 $0xF7A, s1;
	s8 =	simm.s32 @!p0 $0x1BF5;
	p2 =	por !p2, p0  }
0x20: {  	[sflag:s8] =	ssyncset.s32 @!p0 $0xFFFFF086;
	s6 =	sadd.s32 @!p0 s3, s7;
	s7 =	simm.s32 @!p0 $0x108  }
0x21: {  	s3 =	sadd.s32 s3, s9;
	s6 =	sadd.s32 @!p0 $0x88, s6;
	s7 =	simm.s32 @p2 $0x1082  }
0x22: {  	[simem:s7], [sflag:s8] =	dma.local @!p0 [hbm:s6], $0xF7A  }
0x23: {  	s9 =	sor.u32 $0xD0000000, s2;
	s6 =	simm.s32 $0x108;
	_ =	swait.ge @!p0 [sflag:s8], $0x0  }
0x24: {  	s3 =	sadd.s32 $0x88, s3;
	s6 =	simm.s32 @!p1 $0x1082;
	[sflag:s4] =	ssyncset.s32 $0xFFFFF086  }
0x25: {  	[simem:s6], [sflag:s4] =	dma.local [hbm:s3], $0xF7A  }
0x26: {  	[smem:$0x3F9F] =	sst s1;
	(tag) =	ssettag s2;
	_ =	strace s9  }
0x27: {  	s1 =	sld [smem:$0x3FAF]  }
0x28: {  	s2 =	sld [smem:$0x3FB0]  }
0x29: {  	s4 =	sld [smem:$0x3FB2]  }
0x2a: {  	p0 =	seq.s32 s5, $0x0;
	s5 =	sld [smem:$0x3FB3]  }
0x2b: {  	s6 =	sld [smem:$0x3FB4]  }
0x2c: {  	s7 =	sld [smem:$0x3FB5]  }
0x2d: {  	s3 =	simm.s32 $0x108;
	s8 =	sld [smem:$0x3FB6]  }
0x2e: {  	s3 =	simm.s32 @!p0 $0x1082;
	s9 =	sld [smem:$0x3FB7]  }
0x2f: {  	lr =	sadd.s32 s0, s3;
	s0 =	sld [smem:$0x3FAE]  }
0x30: {  	s3 =	sld [smem:$0x3FB1]  }
0x31: {  	[smem:$0x3FBA] =	sst s10  }
0x32: {  	s10 =	sld [smem:$0x3FB8];
	_ =	sdelay $0x3  }
0x33: {  	p0 =	seq.s32 s10, $0x1;
	s10 =	sld [smem:$0x3FBA];
	_ =	sdelay $0x3  }
0x34: {  	[smem:$0x3FBA] =	sst s10  }
0x35: {  	s10 =	sld [smem:$0x3FB9];
	_ =	sdelay $0x3  }
0x36: {  	p1 =	seq.s32 s10, $0x1;
	s10 =	sld [smem:$0x3FBA];
	_ =	sdelay $0x3  }
0x37: {  	[smem:$0x3FBA] =	sst s10  }
0x38: {  	s10 =	sld [smem:$0x3FBB]  }
0x39: {  	_ = 	snop;
	(pc) =	sbr.ind lr, $3  }
0x3a: {  	_ = 	snop  }
0x3b: {  	_ = 	snop  }
0x3c: {  	p2 =	seq.s32 s10, $0x1;
	s10 =	sld [smem:$0x3FBA]  }
0x3d: {  	_ =	shalt  }
0x3e: {  	_ =	shalt  }
0x3f: {  	_ =	shalt  }
0x40: {  	_ =	shalt  }
0x41: {  	_ =	shalt  }
0x42: {  	_ =	shalt  }
0x43: {  	_ =	shalt  }
0x44: {  	_ =	shalt  }
0x45: {  	_ =	shalt  }
0x46: {  	_ =	shalt  }
0x47: {  	_ =	shalt  }
0x48: {  	_ =	shalt  }
0x49: {  	_ =	shalt  }
0x4a: {  	_ =	shalt  }
0x4b: {  	_ =	shalt  }
0x4c: {  	_ =	shalt  }
0x4d: {  	_ =	shalt  }
0x4e: {  	_ =	shalt  }
0x4f: {  	_ =	shalt  }
0x50: {  	_ =	shalt  }
0x51: {  	_ =	shalt  }
0x52: {  	_ =	shalt  }
0x53: {  	_ =	shalt  }
0x54: {  	_ =	shalt  }
0x55: {  	_ =	shalt  }
0x56: {  	_ =	shalt  }
0x57: {  	_ =	shalt  }
0x58: {  	_ =	shalt  }
0x59: {  	_ =	shalt  }
0x5a: {  	_ =	shalt  }
0x5b: {  	_ =	shalt  }
0x5c: {  	_ =	shalt  }
0x5d: {  	_ =	shalt  }
0x5e: {  	_ =	shalt  }
0x5f: {  	_ =	shalt  }
0x60: {  	_ =	shalt  }
0x61: {  	_ =	shalt  }
0x62: {  	_ =	shalt  }
0x63: {  	_ =	shalt  }
0x64: {  	_ =	shalt  }
0x65: {  	_ =	shalt  }
0x66: {  	_ =	shalt  }
0x67: {  	_ =	shalt  }
0x68: {  	_ =	shalt  }
0x69: {  	_ =	shalt  }
0x6a: {  	_ =	shalt  }
0x6b: {  	_ =	shalt  }
0x6c: {  	_ =	shalt  }
0x6d: {  	_ =	shalt  }
0x6e: {  	_ =	shalt  }
0x6f: {  	_ =	shalt  }
0x70: {  	_ =	shalt  }
0x71: {  	_ =	shalt  }
0x72: {  	_ =	shalt  }
0x73: {  	_ =	shalt  }
0x74: {  	_ =	shalt  }
0x75: {  	_ =	shalt  }
0x76: {  	_ =	shalt  }
0x77: {  	_ =	shalt  }
0x78: {  	_ =	shalt  }
0x79: {  	_ =	shalt  }
0x7a: {  	_ =	shalt  }
0x7b: {  	_ =	shalt  }
0x7c: {  	_ =	shalt  }
0x7d: {  	_ =	shalt  }
0x7e: {  	_ =	shalt  }
0x7f: {  	_ =	shalt  }
0x80: {  	_ =	shalt  }
0x81: {  	_ =	shalt  }
0x82: {  	_ =	shalt  }
0x83: {  	_ =	shalt  }
0x84: {  	_ =	shalt  }
0x85: {  	_ =	shalt  }
0x86: {  	_ =	shalt  }
0x87: {  	_ =	shalt  }
.Lfunc_end0:
.L_simem_size_0:
called_computation_lowered:
.L_overlay_start_0:
0x88: {  	s2 =	sld [smem:$0x3FD9]  }
0x89: {  	s3 =	sld [smem:$0x3FFE];
	_ =	sdelay $0x1  }
0x8a: {  	s1 =	srdreg.scid  }
0x8b: {  	s0 =	sand.u32 $0x1, s1  }
0x8c: {  	s16 =	sshll.u32 s0, $0xA;
	s2 =	sadd.s32 s3, s2  }
0x8d: {  	s2 =	sadd.s32 s2, s16  }
0x8e: {  	[smem:$0x3FC6] =	sst s2  }
0x8f: {  	_ = 	snop  }
0x90: {  	(tm) =	ssettm $0x1  }
0x91: {  	s17 =	sld [smem:$0x3FFB];
	_ =	sdelay $0x3  }
0x92: {  	_ =	strace s17  }
0x93: {  	s2 =	sld [smem:$0x3FFC];
	_ =	sdelay $0x3  }
0x94: {  	_ =	strace s2  }
0x95: {  	s2 =	sld [smem:$0x3FFD];
	_ =	sdelay $0x3  }
0x96: {  	_ =	strace s2  }
0x97: {  	_ =	strace $0x8FFFFFFF  }
0x98: {  	s18 =	sld [smem:$0x3FDB];
	_ =	sdelay $0x1  }
0x99: {  	s19 =	simm.s32 $_scs_section_size  }
0x9a: {  	s4 =	simm.s32 $_size__tile_overlayer_lowered;
	s5 =	simm.s32 $_tile_overlayer_lowered  }
0x9b: {  	s22 =	simm.s32 $0x1BFF;
	s21 =	sshll.u32 s5, $0x1;
	s2 =	sadd.s32 s19, s18  }
0x9c: {  	s6 =	simm.s32 $0x0;
	s20 =	sshll.u32 s4, $0x1;
	s4 =	sadd.s32 s21, s2  }
0x9d: {  	[timem:s6], [sflag:s22] =	dma.local [hbm:s4], s20  }
0x9e: {  	_ =	swait.ge [sflag:s22], s20  }
0x9f: {  	s3 =	ssub.s32 $0x0, s20;
	[sflag:s22] =	ssyncset.done $0x0  }
0xa0: {  	[sflag:s22] =	ssyncadd.s32 s3;
	_ =	sdelay $0x1  }
0xa1: {  	s23 =	simm.s32 $0x1B8B  }
0xa2: {  	_ =	swait.ge [sflag:s23], $0x1  }
0xa3: {  	[sflag:s23] =	ssyncset.done $0x0  }
0xa4: {  	s25 =	simm.s32 $0x1B8E;
	s24 =	sld [smem:$0x3FFE];
	[sflag:s23] =	ssyncadd.s32 $0xFFFFFFFF  }
0xa5: {  	s26 =	simm.s32 $execute0_lowered;
	[smem:$0x3FD2] =	sst s25  }
0xa6: {  	s4 =	sshll.u32 s26, $0x1;
	_ =	strace $0x80000046;
	[dreg:$0x1] =	wrdreg $0xFFFFFFFF  }
0xa7: {  	s28 =	simm.s32 $_size_execute0_lowered;
	s2 =	sadd.s32 s2, s4;
	[dreg:$0x0] =	wrdreg $0x0  }
0xa8: {  	s4 =	sshll.u32 s28, $0x1;
	[dreg:$0x2] =	wrdreg s2  }
0xa9: {  	[dreg:$0x3] =	wrdreg s4  }
0xaa: {  	[dreg:$0x4] =	wrdreg $0xC0  }
0xab: {  	_ =	task [dreg:s6], $0x5FFFF  }
0xac: {  	[dreg:$0x1] =	wrdreg $0xFFFFFFFF  }
0xad: {  	[dreg:$0x0] =	wrdreg $0x60  }
0xae: {  	[dreg:$0x2] =	wrdreg s24  }
0xaf: {  	[dreg:$0x3] =	wrdreg $0x125000  }
0xb0: {  	[dreg:$0x4] =	wrdreg $0x9  }
0xb1: {  	_ =	task.clear_ibuf [dreg:s6], $0x5FFFF;
	_ =	strace $0x90000046  }
0xb2: {  	s29 =	simm.s32 $0x9;
	_ =	strace $0x80000048  }
0xb3: {  	_ =	swait.ge [sflag:s29], $0x1  }
0xb4: {  	[sflag:s29] =	ssyncadd.s32 $0xFFFFFFFF  }
0xb5: {  	_ =	strace $0x90000048  }
0xb6: {  	_ =	sfence  }
0xb7: {  	s30 =	sld [smem:$0x0];
	_ =	sdelay $0x2  }
0xb8: {  	s31 =	sshll.u32 s1, $0xD;
	s1 =	sshrl.u32 s1, $0x2  }
0xb9: {  	s3 =	sand.u32 $0x4000, s31;
	s1 =	sadd.s32 s1, s30  }
0xba: {  	s0 =	sor.u32 s3, s0;
	s1 =	sshll.u32 s1, $0x11  }
0xbb: {  	s0 =	sor.u32 s1, s0  }
0xbc: {  	s0 =	sadd.s32 $0x8F2B, s0  }
0xbd: {  	[sflag:s0] =	ssyncadd.remote.s32 $0x1  }
0xbe: {  	_ =	sfence.sel $0xFFFF  }
0xbf: {  	[dreg:$0x0] =	wrdreg $0xFFFFFFFF;
	(pc) =	sbr.abs _section_cstart, $3  }
0xc0: {  	[dreg:$0x1] =	wrdreg $0xFFFFFFFF  }
0xc1: {  	_ =	task.clear_ibuf [dreg:s6], $0x2FFFF;
	_ =	strace $0x9FFFFFFF  }
0xc2: {  	(tm) =	ssettm $0x7FFFFFFF  }
0xc3: {  	_ =	shalt  }
tec
execute0_lowered:
.L_overlay_start_1:
0x0: {  	(tag) =	ssettag $0x1  }
0x1: {  	s0 =	srdreg.scid;
	s2 =	rddreg [dreg:$0x0]  }
0x2: {  	s10 =	stileid.u32;
	s3 =	rddreg [dreg:$0x1]  }
0x3: {  	s12 =	simm.s32 $0x0;
	s0 =	sand.u32 $0x1, s0;
	s4 =	sshll.u32 s10, $0x7  }
0x4: {  	[smem:$0x7FF] =	sst s12;
	s17 =	sadd.s32 $0x20600, s2;
	s30 =	sadd.s32 $0x600, s2  }
0x5: {  	s6 =	sshrl.u32 s10, $0x3;
	s8 =	sand.u32 $0x7, s10;
	s1 =	sshll.u32 s0, $0x4  }
0x6: {  	s5 =	sand.u32 $0x380, s4;
	_ =	strace $0x80000047;
	s21 =	ssub.s32 $0x2, s0  }
0x7: {  	s0 =	sshll.u32 s0, $0x1;
	s4 =	sshll.u32 s8, $0xF;
	s22 =	sshll.u32 s8, $0x11  }
0x8: {  	s1 =	sor.u32 s10, s1;
	s7 =	sshrl.u32 s21, $0x1;
	s0 =	sor.u32 s6, s0  }
0x9: {  	s23 =	sadd.s32 s17, s4;
	s10 =	sshll.u32 s10, $0x9;
	s1 =	sshrl.u32 s1, $0x3  }
0xa: {  	[dreg:$0x4] =	wrdreg s4;
	s9 =	sshll.u32 s0, $0x13;
	s1 =	smul.u32 $0x1400, s1  }
0xb: {  	s31 =	sshll.u32 s0, $0x7;
	s24 =	sand.u32 $0x1000, s10;
	s8 =	sadd.s32 s9, s23  }
0xc: {  	s26 =	sadd.s32 s17, s9;
	[dreg:$0x6] =	wrdreg s8;
	s1 =	sor.u32 s5, s1  }
0xd: {  	s25 =	sadd.s32 s24, s3;
	[dreg:$0x8] =	wrdreg s26;
	s1 =	sshrl.u32 s1, $0x3  }
0xe: {  	s1 =	sadd.s32 s1, s2;
	s2 =	ssub.s32 s21, s7;
	s7 =	sshll.u32 s0, $0x16  }
0xf: {  	s0 =	sor.u32 s22, s31;
	s1 =	sadd.s32 $0x220600, s1;
	[dreg:$0x5] =	wrdreg s7  }
0x10: {  	s0 =	sshrl.u32 s0, $0x3;
	s11 =	smax.u32 s2, $0x1;
	[dreg:$0x12] =	wrdreg s1  }
0x11: {  	s10 =	sadd.s32 s30, s0;
	s0 =	sadd.s32 s5, s25;
	[dreg:$0x13] =	wrdreg s11  }
0x12: {  	[dreg:$0x9] =	wrdreg s0  }
0x13: {  	s13 =	sadd.s32 $0x40, s10;
	[dreg:$0x7] =	wrdreg s10  }
0x14: {  	s14 =	sadd.s32 $0x80, s10;
	[dreg:$0x14] =	wrdreg s13  }
0x15: {  	s15 =	sadd.s32 $0xC0, s10;
	[dreg:$0x15] =	wrdreg s14  }
0x16: {  	s16 =	sadd.s32 $0x100, s10;
	[dreg:$0x16] =	wrdreg s15  }
0x17: {  	s18 =	sadd.s32 $0x140, s10;
	[dreg:$0x17] =	wrdreg s16  }
0x18: {  	s19 =	sadd.s32 $0x180, s10;
	[dreg:$0x18] =	wrdreg s18  }
0x19: {  	s20 =	sadd.s32 $0x1C0, s10;
	[dreg:$0x19] =	wrdreg s19  }
0x1a: {  	s21 =	sadd.s32 $0x200, s10;
	[dreg:$0x1a] =	wrdreg s20  }
0x1b: {  	s22 =	sadd.s32 $0x240, s10;
	[dreg:$0x1b] =	wrdreg s21  }
0x1c: {  	s23 =	sadd.s32 $0x280, s10;
	[dreg:$0x1c] =	wrdreg s22  }
0x1d: {  	s24 =	sadd.s32 $0x2C0, s10;
	[dreg:$0x1d] =	wrdreg s23  }
0x1e: {  	s25 =	sadd.s32 $0x300, s10;
	[dreg:$0x1e] =	wrdreg s24  }
0x1f: {  	s6 =	sshll.u32 s6, $0xC;
	s26 =	sadd.s32 $0x340, s10;
	[dreg:$0x1f] =	wrdreg s25  }
0x20: {  	v1 =	vlaneseq.u32;
	s0 =	sadd.s32 s6, s3;
	[smem:$0x7E3] =	sst s26  }
0x21: {  	v2 =	vadd.s32 $0x11, v1;
	s3 =	sadd.s32 $0x80, s0;
	[dreg:$0xa] =	wrdreg s0  }
0x22: {  	v31 =	vadd.s32 $0x111, v1;
	[tilespmem:$0x1FDF0] =	vst v2;
	s28 =	sadd.s32 $0x100, s0;
	[dreg:$0xb] =	wrdreg s3  }
0x23: {  	v32 =	vadd.s32 $0x222, v1;
	[tilespmem:$0x1FF00] =	vst v31;
	s29 =	sadd.s32 $0x180, s0;
	[dreg:$0xc] =	wrdreg s28  }
0x24: {  	v33 =	vadd.s32 $0x333, v1;
	[tilespmem:$0x1FF10] =	vst v32;
	s5 =	sadd.s32 $0x200, s0;
	[dreg:$0xd] =	wrdreg s29  }
0x25: {  	v34 =	vadd.s32 $0x444, v1;
	[tilespmem:$0x1FF20] =	vst v33;
	s6 =	sadd.s32 $0x280, s0;
	[dreg:$0xe] =	wrdreg s5  }
0x26: {  	v40 =	vadd.s32 $0x555, v1;
	[tilespmem:$0x1FF30] =	vst v34;
	s8 =	sadd.s32 $0x300, s0;
	[dreg:$0xf] =	wrdreg s6  }
0x27: {  	v41 =	vadd.s32 $0x666, v1;
	[tilespmem:$0x1FF40] =	vst v40;
	s9 =	sadd.s32 $0x380, s0;
	[dreg:$0x10] =	wrdreg s8  }
0x28: {  	v42 =	vadd.s32 $0x777, v1;
	[tilespmem:$0x1FF50] =	vst v41;
	s2 =	sadd.s32 $0x400, s0;
	[dreg:$0x11] =	wrdreg s9  }
0x29: {  	v43 =	vadd.s32 $0x888, v1;
	[tilespmem:$0x1FF60] =	vst v42;
	s11 =	sadd.s32 $0x900, s0;
	[smem:$0x7E6] =	sst s2  }
0x2a: {  	v44 =	vadd.s32 $0x999, v1;
	[tilespmem:$0x1FF70] =	vst v43;
	s13 =	sadd.s32 $0xD00, s0;
	[smem:$0x7ED] =	sst s11  }
0x2b: {  	v45 =	vadd.s32 $0xAAA, v1;
	[tilespmem:$0x1FF80] =	vst v44;
	s14 =	sadd.s32 $0x580, s0;
	[smem:$0x7EE] =	sst s13  }
0x2c: {  	v5 =	vimm.f32 $0.0e+00;
	v46 =	vadd.s32 $0xBBB, v1;
	[tilespmem:$0x1FF90] =	vst v45;
	s15 =	sadd.s32 $0x980, s0;
	[smem:$0x7EF] =	sst s14  }
0x2d: {  	v6 =	vimm.f32 $1.000000000e+00;
	v0 =	vimm.f32 $1.600000000e+01;
	v47 =	vadd.s32 $0xCCC, v1;
	[tilespmem:$0x1FFA0] =	vst v46;
	s16 =	sadd.s32 $0xD80, s0;
	[smem:$0x7F0] =	sst s15  }
0x2e: {  	vm0 =	vcmask $0x300;
	vm14 =	vcmask $0x704;
	v48 =	vadd.s32 $0xDDD, v1;
	[tilespmem:$0x1FFB0] =	vst v47;
	s18 =	sadd.s32 $0x600, s0;
	[smem:$0x7F1] =	sst s16  }
0x2f: {  	vm15 =	vcmask $0xB08;
	vm4 =	vcmask $0xF0C;
	v49 =	vadd.s32 $0xEEE, v1;
	[tilespmem:$0x1FFC0] =	vst v48;
	s19 =	sadd.s32 $0xA00, s0;
	[smem:$0x7F2] =	sst s18  }
0x30: {  	vm5 =	vcmask $0x1310;
	vm6 =	vcmask $0x1714;
	v52 =	vadd.s32 $0xFFF, v1;
	[tilespmem:$0x1FFD0] =	vst v49;
	s20 =	sadd.s32 $0xE00, s0;
	[smem:$0x7F3] =	sst s19  }
0x31: {  	vm7 =	vcmask $0x1B18;
	v4 =	vmul.u32 $0x111, v1;
	v2 =	vadd.s32 $0x22, v1;
	[tilespmem:$0x1FFE0] =	vst v52;
	s21 =	sadd.s32 $0x680, s0;
	[smem:$0x7F4] =	sst s20  }
0x32: {  	vm8 =	vcmask $0x1F1C;
	vm9 =	vcmask $0x2320;
	vm10 =	vcmask $0x2724;
	[tilespmem:$0x1FE00] =	vst v2;
	s22 =	sadd.s32 $0xA80, s0;
	[smem:$0x7F5] =	sst s21  }
0x33: {  	vm11 =	vcmask $0x2B28;
	v0 =	vsel vm0, $0x3F800000, v0;
	v2 =	vadd.s32 $0x33, v1;
	[tilespmem:$0x1FED0] =	vst v4;
	s23 =	sadd.s32 $0xE80, s0;
	[smem:$0x7F6] =	sst s22  }
0x34: {  	vm12 =	vcmask $0x2F2C;
	v0 =	vsel vm14, $0x40000000, v0;
	v29 =	vadd.s32 $0x1, v4;
	[tilespmem:$0x1FE10] =	vst v2;
	s24 =	sadd.s32 $0x700, s0;
	[smem:$0x7F7] =	sst s23  }
0x35: {  	vm13 =	vcmask $0x3330;
	v30 =	vadd.s32 $0x2, v4;
	v0 =	vsel vm15, $0x40400000, v0;
	[tilespmem:$0x1FEE0] =	vst v29;
	s25 =	sadd.s32 $0xB00, s0;
	[smem:$0x7F8] =	sst s24  }
0x36: {  	v3 =	vmul.u32 $0x11, v1;
	v0 =	vsel vm4, $0x40800000, v0;
	v2 =	vadd.s32 $0x44, v1;
	[tilespmem:$0x1FEF0] =	vst v30;
	s26 =	sadd.s32 $0xF00, s0;
	[smem:$0x7F9] =	sst s25  }
0x37: {  	vm14 =	vcmask $0x3734;
	v0 =	vsel vm5, $0x40A00000, v0;
	[tilespmem:$0x1FE20] =	vst v2;
	v2 =	vadd.s32 $0x55, v1;
	s28 =	sadd.s32 $0x380, s10;
	[smem:$0x7FA] =	sst s26  }
0x38: {  	v7 =	vadd.s32 $0x3, v4;
	v0 =	vsel vm6, $0x40C00000, v0;
	[tilespmem:$0x1FE30] =	vst v2;
	v2 =	vadd.s32 $0x66, v1;
	s29 =	sadd.s32 $0x3C0, s10;
	[smem:$0x7E4] =	sst s28  }
0x39: {  	v8 =	vadd.s32 $0x4, v4;
	v0 =	vsel vm7, $0x40E00000, v0;
	[tilespmem:$0x1FE40] =	vst v2;
	v2 =	vadd.s32 $0x77, v1;
	s3 =	sadd.s32 $0x800, s0;
	[smem:$0x7E5] =	sst s29  }
0x3a: {  	v9 =	vadd.s32 $0x5, v4;
	v0 =	vsel vm8, $0x41000000, v0;
	[tilespmem:$0x1FE50] =	vst v2;
	v2 =	vadd.s32 $0x88, v1;
	s5 =	sadd.s32 $0xC00, s0;
	[smem:$0x7E7] =	sst s3  }
0x3b: {  	v13 =	vadd.s32 $0x9, v4;
	v0 =	vsel vm9, $0x41100000, v0;
	[tilespmem:$0x1FE60] =	vst v2;
	v2 =	vadd.s32 $0x99, v1;
	s6 =	sadd.s32 $0x480, s0;
	[smem:$0x7E8] =	sst s5  }
0x3c: {  	v14 =	vadd.s32 $0xA, v4;
	v0 =	vsel vm10, $0x41200000, v0;
	[tilespmem:$0x1FE70] =	vst v2;
	v2 =	vadd.s32 $0xAA, v1;
	s8 =	sadd.s32 $0x880, s0;
	[smem:$0x7E9] =	sst s6  }
0x3d: {  	v15 =	vadd.s32 $0xB, v4;
	v0 =	vsel vm11, $0x41300000, v0;
	[tilespmem:$0x1FE80] =	vst v2;
	v2 =	vadd.s32 $0xBB, v1;
	s9 =	sadd.s32 $0xC80, s0;
	[smem:$0x7EA] =	sst s8  }
0x3e: {  	v16 =	vadd.s32 $0xC, v4;
	v0 =	vsel vm12, $0x41400000, v0;
	[tilespmem:$0x1FE90] =	vst v2;
	v2 =	vadd.s32 $0xCC, v1;
	s10 =	sadd.s32 $0x500, s0;
	[smem:$0x7EB] =	sst s9  }
0x3f: {  	vm15 =	vcmask $0x3B38;
	v0 =	vsel vm13, $0x41500000, v0;
	[tilespmem:$0x1FEA0] =	vst v2;
	v2 =	vadd.s32 $0xDD, v1;
	s14 =	simm.s32 $0x1;
	[smem:$0x7EC] =	sst s10;
	s28 =	sadd.s32 $0x780, s0  }
0x40: {  	v10 =	vadd.s32 $0x6, v4;
	s15 =	simm.s32 $0x12180;
	v0 =	vsel vm14, $0x41600000, v0;
	[tilespmem:$0x1FEB0] =	vst v2;
	v2 =	vadd.s32 $0xEE, v1;
	s29 =	sadd.s32 $0xB80, s0;
	[smem:$0x7FB] =	sst s28  }
0x41: {  	v11 =	vadd.s32 $0x7, v4;
	v17 =	vadd.s32 $0xD, v4;
	s11 =	simm.s32 $0x13880;
	s0 =	sadd.s32 $0xF80, s0;
	[tilespmem:$0x1FEC0] =	vst v2;
	v54 =	vsel vm15, $0x41700000, v0;
	[smem:$0x7FC] =	sst s29  }
0x42: {  	v12 =	vadd.s32 $0x8, v4;
	v18 =	vadd.s32 $0xE, v4;
	v19 =	vadd.s32 $0xF, v4;
	s9 =	simm.s32 $0x11000;
	[smem:$0x7FD] =	sst s0;
	s0 =	simm.s32 $0x13700;
	[tilespmem:$0x1FFF0] =	vst v54  }
.LBB2_1:
0x43: {  	[dreg:$0x3] =	wrdreg s12;
	s1 =	simm.s32 $0x40;
	s3 =	simm.s32 $0x0  }
.LBB2_2:
0x44: {  	p0 =	sne.s32 s1, $0x43C0;
	[tilespmem:s3+$0x11000] =	vst v5;
	s3 =	smov.u32 s1;
	s1 =	sadd.s32 $0x40, s1  }
.Ltmp0:
0x45: {  	(pc) =	sbr.rel @p0 .LBB2_2-.Ltmp0, $2  }
0x46: {  	_ =	sdelay $0x2  }
0x47: {  	s3 =	sshra.s32 s3, $0x2  }
0x48: {  	[tilespmem:s3+$0x11000] =	vst v5  }
0x49: {  	[tilespmem:$0x12100] =	vst v5  }
0x4a: {  	[tilespmem:$0x12180] =	vst v5  }
0x4b: {  	[tilespmem:$0x12190] =	vst v5  }
0x4c: {  	[tilespmem:$0x121A0] =	vst v5  }
0x4d: {  	[tilespmem:$0x121B0] =	vst v5  }
0x4e: {  	[tilespmem:$0x121C0] =	vst v5  }
0x4f: {  	[tilespmem:$0x121D0] =	vst v5  }
0x50: {  	[tilespmem:$0x121E0] =	vst v5  }
0x51: {  	[tilespmem:$0x121F0] =	vst v5  }
0x52: {  	[tilespmem:$0x12200] =	vst v5  }
0x53: {  	[tilespmem:$0x12210] =	vst v5  }
0x54: {  	[tilespmem:$0x12220] =	vst v5  }
0x55: {  	[tilespmem:$0x12230] =	vst v5  }
0x56: {  	[tilespmem:$0x12240] =	vst v5  }
0x57: {  	[tilespmem:$0x12250] =	vst v5  }
0x58: {  	[tilespmem:$0x12260] =	vst v5  }
0x59: {  	s13 =	simm.s32 $0x0;
	s1 =	rddreg [dreg:$0x6];
	[tilespmem:$0x12270] =	vst v5  }
0x5a: {  	s2 =	simm.s32 $0x4000;
	s8 =	simm.s32 $0x200000;
	s10 =	rddreg [dreg:$0x7];
	[tilespmem:$0x12280] =	vst v5  }
0x5b: {  	[tilespmem:s13], [sflag:$0x1] =	stream.strided.gather [hbm4b:s1+s2], $0x8000, s8, s2, $0x38;
	[tilespmem:$0x13C80] =	vst v63  }
0x5c: {  	s12 =	simm.s32 $0x10000;
	s16 =	rddreg [dreg:$0x14]  }
0x5d: {  	[tilespmem:s12], [sflag:$0x1] =	stream.linear.gather [hbm4b:s10+s13], $0x80, $0x38;
	[tilespmem:$0x13C80] =	vst v63  }
0x5e: {  	s18 =	simm.s32 $0x10100;
	s19 =	rddreg [dreg:$0x15]  }
0x5f: {  	[tilespmem:s18], [sflag:$0x1] =	stream.linear.gather [hbm4b:s16+s13], $0x80, $0x38;
	[tilespmem:$0x13C80] =	vst v63  }
0x60: {  	s20 =	simm.s32 $0x10200;
	s21 =	rddreg [dreg:$0x16]  }
0x61: {  	[tilespmem:s20], [sflag:$0x1] =	stream.linear.gather [hbm4b:s19+s13], $0x80, $0x38;
	[tilespmem:$0x13C80] =	vst v63  }
0x62: {  	s22 =	simm.s32 $0x10300;
	s23 =	rddreg [dreg:$0x17]  }
0x63: {  	[tilespmem:s22], [sflag:$0x1] =	stream.linear.gather [hbm4b:s21+s13], $0x80, $0x38;
	[tilespmem:$0x13C80] =	vst v63  }
0x64: {  	s24 =	simm.s32 $0x10400;
	s25 =	rddreg [dreg:$0x18]  }
0x65: {  	[tilespmem:s24], [sflag:$0x1] =	stream.linear.gather [hbm4b:s23+s13], $0x80, $0x38;
	[tilespmem:$0x13C80] =	vst v63  }
0x66: {  	s26 =	simm.s32 $0x10500;
	s28 =	rddreg [dreg:$0x19]  }
0x67: {  	[tilespmem:s26], [sflag:$0x1] =	stream.linear.gather [hbm4b:s25+s13], $0x80, $0x38;
	[tilespmem:$0x13C80] =	vst v63  }
0x68: {  	s29 =	simm.s32 $0x10600;
	s3 =	rddreg [dreg:$0x1a]  }
0x69: {  	[tilespmem:s29], [sflag:$0x1] =	stream.linear.gather [hbm4b:s28+s13], $0x80, $0x38;
	[tilespmem:$0x13C80] =	vst v63  }
0x6a: {  	s5 =	simm.s32 $0x10700;
	s6 =	rddreg [dreg:$0x1b]  }
0x6b: {  	[tilespmem:s5], [sflag:$0x1] =	stream.linear.gather [hbm4b:s3+s13], $0x80, $0x38;
	[tilespmem:$0x13C80] =	vst v63  }
0x6c: {  	s8 =	simm.s32 $0x10800;
	s10 =	rddreg [dreg:$0x1c]  }
0x6d: {  	[tilespmem:s8], [sflag:$0x1] =	stream.linear.gather [hbm4b:s6+s13], $0x80, $0x38;
	[tilespmem:$0x13C80] =	vst v63  }
0x6e: {  	s12 =	simm.s32 $0x10900;
	s16 =	rddreg [dreg:$0x1d]  }
0x6f: {  	[tilespmem:s12], [sflag:$0x1] =	stream.linear.gather [hbm4b:s10+s13], $0x80, $0x38;
	[tilespmem:$0x13C80] =	vst v63  }
0x70: {  	s18 =	simm.s32 $0x10A00;
	s19 =	rddreg [dreg:$0x1e]  }
0x71: {  	[tilespmem:s18], [sflag:$0x1] =	stream.linear.gather [hbm4b:s16+s13], $0x80, $0x38;
	[tilespmem:$0x13C80] =	vst v63  }
0x72: {  	s20 =	simm.s32 $0x10B00;
	s21 =	rddreg [dreg:$0x1f]  }
0x73: {  	[tilespmem:s20], [sflag:$0x1] =	stream.linear.gather [hbm4b:s19+s13], $0x80, $0x38;
	[tilespmem:$0x13C80] =	vst v63  }
0x74: {  	s22 =	simm.s32 $0x10C00;
	s23 =	sld [smem:$0x7E3]  }
0x75: {  	[tilespmem:s22], [sflag:$0x1] =	stream.linear.gather [hbm4b:s21+s13], $0x80, $0x38;
	[tilespmem:$0x13C80] =	vst v63  }
0x76: {  	s24 =	simm.s32 $0x10D00;
	s25 =	sld [smem:$0x7E4]  }
0x77: {  	[tilespmem:s24], [sflag:$0x1] =	stream.linear.gather [hbm4b:s23+s13], $0x80, $0x38;
	[tilespmem:$0x13C80] =	vst v63  }
0x78: {  	s26 =	simm.s32 $0x10E00;
	s28 =	sld [smem:$0x7E5]  }
0x79: {  	[tilespmem:s26], [sflag:$0x1] =	stream.linear.gather [hbm4b:s25+s13], $0x80, $0x38;
	[tilespmem:$0x13C80] =	vst v63  }
0x7a: {  	s29 =	simm.s32 $0x10F00;
	s18 =	simm.s32 $0x0  }
0x7b: {  	v50 =	vimm.s32 $0x0;
	[tilespmem:s29], [sflag:$0x1] =	stream.linear.gather [hbm4b:s28+s13], $0x80, $0x38;
	[tilespmem:$0x13C80] =	vst v63  }
.LBB2_4:
0x7c: {  	s1 =	sshll.u32 s18, $0xC  }
0x7d: {  	s19 =	sadd.s32 s4, s1  }
0x7e: {  	s1 =	sshrl.u32 s19, $0x7  }
0x7f: {  	s1 =	sor.u32 $0x10, s1  }
0x80: {  	s3 =	sshll.u32 s1, $0xA  }
0x81: {  	s2 =	simm.s32 $0x4000;
	s1 =	sshll.u32 s1, $0x9;
	s3 =	sadd.s32 s7, s3  }
0x82: {  	s5 =	simm.s32 $0x200000;
	s1 =	sor.u32 s31, s1;
	s3 =	sshrl.u32 s3, $0x3  }
0x83: {  	s6 =	simm.s32 $0x8000;
	s1 =	sshrl.u32 s1, $0x3;
	s3 =	sadd.s32 s17, s3  }
0x84: {  	[tilespmem:s6], [sflag:$0x2] =	stream.strided.gather [hbm4b:s3+s2], $0x8000, s5, s2, $0x38;
	[tilespmem:$0x13C80] =	vst v63  }
0x85: {  	s8 =	simm.s32 $0x10080;
	s1 =	sadd.s32 s30, s1  }
0x86: {  	[tilespmem:s8], [sflag:$0x2] =	stream.linear.gather [hbm4b:s1+s13], $0x80, $0x38;
	[tilespmem:$0x13C80] =	vst v63  }
0x87: {  	s12 =	simm.s32 $0x10180;
	s10 =	sadd.s32 $0x40, s1  }
0x88: {  	[tilespmem:s12], [sflag:$0x2] =	stream.linear.gather [hbm4b:s10+s13], $0x80, $0x38;
	[tilespmem:$0x13C80] =	vst v63  }
0x89: {  	s20 =	simm.s32 $0x10280;
	s16 =	sadd.s32 $0x80, s1  }
0x8a: {  	[tilespmem:s20], [sflag:$0x2] =	stream.linear.gather [hbm4b:s16+s13], $0x80, $0x38;
	[tilespmem:$0x13C80] =	vst v63  }
0x8b: {  	s22 =	simm.s32 $0x10380;
	s21 =	sadd.s32 $0xC0, s1  }
0x8c: {  	[tilespmem:s22], [sflag:$0x2] =	stream.linear.gather [hbm4b:s21+s13], $0x80, $0x38;
	[tilespmem:$0x13C80] =	vst v63  }
0x8d: {  	s24 =	simm.s32 $0x10480;
	s23 =	sadd.s32 $0x100, s1  }
0x8e: {  	[tilespmem:s24], [sflag:$0x2] =	stream.linear.gather [hbm4b:s23+s13], $0x80, $0x38;
	[tilespmem:$0x13C80] =	vst v63  }
0x8f: {  	s26 =	simm.s32 $0x10580;
	s25 =	sadd.s32 $0x140, s1  }
0x90: {  	[tilespmem:s26], [sflag:$0x2] =	stream.linear.gather [hbm4b:s25+s13], $0x80, $0x38;
	[tilespmem:$0x13C80] =	vst v63  }
0x91: {  	s29 =	simm.s32 $0x10680;
	s28 =	sadd.s32 $0x180, s1  }
0x92: {  	[tilespmem:s29], [sflag:$0x2] =	stream.linear.gather [hbm4b:s28+s13], $0x80, $0x38;
	[tilespmem:$0x13C80] =	vst v63  }
0x93: {  	s2 =	sadd.s32 $0x1C0, s1;
	s5 =	simm.s32 $0x10780  }
0x94: {  	[tilespmem:s5], [sflag:$0x2] =	stream.linear.gather [hbm4b:s2+s13], $0x80, $0x38;
	[tilespmem:$0x13C80] =	vst v63  }
0x95: {  	s6 =	sadd.s32 $0x200, s1;
	s8 =	simm.s32 $0x10880  }
0x96: {  	[tilespmem:s8], [sflag:$0x2] =	stream.linear.gather [hbm4b:s6+s13], $0x80, $0x38;
	[tilespmem:$0x13C80] =	vst v63  }
0x97: {  	s10 =	sadd.s32 $0x240, s1;
	s12 =	simm.s32 $0x10980  }
0x98: {  	[tilespmem:s12], [sflag:$0x2] =	stream.linear.gather [hbm4b:s10+s13], $0x80, $0x38;
	[tilespmem:$0x13C80] =	vst v63  }
0x99: {  	s16 =	sadd.s32 $0x280, s1;
	s20 =	simm.s32 $0x10A80  }
0x9a: {  	[tilespmem:s20], [sflag:$0x2] =	stream.linear.gather [hbm4b:s16+s13], $0x80, $0x38;
	[tilespmem:$0x13C80] =	vst v63  }
0x9b: {  	s21 =	sadd.s32 $0x2C0, s1;
	s22 =	simm.s32 $0x10B80  }
0x9c: {  	[tilespmem:s22], [sflag:$0x2] =	stream.linear.gather [hbm4b:s21+s13], $0x80, $0x38;
	[tilespmem:$0x13C80] =	vst v63  }
0x9d: {  	s23 =	sadd.s32 $0x300, s1;
	s24 =	simm.s32 $0x10C80  }
0x9e: {  	[tilespmem:s24], [sflag:$0x2] =	stream.linear.gather [hbm4b:s23+s13], $0x80, $0x38;
	[tilespmem:$0x13C80] =	vst v63  }
0x9f: {  	s25 =	sadd.s32 $0x340, s1;
	s26 =	simm.s32 $0x10D80  }
0xa0: {  	[tilespmem:s26], [sflag:$0x2] =	stream.linear.gather [hbm4b:s25+s13], $0x80, $0x38;
	[tilespmem:$0x13C80] =	vst v63  }
0xa1: {  	s28 =	sadd.s32 $0x380, s1;
	s29 =	simm.s32 $0x10E80  }
0xa2: {  	[tilespmem:s29], [sflag:$0x2] =	stream.linear.gather [hbm4b:s28+s13], $0x80, $0x38;
	[tilespmem:$0x13C80] =	vst v63  }
0xa3: {  	s1 =	sadd.s32 $0x3C0, s1;
	s5 =	simm.s32 $0x10F80  }
0xa4: {  	[tilespmem:s5], [sflag:$0x2] =	stream.linear.gather [hbm4b:s1+s13], $0x80, $0x38;
	[tilespmem:$0x13C80] =	vst v63  }
0xa5: {  	_ =	swait.ge [sflag:s14], $0x8000  }
0xa6: {  	[sflag:s14] =	ssyncset.done $0x0  }
0xa7: {  	s22 =	sand.u32 $0x3C00, s13;
	[sflag:s14] =	ssyncadd.s32 $0xFFFF8000  }
0xa8: {  	s6 =	sshrl.u32 s22, $0x2;
	_ =	swait.ge [sflag:s14], $0x800  }
0xa9: {  	s24 =	sand.u32 $0x60, s13;
	s1 =	sor.u32 $0x10000, s6;
	[sflag:s14] =	ssyncset.done $0x0  }
0xaa: {  	s8 =	sor.u32 s24, s1;
	[sflag:s14] =	ssyncadd.s32 $0xFFFFF800  }
0xab: {  	s23 =	sor.u32 $0x10, s24;
	v38 =	vld [tilespmem:s8+$0x0]  }
0xac: {  	s1 =	sor.u32 s23, s1  }
0xad: {  	v0 =	vld [tilespmem:s1+$0x0];
	_ =	sdelay $0x2  }
0xae: {  	v2 =	vadd.s32 v3, v38;
	_ =	sdelay $0x1  }
0xaf: {  	v20 =	vadd.s32 v3, v0;
	_ =	sdelay $0x2  }
0xb0: {  	s10 =	sor.u32 s24, s22;
	v39 =	vshll.u32 v38, $0x4;
	[tilespmem:v2+s15+$0x0] =	vst.idx.add.f32.msk $0xffff, v6  }
0xb1: {  	v21 =	vadd.s32 v4, v39;
	v2 =	vld [tilespmem:s10+$0x0]  }
0xb2: {  	s12 =	sor.u32 s23, s22;
	v35 =	vshll.u32 v0, $0x4;
	[tilespmem:v20+s15+$0x0] =	vst.idx.add.f32.msk $0xffff, v6  }
0xb3: {  	v22 =	vadd.s32 v4, v35;
	v20 =	vld [tilespmem:s12+$0x0];
	_ =	sdelay $0x2  }
0xb4: {  	[tilespmem:v21+s9+$0x0] =	vst.idx.add.f32.msk $0xffff, v2  }
0xb5: {  	v21 =	vadd.s32 v29, v39;
	v2 =	vld [tilespmem:s10+$0x80]  }
0xb6: {  	[tilespmem:v22+s9+$0x0] =	vst.idx.add.f32.msk $0xffff, v20  }
0xb7: {  	v22 =	vadd.s32 v29, v35;
	v20 =	vld [tilespmem:s12+$0x80];
	_ =	sdelay $0x2  }
0xb8: {  	[tilespmem:v21+s9+$0x0] =	vst.idx.add.f32.msk $0xffff, v2  }
0xb9: {  	v21 =	vadd.s32 v30, v39;
	v2 =	vld [tilespmem:s10+$0x100]  }
0xba: {  	[tilespmem:v22+s9+$0x0] =	vst.idx.add.f32.msk $0xffff, v20  }
0xbb: {  	v22 =	vadd.s32 v30, v35;
	v20 =	vld [tilespmem:s12+$0x100];
	_ =	sdelay $0x2  }
0xbc: {  	[tilespmem:v21+s9+$0x0] =	vst.idx.add.f32.msk $0xffff, v2  }
0xbd: {  	v21 =	vadd.s32 v7, v39;
	v2 =	vld [tilespmem:s10+$0x180]  }
0xbe: {  	[tilespmem:v22+s9+$0x0] =	vst.idx.add.f32.msk $0xffff, v20  }
0xbf: {  	v22 =	vadd.s32 v7, v35;
	v20 =	vld [tilespmem:s12+$0x180];
	_ =	sdelay $0x2  }
0xc0: {  	[tilespmem:v21+s9+$0x0] =	vst.idx.add.f32.msk $0xffff, v2  }
0xc1: {  	v21 =	vadd.s32 v8, v39;
	v2 =	vld [tilespmem:s10+$0x200]  }
0xc2: {  	[tilespmem:v22+s9+$0x0] =	vst.idx.add.f32.msk $0xffff, v20  }
0xc3: {  	v22 =	vadd.s32 v8, v35;
	v20 =	vld [tilespmem:s12+$0x200];
	_ =	sdelay $0x2  }
0xc4: {  	[tilespmem:v21+s9+$0x0] =	vst.idx.add.f32.msk $0xffff, v2  }
0xc5: {  	v21 =	vadd.s32 v9, v39;
	v2 =	vld [tilespmem:s10+$0x280]  }
0xc6: {  	[tilespmem:v22+s9+$0x0] =	vst.idx.add.f32.msk $0xffff, v20  }
0xc7: {  	v22 =	vadd.s32 v9, v35;
	v20 =	vld [tilespmem:s12+$0x280];
	_ =	sdelay $0x2  }
0xc8: {  	[tilespmem:v21+s9+$0x0] =	vst.idx.add.f32.msk $0xffff, v2  }
0xc9: {  	v21 =	vadd.s32 v10, v39;
	v2 =	vld [tilespmem:s10+$0x300]  }
0xca: {  	[tilespmem:v22+s9+$0x0] =	vst.idx.add.f32.msk $0xffff, v20  }
0xcb: {  	v22 =	vadd.s32 v10, v35;
	v20 =	vld [tilespmem:s12+$0x300];
	_ =	sdelay $0x2  }
0xcc: {  	[tilespmem:v21+s9+$0x0] =	vst.idx.add.f32.msk $0xffff, v2  }
0xcd: {  	v21 =	vadd.s32 v11, v39;
	v2 =	vld [tilespmem:s10+$0x380]  }
0xce: {  	[tilespmem:v22+s9+$0x0] =	vst.idx.add.f32.msk $0xffff, v20  }
0xcf: {  	v22 =	vadd.s32 v11, v35;
	v20 =	vld [tilespmem:s12+$0x380];
	_ =	sdelay $0x1  }
0xd0: {  	s16 =	sor.u32 $0x4000, s22  }
0xd1: {  	s21 =	simm.s32 $0x100;
	s20 =	sor.u32 s24, s16;
	[tilespmem:v21+s9+$0x0] =	vst.idx.add.f32.msk $0xffff, v2  }
0xd2: {  	s8 =	simm.s32 $0x20;
	v21 =	vadd.s32 v12, v39;
	v2 =	vld [tilespmem:s20+$0x0];
	s20 =	sand.u32 $0x3C00, s21  }
0xd3: {  	s1 =	sor.u32 s23, s16;
	[tilespmem:v22+s9+$0x0] =	vst.idx.add.f32.msk $0xffff, v20;
	s21 =	sand.u32 $0x60, s8;
	s3 =	sshrl.u32 s20, $0x2  }
0xd4: {  	v22 =	vadd.s32 v12, v35;
	v20 =	vld [tilespmem:s1+$0x0];
	s12 =	sor.u32 $0x10, s21;
	s25 =	sor.u32 $0x10000, s3  }
0xd5: {  	s1 =	sor.u32 s12, s25  }
0xd6: {  	v24 =	vld [tilespmem:s1+$0x0]  }
0xd7: {  	s3 =	sor.u32 s21, s25;
	[tilespmem:v21+s9+$0x0] =	vst.idx.add.f32.msk $0xffff, v2  }
0xd8: {  	s26 =	sor.u32 $0x4080, s22;
	v21 =	vld [tilespmem:s3+$0x0]  }
0xd9: {  	s28 =	sor.u32 s24, s26;
	[tilespmem:v22+s9+$0x0] =	vst.idx.add.f32.msk $0xffff, v20  }
0xda: {  	s29 =	sor.u32 s23, s26;
	v23 =	vadd.s32 v13, v39;
	v2 =	vld [tilespmem:s28+$0x0]  }
0xdb: {  	v22 =	vadd.s32 v13, v35;
	v20 =	vld [tilespmem:s29+$0x0];
	_ =	sdelay $0x2  }
0xdc: {  	v25 =	vadd.s32 v3, v21  }
0xdd: {  	s2 =	sor.u32 $0x4100, s22;
	[tilespmem:v23+s9+$0x0] =	vst.idx.add.f32.msk $0xffff, v2  }
0xde: {  	s5 =	sor.u32 s24, s2;
	[tilespmem:v22+s9+$0x0] =	vst.idx.add.f32.msk $0xffff, v20;
	v22 =	vadd.s32 v3, v24  }
0xdf: {  	s1 =	sor.u32 s23, s2;
	v23 =	vadd.s32 v14, v39;
	v2 =	vld [tilespmem:s5+$0x0]  }
0xe0: {  	v20 =	vld [tilespmem:s1+$0x0]  }
0xe1: {  	s3 =	sor.u32 s21, s20;
	[tilespmem:v25+s15+$0x0] =	vst.idx.add.f32.msk $0xffff, v6  }
0xe2: {  	v36 =	vshll.u32 v21, $0x4;
	v25 =	vld [tilespmem:s3+$0x0]  }
0xe3: {  	v26 =	vadd.s32 v4, v36;
	[tilespmem:v22+s15+$0x0] =	vst.idx.add.f32.msk $0xffff, v6  }
0xe4: {  	s6 =	sor.u32 $0x4180, s22;
	v37 =	vshll.u32 v24, $0x4;
	s1 =	sor.u32 s12, s20;
	[tilespmem:v23+s9+$0x0] =	vst.idx.add.f32.msk $0xffff, v2  }
0xe5: {  	s26 =	sor.u32 s24, s6;
	v27 =	vadd.s32 v4, v37;
	v22 =	vld [tilespmem:s1+$0x0]  }
0xe6: {  	v23 =	vadd.s32 v15, v39;
	v2 =	vld [tilespmem:s26+$0x0];
	_ =	sdelay $0x1  }
0xe7: {  	[tilespmem:v26+s9+$0x0] =	vst.idx.add.f32.msk $0xffff, v25  }
0xe8: {  	v25 =	vld [tilespmem:s3+$0x80]  }
0xe9: {  	v57 =	vadd.s32 v29, v36;
	[tilespmem:v27+s9+$0x0] =	vst.idx.add.f32.msk $0xffff, v22  }
0xea: {  	s28 =	sor.u32 $0x4200, s22;
	[tilespmem:v23+s9+$0x0] =	vst.idx.add.f32.msk $0xffff, v2  }
0xeb: {  	s10 =	sor.u32 s24, s28;
	v27 =	vadd.s32 v29, v37;
	v22 =	vld [tilespmem:s1+$0x80]  }
0xec: {  	v23 =	vadd.s32 v16, v39;
	v2 =	vld [tilespmem:s10+$0x0];
	_ =	sdelay $0x1  }
0xed: {  	[tilespmem:v57+s9+$0x0] =	vst.idx.add.f32.msk $0xffff, v25  }
0xee: {  	v25 =	vld [tilespmem:s3+$0x100]  }
0xef: {  	v58 =	vadd.s32 v30, v36;
	[tilespmem:v27+s9+$0x0] =	vst.idx.add.f32.msk $0xffff, v22  }
0xf0: {  	s29 =	sor.u32 $0x4280, s22;
	[tilespmem:v23+s9+$0x0] =	vst.idx.add.f32.msk $0xffff, v2  }
0xf1: {  	s16 =	sor.u32 s24, s29;
	v27 =	vadd.s32 v30, v37;
	v22 =	vld [tilespmem:s1+$0x100]  }
0xf2: {  	v23 =	vadd.s32 v17, v39;
	v2 =	vld [tilespmem:s16+$0x0];
	_ =	sdelay $0x1  }
0xf3: {  	[tilespmem:v58+s9+$0x0] =	vst.idx.add.f32.msk $0xffff, v25  }
0xf4: {  	v59 =	vadd.s32 v7, v36;
	v25 =	vld [tilespmem:s3+$0x180]  }
0xf5: {  	s2 =	sor.u32 $0x4300, s22;
	[tilespmem:v27+s9+$0x0] =	vst.idx.add.f32.msk $0xffff, v22  }
0xf6: {  	s25 =	sor.u32 s24, s2;
	[tilespmem:v23+s9+$0x0] =	vst.idx.add.f32.msk $0xffff, v2  }
0xf7: {  	v23 =	vadd.s32 v18, v39;
	v2 =	vld [tilespmem:s25+$0x0]  }
0xf8: {  	v27 =	vadd.s32 v7, v37;
	v22 =	vld [tilespmem:s1+$0x180]  }
0xf9: {  	[tilespmem:v59+s9+$0x0] =	vst.idx.add.f32.msk $0xffff, v25  }
0xfa: {  	v60 =	vadd.s32 v8, v36;
	v25 =	vld [tilespmem:s3+$0x200];
	_ =	sdelay $0x1  }
0xfb: {  	[tilespmem:v23+s9+$0x0] =	vst.idx.add.f32.msk $0xffff, v2;
	v2 =	vadd.s32 v14, v35  }
0xfc: {  	[tilespmem:v27+s9+$0x0] =	vst.idx.add.f32.msk $0xffff, v22  }
0xfd: {  	v27 =	vadd.s32 v8, v37;
	v22 =	vld [tilespmem:s1+$0x200]  }
0xfe: {  	[tilespmem:v60+s9+$0x0] =	vst.idx.add.f32.msk $0xffff, v25  }
0xff: {  	v61 =	vadd.s32 v9, v36;
	v25 =	vld [tilespmem:s3+$0x280]  }
0x100: {  	s5 =	sor.u32 s23, s6;
	[tilespmem:v2+s9+$0x0] =	vst.idx.add.f32.msk $0xffff, v20  }
0x101: {  	v20 =	vadd.s32 v15, v35;
	v2 =	vld [tilespmem:s5+$0x0]  }
0x102: {  	[tilespmem:v27+s9+$0x0] =	vst.idx.add.f32.msk $0xffff, v22  }
0x103: {  	v22 =	vld [tilespmem:s1+$0x280]  }
0x104: {  	v27 =	vadd.s32 v9, v37;
	[tilespmem:v61+s9+$0x0] =	vst.idx.add.f32.msk $0xffff, v25  }
0x105: {  	s26 =	sor.u32 $0x4380, s22;
	v25 =	vld [tilespmem:s3+$0x300]  }
0x106: {  	v62 =	vadd.s32 v10, v36;
	s22 =	sor.u32 s24, s26;
	s24 =	sor.u32 s23, s28;
	[tilespmem:v20+s9+$0x0] =	vst.idx.add.f32.msk $0xffff, v2  }
0x107: {  	v20 =	vadd.s32 v16, v35;
	v2 =	vld [tilespmem:s24+$0x0];
	_ =	sdelay $0x1  }
0x108: {  	[tilespmem:v27+s9+$0x0] =	vst.idx.add.f32.msk $0xffff, v22  }
0x109: {  	v27 =	vadd.s32 v10, v37;
	v22 =	vld [tilespmem:s1+$0x300]  }
0x10a: {  	vm0 =	vgt.s32 v50, v38;
	[tilespmem:v62+s9+$0x0] =	vst.idx.add.f32.msk $0xffff, v25  }
0x10b: {  	[tilespmem:v20+s9+$0x0] =	vst.idx.add.f32.msk $0xffff, v2;
	v2 =	vsel vm0, v50, v38  }
0x10c: {  	v63 =	vadd.s32 v11, v36;
	v25 =	vld [tilespmem:s3+$0x380];
	vm0 =	vgt.s32 v2, v0  }
0x10d: {  	v23 =	vld [tilespmem:s22+$0x0];
	v20 =	vadd.s32 v19, v39;
	v0 =	vsel vm0, v2, v0  }
0x10e: {  	s25 =	sor.u32 s23, s29;
	[tilespmem:v27+s9+$0x0] =	vst.idx.add.f32.msk $0xffff, v22;
	vm0 =	vgt.s32 v0, v21  }
0x10f: {  	v22 =	vadd.s32 v17, v35;
	v28 =	vld [tilespmem:s25+$0x0];
	v21 =	vsel vm0, v0, v21  }
0x110: {  	v2 =	vld [tilespmem:s1+$0x380];
	vm0 =	vgt.s32 v21, v24  }
0x111: {  	s28 =	sor.u32 $0x4000, s20;
	[tilespmem:v63+s9+$0x0] =	vst.idx.add.f32.msk $0xffff, v25;
	v50 =	vsel vm0, v21, v24;
	v21 =	vadd.s32 v11, v37  }
0x112: {  	s29 =	sor.u32 s21, s28;
	[tilespmem:v20+s9+$0x0] =	vst.idx.add.f32.msk $0xffff, v23  }
0x113: {  	s22 =	simm.s32 $0x2;
	s24 =	sor.u32 s23, s26;
	v20 =	vadd.s32 v12, v36;
	v0 =	vld [tilespmem:s29+$0x0]  }
0x114: {  	s25 =	sor.u32 s23, s2;
	s23 =	simm.s32 $0x200;
	s1 =	sor.u32 s12, s28;
	[tilespmem:v22+s9+$0x0] =	vst.idx.add.f32.msk $0xffff, v28  }
.LBB2_5:
0x115: {  	s3 =	sand.u32 $0x3C00, s23;
	s22 =	sadd.s32 $0x2, s22;
	v22 =	vld [tilespmem:s25+$0x0]  }
0x116: {  	s8 =	sadd.s32 $0x20, s8;
	s6 =	sshrl.u32 s3, $0x2;
	p0 =	slt.u32 s22, $0x7E;
	[tilespmem:v21+s9+$0x0] =	vst.idx.add.f32.msk $0xffff, v2;
	v2 =	vadd.s32 v18, v35  }
0x117: {  	v23 =	vadd.s32 v12, v37;
	s5 =	sand.u32 $0x60, s8;
	s10 =	sor.u32 $0x10000, s6;
	v21 =	vld [tilespmem:s1+$0x0]  }
0x118: {  	s16 =	sor.u32 $0x4080, s20;
	s6 =	sor.u32 $0x10, s5;
	s1 =	sor.u32 s5, s10;
	[tilespmem:v20+s9+$0x0] =	vst.idx.add.f32.msk $0xffff, v0  }
0x119: {  	v0 =	vld [tilespmem:s1+$0x0];
	s1 =	sor.u32 s6, s10;
	s10 =	sor.u32 s21, s16;
	s16 =	sor.u32 s12, s16  }
0x11a: {  	v20 =	vld [tilespmem:s10+$0x0]  }
0x11b: {  	v24 =	vadd.s32 v13, v36;
	[tilespmem:v2+s9+$0x0] =	vst.idx.add.f32.msk $0xffff, v22  }
0x11c: {  	[tilespmem:v23+s9+$0x0] =	vst.idx.add.f32.msk $0xffff, v21  }
0x11d: {  	v22 =	vadd.s32 v19, v35;
	v35 =	vmov v37;
	v21 =	vadd.s32 v13, v37;
	v2 =	vld [tilespmem:s16+$0x0]  }
0x11e: {  	v23 =	vadd.s32 v3, v0;
	v25 =	vshll.u32 v0, $0x4;
	vm0 =	vgt.s32 v50, v0;
	v26 =	vld [tilespmem:s24+$0x0]  }
0x11f: {  	v27 =	vld [tilespmem:s1+$0x0];
	s1 =	sor.u32 $0x4100, s20  }
0x120: {  	[tilespmem:v24+s9+$0x0] =	vst.idx.add.f32.msk $0xffff, v20;
	s10 =	sor.u32 s21, s1;
	s1 =	sor.u32 s12, s1  }
0x121: {  	v20 =	vld [tilespmem:s10+$0x0]  }
0x122: {  	v24 =	vadd.s32 v14, v36;
	[tilespmem:v21+s9+$0x0] =	vst.idx.add.f32.msk $0xffff, v2  }
0x123: {  	v0 =	vsel vm0, v50, v0;
	v2 =	vld [tilespmem:s1+$0x0]  }
0x124: {  	s1 =	sor.u32 s6, s3;
	v21 =	vadd.s32 v3, v27;
	v37 =	vshll.u32 v27, $0x4;
	vm0 =	vgt.s32 v0, v27;
	[tilespmem:v22+s9+$0x0] =	vst.idx.add.f32.msk $0xffff, v26  }
0x125: {  	s10 =	sor.u32 s5, s3;
	[tilespmem:v23+s15+$0x0] =	vst.idx.add.f32.msk $0xffff, v6;
	v50 =	vsel vm0, v0, v27  }
0x126: {  	s16 =	sor.u32 $0x4180, s20;
	v22 =	vadd.s32 v14, v35;
	v0 =	vld [tilespmem:s10+$0x0]  }
0x127: {  	s24 =	sor.u32 s21, s16;
	s16 =	sor.u32 s12, s16;
	v23 =	vadd.s32 v4, v25;
	[tilespmem:v24+s9+$0x0] =	vst.idx.add.f32.msk $0xffff, v20  }
0x128: {  	v20 =	vld [tilespmem:s24+$0x0]  }
0x129: {  	[tilespmem:v21+s15+$0x0] =	vst.idx.add.f32.msk $0xffff, v6;
	v21 =	vadd.s32 v15, v36  }
0x12a: {  	v24 =	vld [tilespmem:s1+$0x0]  }
0x12b: {  	v26 =	vadd.s32 v4, v37;
	[tilespmem:v22+s9+$0x0] =	vst.idx.add.f32.msk $0xffff, v2  }
0x12c: {  	[tilespmem:v23+s9+$0x0] =	vst.idx.add.f32.msk $0xffff, v0  }
0x12d: {  	s24 =	sor.u32 $0x4200, s20;
	v2 =	vadd.s32 v29, v25;
	v0 =	vld [tilespmem:s10+$0x80]  }
0x12e: {  	s25 =	sor.u32 s21, s24;
	s26 =	sor.u32 s12, s24;
	[tilespmem:v21+s9+$0x0] =	vst.idx.add.f32.msk $0xffff, v20  }
0x12f: {  	v21 =	vadd.s32 v16, v36;
	v20 =	vld [tilespmem:s25+$0x0]  }
0x130: {  	[tilespmem:v26+s9+$0x0] =	vst.idx.add.f32.msk $0xffff, v24  }
0x131: {  	v23 =	vadd.s32 v29, v37;
	v22 =	vld [tilespmem:s1+$0x80]  }
0x132: {  	[tilespmem:v2+s9+$0x0] =	vst.idx.add.f32.msk $0xffff, v0  }
0x133: {  	s24 =	sor.u32 $0x4280, s20;
	v2 =	vadd.s32 v30, v25;
	v0 =	vld [tilespmem:s10+$0x100]  }
0x134: {  	s28 =	sor.u32 s12, s24;
	s25 =	sor.u32 s21, s24;
	[tilespmem:v21+s9+$0x0] =	vst.idx.add.f32.msk $0xffff, v20  }
0x135: {  	v21 =	vadd.s32 v17, v36;
	v20 =	vld [tilespmem:s25+$0x0]  }
0x136: {  	[tilespmem:v23+s9+$0x0] =	vst.idx.add.f32.msk $0xffff, v22  }
0x137: {  	v23 =	vadd.s32 v30, v37;
	v22 =	vld [tilespmem:s1+$0x100]  }
0x138: {  	[tilespmem:v2+s9+$0x0] =	vst.idx.add.f32.msk $0xffff, v0  }
0x139: {  	s24 =	sor.u32 $0x4300, s20;
	v2 =	vadd.s32 v7, v25;
	v0 =	vld [tilespmem:s10+$0x180]  }
0x13a: {  	s29 =	sor.u32 s21, s24;
	s25 =	sor.u32 s12, s24;
	[tilespmem:v21+s9+$0x0] =	vst.idx.add.f32.msk $0xffff, v20  }
0x13b: {  	v21 =	vadd.s32 v18, v36;
	v20 =	vld [tilespmem:s29+$0x0]  }
0x13c: {  	[tilespmem:v23+s9+$0x0] =	vst.idx.add.f32.msk $0xffff, v22  }
0x13d: {  	v23 =	vadd.s32 v7, v37;
	v22 =	vld [tilespmem:s1+$0x180]  }
0x13e: {  	[tilespmem:v2+s9+$0x0] =	vst.idx.add.f32.msk $0xffff, v0  }
0x13f: {  	s24 =	sor.u32 $0x4380, s20;
	s20 =	smov.u32 s3;
	v2 =	vadd.s32 v8, v25;
	v0 =	vld [tilespmem:s10+$0x200]  }
0x140: {  	s3 =	sor.u32 s21, s24;
	s24 =	sor.u32 s12, s24;
	s21 =	smov.u32 s5;
	[tilespmem:v21+s9+$0x0] =	vst.idx.add.f32.msk $0xffff, v20  }
0x141: {  	s12 =	smov.u32 s6;
	v21 =	vadd.s32 v19, v36;
	v36 =	vmov v25;
	v20 =	vld [tilespmem:s3+$0x0]  }
0x142: {  	[tilespmem:v23+s9+$0x0] =	vst.idx.add.f32.msk $0xffff, v22  }
0x143: {  	v23 =	vadd.s32 v8, v37;
	v22 =	vld [tilespmem:s1+$0x200]  }
0x144: {  	[tilespmem:v2+s9+$0x0] =	vst.idx.add.f32.msk $0xffff, v0  }
0x145: {  	v2 =	vadd.s32 v9, v36;
	v0 =	vld [tilespmem:s10+$0x280]  }
0x146: {  	[tilespmem:v21+s9+$0x0] =	vst.idx.add.f32.msk $0xffff, v20  }
0x147: {  	v21 =	vadd.s32 v15, v35;
	v20 =	vld [tilespmem:s16+$0x0]  }
0x148: {  	[tilespmem:v23+s9+$0x0] =	vst.idx.add.f32.msk $0xffff, v22  }
0x149: {  	v23 =	vadd.s32 v9, v37;
	v22 =	vld [tilespmem:s1+$0x280]  }
0x14a: {  	[tilespmem:v2+s9+$0x0] =	vst.idx.add.f32.msk $0xffff, v0  }
0x14b: {  	v2 =	vadd.s32 v10, v36;
	v0 =	vld [tilespmem:s10+$0x300]  }
0x14c: {  	[tilespmem:v21+s9+$0x0] =	vst.idx.add.f32.msk $0xffff, v20  }
0x14d: {  	v21 =	vadd.s32 v16, v35;
	v20 =	vld [tilespmem:s26+$0x0]  }
0x14e: {  	[tilespmem:v23+s9+$0x0] =	vst.idx.add.f32.msk $0xffff, v22  }
0x14f: {  	v23 =	vadd.s32 v10, v37;
	v22 =	vld [tilespmem:s1+$0x300]  }
0x150: {  	[tilespmem:v2+s9+$0x0] =	vst.idx.add.f32.msk $0xffff, v0  }
0x151: {  	v24 =	vadd.s32 v11, v36;
	v0 =	vld [tilespmem:s10+$0x380]  }
0x152: {  	[tilespmem:v21+s9+$0x0] =	vst.idx.add.f32.msk $0xffff, v20  }
0x153: {  	v26 =	vadd.s32 v17, v35;
	v25 =	vld [tilespmem:s28+$0x0]  }
.Ltmp1:
0x154: {  	[tilespmem:v23+s9+$0x0] =	vst.idx.add.f32.msk $0xffff, v22;
	(pc) =	sbr.rel @p0 .LBB2_5-.Ltmp1, $4  }
0x155: {  	s3 =	sor.u32 $0x4000, s20;
	v21 =	vadd.s32 v11, v37;
	v2 =	vld [tilespmem:s1+$0x380]  }
0x156: {  	s5 =	sor.u32 s21, s3;
	s1 =	sor.u32 s12, s3;
	[tilespmem:v24+s9+$0x0] =	vst.idx.add.f32.msk $0xffff, v0  }
0x157: {  	v20 =	vadd.s32 v12, v36;
	v0 =	vld [tilespmem:s5+$0x0]  }
0x158: {  	s23 =	sadd.s32 $0x100, s23;
	[tilespmem:v26+s9+$0x0] =	vst.idx.add.f32.msk $0xffff, v25  }
0x159: {  	_ =	sdelay $0x3  }
0x15a: {  	[tilespmem:v21+s9+$0x0] =	vst.idx.add.f32.msk $0xffff, v2  }
0x15b: {  	v21 =	vadd.s32 v12, v37;
	v2 =	vld [tilespmem:s1+$0x0];
	_ =	sdelay $0x1  }
0x15c: {  	s5 =	sor.u32 $0x4080, s20  }
0x15d: {  	s3 =	sor.u32 s21, s5;
	[tilespmem:v20+s9+$0x0] =	vst.idx.add.f32.msk $0xffff, v0  }
0x15e: {  	v20 =	vadd.s32 v13, v36;
	v0 =	vld [tilespmem:s3+$0x0]  }
0x15f: {  	s1 =	sor.u32 s12, s5;
	[tilespmem:v21+s9+$0x0] =	vst.idx.add.f32.msk $0xffff, v2  }
0x160: {  	v21 =	vadd.s32 v13, v37;
	v2 =	vld [tilespmem:s1+$0x0];
	_ =	sdelay $0x1  }
0x161: {  	s6 =	sor.u32 $0x4100, s20  }
0x162: {  	s8 =	sor.u32 s21, s6;
	[tilespmem:v20+s9+$0x0] =	vst.idx.add.f32.msk $0xffff, v0  }
0x163: {  	v20 =	vadd.s32 v14, v36;
	v0 =	vld [tilespmem:s8+$0x0]  }
0x164: {  	s1 =	sor.u32 s12, s6;
	[tilespmem:v21+s9+$0x0] =	vst.idx.add.f32.msk $0xffff, v2  }
0x165: {  	v21 =	vadd.s32 v14, v37;
	v2 =	vld [tilespmem:s1+$0x0];
	_ =	sdelay $0x1  }
0x166: {  	s10 =	sor.u32 $0x4180, s20  }
0x167: {  	s16 =	sor.u32 s21, s10;
	[tilespmem:v20+s9+$0x0] =	vst.idx.add.f32.msk $0xffff, v0  }
0x168: {  	v20 =	vadd.s32 v15, v36;
	v0 =	vld [tilespmem:s16+$0x0]  }
0x169: {  	s1 =	sor.u32 s12, s10;
	[tilespmem:v21+s9+$0x0] =	vst.idx.add.f32.msk $0xffff, v2  }
0x16a: {  	v21 =	vadd.s32 v15, v37;
	v2 =	vld [tilespmem:s1+$0x0];
	_ =	sdelay $0x1  }
0x16b: {  	s22 =	sor.u32 $0x4200, s20  }
0x16c: {  	s23 =	sor.u32 s21, s22;
	[tilespmem:v20+s9+$0x0] =	vst.idx.add.f32.msk $0xffff, v0  }
0x16d: {  	v20 =	vadd.s32 v16, v36;
	v0 =	vld [tilespmem:s23+$0x0]  }
0x16e: {  	s1 =	sor.u32 s12, s22;
	[tilespmem:v21+s9+$0x0] =	vst.idx.add.f32.msk $0xffff, v2  }
0x16f: {  	v21 =	vadd.s32 v16, v37;
	v2 =	vld [tilespmem:s1+$0x0];
	_ =	sdelay $0x1  }
0x170: {  	s26 =	sor.u32 $0x4280, s20  }
0x171: {  	s28 =	sor.u32 s21, s26;
	[tilespmem:v20+s9+$0x0] =	vst.idx.add.f32.msk $0xffff, v0  }
0x172: {  	v20 =	vadd.s32 v17, v36;
	v0 =	vld [tilespmem:s28+$0x0]  }
0x173: {  	s1 =	sor.u32 s12, s26;
	[tilespmem:v21+s9+$0x0] =	vst.idx.add.f32.msk $0xffff, v2  }
0x174: {  	v21 =	vadd.s32 v17, v37;
	v2 =	vld [tilespmem:s1+$0x0];
	_ =	sdelay $0x1  }
0x175: {  	v22 =	vld [tilespmem:s25+$0x0];
	v23 =	vadd.s32 v18, v35;
	s29 =	sor.u32 $0x4300, s20  }
0x176: {  	s2 =	sor.u32 s21, s29;
	[tilespmem:v20+s9+$0x0] =	vst.idx.add.f32.msk $0xffff, v0  }
0x177: {  	v20 =	vadd.s32 v18, v36;
	v0 =	vld [tilespmem:s2+$0x0]  }
0x178: {  	s1 =	sor.u32 s12, s29;
	[tilespmem:v21+s9+$0x0] =	vst.idx.add.f32.msk $0xffff, v2  }
0x179: {  	v21 =	vadd.s32 v18, v37;
	v2 =	vld [tilespmem:s1+$0x0]  }
0x17a: {  	[tilespmem:v23+s9+$0x0] =	vst.idx.add.f32.msk $0xffff, v22  }
0x17b: {  	s5 =	sor.u32 $0x4380, s20;
	v22 =	vld [tilespmem:s24+$0x0]  }
0x17c: {  	s6 =	sor.u32 s21, s5;
	[tilespmem:v20+s9+$0x0] =	vst.idx.add.f32.msk $0xffff, v0  }
0x17d: {  	v0 =	vadd.s32 v19, v35;
	v20 =	vld [tilespmem:s6+$0x0]  }
0x17e: {  	v23 =	vadd.s32 v19, v36;
	s1 =	sor.u32 s12, s5;
	[tilespmem:v21+s9+$0x0] =	vst.idx.add.f32.msk $0xffff, v2  }
0x17f: {  	v2 =	vadd.s32 v19, v37;
	v21 =	vld [tilespmem:s1+$0x0];
	_ =	sdelay $0x2  }
0x180: {  	[tilespmem:v0+s9+$0x0] =	vst.idx.add.f32.msk $0xffff, v22  }
0x181: {  	[tilespmem:v23+s9+$0x0] =	vst.idx.add.f32.msk $0xffff, v20  }
0x182: {  	s8 =	smin.u32 s19, $0x3E800;
	s5 =	simm.s32 $0x0;
	[tilespmem:v2+s9+$0x0] =	vst.idx.add.f32.msk $0xffff, v21  }
0x183: {  	s12 =	simm.s32 $0x4000;
	s1 =	sadd.s32 $0x1000, s8;
	s2 =	rddreg [dreg:$0x8]  }
0x184: {  	s6 =	simm.s32 $0x200000;
	s10 =	sadd.s32 s1, s2;
	s1 =	sshll.u32 s1, $0x2  }
0x185: {  	[tilespmem:s5], [sflag:$0x1] =	stream.strided.gather [hbm4b:s10+s12], $0x8000, s6, s12, $0x38;
	[tilespmem:$0x13C80] =	vst v63  }
0x186: {  	s1 =	sor.u32 s31, s1  }
0x187: {  	s1 =	sshrl.u32 s1, $0x3  }
0x188: {  	s16 =	simm.s32 $0x10000;
	s1 =	sadd.s32 s30, s1  }
0x189: {  	[tilespmem:s16], [sflag:$0x1] =	stream.linear.gather [hbm4b:s1+s5], $0x80, $0x38;
	[tilespmem:$0x13C80] =	vst v63  }
0x18a: {  	s20 =	simm.s32 $0x10100;
	s19 =	sadd.s32 $0x40, s1  }
0x18b: {  	[tilespmem:s20], [sflag:$0x1] =	stream.linear.gather [hbm4b:s19+s5], $0x80, $0x38;
	[tilespmem:$0x13C80] =	vst v63  }
0x18c: {  	s22 =	simm.s32 $0x10200;
	s21 =	sadd.s32 $0x80, s1  }
0x18d: {  	[tilespmem:s22], [sflag:$0x1] =	stream.linear.gather [hbm4b:s21+s5], $0x80, $0x38;
	[tilespmem:$0x13C80] =	vst v63  }
0x18e: {  	s24 =	simm.s32 $0x10300;
	s23 =	sadd.s32 $0xC0, s1  }
0x18f: {  	[tilespmem:s24], [sflag:$0x1] =	stream.linear.gather [hbm4b:s23+s5], $0x80, $0x38;
	[tilespmem:$0x13C80] =	vst v63  }
0x190: {  	s26 =	simm.s32 $0x10400;
	s25 =	sadd.s32 $0x100, s1  }
0x191: {  	[tilespmem:s26], [sflag:$0x1] =	stream.linear.gather [hbm4b:s25+s5], $0x80, $0x38;
	[tilespmem:$0x13C80] =	vst v63  }
0x192: {  	s29 =	simm.s32 $0x10500;
	s28 =	sadd.s32 $0x140, s1  }
0x193: {  	[tilespmem:s29], [sflag:$0x1] =	stream.linear.gather [hbm4b:s28+s5], $0x80, $0x38;
	[tilespmem:$0x13C80] =	vst v63  }
0x194: {  	s6 =	simm.s32 $0x10600;
	s2 =	sadd.s32 $0x180, s1  }
0x195: {  	[tilespmem:s6], [sflag:$0x1] =	stream.linear.gather [hbm4b:s2+s5], $0x80, $0x38;
	[tilespmem:$0x13C80] =	vst v63  }
0x196: {  	s10 =	simm.s32 $0x10700;
	s8 =	sadd.s32 $0x1C0, s1  }
0x197: {  	[tilespmem:s10], [sflag:$0x1] =	stream.linear.gather [hbm4b:s8+s5], $0x80, $0x38;
	[tilespmem:$0x13C80] =	vst v63  }
0x198: {  	s12 =	sadd.s32 $0x200, s1;
	s16 =	simm.s32 $0x10800  }
0x199: {  	[tilespmem:s16], [sflag:$0x1] =	stream.linear.gather [hbm4b:s12+s5], $0x80, $0x38;
	[tilespmem:$0x13C80] =	vst v63  }
0x19a: {  	s19 =	sadd.s32 $0x240, s1;
	s20 =	simm.s32 $0x10900  }
0x19b: {  	[tilespmem:s20], [sflag:$0x1] =	stream.linear.gather [hbm4b:s19+s5], $0x80, $0x38;
	[tilespmem:$0x13C80] =	vst v63  }
0x19c: {  	s21 =	sadd.s32 $0x280, s1;
	s22 =	simm.s32 $0x10A00  }
0x19d: {  	[tilespmem:s22], [sflag:$0x1] =	stream.linear.gather [hbm4b:s21+s5], $0x80, $0x38;
	[tilespmem:$0x13C80] =	vst v63  }
0x19e: {  	s23 =	sadd.s32 $0x2C0, s1;
	s24 =	simm.s32 $0x10B00  }
0x19f: {  	[tilespmem:s24], [sflag:$0x1] =	stream.linear.gather [hbm4b:s23+s5], $0x80, $0x38;
	[tilespmem:$0x13C80] =	vst v63  }
0x1a0: {  	s25 =	sadd.s32 $0x300, s1;
	s26 =	simm.s32 $0x10C00  }
0x1a1: {  	[tilespmem:s26], [sflag:$0x1] =	stream.linear.gather [hbm4b:s25+s5], $0x80, $0x38;
	[tilespmem:$0x13C80] =	vst v63  }
0x1a2: {  	s28 =	sadd.s32 $0x340, s1;
	s29 =	simm.s32 $0x10D00  }
0x1a3: {  	[tilespmem:s29], [sflag:$0x1] =	stream.linear.gather [hbm4b:s28+s5], $0x80, $0x38;
	[tilespmem:$0x13C80] =	vst v63  }
0x1a4: {  	s6 =	sadd.s32 $0x380, s1;
	s8 =	simm.s32 $0x10E00  }
0x1a5: {  	[tilespmem:s8], [sflag:$0x1] =	stream.linear.gather [hbm4b:s6+s5], $0x80, $0x38;
	[tilespmem:$0x13C80] =	vst v63  }
0x1a6: {  	s1 =	sadd.s32 $0x3C0, s1;
	s10 =	simm.s32 $0x10F00;
	s12 =	simm.s32 $0x2  }
0x1a7: {  	[tilespmem:s10], [sflag:$0x1] =	stream.linear.gather [hbm4b:s1+s5], $0x80, $0x38;
	[tilespmem:$0x13C80] =	vst v63  }
0x1a8: {  	_ =	swait.ge [sflag:s12], $0x8000  }
0x1a9: {  	[sflag:s12] =	ssyncset.done $0x0  }
0x1aa: {  	s8 =	sand.u32 $0x3C00, s5;
	[sflag:s12] =	ssyncadd.s32 $0xFFFF8000  }
0x1ab: {  	s16 =	sshrl.u32 s8, $0x2;
	_ =	swait.ge [sflag:s12], $0x800  }
0x1ac: {  	s23 =	sand.u32 $0x60, s5;
	s1 =	sor.u32 $0x10000, s16;
	[sflag:s12] =	ssyncset.done $0x0  }
0x1ad: {  	s19 =	sor.u32 s23, s1;
	[sflag:s12] =	ssyncadd.s32 $0xFFFFF800  }
0x1ae: {  	v39 =	vld [tilespmem:s19+$0x80]  }
0x1af: {  	s24 =	sor.u32 $0x10, s23  }
0x1b0: {  	s1 =	sor.u32 s24, s1  }
0x1b1: {  	v38 =	vld [tilespmem:s1+$0x80];
	_ =	sdelay $0x1  }
0x1b2: {  	v0 =	vadd.s32 v3, v39;
	_ =	sdelay $0x2  }
0x1b3: {  	v2 =	vadd.s32 v3, v38  }
0x1b4: {  	s20 =	sor.u32 $0x8000, s8  }
0x1b5: {  	s21 =	sor.u32 s23, s20;
	v51 =	vshll.u32 v39, $0x4;
	[tilespmem:v0+s15+$0x0] =	vst.idx.add.f32.msk $0xffff, v6  }
0x1b6: {  	v0 =	vadd.s32 v4, v51;
	v20 =	vld [tilespmem:s21+$0x0];
	_ =	sdelay $0x1  }
0x1b7: {  	s1 =	sor.u32 s24, s20;
	v35 =	vshll.u32 v38, $0x4;
	[tilespmem:v2+s15+$0x0] =	vst.idx.add.f32.msk $0xffff, v6  }
0x1b8: {  	v2 =	vadd.s32 v4, v35;
	v21 =	vld [tilespmem:s1+$0x0]  }
0x1b9: {  	s22 =	sor.u32 $0x8080, s8  }
0x1ba: {  	s25 =	sor.u32 s23, s22;
	[tilespmem:v0+s9+$0x0] =	vst.idx.add.f32.msk $0xffff, v20  }
0x1bb: {  	v0 =	vadd.s32 v29, v51;
	v20 =	vld [tilespmem:s25+$0x0];
	_ =	sdelay $0x1  }
0x1bc: {  	s1 =	sor.u32 s24, s22;
	[tilespmem:v2+s9+$0x0] =	vst.idx.add.f32.msk $0xffff, v21  }
0x1bd: {  	v2 =	vadd.s32 v29, v35;
	v21 =	vld [tilespmem:s1+$0x0]  }
0x1be: {  	s26 =	sor.u32 $0x8100, s8  }
0x1bf: {  	s28 =	sor.u32 s23, s26;
	[tilespmem:v0+s9+$0x0] =	vst.idx.add.f32.msk $0xffff, v20  }
0x1c0: {  	v20 =	vadd.s32 v30, v51;
	v0 =	vld [tilespmem:s28+$0x0];
	_ =	sdelay $0x1  }
0x1c1: {  	s1 =	sor.u32 s24, s26;
	[tilespmem:v2+s9+$0x0] =	vst.idx.add.f32.msk $0xffff, v21  }
0x1c2: {  	v2 =	vadd.s32 v30, v35;
	v21 =	vld [tilespmem:s1+$0x0]  }
0x1c3: {  	s29 =	sor.u32 $0x8180, s8  }
0x1c4: {  	s2 =	sor.u32 s23, s29;
	[tilespmem:v20+s9+$0x0] =	vst.idx.add.f32.msk $0xffff, v0  }
0x1c5: {  	v20 =	vadd.s32 v7, v51;
	v0 =	vld [tilespmem:s2+$0x0];
	_ =	sdelay $0x1  }
0x1c6: {  	s1 =	sor.u32 s24, s29;
	[tilespmem:v2+s9+$0x0] =	vst.idx.add.f32.msk $0xffff, v21  }
0x1c7: {  	v21 =	vadd.s32 v7, v35;
	v2 =	vld [tilespmem:s1+$0x0]  }
0x1c8: {  	s5 =	sor.u32 $0x8200, s8  }
0x1c9: {  	s6 =	sor.u32 s23, s5;
	[tilespmem:v20+s9+$0x0] =	vst.idx.add.f32.msk $0xffff, v0  }
0x1ca: {  	v20 =	vadd.s32 v8, v51;
	v0 =	vld [tilespmem:s6+$0x0];
	_ =	sdelay $0x1  }
0x1cb: {  	s1 =	sor.u32 s24, s5;
	[tilespmem:v21+s9+$0x0] =	vst.idx.add.f32.msk $0xffff, v2  }
0x1cc: {  	v21 =	vadd.s32 v8, v35;
	v2 =	vld [tilespmem:s1+$0x0]  }
0x1cd: {  	s10 =	sor.u32 $0x8280, s8  }
0x1ce: {  	s12 =	sor.u32 s23, s10;
	[tilespmem:v20+s9+$0x0] =	vst.idx.add.f32.msk $0xffff, v0  }
0x1cf: {  	v20 =	vadd.s32 v9, v51;
	v0 =	vld [tilespmem:s12+$0x0];
	_ =	sdelay $0x1  }
0x1d0: {  	s1 =	sor.u32 s24, s10;
	[tilespmem:v21+s9+$0x0] =	vst.idx.add.f32.msk $0xffff, v2  }
0x1d1: {  	v21 =	vadd.s32 v9, v35;
	v2 =	vld [tilespmem:s1+$0x0]  }
0x1d2: {  	s16 =	sor.u32 $0x8300, s8  }
0x1d3: {  	s19 =	sor.u32 s23, s16;
	[tilespmem:v20+s9+$0x0] =	vst.idx.add.f32.msk $0xffff, v0  }
0x1d4: {  	v20 =	vadd.s32 v10, v51;
	v0 =	vld [tilespmem:s19+$0x0];
	_ =	sdelay $0x1  }
0x1d5: {  	s1 =	sor.u32 s24, s16;
	[tilespmem:v21+s9+$0x0] =	vst.idx.add.f32.msk $0xffff, v2  }
0x1d6: {  	v21 =	vadd.s32 v10, v35;
	v2 =	vld [tilespmem:s1+$0x0]  }
0x1d7: {  	s20 =	sor.u32 $0x8380, s8  }
0x1d8: {  	s21 =	sor.u32 s23, s20;
	[tilespmem:v20+s9+$0x0] =	vst.idx.add.f32.msk $0xffff, v0  }
0x1d9: {  	v20 =	vadd.s32 v11, v51;
	v0 =	vld [tilespmem:s21+$0x0]  }
0x1da: {  	s22 =	simm.s32 $0x100  }
0x1db: {  	s12 =	simm.s32 $0x20;
	s1 =	sor.u32 s24, s20;
	s20 =	sand.u32 $0x3C00, s22;
	[tilespmem:v21+s9+$0x0] =	vst.idx.add.f32.msk $0xffff, v2  }
0x1dc: {  	s19 =	sand.u32 $0x60, s12;
	v21 =	vadd.s32 v11, v35;
	v2 =	vld [tilespmem:s1+$0x0];
	s1 =	sshrl.u32 s20, $0x2  }
0x1dd: {  	s21 =	sor.u32 $0x10, s19;
	s1 =	sor.u32 $0x10000, s1  }
0x1de: {  	s25 =	sor.u32 $0xC000, s8;
	s26 =	sor.u32 s19, s1;
	s1 =	sor.u32 s21, s1;
	[tilespmem:v20+s9+$0x0] =	vst.idx.add.f32.msk $0xffff, v0  }
0x1df: {  	s5 =	sor.u32 s23, s25;
	v0 =	vld [tilespmem:s1+$0x80]  }
0x1e0: {  	v22 =	vadd.s32 v12, v51;
	v20 =	vld [tilespmem:s5+$0x0]  }
0x1e1: {  	s3 =	sor.u32 s24, s25;
	[tilespmem:v21+s9+$0x0] =	vst.idx.add.f32.msk $0xffff, v2  }
0x1e2: {  	v23 =	vadd.s32 v12, v35;
	v21 =	vld [tilespmem:s3+$0x0]  }
0x1e3: {  	v2 =	vld [tilespmem:s26+$0x80]  }
0x1e4: {  	s28 =	sor.u32 $0xC080, s8;
	v25 =	vadd.s32 v3, v0  }
0x1e5: {  	s29 =	sor.u32 s23, s28;
	[tilespmem:v22+s9+$0x0] =	vst.idx.add.f32.msk $0xffff, v20  }
0x1e6: {  	v22 =	vadd.s32 v13, v51;
	v20 =	vld [tilespmem:s29+$0x0]  }
0x1e7: {  	s1 =	sor.u32 s24, s28;
	[tilespmem:v23+s9+$0x0] =	vst.idx.add.f32.msk $0xffff, v21  }
0x1e8: {  	s6 =	sor.u32 $0x8000, s20;
	v24 =	vadd.s32 v3, v2;
	v21 =	vld [tilespmem:s1+$0x0]  }
0x1e9: {  	s16 =	sor.u32 s21, s6;
	v37 =	vshll.u32 v0, $0x4;
	[tilespmem:v25+s15+$0x0] =	vst.idx.add.f32.msk $0xffff, v6  }
0x1ea: {  	v57 =	vadd.s32 v4, v37;
	v25 =	vld [tilespmem:s16+$0x0]  }
0x1eb: {  	[tilespmem:v22+s9+$0x0] =	vst.idx.add.f32.msk $0xffff, v20;
	v20 =	vadd.s32 v13, v35  }
0x1ec: {  	s2 =	sor.u32 $0xC100, s8  }
0x1ed: {  	s10 =	sor.u32 s23, s2;
	[tilespmem:v24+s15+$0x0] =	vst.idx.add.f32.msk $0xffff, v6  }
0x1ee: {  	v23 =	vadd.s32 v14, v51;
	v22 =	vld [tilespmem:s10+$0x0]  }
0x1ef: {  	[tilespmem:v57+s9+$0x0] =	vst.idx.add.f32.msk $0xffff, v25  }
0x1f0: {  	s3 =	sor.u32 s19, s6;
	v36 =	vshll.u32 v2, $0x4;
	[tilespmem:v20+s9+$0x0] =	vst.idx.add.f32.msk $0xffff, v21  }
0x1f1: {  	s1 =	sor.u32 s24, s2;
	v20 =	vld [tilespmem:s3+$0x0];
	v21 =	vadd.s32 v4, v36  }
0x1f2: {  	s22 =	sor.u32 $0x8080, s20;
	v26 =	vld [tilespmem:s1+$0x0]  }
0x1f3: {  	s25 =	sor.u32 s21, s22;
	s26 =	sor.u32 $0xC180, s8;
	[tilespmem:v23+s9+$0x0] =	vst.idx.add.f32.msk $0xffff, v22;
	v22 =	vadd.s32 v14, v35  }
0x1f4: {  	s28 =	sor.u32 s23, s26;
	v24 =	vld [tilespmem:s25+$0x0];
	v23 =	vadd.s32 v29, v37  }
0x1f5: {  	v58 =	vld [tilespmem:s28+$0x0]  }
0x1f6: {  	s1 =	sor.u32 s19, s22;
	[tilespmem:v21+s9+$0x0] =	vst.idx.add.f32.msk $0xffff, v20  }
0x1f7: {  	v20 =	vadd.s32 v29, v36;
	v21 =	vld [tilespmem:s1+$0x0]  }
0x1f8: {  	s29 =	sor.u32 $0x8100, s20;
	[tilespmem:v22+s9+$0x0] =	vst.idx.add.f32.msk $0xffff, v26  }
0x1f9: {  	s2 =	sor.u32 s21, s29;
	[tilespmem:v23+s9+$0x0] =	vst.idx.add.f32.msk $0xffff, v24;
	v22 =	vadd.s32 v15, v51  }
0x1fa: {  	s5 =	sor.u32 s24, s26;
	v23 =	vadd.s32 v30, v37;
	v24 =	vld [tilespmem:s2+$0x0]  }
0x1fb: {  	v26 =	vld [tilespmem:s5+$0x0]  }
0x1fc: {  	s1 =	sor.u32 s19, s29;
	[tilespmem:v20+s9+$0x0] =	vst.idx.add.f32.msk $0xffff, v21;
	v20 =	vadd.s32 v15, v35  }
0x1fd: {  	v27 =	vadd.s32 v30, v36;
	v21 =	vld [tilespmem:s1+$0x0]  }
0x1fe: {  	s5 =	sor.u32 $0x8180, s20;
	[tilespmem:v22+s9+$0x0] =	vst.idx.add.f32.msk $0xffff, v58  }
0x1ff: {  	s6 =	sor.u32 s21, s5;
	[tilespmem:v23+s9+$0x0] =	vst.idx.add.f32.msk $0xffff, v24  }
0x200: {  	v23 =	vadd.s32 v7, v37;
	v22 =	vld [tilespmem:s6+$0x0]  }
0x201: {  	[tilespmem:v20+s9+$0x0] =	vst.idx.add.f32.msk $0xffff, v26  }
0x202: {  	s10 =	sor.u32 $0xC200, s8;
	s1 =	sor.u32 s19, s5;
	[tilespmem:v27+s9+$0x0] =	vst.idx.add.f32.msk $0xffff, v21  }
0x203: {  	s16 =	sor.u32 s24, s10;
	v21 =	vadd.s32 v7, v36;
	v20 =	vld [tilespmem:s1+$0x0]  }
0x204: {  	s22 =	sor.u32 $0x8200, s20;
	v59 =	vld [tilespmem:s16+$0x0]  }
0x205: {  	s25 =	sor.u32 s21, s22;
	[tilespmem:v23+s9+$0x0] =	vst.idx.add.f32.msk $0xffff, v22;
	v22 =	vadd.s32 v16, v35  }
0x206: {  	v60 =	vadd.s32 v8, v37;
	s3 =	sor.u32 s23, s10;
	v23 =	vld [tilespmem:s25+$0x0]  }
0x207: {  	v61 =	vld [tilespmem:s3+$0x0]  }
0x208: {  	s26 =	sor.u32 s19, s22;
	[tilespmem:v21+s9+$0x0] =	vst.idx.add.f32.msk $0xffff, v20;
	v20 =	vadd.s32 v16, v51  }
0x209: {  	v27 =	vadd.s32 v8, v36;
	v21 =	vld [tilespmem:s26+$0x0]  }
0x20a: {  	s28 =	sor.u32 $0x8280, s20;
	[tilespmem:v22+s9+$0x0] =	vst.idx.add.f32.msk $0xffff, v59  }
0x20b: {  	s29 =	sor.u32 s21, s28;
	[tilespmem:v60+s9+$0x0] =	vst.idx.add.f32.msk $0xffff, v23  }
0x20c: {  	v23 =	vadd.s32 v9, v37;
	v22 =	vld [tilespmem:s29+$0x0]  }
0x20d: {  	[tilespmem:v20+s9+$0x0] =	vst.idx.add.f32.msk $0xffff, v61  }
0x20e: {  	s2 =	sor.u32 $0xC280, s8;
	s1 =	sor.u32 s19, s28;
	[tilespmem:v27+s9+$0x0] =	vst.idx.add.f32.msk $0xffff, v21  }
0x20f: {  	s5 =	sor.u32 s24, s2;
	v21 =	vadd.s32 v9, v36;
	v20 =	vld [tilespmem:s1+$0x0]  }
0x210: {  	s6 =	sor.u32 $0x8300, s20;
	v24 =	vld [tilespmem:s5+$0x0]  }
0x211: {  	s10 =	sor.u32 s21, s6;
	[tilespmem:v23+s9+$0x0] =	vst.idx.add.f32.msk $0xffff, v22;
	v22 =	vadd.s32 v17, v35  }
0x212: {  	v62 =	vadd.s32 v10, v37;
	s3 =	sor.u32 s23, s2;
	v23 =	vld [tilespmem:s10+$0x0]  }
0x213: {  	v26 =	vld [tilespmem:s3+$0x0]  }
0x214: {  	s1 =	sor.u32 s19, s6;
	[tilespmem:v21+s9+$0x0] =	vst.idx.add.f32.msk $0xffff, v20;
	v20 =	vadd.s32 v17, v51  }
0x215: {  	v27 =	vadd.s32 v10, v36;
	v21 =	vld [tilespmem:s1+$0x0]  }
0x216: {  	vm0 =	vgt.s32 v50, v39;
	s16 =	sor.u32 $0xC300, s8;
	[tilespmem:v22+s9+$0x0] =	vst.idx.add.f32.msk $0xffff, v24  }
0x217: {  	s22 =	sor.u32 s24, s16;
	v22 =	vsel vm0, v50, v39;
	[tilespmem:v62+s9+$0x0] =	vst.idx.add.f32.msk $0xffff, v23  }
0x218: {  	v63 =	vadd.s32 v18, v35;
	v23 =	vld [tilespmem:s22+$0x0];
	vm0 =	vgt.s32 v22, v38  }
0x219: {  	s25 =	sor.u32 $0x8380, s20;
	v22 =	vsel vm0, v22, v38;
	[tilespmem:v20+s9+$0x0] =	vst.idx.add.f32.msk $0xffff, v26  }
0x21a: {  	s26 =	sor.u32 s19, s25;
	vm0 =	vgt.s32 v22, v2;
	[tilespmem:v27+s9+$0x0] =	vst.idx.add.f32.msk $0xffff, v21  }
0x21b: {  	s3 =	sor.u32 s21, s25;
	v21 =	vsel vm0, v22, v2;
	v22 =	vadd.s32 v11, v36;
	v20 =	vld [tilespmem:s26+$0x0]  }
0x21c: {  	s28 =	sor.u32 $0xC380, s8;
	s8 =	sor.u32 $0xC000, s20;
	v2 =	vld [tilespmem:s3+$0x0];
	vm0 =	vgt.s32 v21, v0  }
0x21d: {  	s29 =	sor.u32 s24, s28;
	s24 =	simm.s32 $0x200;
	s22 =	simm.s32 $0x2;
	[tilespmem:v63+s9+$0x0] =	vst.idx.add.f32.msk $0xffff, v23;
	v50 =	vsel vm0, v21, v0;
	v21 =	vadd.s32 v11, v37  }
0x21e: {  	s1 =	sor.u32 s23, s28;
	s3 =	sor.u32 s23, s16;
	s23 =	sor.u32 s21, s8;
	v0 =	vld [tilespmem:s29+$0x0]  }
.LBB2_7:
0x21f: {  	s25 =	sand.u32 $0x3C00, s24;
	s22 =	sadd.s32 $0x2, s22;
	s12 =	sadd.s32 $0x20, s12;
	v23 =	vld [tilespmem:s3+$0x0]  }
0x220: {  	s5 =	sor.u32 s19, s8;
	s3 =	sshrl.u32 s25, $0x2;
	[tilespmem:v22+s9+$0x0] =	vst.idx.add.f32.msk $0xffff, v20;
	s8 =	sor.u32 $0xC000, s25  }
0x221: {  	s26 =	sand.u32 $0x60, s12;
	p0 =	slt.u32 s22, $0x7E;
	v22 =	vadd.s32 v19, v35;
	v35 =	vmov v37;
	s3 =	sor.u32 $0x10000, s3;
	v20 =	vld [tilespmem:s5+$0x0]  }
0x222: {  	v24 =	vadd.s32 v12, v36;
	s28 =	sor.u32 $0x10, s26;
	s5 =	sor.u32 s26, s3;
	[tilespmem:v21+s9+$0x0] =	vst.idx.add.f32.msk $0xffff, v2  }
0x223: {  	s3 =	sor.u32 s28, s3;
	v2 =	vld [tilespmem:s5+$0x80];
	s5 =	sor.u32 s28, s8  }
0x224: {  	v25 =	vadd.s32 v18, v51;
	v21 =	vld [tilespmem:s3+$0x80]  }
0x225: {  	v27 =	vadd.s32 v12, v35;
	v26 =	vld [tilespmem:s23+$0x0];
	s23 =	smov.u32 s5  }
0x226: {  	s3 =	sor.u32 $0xC080, s20;
	[tilespmem:v22+s9+$0x0] =	vst.idx.add.f32.msk $0xffff, v0  }
0x227: {  	s5 =	sor.u32 s19, s3;
	s3 =	sor.u32 s21, s3;
	[tilespmem:v24+s9+$0x0] =	vst.idx.add.f32.msk $0xffff, v20  }
0x228: {  	v24 =	vadd.s32 v13, v36;
	v0 =	vadd.s32 v3, v2;
	v20 =	vshll.u32 v2, $0x4;
	v22 =	vld [tilespmem:s5+$0x0]  }
0x229: {  	vm0 =	vgt.s32 v50, v2;
	v28 =	vadd.s32 v3, v21;
	v37 =	vshll.u32 v21, $0x4;
	[tilespmem:v25+s9+$0x0] =	vst.idx.add.f32.msk $0xffff, v23  }
0x22a: {  	v2 =	vsel vm0, v50, v2;
	[tilespmem:v27+s9+$0x0] =	vst.idx.add.f32.msk $0xffff, v26  }
0x22b: {  	vm0 =	vgt.s32 v2, v21;
	v23 =	vld [tilespmem:s3+$0x0]  }
0x22c: {  	v50 =	vsel vm0, v2, v21;
	v21 =	vadd.s32 v19, v51;
	v51 =	vmovc v36;
	v36 =	vmov v20;
	v2 =	vld [tilespmem:s1+$0x0]  }
0x22d: {  	s1 =	sor.u32 $0x8000, s25;
	[tilespmem:v24+s9+$0x0] =	vst.idx.add.f32.msk $0xffff, v22  }
0x22e: {  	s5 =	sor.u32 $0xC100, s20;
	s3 =	sor.u32 s26, s1;
	[tilespmem:v0+s15+$0x0] =	vst.idx.add.f32.msk $0xffff, v6;
	v0 =	vadd.s32 v13, v35  }
0x22f: {  	s6 =	sor.u32 s19, s5;
	s5 =	sor.u32 s21, s5;
	v20 =	vadd.s32 v4, v36;
	s1 =	sor.u32 s28, s1;
	[tilespmem:v28+s15+$0x0] =	vst.idx.add.f32.msk $0xffff, v6  }
0x230: {  	v22 =	vadd.s32 v4, v37;
	v24 =	vld [tilespmem:s6+$0x0]  }
0x231: {  	v25 =	vadd.s32 v14, v51;
	[tilespmem:v21+s9+$0x0] =	vst.idx.add.f32.msk $0xffff, v2  }
0x232: {  	v2 =	vld [tilespmem:s1+$0x0]  }
0x233: {  	[tilespmem:v0+s9+$0x0] =	vst.idx.add.f32.msk $0xffff, v23  }
0x234: {  	v0 =	vld [tilespmem:s3+$0x0]  }
0x235: {  	s1 =	sor.u32 $0x8080, s25;
	v21 =	vld [tilespmem:s5+$0x0]  }
0x236: {  	v23 =	vadd.s32 v29, v36;
	s3 =	sor.u32 s26, s1;
	s1 =	sor.u32 s28, s1;
	[tilespmem:v25+s9+$0x0] =	vst.idx.add.f32.msk $0xffff, v24  }
0x237: {  	s5 =	sor.u32 $0xC180, s20;
	[tilespmem:v22+s9+$0x0] =	vst.idx.add.f32.msk $0xffff, v2;
	v2 =	vadd.s32 v29, v37;
	v22 =	vadd.s32 v14, v35  }
0x238: {  	v24 =	vld [tilespmem:s1+$0x0];
	s1 =	sor.u32 s19, s5;
	s5 =	sor.u32 s21, s5  }
0x239: {  	v25 =	vld [tilespmem:s1+$0x0]  }
0x23a: {  	[tilespmem:v20+s9+$0x0] =	vst.idx.add.f32.msk $0xffff, v0  }
0x23b: {  	v0 =	vld [tilespmem:s3+$0x0]  }
0x23c: {  	s1 =	sor.u32 $0x8100, s25;
	[tilespmem:v22+s9+$0x0] =	vst.idx.add.f32.msk $0xffff, v21  }
0x23d: {  	v20 =	vadd.s32 v15, v51;
	s3 =	sor.u32 s26, s1;
	s1 =	sor.u32 s28, s1;
	[tilespmem:v2+s9+$0x0] =	vst.idx.add.f32.msk $0xffff, v24;
	v2 =	vadd.s32 v30, v37  }
0x23e: {  	v21 =	vld [tilespmem:s1+$0x0]  }
0x23f: {  	v22 =	vld [tilespmem:s5+$0x0]  }
0x240: {  	[tilespmem:v23+s9+$0x0] =	vst.idx.add.f32.msk $0xffff, v0;
	v0 =	vadd.s32 v15, v35  }
0x241: {  	v24 =	vadd.s32 v30, v36;
	v23 =	vld [tilespmem:s3+$0x0]  }
0x242: {  	s1 =	sor.u32 $0x8180, s25;
	[tilespmem:v20+s9+$0x0] =	vst.idx.add.f32.msk $0xffff, v25  }
0x243: {  	s3 =	sor.u32 s26, s1;
	s1 =	sor.u32 s28, s1;
	[tilespmem:v2+s9+$0x0] =	vst.idx.add.f32.msk $0xffff, v21  }
0x244: {  	v20 =	vadd.s32 v7, v37;
	v2 =	vld [tilespmem:s1+$0x0]  }
0x245: {  	[tilespmem:v0+s9+$0x0] =	vst.idx.add.f32.msk $0xffff, v22  }
0x246: {  	s1 =	sor.u32 $0xC200, s20;
	[tilespmem:v24+s9+$0x0] =	vst.idx.add.f32.msk $0xffff, v23  }
0x247: {  	v21 =	vadd.s32 v7, v36;
	v0 =	vld [tilespmem:s3+$0x0];
	s3 =	sor.u32 s19, s1;
	s1 =	sor.u32 s21, s1  }
0x248: {  	s5 =	sor.u32 $0x8200, s25;
	v22 =	vld [tilespmem:s1+$0x0]  }
0x249: {  	s1 =	sor.u32 s26, s5;
	s5 =	sor.u32 s28, s5;
	[tilespmem:v20+s9+$0x0] =	vst.idx.add.f32.msk $0xffff, v2;
	v2 =	vadd.s32 v16, v35  }
0x24a: {  	v23 =	vadd.s32 v8, v37;
	v20 =	vld [tilespmem:s5+$0x0]  }
0x24b: {  	v24 =	vld [tilespmem:s3+$0x0]  }
0x24c: {  	[tilespmem:v21+s9+$0x0] =	vst.idx.add.f32.msk $0xffff, v0;
	v0 =	vadd.s32 v16, v51  }
0x24d: {  	v25 =	vadd.s32 v8, v36;
	v21 =	vld [tilespmem:s1+$0x0]  }
0x24e: {  	s1 =	sor.u32 $0x8280, s25;
	[tilespmem:v2+s9+$0x0] =	vst.idx.add.f32.msk $0xffff, v22  }
0x24f: {  	s3 =	sor.u32 s26, s1;
	s1 =	sor.u32 s28, s1;
	[tilespmem:v23+s9+$0x0] =	vst.idx.add.f32.msk $0xffff, v20  }
0x250: {  	v20 =	vadd.s32 v9, v37;
	v2 =	vld [tilespmem:s1+$0x0]  }
0x251: {  	[tilespmem:v0+s9+$0x0] =	vst.idx.add.f32.msk $0xffff, v24  }
0x252: {  	s1 =	sor.u32 $0xC280, s20;
	[tilespmem:v25+s9+$0x0] =	vst.idx.add.f32.msk $0xffff, v21  }
0x253: {  	v21 =	vadd.s32 v9, v36;
	v0 =	vld [tilespmem:s3+$0x0];
	s3 =	sor.u32 s19, s1;
	s1 =	sor.u32 s21, s1  }
0x254: {  	v22 =	vld [tilespmem:s1+$0x0]  }
0x255: {  	s1 =	sor.u32 $0x8300, s25;
	[tilespmem:v20+s9+$0x0] =	vst.idx.add.f32.msk $0xffff, v2;
	v2 =	vadd.s32 v17, v35  }
0x256: {  	s5 =	sor.u32 s26, s1;
	s1 =	sor.u32 s28, s1;
	v20 =	vld [tilespmem:s3+$0x0]  }
0x257: {  	v24 =	vadd.s32 v10, v37;
	v23 =	vld [tilespmem:s1+$0x0]  }
0x258: {  	[tilespmem:v21+s9+$0x0] =	vst.idx.add.f32.msk $0xffff, v0;
	v0 =	vadd.s32 v17, v51  }
0x259: {  	v25 =	vadd.s32 v10, v36;
	s1 =	sor.u32 $0xC300, s20;
	v21 =	vld [tilespmem:s5+$0x0]  }
0x25a: {  	s3 =	sor.u32 s19, s1;
	s1 =	sor.u32 s21, s1;
	[tilespmem:v2+s9+$0x0] =	vst.idx.add.f32.msk $0xffff, v22  }
0x25b: {  	v26 =	vadd.s32 v18, v35;
	v2 =	vld [tilespmem:s1+$0x0]  }
0x25c: {  	[tilespmem:v24+s9+$0x0] =	vst.idx.add.f32.msk $0xffff, v23  }
0x25d: {  	s1 =	sor.u32 $0x8380, s25;
	[tilespmem:v0+s9+$0x0] =	vst.idx.add.f32.msk $0xffff, v20  }
.Ltmp2:
0x25e: {  	s5 =	sor.u32 s26, s1;
	s1 =	sor.u32 s28, s1;
	[tilespmem:v25+s9+$0x0] =	vst.idx.add.f32.msk $0xffff, v21;
	(pc) =	sbr.rel @p0 .LBB2_7-.Ltmp2, $4  }
0x25f: {  	v22 =	vadd.s32 v11, v36;
	v20 =	vld [tilespmem:s5+$0x0]  }
0x260: {  	s5 =	sor.u32 $0xC380, s20;
	s20 =	smov.u32 s25;
	[tilespmem:v26+s9+$0x0] =	vst.idx.add.f32.msk $0xffff, v2  }
0x261: {  	v21 =	vadd.s32 v11, v37;
	v2 =	vld [tilespmem:s1+$0x0];
	s1 =	sor.u32 s19, s5;
	s5 =	sor.u32 s21, s5;
	s19 =	smov.u32 s26  }
0x262: {  	s24 =	sadd.s32 $0x100, s24;
	s21 =	smov.u32 s28;
	v0 =	vld [tilespmem:s5+$0x0]  }
0x263: {  	_ =	sdelay $0x3  }
0x264: {  	s5 =	sor.u32 s19, s8;
	[tilespmem:v22+s9+$0x0] =	vst.idx.add.f32.msk $0xffff, v20  }
0x265: {  	v25 =	vadd.s32 v12, v36;
	v20 =	vld [tilespmem:s5+$0x0]  }
0x266: {  	[tilespmem:v21+s9+$0x0] =	vst.idx.add.f32.msk $0xffff, v2  }
0x267: {  	v24 =	vadd.s32 v12, v37;
	v2 =	vld [tilespmem:s23+$0x0];
	_ =	sdelay $0x1  }
0x268: {  	s29 =	sor.u32 $0xC080, s20  }
0x269: {  	s5 =	sor.u32 s19, s29;
	[tilespmem:v25+s9+$0x0] =	vst.idx.add.f32.msk $0xffff, v20  }
0x26a: {  	v38 =	vadd.s32 v13, v36;
	v20 =	vld [tilespmem:s5+$0x0]  }
0x26b: {  	s6 =	sor.u32 s21, s29;
	[tilespmem:v24+s9+$0x0] =	vst.idx.add.f32.msk $0xffff, v2  }
0x26c: {  	v26 =	vadd.s32 v13, v37;
	v2 =	vld [tilespmem:s6+$0x0];
	_ =	sdelay $0x1  }
0x26d: {  	s2 =	sor.u32 $0xC100, s20  }
0x26e: {  	s5 =	sor.u32 s19, s2;
	[tilespmem:v38+s9+$0x0] =	vst.idx.add.f32.msk $0xffff, v20  }
0x26f: {  	v53 =	vadd.s32 v14, v36;
	v20 =	vld [tilespmem:s5+$0x0]  }
0x270: {  	s8 =	sor.u32 s21, s2;
	[tilespmem:v26+s9+$0x0] =	vst.idx.add.f32.msk $0xffff, v2  }
0x271: {  	v39 =	vadd.s32 v14, v37;
	v2 =	vld [tilespmem:s8+$0x0];
	_ =	sdelay $0x1  }
0x272: {  	s10 =	sor.u32 $0xC180, s20  }
0x273: {  	s5 =	sor.u32 s19, s10;
	[tilespmem:v53+s9+$0x0] =	vst.idx.add.f32.msk $0xffff, v20  }
0x274: {  	v55 =	vadd.s32 v15, v36;
	v20 =	vld [tilespmem:s5+$0x0]  }
0x275: {  	s12 =	sor.u32 s21, s10;
	[tilespmem:v39+s9+$0x0] =	vst.idx.add.f32.msk $0xffff, v2  }
0x276: {  	v54 =	vadd.s32 v15, v37;
	v2 =	vld [tilespmem:s12+$0x0];
	_ =	sdelay $0x1  }
0x277: {  	s16 =	sor.u32 $0xC200, s20  }
0x278: {  	s5 =	sor.u32 s19, s16;
	[tilespmem:v55+s9+$0x0] =	vst.idx.add.f32.msk $0xffff, v20  }
0x279: {  	v57 =	vadd.s32 v16, v36;
	v20 =	vld [tilespmem:s5+$0x0]  }
0x27a: {  	s22 =	sor.u32 s21, s16;
	[tilespmem:v54+s9+$0x0] =	vst.idx.add.f32.msk $0xffff, v2  }
0x27b: {  	v56 =	vadd.s32 v16, v37;
	v2 =	vld [tilespmem:s22+$0x0];
	_ =	sdelay $0x1  }
0x27c: {  	s23 =	sor.u32 $0xC280, s20  }
0x27d: {  	s5 =	sor.u32 s19, s23;
	[tilespmem:v57+s9+$0x0] =	vst.idx.add.f32.msk $0xffff, v20  }
0x27e: {  	v59 =	vadd.s32 v17, v36;
	v20 =	vld [tilespmem:s5+$0x0]  }
0x27f: {  	s24 =	sor.u32 s21, s23;
	[tilespmem:v56+s9+$0x0] =	vst.idx.add.f32.msk $0xffff, v2  }
0x280: {  	v58 =	vadd.s32 v17, v37;
	v2 =	vld [tilespmem:s24+$0x0];
	_ =	sdelay $0x1  }
0x281: {  	v23 =	vld [tilespmem:s3+$0x0];
	s25 =	sor.u32 $0xC300, s20;
	v24 =	vadd.s32 v18, v51  }
0x282: {  	s3 =	sor.u32 s19, s25;
	[tilespmem:v59+s9+$0x0] =	vst.idx.add.f32.msk $0xffff, v20  }
0x283: {  	v61 =	vadd.s32 v18, v36;
	v20 =	vld [tilespmem:s3+$0x0]  }
0x284: {  	s26 =	sor.u32 s21, s25;
	[tilespmem:v58+s9+$0x0] =	vst.idx.add.f32.msk $0xffff, v2  }
0x285: {  	v60 =	vadd.s32 v18, v37;
	v2 =	vld [tilespmem:s26+$0x0]  }
0x286: {  	[tilespmem:v24+s9+$0x0] =	vst.idx.add.f32.msk $0xffff, v23  }
0x287: {  	s28 =	sor.u32 $0xC380, s20;
	v23 =	vld [tilespmem:s1+$0x0]  }
0x288: {  	v62 =	vadd.s32 v19, v35;
	s1 =	sor.u32 s19, s28;
	[tilespmem:v61+s9+$0x0] =	vst.idx.add.f32.msk $0xffff, v20  }
0x289: {  	v63 =	vadd.s32 v19, v36;
	v20 =	vld [tilespmem:s1+$0x0]  }
0x28a: {  	s18 =	sadd.s32 $0x1, s18;
	s29 =	sor.u32 s21, s28;
	[tilespmem:v60+s9+$0x0] =	vst.idx.add.f32.msk $0xffff, v2;
	v2 =	vadd.s32 v19, v51  }
0x28b: {  	p0 =	sne.s32 s18, $0x8;
	v25 =	vadd.s32 v19, v37;
	v21 =	vld [tilespmem:s29+$0x0]  }
.Ltmp3:
0x28c: {  	_ = 	snop;
	(pc) =	sbr.rel @p0 .LBB2_4-.Ltmp3, $4  }
0x28d: {  	[tilespmem:v62+s9+$0x0] =	vst.idx.add.f32.msk $0xffff, v0  }
0x28e: {  	[tilespmem:v63+s9+$0x0] =	vst.idx.add.f32.msk $0xffff, v20  }
0x28f: {  	[tilespmem:v2+s9+$0x0] =	vst.idx.add.f32.msk $0xffff, v23  }
0x290: {  	[tilespmem:v25+s9+$0x0] =	vst.idx.add.f32.msk $0xffff, v21  }
0x291: {  	_ =	swait.ge [sflag:s14], $0x8000;
	s1 =	simm.s32 $0x0  }
0x292: {  	[sflag:s14] =	ssyncset.done $0x0;
	v0 =	vor.u32 s1, v1  }
0x293: {  	[sflag:s14] =	ssyncadd.s32 $0xFFFF8000  }
0x294: {  	v2 =	vadd.s32 s1, v31;
	_ =	swait.ge [sflag:s14], $0x800  }
0x295: {  	[sflag:s14] =	ssyncset.done $0x0  }
0x296: {  	v20 =	vadd.s32 s1, v32;
	[sflag:s14] =	ssyncadd.s32 $0xFFFFF800  }
0x297: {  	v0 =	vld.idx.msk [tilespmem:v0+s9+$0x0], $0xffff  }
0x298: {  	v21 =	vadd.s32 s1, v33  }
0x299: {  	v2 =	vld.idx.msk [tilespmem:v2+s9+$0x0], $0xffff  }
0x29a: {  	v22 =	vadd.s32 s1, v34  }
0x29b: {  	v20 =	vld.idx.msk [tilespmem:v20+s9+$0x0], $0xffff  }
0x29c: {  	v23 =	vadd.s32 s1, v40;
	v0 =	vadd.f32 $0.0e+00, v0  }
0x29d: {  	v21 =	vld.idx.msk [tilespmem:v21+s9+$0x0], $0xffff  }
0x29e: {  	v24 =	vadd.s32 s1, v41;
	v0 =	vadd.f32 v2, v0  }
0x29f: {  	v2 =	vld.idx.msk [tilespmem:v22+s9+$0x0], $0xffff  }
0x2a0: {  	v22 =	vadd.s32 s1, v42;
	v0 =	vadd.f32 v20, v0  }
0x2a1: {  	v20 =	vld.idx.msk [tilespmem:v23+s9+$0x0], $0xffff  }
0x2a2: {  	v23 =	vadd.s32 s1, v43;
	v0 =	vadd.f32 v21, v0  }
0x2a3: {  	v21 =	vld.idx.msk [tilespmem:v24+s9+$0x0], $0xffff  }
0x2a4: {  	v58 =	vadd.s32 s1, v44;
	v0 =	vadd.f32 v2, v0  }
0x2a5: {  	v2 =	vld.idx.msk [tilespmem:v22+s9+$0x0], $0xffff  }
0x2a6: {  	v22 =	vadd.s32 s1, v45;
	v0 =	vadd.f32 v20, v0  }
0x2a7: {  	v20 =	vld.idx.msk [tilespmem:v23+s9+$0x0], $0xffff  }
0x2a8: {  	v23 =	vadd.s32 s1, v46;
	v0 =	vadd.f32 v21, v0  }
0x2a9: {  	v21 =	vld.idx.msk [tilespmem:v58+s9+$0x0], $0xffff  }
0x2aa: {  	v59 =	vadd.s32 s1, v47;
	v0 =	vadd.f32 v2, v0  }
0x2ab: {  	v2 =	vld.idx.msk [tilespmem:v22+s9+$0x0], $0xffff  }
0x2ac: {  	v22 =	vadd.s32 s1, v48;
	v0 =	vadd.f32 v20, v0  }
0x2ad: {  	v20 =	vld.idx.msk [tilespmem:v23+s9+$0x0], $0xffff  }
0x2ae: {  	v23 =	vadd.s32 s1, v49;
	v0 =	vadd.f32 v21, v0  }
0x2af: {  	v21 =	vld.idx.msk [tilespmem:v59+s9+$0x0], $0xffff  }
0x2b0: {  	v60 =	vadd.s32 s1, v52;
	v0 =	vadd.f32 v2, v0  }
0x2b1: {  	v2 =	vld.idx.msk [tilespmem:v22+s9+$0x0], $0xffff  }
0x2b2: {  	v0 =	vadd.f32 v20, v0  }
0x2b3: {  	v20 =	vld.idx.msk [tilespmem:v23+s9+$0x0], $0xffff  }
0x2b4: {  	v0 =	vadd.f32 v21, v0  }
0x2b5: {  	v21 =	vld.idx.msk [tilespmem:v60+s9+$0x0], $0xffff  }
0x2b6: {  	v0 =	vadd.f32 v2, v0  }
0x2b7: {  	s3 =	simm.s32 $0x10  }
0x2b8: {  	v2 =	vor.u32 s3, v1;
	v0 =	vadd.f32 v20, v0;
	_ =	sdelay $0x1  }
0x2b9: {  	v20 =	vadd.s32 s3, v31;
	v0 =	vadd.f32 v21, v0  }
0x2ba: {  	s1 =	simm.s32 $0x12300  }
0x2bb: {  	v21 =	vadd.s32 s3, v32;
	[tilespmem:s1+$0x0] =	vst v0  }
0x2bc: {  	v0 =	vld.idx.msk [tilespmem:v2+s9+$0x0], $0xffff  }
0x2bd: {  	v2 =	vadd.s32 s3, v33  }
0x2be: {  	v20 =	vld.idx.msk [tilespmem:v20+s9+$0x0], $0xffff  }
0x2bf: {  	v22 =	vadd.s32 s3, v34  }
0x2c0: {  	v21 =	vld.idx.msk [tilespmem:v21+s9+$0x0], $0xffff  }
0x2c1: {  	v23 =	vadd.s32 s3, v40;
	v0 =	vadd.f32 $0.0e+00, v0  }
0x2c2: {  	v2 =	vld.idx.msk [tilespmem:v2+s9+$0x0], $0xffff  }
0x2c3: {  	v61 =	vadd.s32 s3, v41;
	v0 =	vadd.f32 v20, v0  }
0x2c4: {  	v20 =	vld.idx.msk [tilespmem:v22+s9+$0x0], $0xffff  }
0x2c5: {  	v22 =	vadd.s32 s3, v42;
	v0 =	vadd.f32 v21, v0  }
0x2c6: {  	v21 =	vld.idx.msk [tilespmem:v23+s9+$0x0], $0xffff  }
0x2c7: {  	v23 =	vadd.s32 s3, v43;
	v0 =	vadd.f32 v2, v0  }
0x2c8: {  	v2 =	vld.idx.msk [tilespmem:v61+s9+$0x0], $0xffff  }
0x2c9: {  	v62 =	vadd.s32 s3, v44;
	v0 =	vadd.f32 v20, v0  }
0x2ca: {  	v20 =	vld.idx.msk [tilespmem:v22+s9+$0x0], $0xffff  }
0x2cb: {  	v22 =	vadd.s32 s3, v45;
	v0 =	vadd.f32 v21, v0  }
0x2cc: {  	v21 =	vld.idx.msk [tilespmem:v23+s9+$0x0], $0xffff  }
0x2cd: {  	v23 =	vadd.s32 s3, v46;
	v0 =	vadd.f32 v2, v0  }
0x2ce: {  	v2 =	vld.idx.msk [tilespmem:v62+s9+$0x0], $0xffff  }
0x2cf: {  	v0 =	vadd.f32 v20, v0  }
0x2d0: {  	v20 =	vld.idx.msk [tilespmem:v22+s9+$0x0], $0xffff  }
0x2d1: {  	v63 =	vadd.s32 s3, v47;
	v0 =	vadd.f32 v21, v0  }
0x2d2: {  	v21 =	vld.idx.msk [tilespmem:v23+s9+$0x0], $0xffff  }
0x2d3: {  	v22 =	vadd.s32 s3, v48;
	v0 =	vadd.f32 v2, v0;
	_ =	sdelay $0x1  }
0x2d4: {  	v23 =	vadd.s32 s3, v49;
	v0 =	vadd.f32 v20, v0  }
0x2d5: {  	v2 =	vld.idx.msk [tilespmem:v63+s9+$0x0], $0xffff  }
0x2d6: {  	v0 =	vadd.f32 v21, v0;
	v21 =	vadd.s32 s3, v52  }
0x2d7: {  	v20 =	vld.idx.msk [tilespmem:v22+s9+$0x0], $0xffff;
	_ =	sdelay $0x1  }
0x2d8: {  	v22 =	vld.idx.msk [tilespmem:v23+s9+$0x0], $0xffff  }
0x2d9: {  	v0 =	vadd.f32 v2, v0  }
0x2da: {  	v2 =	vld.idx.msk [tilespmem:v21+s9+$0x0], $0xffff  }
0x2db: {  	v20 =	vadd.f32 v20, v0  }
0x2dc: {  	s3 =	simm.s32 $0x20  }
0x2dd: {  	s5 =	simm.s32 $0x30;
	v0 =	vor.u32 s3, v1;
	v20 =	vadd.f32 v22, v20  }
.LBB2_10:
0x2de: {  	p0 =	sne.s32 s5, $0x100  }
0x2df: {  	v21 =	vadd.s32 s3, v31;
	v2 =	vadd.f32 v2, v20  }
0x2e0: {  	s1 =	sadd.s32 $0x10, s1  }
0x2e1: {  	v20 =	vadd.s32 s3, v32;
	[tilespmem:s1+$0x0] =	vst v2  }
0x2e2: {  	v0 =	vld.idx.msk [tilespmem:v0+s9+$0x0], $0xffff  }
0x2e3: {  	v2 =	vadd.s32 s3, v33  }
0x2e4: {  	v21 =	vld.idx.msk [tilespmem:v21+s9+$0x0], $0xffff  }
0x2e5: {  	v22 =	vadd.s32 s3, v34  }
0x2e6: {  	v20 =	vld.idx.msk [tilespmem:v20+s9+$0x0], $0xffff  }
0x2e7: {  	v23 =	vadd.s32 s3, v40  }
0x2e8: {  	v0 =	vadd.f32 $0.0e+00, v0;
	v2 =	vld.idx.msk [tilespmem:v2+s9+$0x0], $0xffff  }
0x2e9: {  	v24 =	vadd.s32 s3, v41  }
0x2ea: {  	v0 =	vadd.f32 v21, v0;
	v21 =	vld.idx.msk [tilespmem:v22+s9+$0x0], $0xffff  }
0x2eb: {  	v22 =	vadd.s32 s3, v42  }
0x2ec: {  	v0 =	vadd.f32 v20, v0;
	v20 =	vld.idx.msk [tilespmem:v23+s9+$0x0], $0xffff  }
0x2ed: {  	v23 =	vadd.s32 s3, v43  }
0x2ee: {  	v0 =	vadd.f32 v2, v0;
	v2 =	vld.idx.msk [tilespmem:v24+s9+$0x0], $0xffff  }
0x2ef: {  	v24 =	vadd.s32 s3, v44  }
0x2f0: {  	v0 =	vadd.f32 v21, v0;
	v21 =	vld.idx.msk [tilespmem:v22+s9+$0x0], $0xffff  }
0x2f1: {  	v22 =	vadd.s32 s3, v45  }
0x2f2: {  	v0 =	vadd.f32 v20, v0;
	v20 =	vld.idx.msk [tilespmem:v23+s9+$0x0], $0xffff  }
0x2f3: {  	v23 =	vadd.s32 s3, v46  }
0x2f4: {  	v0 =	vadd.f32 v2, v0;
	v2 =	vld.idx.msk [tilespmem:v24+s9+$0x0], $0xffff  }
0x2f5: {  	v24 =	vadd.s32 s3, v47  }
0x2f6: {  	v0 =	vadd.f32 v21, v0;
	v21 =	vld.idx.msk [tilespmem:v22+s9+$0x0], $0xffff  }
0x2f7: {  	v22 =	vadd.s32 s3, v48  }
0x2f8: {  	v0 =	vadd.f32 v20, v0;
	v20 =	vld.idx.msk [tilespmem:v23+s9+$0x0], $0xffff  }
0x2f9: {  	v23 =	vadd.s32 s3, v49  }
0x2fa: {  	v0 =	vadd.f32 v2, v0;
	v2 =	vld.idx.msk [tilespmem:v24+s9+$0x0], $0xffff  }
0x2fb: {  	v24 =	vadd.s32 s3, v52;
	s3 =	smov.u32 s5  }
0x2fc: {  	v0 =	vadd.f32 v21, v0;
	v21 =	vld.idx.msk [tilespmem:v22+s9+$0x0], $0xffff;
	_ =	sdelay $0x1  }
0x2fd: {  	v0 =	vadd.f32 v20, v0;
	v20 =	vld.idx.msk [tilespmem:v23+s9+$0x0], $0xffff;
	_ =	sdelay $0x1  }
.Ltmp4:
0x2fe: {  	v0 =	vadd.f32 v2, v0;
	v2 =	vld.idx.msk [tilespmem:v24+s9+$0x0], $0xffff;
	(pc) =	sbr.rel @p0 .LBB2_10-.Ltmp4, $3  }
0x2ff: {  	_ = 	snop  }
0x300: {  	v21 =	vadd.f32 v21, v0;
	_ =	sdelay $0x1  }
0x301: {  	s5 =	sadd.s32 $0x10, s5;
	v0 =	vor.u32 s3, v1;
	v20 =	vadd.f32 v20, v21  }
0x302: {  	_ = 	snop  }
0x303: {  	v21 =	vadd.s32 s3, v31;
	v2 =	vadd.f32 v2, v20  }
0x304: {  	s1 =	sadd.s32 $0x10, s1  }
0x305: {  	v20 =	vadd.s32 s3, v32;
	[tilespmem:s1+$0x0] =	vst v2  }
0x306: {  	v0 =	vld.idx.msk [tilespmem:v0+s9+$0x0], $0xffff  }
0x307: {  	v2 =	vadd.s32 s3, v33  }
0x308: {  	v21 =	vld.idx.msk [tilespmem:v21+s9+$0x0], $0xffff  }
0x309: {  	v22 =	vadd.s32 s3, v34  }
0x30a: {  	v20 =	vld.idx.msk [tilespmem:v20+s9+$0x0], $0xffff  }
0x30b: {  	v23 =	vadd.s32 s3, v40;
	v0 =	vadd.f32 $0.0e+00, v0  }
0x30c: {  	v2 =	vld.idx.msk [tilespmem:v2+s9+$0x0], $0xffff  }
0x30d: {  	v24 =	vadd.s32 s3, v41;
	v0 =	vadd.f32 v21, v0  }
0x30e: {  	v39 =	vld.idx.msk [tilespmem:v22+s9+$0x0], $0xffff  }
0x30f: {  	v40 =	vadd.s32 s3, v42;
	v0 =	vadd.f32 v20, v0  }
0x310: {  	v20 =	vld.idx.msk [tilespmem:v23+s9+$0x0], $0xffff  }
0x311: {  	v41 =	vadd.s32 s3, v43;
	v0 =	vadd.f32 v2, v0  }
0x312: {  	v2 =	vld.idx.msk [tilespmem:v24+s9+$0x0], $0xffff  }
0x313: {  	v42 =	vadd.s32 s3, v44;
	v0 =	vadd.f32 v39, v0  }
0x314: {  	v43 =	vld.idx.msk [tilespmem:v40+s9+$0x0], $0xffff  }
0x315: {  	v44 =	vadd.s32 s3, v45;
	v0 =	vadd.f32 v20, v0  }
0x316: {  	v20 =	vld.idx.msk [tilespmem:v41+s9+$0x0], $0xffff  }
0x317: {  	v45 =	vadd.s32 s3, v46;
	v0 =	vadd.f32 v2, v0  }
0x318: {  	v2 =	vld.idx.msk [tilespmem:v42+s9+$0x0], $0xffff  }
0x319: {  	v46 =	vadd.s32 s3, v47;
	v0 =	vadd.f32 v43, v0  }
0x31a: {  	v47 =	vld.idx.msk [tilespmem:v44+s9+$0x0], $0xffff  }
0x31b: {  	v51 =	vadd.s32 s3, v48;
	v0 =	vadd.f32 v20, v0  }
0x31c: {  	v20 =	vld.idx.msk [tilespmem:v45+s9+$0x0], $0xffff  }
0x31d: {  	v53 =	vadd.s32 s3, v49;
	v0 =	vadd.f32 v2, v0  }
0x31e: {  	v2 =	vld.idx.msk [tilespmem:v46+s9+$0x0], $0xffff  }
0x31f: {  	v54 =	vadd.s32 s3, v52;
	v0 =	vadd.f32 v47, v0  }
0x320: {  	v55 =	vld.idx.msk [tilespmem:v51+s9+$0x0], $0xffff  }
0x321: {  	v0 =	vadd.f32 v20, v0  }
0x322: {  	v20 =	vld.idx.msk [tilespmem:v53+s9+$0x0], $0xffff  }
0x323: {  	v6 =	vld [tilespmem:$0x1FE00];
	v0 =	vadd.f32 v2, v0  }
0x324: {  	v2 =	vld.idx.msk [tilespmem:v54+s9+$0x0], $0xffff  }
0x325: {  	v0 =	vadd.f32 v55, v0;
	_ =	sdelay $0x1  }
0x326: {  	v0 =	vadd.f32 v20, v0;
	_ =	sdelay $0x1  }
0x327: {  	v0 =	vadd.f32 v2, v0  }
0x328: {  	s1 =	sadd.s32 $0x10, s1  }
0x329: {  	v2 =	vld [tilespmem:$0x1FDF0];
	[tilespmem:s1+$0x0] =	vst v0  }
0x32a: {  	v20 =	vld.idx.msk [tilespmem:v6+s15+$0x0], $0xffff  }
0x32b: {  	v6 =	vld [tilespmem:$0x1FE10];
	_ =	sdelay $0x4  }
0x32c: {  	v0 =	vld.idx.msk [tilespmem:v1+s15+$0x0], $0xffff;
	_ =	sdelay $0x1  }
0x32d: {  	v2 =	vld.idx.msk [tilespmem:v2+s15+$0x0], $0xffff  }
0x32e: {  	v56 =	vld.idx.msk [tilespmem:v6+s15+$0x0], $0xffff  }
0x32f: {  	v6 =	vld [tilespmem:$0x1FE30]  }
0x330: {  	v0 =	vadd.f32 $0.0e+00, v0;
	_ =	sdelay $0x1  }
0x331: {  	v0 =	vadd.f32 v2, v0;
	v2 =	vld [tilespmem:$0x1FE20];
	_ =	sdelay $0x4  }
0x332: {  	v0 =	vadd.f32 v20, v0;
	v20 =	vld.idx.msk [tilespmem:v6+s15+$0x0], $0xffff  }
0x333: {  	v6 =	vld [tilespmem:$0x1FE40];
	_ =	sdelay $0x1  }
0x334: {  	v2 =	vld.idx.msk [tilespmem:v2+s15+$0x0], $0xffff;
	_ =	sdelay $0x2  }
0x335: {  	v0 =	vadd.f32 v56, v0;
	_ =	sdelay $0x1  }
0x336: {  	v0 =	vadd.f32 v2, v0;
	v2 =	vld [tilespmem:$0x1FE50]  }
0x337: {  	v57 =	vld.idx.msk [tilespmem:v6+s15+$0x0], $0xffff  }
0x338: {  	v6 =	vld [tilespmem:$0x1FE60];
	_ =	sdelay $0x5  }
0x339: {  	v2 =	vld.idx.msk [tilespmem:v2+s15+$0x0], $0xffff  }
0x33a: {  	v0 =	vadd.f32 v20, v0  }
0x33b: {  	v20 =	vld.idx.msk [tilespmem:v6+s15+$0x0], $0xffff  }
0x33c: {  	v0 =	vadd.f32 v57, v0;
	v6 =	vld [tilespmem:$0x1FE70];
	_ =	sdelay $0x1  }
0x33d: {  	v0 =	vadd.f32 v2, v0;
	v2 =	vld [tilespmem:$0x1FE80];
	_ =	sdelay $0x5  }
0x33e: {  	v58 =	vld.idx.msk [tilespmem:v6+s15+$0x0], $0xffff;
	_ =	sdelay $0x1  }
0x33f: {  	v2 =	vld.idx.msk [tilespmem:v2+s15+$0x0], $0xffff  }
0x340: {  	v0 =	vadd.f32 v20, v0;
	v6 =	vld [tilespmem:$0x1FE90];
	_ =	sdelay $0x1  }
0x341: {  	v0 =	vadd.f32 v58, v0;
	_ =	sdelay $0x1  }
0x342: {  	v0 =	vadd.f32 v2, v0;
	v2 =	vadd.s32 $0xFF, v1;
	v1 =	vld [tilespmem:$0x1FEB0];
	_ =	sdelay $0x3  }
0x343: {  	v20 =	vld.idx.msk [tilespmem:v6+s15+$0x0], $0xffff  }
0x344: {  	v6 =	vld [tilespmem:$0x1FEA0];
	_ =	sdelay $0x2  }
0x345: {  	v60 =	vld.idx.msk [tilespmem:v1+s15+$0x0], $0xffff  }
0x346: {  	v1 =	vld [tilespmem:$0x1FEC0];
	_ =	sdelay $0x3  }
0x347: {  	v59 =	vld.idx.msk [tilespmem:v6+s15+$0x0], $0xffff;
	_ =	sdelay $0x2  }
0x348: {  	v0 =	vadd.f32 v20, v0  }
0x349: {  	v20 =	vld.idx.msk [tilespmem:v1+s15+$0x0], $0xffff  }
0x34a: {  	v61 =	vxor.u32 $0x80000000, v50;
	v0 =	vadd.f32 v59, v0  }
0x34b: {  	(xrf0) =	vmax.scan.msk.u32 $0xffff, v61;
	v2 =	vld.idx.msk [tilespmem:v2+s15+$0x0], $0xffff  }
0x34c: {  	v0 =	vadd.f32 v60, v0;
	_ =	sdelay $0x1  }
0x34d: {  	v0 =	vadd.f32 v20, v0;
	v20 =	vadd.s32 $0x10, v3;
	_ =	sdelay $0x1  }
0x34e: {  	v0 =	vadd.f32 v2, v0  }
0x34f: {  	v2, _, _ =	vpop (xrf0)  }
0x350: {  	(v2sf) =	vpush v2, $0xF;
	[tilespmem:$0x12410] =	vst v0  }
0x351: {  	v0 =	vld.idx.msk [tilespmem:v20+s15+$0x0], $0xffff;
	_ =	sdelay $0x4  }
0x352: {  	(xrf2) =	vadd.scan.msk.f32 $0xffff, v0;
	_ =	sdelay $0x8  }
0x353: {  	s6 =	spop (v2sf)  }
0x354: {  	s1 =	sxor.u32 $0x80000000, s6;
	v0, _, _ =	vpop (xrf2)  }
0x355: {  	s1 =	scvt.s32.f32 s1;
	v0 =	vbroadcast v0, $0xF;
	_ =	sdelay $0x1  }
0x356: {  	s8 =	rddreg [dreg:$0x9];
	[tilespmem:$0x12420] =	vst v0;
	v0 =	vmov s1  }
0x357: {  	s2 =	simm.s32 $0x80;
	s10 =	simm.s32 $0x400;
	s5 =	simm.s32 $0x12300;
	[tilespmem:$0x12430] =	vst v0  }
0x358: {  	[spmem:s8] =	stream.strided.scatter [tilespmem:s5], [sflag:$0x3], $0x200, s10, s2, $0x38;
	[tilespmem:$0x13C80] =	vst v63  }
0x359: {  	s2 =	simm.s32 $0x3  }
0x35a: {  	_ =	swait.ge [sflag:s2], $0x200  }
0x35b: {  	[sflag:s2] =	ssyncset.done $0x0  }
0x35c: {  	[sflag:s2] =	ssyncadd.s32 $0xFFFFFE00  }
0x35d: {  	[bflag:$0x0] =	sbarrier.arrive $0xFFFF  }
0x35e: {  	s12 =	rddreg [dreg:$0xa]  }
0x35f: {  	s13 =	simm.s32 $0x12700;
	s16 =	sld [smem:$0x7E6]  }
0x360: {  	[tilespmem:s13], [sflag:$0x3] =	stream.linear.gather [spmem:s12], $0x80, $0x38;
	[tilespmem:$0x13C80] =	vst v63  }
0x361: {  	s18 =	simm.s32 $0x12B00;
	s19 =	sld [smem:$0x7E7]  }
0x362: {  	[tilespmem:s18], [sflag:$0x3] =	stream.linear.gather [spmem:s16], $0x80, $0x38;
	[tilespmem:$0x13C80] =	vst v63  }
0x363: {  	s20 =	simm.s32 $0x12F00;
	s21 =	sld [smem:$0x7E8]  }
0x364: {  	[tilespmem:s20], [sflag:$0x3] =	stream.linear.gather [spmem:s19], $0x80, $0x38;
	[tilespmem:$0x13C80] =	vst v63  }
0x365: {  	s22 =	simm.s32 $0x13300  }
0x366: {  	[tilespmem:s22], [sflag:$0x3] =	stream.linear.gather [spmem:s21], $0x80, $0x38;
	[tilespmem:$0x13C80] =	vst v63  }
0x367: {  	_ =	swait.ge [sflag:s2], $0x200  }
0x368: {  	[sflag:s2] =	ssyncset.done $0x0;
	s23 =	rddreg [dreg:$0xb]  }
0x369: {  	s24 =	simm.s32 $0x12780;
	s25 =	sld [smem:$0x7E9];
	[sflag:s2] =	ssyncadd.s32 $0xFFFFFE00  }
0x36a: {  	[tilespmem:s24], [sflag:$0x3] =	stream.linear.gather [spmem:s23], $0x80, $0x38;
	[tilespmem:$0x13C80] =	vst v63  }
0x36b: {  	s26 =	simm.s32 $0x12B80;
	s28 =	sld [smem:$0x7EA]  }
0x36c: {  	[tilespmem:s26], [sflag:$0x3] =	stream.linear.gather [spmem:s25], $0x80, $0x38;
	[tilespmem:$0x13C80] =	vst v63  }
0x36d: {  	s29 =	simm.s32 $0x12F80;
	s5 =	sld [smem:$0x7EB]  }
0x36e: {  	[tilespmem:s29], [sflag:$0x3] =	stream.linear.gather [spmem:s28], $0x80, $0x38;
	[tilespmem:$0x13C80] =	vst v63  }
0x36f: {  	s6 =	simm.s32 $0x13380  }
0x370: {  	[tilespmem:s6], [sflag:$0x3] =	stream.linear.gather [spmem:s5], $0x80, $0x38;
	[tilespmem:$0x13C80] =	vst v63  }
0x371: {  	_ =	swait.ge [sflag:s2], $0x200  }
0x372: {  	[sflag:s2] =	ssyncset.done $0x0;
	s8 =	rddreg [dreg:$0xc]  }
0x373: {  	s10 =	simm.s32 $0x12800;
	s12 =	sld [smem:$0x7EC];
	[sflag:s2] =	ssyncadd.s32 $0xFFFFFE00  }
0x374: {  	[tilespmem:s10], [sflag:$0x3] =	stream.linear.gather [spmem:s8], $0x80, $0x38;
	[tilespmem:$0x13C80] =	vst v63  }
0x375: {  	s13 =	simm.s32 $0x12C00;
	s16 =	sld [smem:$0x7ED]  }
0x376: {  	[tilespmem:s13], [sflag:$0x3] =	stream.linear.gather [spmem:s12], $0x80, $0x38;
	[tilespmem:$0x13C80] =	vst v63  }
0x377: {  	s18 =	simm.s32 $0x13000;
	s19 =	sld [smem:$0x7EE]  }
0x378: {  	[tilespmem:s18], [sflag:$0x3] =	stream.linear.gather [spmem:s16], $0x80, $0x38;
	[tilespmem:$0x13C80] =	vst v63  }
0x379: {  	s20 =	simm.s32 $0x13400  }
0x37a: {  	[tilespmem:s20], [sflag:$0x3] =	stream.linear.gather [spmem:s19], $0x80, $0x38;
	[tilespmem:$0x13C80] =	vst v63  }
0x37b: {  	_ =	swait.ge [sflag:s2], $0x200  }
0x37c: {  	[sflag:s2] =	ssyncset.done $0x0;
	s21 =	rddreg [dreg:$0xd]  }
0x37d: {  	s22 =	simm.s32 $0x12880;
	s23 =	sld [smem:$0x7EF];
	[sflag:s2] =	ssyncadd.s32 $0xFFFFFE00  }
0x37e: {  	[tilespmem:s22], [sflag:$0x3] =	stream.linear.gather [spmem:s21], $0x80, $0x38;
	[tilespmem:$0x13C80] =	vst v63  }
0x37f: {  	s24 =	simm.s32 $0x12C80;
	s25 =	sld [smem:$0x7F0]  }
0x380: {  	[tilespmem:s24], [sflag:$0x3] =	stream.linear.gather [spmem:s23], $0x80, $0x38;
	[tilespmem:$0x13C80] =	vst v63  }
0x381: {  	s26 =	simm.s32 $0x13080;
	s28 =	sld [smem:$0x7F1]  }
0x382: {  	[tilespmem:s26], [sflag:$0x3] =	stream.linear.gather [spmem:s25], $0x80, $0x38;
	[tilespmem:$0x13C80] =	vst v63  }
0x383: {  	s29 =	simm.s32 $0x13480  }
0x384: {  	[tilespmem:s29], [sflag:$0x3] =	stream.linear.gather [spmem:s28], $0x80, $0x38;
	[tilespmem:$0x13C80] =	vst v63  }
0x385: {  	_ =	swait.ge [sflag:s2], $0x200  }
0x386: {  	[sflag:s2] =	ssyncset.done $0x0;
	s5 =	rddreg [dreg:$0xe]  }
0x387: {  	s6 =	simm.s32 $0x12900;
	s8 =	sld [smem:$0x7F2];
	[sflag:s2] =	ssyncadd.s32 $0xFFFFFE00  }
0x388: {  	[tilespmem:s6], [sflag:$0x3] =	stream.linear.gather [spmem:s5], $0x80, $0x38;
	[tilespmem:$0x13C80] =	vst v63  }
0x389: {  	s10 =	simm.s32 $0x12D00;
	s12 =	sld [smem:$0x7F3]  }
0x38a: {  	[tilespmem:s10], [sflag:$0x3] =	stream.linear.gather [spmem:s8], $0x80, $0x38;
	[tilespmem:$0x13C80] =	vst v63  }
0x38b: {  	s13 =	simm.s32 $0x13100;
	s16 =	sld [smem:$0x7F4]  }
0x38c: {  	[tilespmem:s13], [sflag:$0x3] =	stream.linear.gather [spmem:s12], $0x80, $0x38;
	[tilespmem:$0x13C80] =	vst v63  }
0x38d: {  	s18 =	simm.s32 $0x13500  }
0x38e: {  	[tilespmem:s18], [sflag:$0x3] =	stream.linear.gather [spmem:s16], $0x80, $0x38;
	[tilespmem:$0x13C80] =	vst v63  }
0x38f: {  	_ =	swait.ge [sflag:s2], $0x200  }
0x390: {  	[sflag:s2] =	ssyncset.done $0x0;
	s19 =	rddreg [dreg:$0xf]  }
0x391: {  	s20 =	simm.s32 $0x12980;
	s21 =	sld [smem:$0x7F5];
	[sflag:s2] =	ssyncadd.s32 $0xFFFFFE00  }
0x392: {  	[tilespmem:s20], [sflag:$0x3] =	stream.linear.gather [spmem:s19], $0x80, $0x38;
	[tilespmem:$0x13C80] =	vst v63  }
0x393: {  	s22 =	simm.s32 $0x12D80;
	s23 =	sld [smem:$0x7F6]  }
0x394: {  	[tilespmem:s22], [sflag:$0x3] =	stream.linear.gather [spmem:s21], $0x80, $0x38;
	[tilespmem:$0x13C80] =	vst v63  }
0x395: {  	s24 =	simm.s32 $0x13180;
	s25 =	sld [smem:$0x7F7]  }
0x396: {  	[tilespmem:s24], [sflag:$0x3] =	stream.linear.gather [spmem:s23], $0x80, $0x38;
	[tilespmem:$0x13C80] =	vst v63  }
0x397: {  	s26 =	simm.s32 $0x13580  }
0x398: {  	[tilespmem:s26], [sflag:$0x3] =	stream.linear.gather [spmem:s25], $0x80, $0x38;
	[tilespmem:$0x13C80] =	vst v63  }
0x399: {  	_ =	swait.ge [sflag:s2], $0x200  }
0x39a: {  	[sflag:s2] =	ssyncset.done $0x0;
	s28 =	rddreg [dreg:$0x10]  }
0x39b: {  	s29 =	simm.s32 $0x12A00;
	s5 =	sld [smem:$0x7F8];
	[sflag:s2] =	ssyncadd.s32 $0xFFFFFE00  }
0x39c: {  	[tilespmem:s29], [sflag:$0x3] =	stream.linear.gather [spmem:s28], $0x80, $0x38;
	[tilespmem:$0x13C80] =	vst v63  }
0x39d: {  	s6 =	simm.s32 $0x12E00;
	s8 =	sld [smem:$0x7F9]  }
0x39e: {  	[tilespmem:s6], [sflag:$0x3] =	stream.linear.gather [spmem:s5], $0x80, $0x38;
	[tilespmem:$0x13C80] =	vst v63  }
0x39f: {  	s10 =	simm.s32 $0x13200;
	s12 =	sld [smem:$0x7FA]  }
0x3a0: {  	[tilespmem:s10], [sflag:$0x3] =	stream.linear.gather [spmem:s8], $0x80, $0x38;
	[tilespmem:$0x13C80] =	vst v63  }
0x3a1: {  	s13 =	simm.s32 $0x13600  }
0x3a2: {  	[tilespmem:s13], [sflag:$0x3] =	stream.linear.gather [spmem:s12], $0x80, $0x38;
	[tilespmem:$0x13C80] =	vst v63  }
0x3a3: {  	_ =	swait.ge [sflag:s2], $0x200  }
0x3a4: {  	[sflag:s2] =	ssyncset.done $0x0;
	s16 =	rddreg [dreg:$0x11]  }
0x3a5: {  	s18 =	simm.s32 $0x12A80;
	s19 =	sld [smem:$0x7FB];
	[sflag:s2] =	ssyncadd.s32 $0xFFFFFE00  }
0x3a6: {  	[tilespmem:s18], [sflag:$0x3] =	stream.linear.gather [spmem:s16], $0x80, $0x38;
	[tilespmem:$0x13C80] =	vst v63  }
0x3a7: {  	s20 =	simm.s32 $0x12E80;
	s21 =	sld [smem:$0x7FC]  }
0x3a8: {  	[tilespmem:s20], [sflag:$0x3] =	stream.linear.gather [spmem:s19], $0x80, $0x38;
	[tilespmem:$0x13C80] =	vst v63  }
0x3a9: {  	s22 =	simm.s32 $0x13280;
	s23 =	sld [smem:$0x7FD]  }
0x3aa: {  	[tilespmem:s22], [sflag:$0x3] =	stream.linear.gather [spmem:s21], $0x80, $0x38;
	[tilespmem:$0x13C80] =	vst v63  }
0x3ab: {  	s24 =	simm.s32 $0x13680;
	s25 =	simm.s32 $0x0  }
0x3ac: {  	[tilespmem:s24], [sflag:$0x3] =	stream.linear.gather [spmem:s23], $0x80, $0x38;
	[tilespmem:$0x13C80] =	vst v63  }
0x3ad: {  	s26 =	sand.u32 $0x70, s25;
	s1 =	sand.u32 $0xC00, s25;
	_ =	swait.ge [sflag:s2], $0x200  }
0x3ae: {  	s1 =	sor.u32 s26, s1;
	[sflag:s2] =	ssyncset.done $0x0  }
0x3af: {  	s3 =	sadd.s32 $0x12700, s1;
	[sflag:s2] =	ssyncadd.s32 $0xFFFFFE00  }
0x3b0: {  	v0 =	vld [tilespmem:s3+$0x80]  }
0x3b1: {  	v2 =	vld [tilespmem:s1+$0x12700];
	_ =	sdelay $0x1  }
0x3b2: {  	v20 =	vld [tilespmem:s3+$0x100];
	_ =	sdelay $0x1  }
0x3b3: {  	v62 =	vld [tilespmem:s3+$0x180]  }
0x3b4: {  	v0 =	vadd.f32 v0, v2  }
0x3b5: {  	v2 =	vld [tilespmem:s3+$0x200]  }
0x3b6: {  	v0 =	vadd.f32 v20, v0  }
0x3b7: {  	v20 =	vld [tilespmem:s3+$0x280]  }
0x3b8: {  	v0 =	vadd.f32 v62, v0  }
0x3b9: {  	v63 =	vld [tilespmem:s3+$0x300]  }
0x3ba: {  	v0 =	vadd.f32 v2, v0  }
0x3bb: {  	v2 =	vld [tilespmem:s3+$0x380]  }
0x3bc: {  	v0 =	vadd.f32 v20, v0;
	_ =	sdelay $0x1  }
0x3bd: {  	v0 =	vadd.f32 v63, v0  }
0x3be: {  	s28 =	simm.s32 $0x10;
	s3 =	simm.s32 $0x80  }
0x3bf: {  	s29 =	sand.u32 $0x70, s28;
	s6 =	sand.u32 $0xC00, s3;
	v0 =	vadd.f32 v2, v0  }
0x3c0: {  	s5 =	simm.s32 $0x20;
	s1 =	simm.s32 $0x13700;
	s6 =	sor.u32 s29, s6  }
.LBB2_12:
0x3c1: {  	p0 =	sne.s32 s5, $0x120;
	s8 =	sadd.s32 $0x12700, s6;
	[tilespmem:s1+$0x0] =	vst v0  }
0x3c2: {  	v0 =	vld [tilespmem:s8+$0x80]  }
0x3c3: {  	v2 =	vld [tilespmem:s6+$0x12700];
	_ =	sdelay $0x1  }
0x3c4: {  	v20 =	vld [tilespmem:s8+$0x100];
	_ =	sdelay $0x1  }
0x3c5: {  	v21 =	vld [tilespmem:s8+$0x180]  }
0x3c6: {  	v0 =	vadd.f32 v0, v2  }
0x3c7: {  	v2 =	vld [tilespmem:s8+$0x200]  }
0x3c8: {  	v0 =	vadd.f32 v20, v0  }
0x3c9: {  	v20 =	vld [tilespmem:s8+$0x280]  }
0x3ca: {  	v0 =	vadd.f32 v21, v0  }
0x3cb: {  	v21 =	vld [tilespmem:s8+$0x300]  }
0x3cc: {  	v0 =	vadd.f32 v2, v0  }
0x3cd: {  	v2 =	vld [tilespmem:s8+$0x380]  }
0x3ce: {  	v0 =	vadd.f32 v20, v0  }
.Ltmp5:
0x3cf: {  	(pc) =	sbr.rel @p0 .LBB2_12-.Ltmp5, $4  }
0x3d0: {  	v0 =	vadd.f32 v21, v0  }
0x3d1: {  	s3 =	sadd.s32 $0x80, s3  }
0x3d2: {  	s6 =	sand.u32 $0x70, s5;
	s8 =	sand.u32 $0xC00, s3;
	v0 =	vadd.f32 v2, v0  }
0x3d3: {  	s1 =	sadd.s32 $0x10, s1;
	s5 =	sadd.s32 $0x10, s5;
	s6 =	sor.u32 s6, s8  }
0x3d4: {  	s3 =	sadd.s32 $0x12700, s6;
	[tilespmem:s1+$0x0] =	vst v0  }
0x3d5: {  	v0 =	vld [tilespmem:s3+$0x80]  }
0x3d6: {  	v2 =	vld [tilespmem:s6+$0x12700];
	_ =	sdelay $0x1  }
0x3d7: {  	v20 =	vld [tilespmem:s3+$0x100];
	_ =	sdelay $0x1  }
0x3d8: {  	v21 =	vld [tilespmem:s3+$0x180]  }
0x3d9: {  	v0 =	vadd.f32 v0, v2  }
0x3da: {  	v2 =	vld [tilespmem:s3+$0x200]  }
0x3db: {  	v0 =	vadd.f32 v20, v0  }
0x3dc: {  	v20 =	vld [tilespmem:s3+$0x280]  }
0x3dd: {  	v0 =	vadd.f32 v21, v0  }
0x3de: {  	v21 =	vld [tilespmem:s3+$0x300]  }
0x3df: {  	v0 =	vadd.f32 v2, v0  }
0x3e0: {  	v2 =	vld [tilespmem:s3+$0x380]  }
0x3e1: {  	v0 =	vadd.f32 v20, v0;
	_ =	sdelay $0x1  }
0x3e2: {  	v0 =	vadd.f32 v21, v0;
	_ =	sdelay $0x1  }
0x3e3: {  	v0 =	vadd.f32 v2, v0  }
0x3e4: {  	s25 =	sadd.s32 $0x10, s1  }
0x3e5: {  	[tilespmem:s25+$0x0] =	vst v0  }
0x3e6: {  	v0 =	vld [tilespmem:$0x12F30]  }
0x3e7: {  	v2 =	vld [tilespmem:$0x12FB0]  }
0x3e8: {  	v20 =	vld [tilespmem:$0x13030]  }
0x3e9: {  	v21 =	vld [tilespmem:$0x130B0]  }
0x3ea: {  	v22 =	vld [tilespmem:$0x13130]  }
0x3eb: {  	s26 =	simm.s32 $0x0;
	v23 =	vld [tilespmem:$0x131B0]  }
0x3ec: {  	v24 =	vmov s26;
	v0 =	vmax.f32 v0, v2;
	v2 =	vld [tilespmem:$0x13230]  }
0x3ed: {  	v24 =	vadd.s32 $0x110, v24;
	v0 =	vmax.f32 v0, v20;
	v20 =	vld [tilespmem:$0x132B0]  }
0x3ee: {  	v0 =	vmax.f32 v0, v21;
	v21 =	vbroadcast v24, $0x0  }
0x3ef: {  	v0 =	vmax.f32 v0, v22  }
0x3f0: {  	v0 =	vmax.f32 v0, v23  }
0x3f1: {  	v0 =	vmax.f32 v0, v2  }
0x3f2: {  	v0 =	vmax.f32 v0, v20  }
0x3f3: {  	[tilespmem:$0x13830] =	vst v0  }
0x3f4: {  	v0 =	vld.idx.msk [tilespmem:v21+s0+$0x0], $0xffff;
	_ =	sdelay $0x4  }
0x3f5: {  	v2 =	vmax.f32 v0, $1.000000000e+00  }
0x3f6: {  	(erf) = vrcp.f32 v2;
	_ =	sdelay $0x3  }
0x3f7: {  	s28 =	simm.s32 $0x13700  }
0x3f8: {  	s29 =	simm.s32 $0x1;
	v2 =	vld [tilespmem:s28+$0x0]  }
0x3f9: {  	v20 =	vmov s29  }
0x3fa: {  	v20 =	vadd.s32 $0x110, v20  }
0x3fb: {  	v20 =	vbroadcast v20, $0x0  }
0x3fc: {  	v21 =	vpop (erf)  }
0x3fd: {  	v2 =	vmul.f32 v21, v2  }
0x3fe: {  	vm0 =	vgt.f32 v0, $0.0e+00  }
0x3ff: {  	s1 =	simm.s32 $0x13880;
	v0 =	vnsel vm0, $0x0, v2  }
0x400: {  	[tilespmem:s1+$0x0] =	vst v0  }
0x401: {  	v0 =	vld.idx.msk [tilespmem:v20+s0+$0x0], $0xffff;
	_ =	sdelay $0x4  }
0x402: {  	v2 =	vmax.f32 v0, $1.000000000e+00  }
0x403: {  	(erf) = vrcp.f32 v2;
	_ =	sdelay $0x3  }
0x404: {  	s3 =	simm.s32 $0x13710  }
0x405: {  	s5 =	simm.s32 $0x2;
	v2 =	vld [tilespmem:s3+$0x0]  }
0x406: {  	v20 =	vmov s5;
	s5 =	simm.s32 $0x3  }
.LBB2_14:
0x407: {  	p0 =	sne.s32 s5, $0x10;
	v20 =	vadd.s32 $0x110, v20  }
0x408: {  	v20 =	vbroadcast v20, $0x0  }
0x409: {  	v21 =	vpop (erf)  }
0x40a: {  	v2 =	vmul.f32 v21, v2  }
0x40b: {  	vm0 =	vgt.f32 v0, $0.0e+00  }
0x40c: {  	s1 =	sadd.s32 $0x10, s1;
	v0 =	vnsel vm0, $0x0, v2  }
0x40d: {  	[tilespmem:s1+$0x0] =	vst v0  }
0x40e: {  	v0 =	vld.idx.msk [tilespmem:v20+s0+$0x0], $0xffff;
	_ =	sdelay $0x5  }
0x40f: {  	v2 =	vmax.f32 v0, $1.000000000e+00  }
0x410: {  	(erf) = vrcp.f32 v2;
	_ =	sdelay $0x1  }
.Ltmp6:
0x411: {  	(pc) =	sbr.rel @p0 .LBB2_14-.Ltmp6, $4  }
0x412: {  	_ = 	snop  }
0x413: {  	s3 =	sadd.s32 $0x10, s3  }
0x414: {  	v2 =	vld [tilespmem:s3+$0x0]  }
0x415: {  	v20 =	vmov s5;
	s5 =	sadd.s32 $0x1, s5  }
0x416: {  	v20 =	vadd.s32 $0x110, v20  }
0x417: {  	v20 =	vbroadcast v20, $0x0  }
0x418: {  	v21 =	vpop (erf)  }
0x419: {  	v2 =	vmul.f32 v21, v2  }
0x41a: {  	vm0 =	vgt.f32 v0, $0.0e+00  }
0x41b: {  	s1 =	sadd.s32 $0x10, s1;
	v0 =	vnsel vm0, $0x0, v2  }
0x41c: {  	[tilespmem:s1+$0x0] =	vst v0  }
0x41d: {  	v0 =	vld.idx.msk [tilespmem:v20+s0+$0x0], $0xffff;
	_ =	sdelay $0x4  }
0x41e: {  	v2 =	vmax.f32 v0, $1.000000000e+00  }
0x41f: {  	(erf) = vrcp.f32 v2;
	_ =	sdelay $0x3  }
0x420: {  	s3 =	sadd.s32 $0x10, s3  }
0x421: {  	v2 =	vld [tilespmem:s3+$0x0];
	_ =	sdelay $0x3  }
0x422: {  	v20 =	vpop (erf)  }
0x423: {  	v2 =	vmul.f32 v20, v2  }
0x424: {  	vm15 =	vgt.f32 v0, $0.0e+00  }
0x425: {  	s1 =	sadd.s32 $0x10, s1;
	v0 =	vnsel vm15, $0x0, v2  }
0x426: {  	[tilespmem:s1+$0x0] =	vst v0  }
0x427: {  	[tilespmem:$0x12180] =	vst v5  }
0x428: {  	[tilespmem:$0x12190] =	vst v5  }
0x429: {  	[tilespmem:$0x121A0] =	vst v5  }
0x42a: {  	[tilespmem:$0x121B0] =	vst v5  }
0x42b: {  	[tilespmem:$0x121C0] =	vst v5  }
0x42c: {  	[tilespmem:$0x121D0] =	vst v5  }
0x42d: {  	[tilespmem:$0x121E0] =	vst v5  }
0x42e: {  	[tilespmem:$0x121F0] =	vst v5  }
0x42f: {  	[tilespmem:$0x12200] =	vst v5  }
0x430: {  	[tilespmem:$0x12210] =	vst v5  }
0x431: {  	[tilespmem:$0x12220] =	vst v5  }
0x432: {  	[tilespmem:$0x12230] =	vst v5  }
0x433: {  	[tilespmem:$0x12240] =	vst v5  }
0x434: {  	[tilespmem:$0x12250] =	vst v5  }
0x435: {  	[tilespmem:$0x12260] =	vst v5  }
0x436: {  	s13 =	simm.s32 $0x0;
	s6 =	rddreg [dreg:$0x6];
	[tilespmem:$0x12270] =	vst v5  }
0x437: {  	s2 =	simm.s32 $0x4000;
	s8 =	simm.s32 $0x200000;
	s10 =	rddreg [dreg:$0x7];
	[tilespmem:$0x12280] =	vst v5  }
0x438: {  	[tilespmem:s13], [sflag:$0x1] =	stream.strided.gather [hbm4b:s6+s2], $0x8000, s8, s2, $0x38;
	[tilespmem:$0x13C80] =	vst v63  }
0x439: {  	s12 =	simm.s32 $0x10000;
	s16 =	rddreg [dreg:$0x14]  }
0x43a: {  	[tilespmem:s12], [sflag:$0x1] =	stream.linear.gather [hbm4b:s10+s13], $0x80, $0x38;
	[tilespmem:$0x13C80] =	vst v63  }
0x43b: {  	s18 =	simm.s32 $0x10100;
	s19 =	rddreg [dreg:$0x15]  }
0x43c: {  	[tilespmem:s18], [sflag:$0x1] =	stream.linear.gather [hbm4b:s16+s13], $0x80, $0x38;
	[tilespmem:$0x13C80] =	vst v63  }
0x43d: {  	s20 =	simm.s32 $0x10200;
	s21 =	rddreg [dreg:$0x16]  }
0x43e: {  	[tilespmem:s20], [sflag:$0x1] =	stream.linear.gather [hbm4b:s19+s13], $0x80, $0x38;
	[tilespmem:$0x13C80] =	vst v63  }
0x43f: {  	s22 =	simm.s32 $0x10300;
	s23 =	rddreg [dreg:$0x17]  }
0x440: {  	[tilespmem:s22], [sflag:$0x1] =	stream.linear.gather [hbm4b:s21+s13], $0x80, $0x38;
	[tilespmem:$0x13C80] =	vst v63  }
0x441: {  	s24 =	simm.s32 $0x10400;
	s25 =	rddreg [dreg:$0x18]  }
0x442: {  	[tilespmem:s24], [sflag:$0x1] =	stream.linear.gather [hbm4b:s23+s13], $0x80, $0x38;
	[tilespmem:$0x13C80] =	vst v63  }
0x443: {  	s26 =	simm.s32 $0x10500;
	s28 =	rddreg [dreg:$0x19]  }
0x444: {  	[tilespmem:s26], [sflag:$0x1] =	stream.linear.gather [hbm4b:s25+s13], $0x80, $0x38;
	[tilespmem:$0x13C80] =	vst v63  }
0x445: {  	s29 =	simm.s32 $0x10600;
	s3 =	rddreg [dreg:$0x1a]  }
0x446: {  	[tilespmem:s29], [sflag:$0x1] =	stream.linear.gather [hbm4b:s28+s13], $0x80, $0x38;
	[tilespmem:$0x13C80] =	vst v63  }
0x447: {  	s5 =	simm.s32 $0x10700;
	s6 =	rddreg [dreg:$0x1b]  }
0x448: {  	[tilespmem:s5], [sflag:$0x1] =	stream.linear.gather [hbm4b:s3+s13], $0x80, $0x38;
	[tilespmem:$0x13C80] =	vst v63  }
0x449: {  	s8 =	simm.s32 $0x10800;
	s10 =	rddreg [dreg:$0x1c]  }
0x44a: {  	[tilespmem:s8], [sflag:$0x1] =	stream.linear.gather [hbm4b:s6+s13], $0x80, $0x38;
	[tilespmem:$0x13C80] =	vst v63  }
0x44b: {  	s12 =	simm.s32 $0x10900;
	s16 =	rddreg [dreg:$0x1d]  }
0x44c: {  	[tilespmem:s12], [sflag:$0x1] =	stream.linear.gather [hbm4b:s10+s13], $0x80, $0x38;
	[tilespmem:$0x13C80] =	vst v63  }
0x44d: {  	s18 =	simm.s32 $0x10A00;
	s19 =	rddreg [dreg:$0x1e]  }
0x44e: {  	[tilespmem:s18], [sflag:$0x1] =	stream.linear.gather [hbm4b:s16+s13], $0x80, $0x38;
	[tilespmem:$0x13C80] =	vst v63  }
0x44f: {  	s20 =	simm.s32 $0x10B00;
	s21 =	rddreg [dreg:$0x1f]  }
0x450: {  	[tilespmem:s20], [sflag:$0x1] =	stream.linear.gather [hbm4b:s19+s13], $0x80, $0x38;
	[tilespmem:$0x13C80] =	vst v63  }
0x451: {  	s22 =	simm.s32 $0x10C00;
	s23 =	sld [smem:$0x7E3]  }
0x452: {  	[tilespmem:s22], [sflag:$0x1] =	stream.linear.gather [hbm4b:s21+s13], $0x80, $0x38;
	[tilespmem:$0x13C80] =	vst v63  }
0x453: {  	s24 =	simm.s32 $0x10D00;
	s25 =	sld [smem:$0x7E4]  }
0x454: {  	[tilespmem:s24], [sflag:$0x1] =	stream.linear.gather [hbm4b:s23+s13], $0x80, $0x38;
	[tilespmem:$0x13C80] =	vst v63  }
0x455: {  	s26 =	simm.s32 $0x10E00;
	s28 =	sld [smem:$0x7E5]  }
0x456: {  	[tilespmem:s26], [sflag:$0x1] =	stream.linear.gather [hbm4b:s25+s13], $0x80, $0x38;
	[tilespmem:$0x13C80] =	vst v63  }
0x457: {  	s29 =	simm.s32 $0x10F00;
	s18 =	simm.s32 $0x0  }
0x458: {  	[tilespmem:s29], [sflag:$0x1] =	stream.linear.gather [hbm4b:s28+s13], $0x80, $0x38;
	[tilespmem:$0x13C80] =	vst v63  }
.LBB2_16:
0x459: {  	s1 =	sshll.u32 s18, $0xC  }
0x45a: {  	s19 =	sadd.s32 s4, s1  }
0x45b: {  	s1 =	sshrl.u32 s19, $0x7  }
0x45c: {  	s1 =	sor.u32 $0x10, s1  }
0x45d: {  	s3 =	sshll.u32 s1, $0xA  }
0x45e: {  	s2 =	simm.s32 $0x4000;
	s1 =	sshll.u32 s1, $0x9;
	s3 =	sadd.s32 s7, s3  }
0x45f: {  	s5 =	simm.s32 $0x200000;
	s1 =	sor.u32 s31, s1;
	s3 =	sshrl.u32 s3, $0x3  }
0x460: {  	s6 =	simm.s32 $0x8000;
	s1 =	sshrl.u32 s1, $0x3;
	s3 =	sadd.s32 s17, s3  }
0x461: {  	[tilespmem:s6], [sflag:$0x2] =	stream.strided.gather [hbm4b:s3+s2], $0x8000, s5, s2, $0x38;
	[tilespmem:$0x13C80] =	vst v63  }
0x462: {  	s1 =	sadd.s32 s30, s1;
	s2 =	smov.u32 s31;
	s31 =	simm.s32 $0x10080  }
0x463: {  	[tilespmem:s31], [sflag:$0x2] =	stream.linear.gather [hbm4b:s1+s13], $0x80, $0x38;
	[tilespmem:$0x13C80] =	vst v63  }
0x464: {  	s5 =	sadd.s32 $0x40, s1;
	s6 =	simm.s32 $0x10180  }
0x465: {  	[tilespmem:s6], [sflag:$0x2] =	stream.linear.gather [hbm4b:s5+s13], $0x80, $0x38;
	[tilespmem:$0x13C80] =	vst v63  }
0x466: {  	s10 =	simm.s32 $0x10280;
	s8 =	sadd.s32 $0x80, s1  }
0x467: {  	[tilespmem:s10], [sflag:$0x2] =	stream.linear.gather [hbm4b:s8+s13], $0x80, $0x38;
	[tilespmem:$0x13C80] =	vst v63  }
0x468: {  	s16 =	simm.s32 $0x10380;
	s12 =	sadd.s32 $0xC0, s1  }
0x469: {  	[tilespmem:s16], [sflag:$0x2] =	stream.linear.gather [hbm4b:s12+s13], $0x80, $0x38;
	[tilespmem:$0x13C80] =	vst v63  }
0x46a: {  	s20 =	simm.s32 $0x10480;
	s4 =	smov.u32 s17;
	s17 =	sadd.s32 $0x100, s1  }
0x46b: {  	[tilespmem:s20], [sflag:$0x2] =	stream.linear.gather [hbm4b:s17+s13], $0x80, $0x38;
	[tilespmem:$0x13C80] =	vst v63  }
0x46c: {  	s22 =	simm.s32 $0x10580;
	s21 =	sadd.s32 $0x140, s1  }
0x46d: {  	[tilespmem:s22], [sflag:$0x2] =	stream.linear.gather [hbm4b:s21+s13], $0x80, $0x38;
	[tilespmem:$0x13C80] =	vst v63  }
0x46e: {  	s24 =	simm.s32 $0x10680;
	s23 =	sadd.s32 $0x180, s1  }
0x46f: {  	[tilespmem:s24], [sflag:$0x2] =	stream.linear.gather [hbm4b:s23+s13], $0x80, $0x38;
	[tilespmem:$0x13C80] =	vst v63  }
0x470: {  	s26 =	simm.s32 $0x10780;
	s25 =	sadd.s32 $0x1C0, s1  }
0x471: {  	[tilespmem:s26], [sflag:$0x2] =	stream.linear.gather [hbm4b:s25+s13], $0x80, $0x38;
	[tilespmem:$0x13C80] =	vst v63  }
0x472: {  	s29 =	simm.s32 $0x10880;
	s28 =	sadd.s32 $0x200, s1  }
0x473: {  	[tilespmem:s29], [sflag:$0x2] =	stream.linear.gather [hbm4b:s28+s13], $0x80, $0x38;
	[tilespmem:$0x13C80] =	vst v63  }
0x474: {  	s7 =	smov.u32 s30;
	s30 =	sadd.s32 $0x240, s1;
	s31 =	simm.s32 $0x10980  }
0x475: {  	[tilespmem:s31], [sflag:$0x2] =	stream.linear.gather [hbm4b:s30+s13], $0x80, $0x38;
	[tilespmem:$0x13C80] =	vst v63  }
0x476: {  	s5 =	sadd.s32 $0x280, s1;
	s6 =	simm.s32 $0x10A80  }
0x477: {  	[tilespmem:s6], [sflag:$0x2] =	stream.linear.gather [hbm4b:s5+s13], $0x80, $0x38;
	[tilespmem:$0x13C80] =	vst v63  }
0x478: {  	s8 =	sadd.s32 $0x2C0, s1;
	s10 =	simm.s32 $0x10B80  }
0x479: {  	[tilespmem:s10], [sflag:$0x2] =	stream.linear.gather [hbm4b:s8+s13], $0x80, $0x38;
	[tilespmem:$0x13C80] =	vst v63  }
0x47a: {  	s12 =	sadd.s32 $0x300, s1;
	s16 =	simm.s32 $0x10C80  }
0x47b: {  	[tilespmem:s16], [sflag:$0x2] =	stream.linear.gather [hbm4b:s12+s13], $0x80, $0x38;
	[tilespmem:$0x13C80] =	vst v63  }
0x47c: {  	s17 =	sadd.s32 $0x340, s1;
	s20 =	simm.s32 $0x10D80  }
0x47d: {  	[tilespmem:s20], [sflag:$0x2] =	stream.linear.gather [hbm4b:s17+s13], $0x80, $0x38;
	[tilespmem:$0x13C80] =	vst v63  }
0x47e: {  	s21 =	sadd.s32 $0x380, s1;
	s22 =	simm.s32 $0x10E80  }
0x47f: {  	[tilespmem:s22], [sflag:$0x2] =	stream.linear.gather [hbm4b:s21+s13], $0x80, $0x38;
	[tilespmem:$0x13C80] =	vst v63  }
0x480: {  	s1 =	sadd.s32 $0x3C0, s1;
	s23 =	simm.s32 $0x10F80  }
0x481: {  	[tilespmem:s23], [sflag:$0x2] =	stream.linear.gather [hbm4b:s1+s13], $0x80, $0x38;
	[tilespmem:$0x13C80] =	vst v63  }
0x482: {  	_ =	swait.ge [sflag:s14], $0x8000  }
0x483: {  	[sflag:s14] =	ssyncset.done $0x0  }
0x484: {  	s5 =	sand.u32 $0x3C00, s13;
	[sflag:s14] =	ssyncadd.s32 $0xFFFF8000  }
0x485: {  	s24 =	sshrl.u32 s5, $0x2;
	s25 =	sor.u32 $0x4300, s5;
	_ =	swait.ge [sflag:s14], $0x800  }
0x486: {  	s12 =	sand.u32 $0x60, s13;
	s1 =	sor.u32 $0x10000, s24;
	[sflag:s14] =	ssyncset.done $0x0  }
0x487: {  	s8 =	sor.u32 $0x10, s12;
	s26 =	sor.u32 s12, s1;
	[sflag:s14] =	ssyncadd.s32 $0xFFFFF800  }
0x488: {  	s6 =	sor.u32 $0x4200, s5;
	s10 =	sor.u32 s8, s25;
	v50 =	vld [tilespmem:s26+$0x0]  }
0x489: {  	s16 =	sor.u32 s8, s6;
	v2 =	vld [tilespmem:s10+$0x0]  }
0x48a: {  	s21 =	sor.u32 $0x4280, s5;
	s1 =	sor.u32 s8, s1;
	v0 =	vld [tilespmem:s16+$0x0]  }
0x48b: {  	s29 =	sor.u32 $0x4100, s5;
	s28 =	sor.u32 s8, s21;
	v51 =	vld [tilespmem:s1+$0x0]  }
0x48c: {  	s30 =	sor.u32 s8, s29;
	v41 =	vld [tilespmem:s28+$0x0]  }
0x48d: {  	s31 =	sor.u32 $0x4380, s5;
	s17 =	sor.u32 s12, s29;
	v21 =	vld [tilespmem:s30+$0x0]  }
0x48e: {  	s20 =	sor.u32 s12, s31;
	v22 =	vld [tilespmem:s17+$0x0]  }
0x48f: {  	s22 =	sor.u32 $0x4180, s5;
	s23 =	sor.u32 s12, s25;
	v23 =	vld [tilespmem:s20+$0x0]  }
0x490: {  	s24 =	sor.u32 s12, s22;
	v24 =	vld [tilespmem:s23+$0x0]  }
0x491: {  	s29 =	sor.u32 s8, s5;
	v25 =	vld [tilespmem:s24+$0x0]  }
0x492: {  	v28 =	vld [tilespmem:s29+$0x0]  }
0x493: {  	v29 =	vld [tilespmem:s29+$0x200]  }
0x494: {  	v30 =	vld [tilespmem:s29+$0x280]  }
0x495: {  	v31 =	vld [tilespmem:s29+$0x300]  }
0x496: {  	v32 =	vld [tilespmem:s29+$0x100]  }
0x497: {  	v33 =	vld [tilespmem:s29+$0x80]  }
0x498: {  	v42 =	vld [tilespmem:s29+$0x180]  }
0x499: {  	s25 =	sor.u32 $0x4080, s5;
	s26 =	sor.u32 s8, s31;
	v43 =	vld [tilespmem:s29+$0x380]  }
0x49a: {  	s28 =	sor.u32 s8, s25;
	v26 =	vld [tilespmem:s26+$0x0]  }
0x49b: {  	s30 =	sor.u32 s8, s22;
	v27 =	vld [tilespmem:s28+$0x0]  }
0x49c: {  	s20 =	sor.u32 s12, s5;
	v40 =	vld [tilespmem:s30+$0x0]  }
0x49d: {  	v39 =	vld [tilespmem:s20+$0x180];
	v35 =	vshll.u32 v50, $0x4  }
0x49e: {  	v47 =	vld [tilespmem:s20+$0x200];
	v36 =	vor.u32 $0x6, v35  }
0x49f: {  	v53 =	vld [tilespmem:s20+$0x100];
	v37 =	vor.u32 $0x2, v35  }
0x4a0: {  	v54 =	vld [tilespmem:s20+$0x300];
	v38 =	vor.u32 $0x3, v35  }
0x4a1: {  	v56 =	vld [tilespmem:s20+$0x380];
	v44 =	vor.u32 $0x4, v35  }
0x4a2: {  	v61 =	vld [tilespmem:s20+$0x280];
	v45 =	vor.u32 $0x7, v35  }
0x4a3: {  	v48 =	vor.u32 $0xF, v35;
	v36 =	vld.idx.msk [tilespmem:v36+s11+$0x0], $0xffff  }
0x4a4: {  	v52 =	vor.u32 $0xA, v35;
	v37 =	vld.idx.msk [tilespmem:v37+s11+$0x0], $0xffff  }
0x4a5: {  	v38 =	vld.idx.msk [tilespmem:v38+s11+$0x0], $0xffff  }
0x4a6: {  	v55 =	vor.u32 $0xB, v35;
	v44 =	vld.idx.msk [tilespmem:v44+s11+$0x0], $0xffff  }
0x4a7: {  	v57 =	vor.u32 $0xE, v35;
	v45 =	vld.idx.msk [tilespmem:v45+s11+$0x0], $0xffff  }
0x4a8: {  	s31 =	sor.u32 $0x4000, s5;
	v58 =	vor.u32 $0x5, v35;
	v48 =	vld.idx.msk [tilespmem:v48+s11+$0x0], $0xffff  }
0x4a9: {  	s8 =	sor.u32 s8, s31;
	v60 =	vshll.u32 v51, $0x4;
	v59 =	vor.u32 $0x8, v35;
	v52 =	vld.idx.msk [tilespmem:v52+s11+$0x0], $0xffff  }
0x4aa: {  	v20 =	vld [tilespmem:s8+$0x0];
	v62 =	vor.u32 $0xF, v60  }
0x4ab: {  	v37 =	vsub.f32 v53, v37;
	v63 =	vsub.f32 v54, v36;
	v53 =	vld.idx.msk [tilespmem:v55+s11+$0x0], $0xffff;
	v54 =	vor.u32 $0xB, v60  }
0x4ac: {  	v36 =	vsub.f32 v47, v44;
	v34 =	vsub.f32 v56, v45;
	v45 =	vld.idx.msk [tilespmem:v57+s11+$0x0], $0xffff;
	v47 =	vor.u32 $0x9, v60  }
0x4ad: {  	v39 =	vsub.f32 v39, v38;
	v55 =	vld.idx.msk [tilespmem:v58+s11+$0x0], $0xffff;
	v57 =	vor.u32 $0x7, v60  }
0x4ae: {  	v23 =	vsub.f32 v23, v48;
	v38 =	vld.idx.msk [tilespmem:v59+s11+$0x0], $0xffff;
	v22 =	vsub.f32 v22, v52;
	v48 =	vor.u32 $0x3, v60  }
0x4af: {  	v52 =	vor.u32 $0xA, v60;
	v56 =	vld.idx.msk [tilespmem:v62+s11+$0x0], $0xffff;
	v37 =	vmul.f32 v37, v37;
	v63 =	vmul.f32 v63, v63  }
0x4b0: {  	v44 =	vmul.f32 v34, v34;
	v34 =	vor.u32 $0x1, v60;
	v22 =	vmul.f32 v22, v22;
	v54 =	vld.idx.msk [tilespmem:v54+s11+$0x0], $0xffff  }
0x4b1: {  	v37 =	vadd.f32 v63, v37;
	v63 =	vor.u32 $0x6, v60;
	v24 =	vsub.f32 v24, v45;
	v47 =	vld.idx.msk [tilespmem:v47+s11+$0x0], $0xffff  }
0x4b2: {  	v49 =	vor.u32 $0x4, v60;
	v58 =	vor.u32 $0x5, v60;
	v39 =	vmul.f32 v39, v39;
	v57 =	vld.idx.msk [tilespmem:v57+s11+$0x0], $0xffff  }
0x4b3: {  	v25 =	vsub.f32 v25, v53;
	v48 =	vld.idx.msk [tilespmem:v48+s11+$0x0], $0xffff;
	v22 =	vadd.f32 v22, v37;
	v24 =	vmul.f32 v24, v24  }
0x4b4: {  	v62 =	vor.u32 $0x2, v60;
	v39 =	vadd.f32 v44, v39;
	v52 =	vld.idx.msk [tilespmem:v52+s11+$0x0], $0xffff;
	v26 =	vsub.f32 v26, v56  }
0x4b5: {  	v56 =	vor.u32 $0x8, v60;
	v25 =	vmul.f32 v25, v25;
	v22 =	vadd.f32 v24, v22;
	v24 =	vld.idx.msk [tilespmem:v34+s11+$0x0], $0xffff  }
0x4b6: {  	v23 =	vmul.f32 v23, v23;
	v40 =	vsub.f32 v40, v54;
	v54 =	vld.idx.msk [tilespmem:v63+s11+$0x0], $0xffff  }
0x4b7: {  	v25 =	vadd.f32 v25, v39;
	v34 =	vor.u32 $0xE, v60;
	v27 =	vsub.f32 v27, v47;
	v47 =	vld.idx.msk [tilespmem:v58+s11+$0x0], $0xffff  }
0x4b8: {  	v59 =	vor.u32 $0xD, v35;
	v37 =	vor.u32 $0x1, v35;
	v42 =	vsub.f32 v42, v48;
	v48 =	vld.idx.msk [tilespmem:v49+s11+$0x0], $0xffff  }
0x4b9: {  	v53 =	vmul.f32 v26, v26;
	v23 =	vadd.f32 v23, v25;
	v25 =	vld.idx.msk [tilespmem:v62+s11+$0x0], $0xffff;
	v62 =	vor.u32 $0xD, v60  }
0x4ba: {  	v39 =	vsub.f32 v61, v55;
	v43 =	vsub.f32 v43, v57;
	v63 =	vor.u32 $0xC, v60;
	v49 =	vld.idx.msk [tilespmem:v56+s11+$0x0], $0xffff  }
0x4bb: {  	v55 =	vor.u32 $0x9, v35;
	v61 =	vor.u32 $0xC, v35;
	v44 =	vadd.f32 v23, v22;
	v22 =	vld.idx.msk [tilespmem:v60+s11+$0x0], $0xffff  }
0x4bc: {  	s6 =	sor.u32 s12, s6;
	v21 =	vsub.f32 v21, v52;
	v45 =	vmul.f32 v43, v43;
	v23 =	vsub.f32 v33, v24;
	v26 =	vld.idx.msk [tilespmem:v34+s11+$0x0], $0xffff  }
0x4bd: {  	v46 =	vld [tilespmem:s6+$0x0];
	v56 =	vmul.f32 v40, v40;
	v24 =	vmul.f32 v42, v42;
	v31 =	vsub.f32 v31, v54  }
0x4be: {  	v30 =	vsub.f32 v30, v47;
	v25 =	vsub.f32 v32, v25;
	v23 =	vmul.f32 v23, v23;
	v60 =	vld.idx.msk [tilespmem:v62+s11+$0x0], $0xffff  }
0x4bf: {  	v24 =	vadd.f32 v45, v24;
	v62 =	vld.idx.msk [tilespmem:v63+s11+$0x0], $0xffff;
	v63 =	vsub.f32 v29, v48;
	v31 =	vmul.f32 v31, v31  }
0x4c0: {  	v40 =	vld.idx.msk [tilespmem:v59+s11+$0x0], $0xffff;
	v25 =	vmul.f32 v25, v25;
	v22 =	vsub.f32 v28, v22;
	v28 =	vmul.f32 v30, v30  }
0x4c1: {  	s3 =	sor.u32 s12, s31;
	v21 =	vmul.f32 v21, v21;
	v45 =	vld.idx.msk [tilespmem:v55+s11+$0x0], $0xffff;
	v2 =	vsub.f32 v2, v26;
	v26 =	vsub.f32 v20, v49  }
0x4c2: {  	s1 =	sor.u32 s12, s25;
	v30 =	vmul.f32 v27, v27;
	v29 =	vadd.f32 v31, v25;
	v31 =	vadd.f32 v28, v23;
	v25 =	vld [tilespmem:s3+$0x0]  }
0x4c3: {  	v27 =	vmul.f32 v63, v63;
	v23 =	vadd.f32 v56, v24;
	v24 =	vld [tilespmem:s1+$0x0];
	v41 =	vsub.f32 v41, v60  }
0x4c4: {  	s26 =	sor.u32 s12, s21;
	v43 =	vld.idx.msk [tilespmem:v61+s11+$0x0], $0xffff;
	v22 =	vmul.f32 v22, v22;
	v28 =	vadd.f32 v21, v29;
	v29 =	vmul.f32 v2, v2  }
0x4c5: {  	s12 =	simm.s32 $0x100;
	s21 =	simm.s32 $0x0;
	s8 =	simm.s32 $0x0;
	v21 =	vsub.f32 v0, v62;
	v2 =	vld [tilespmem:s20+$0x80];
	v0 =	vadd.f32 v30, v31;
	v20 =	vmul.f32 v41, v41  }
.LBB2_17:
0x4c6: {  	s31 =	sand.u32 $0x3C00, s12;
	s8 =	sadd.s32 $0x2, s8;
	v30 =	vld [tilespmem:s20+$0x0];
	v28 =	vadd.f32 v29, v28;
	v23 =	vadd.f32 v53, v23;
	s21 =	sadd.s32 $0x20, s21  }
0x4c7: {  	v26 =	vmul.f32 v26, v26;
	s1 =	sshrl.u32 s31, $0x2;
	s17 =	sor.u32 $0x4180, s31;
	s3 =	sor.u32 $0x4300, s31;
	v29 =	vld.idx.msk [tilespmem:v35+s11+$0x0], $0xffff;
	v25 =	vsub.f32 v25, v38;
	v22 =	vadd.f32 v27, v22  }
0x4c8: {  	s10 =	sand.u32 $0x60, s21;
	s25 =	sor.u32 $0x4380, s31;
	s1 =	sor.u32 $0x10000, s1;
	v27 =	vld.idx.msk [tilespmem:v37+s11+$0x0], $0xffff;
	v24 =	vsub.f32 v24, v45;
	v23 =	vadd.f32 v23, v28  }
0x4c9: {  	v21 =	vmul.f32 v21, v21;
	s30 =	sor.u32 s10, s25;
	s16 =	sor.u32 $0x10, s10;
	s5 =	sor.u32 s10, s1;
	v28 =	vld [tilespmem:s26+$0x0];
	v22 =	vadd.f32 v26, v22  }
0x4ca: {  	s1 =	sor.u32 s16, s1;
	s6 =	sor.u32 s16, s3;
	v26 =	vsub.f32 v46, v43;
	v53 =	vld [tilespmem:s5+$0x0];
	s5 =	sor.u32 $0x4200, s31  }
0x4cb: {  	v31 =	vmul.f32 v39, v39;
	s20 =	sor.u32 $0x4080, s31;
	v0 =	vadd.f32 v20, v0;
	s23 =	sor.u32 s10, s5;
	s24 =	sor.u32 s16, s5;
	v42 =	vld [tilespmem:s6+$0x0];
	v21 =	vadd.f32 v21, v22  }
0x4cc: {  	v20 =	vmul.f32 v36, v36;
	s22 =	sor.u32 s10, s20;
	s26 =	sor.u32 $0x4000, s31;
	s5 =	sor.u32 s10, s3;
	v22 =	vmul.f32 v26, v26;
	v41 =	vld [tilespmem:s24+$0x0]  }
0x4cd: {  	s28 =	sor.u32 s16, s31;
	s29 =	sor.u32 s16, s20;
	v25 =	vmul.f32 v25, v25;
	s24 =	sor.u32 s10, s26;
	v26 =	vsub.f32 v30, v29;
	v46 =	vld [tilespmem:s1+$0x0];
	v0 =	vadd.f32 v0, v21  }
0x4ce: {  	s20 =	sor.u32 s10, s31;
	s6 =	sor.u32 s10, s17;
	s3 =	sor.u32 s16, s25;
	v2 =	vsub.f32 v2, v27;
	v21 =	vmul.f32 v24, v24;
	v47 =	vld [tilespmem:s28+$0x0];
	v24 =	vsub.f32 v28, v40  }
0x4cf: {  	p0 =	slt.u32 s8, $0x7E;
	s25 =	sor.u32 s16, s26;
	s1 =	sor.u32 s16, s17;
	v26 =	vmul.f32 v26, v26;
	v35 =	vshll.u32 v53, $0x4;
	v52 =	vld [tilespmem:s28+$0x200];
	v58 =	vadd.f32 v23, v0  }
0x4d0: {  	v0 =	vmul.f32 v2, v2;
	v23 =	vor.u32 $0x6, v35;
	v27 =	vor.u32 $0x7, v35;
	v48 =	vld [tilespmem:s28+$0x280]  }
0x4d1: {  	v37 =	vor.u32 $0x1, v35;
	v2 =	vor.u32 $0x2, v35;
	v20 =	vadd.f32 v20, v26;
	v54 =	vld [tilespmem:s28+$0x300]  }
0x4d2: {  	v26 =	vadd.f32 v31, v0;
	v0 =	vshra.s32 v58, $0x1;
	v28 =	vmul.f32 $5.000000000e-01, v58;
	v55 =	vld [tilespmem:s28+$0x100]  }
0x4d3: {  	v24 =	vmul.f32 v24, v24;
	v20 =	vadd.f32 v25, v20;
	v25 =	vsub.s32 $0x5F3759DF, v0;
	v56 =	vld [tilespmem:s28+$0x80]  }
0x4d4: {  	v29 =	vor.u32 $0x3, v35;
	v21 =	vadd.f32 v21, v26;
	v26 =	vmul.f32 v25, v28;
	v0 =	vld [tilespmem:s28+$0x180]  }
0x4d5: {  	v31 =	vor.u32 $0x4, v35;
	v20 =	vadd.f32 v22, v20;
	v30 =	vld [tilespmem:s20+$0x180]  }
0x4d6: {  	v32 =	vor.u32 $0x5, v35;
	v21 =	vadd.f32 v24, v21;
	v24 =	vmul.f32 v25, v26;
	v22 =	vld [tilespmem:s20+$0x200]  }
0x4d7: {  	v33 =	vor.u32 $0x8, v35;
	v26 =	vld [tilespmem:s20+$0x280]  }
0x4d8: {  	v36 =	vor.u32 $0x9, v35;
	v20 =	vadd.f32 v21, v20;
	v21 =	vsub.f32 $1.500000000e+00, v24;
	v23 =	vld.idx.msk [tilespmem:v23+s11+$0x0], $0xffff  }
0x4d9: {  	v39 =	vor.u32 $0xC, v35;
	v24 =	vld.idx.msk [tilespmem:v2+s11+$0x0], $0xffff  }
0x4da: {  	v40 =	vor.u32 $0xD, v35;
	v2 =	vadd.f32 v44, v20;
	v20 =	vmul.f32 v25, v21;
	v29 =	vld.idx.msk [tilespmem:v29+s11+$0x0], $0xffff  }
0x4db: {  	v21 =	vld.idx.msk [tilespmem:v31+s11+$0x0], $0xffff  }
0x4dc: {  	v31 =	vshra.s32 v2, $0x1;
	v43 =	vmul.f32 v20, v28;
	v25 =	vld.idx.msk [tilespmem:v32+s11+$0x0], $0xffff;
	v32 =	vmul.f32 $5.000000000e-01, v2  }
0x4dd: {  	v31 =	vsub.s32 $0x5F3759DF, v31;
	v38 =	vld.idx.msk [tilespmem:v33+s11+$0x0], $0xffff  }
0x4de: {  	s17 =	sor.u32 $0x4280, s31;
	v45 =	vld.idx.msk [tilespmem:v36+s11+$0x0], $0xffff;
	v33 =	vmul.f32 v31, v32;
	v36 =	vmul.f32 v43, v20  }
0x4df: {  	s26 =	sor.u32 s10, s17;
	s17 =	sor.u32 s16, s17;
	v43 =	vld.idx.msk [tilespmem:v39+s11+$0x0], $0xffff  }
0x4e0: {  	v29 =	vsub.f32 v30, v29;
	v40 =	vld.idx.msk [tilespmem:v40+s11+$0x0], $0xffff;
	v30 =	vmul.f32 v31, v33;
	v33 =	vsub.f32 $1.500000000e+00, v36  }
0x4e1: {  	s31 =	sor.u32 $0x4100, s31;
	v36 =	vsub.f32 v22, v21;
	v21 =	vld.idx.msk [tilespmem:v27+s11+$0x0], $0xffff  }
0x4e2: {  	s10 =	sor.u32 s10, s31;
	s16 =	sor.u32 s16, s31;
	v39 =	vsub.f32 v26, v25;
	v57 =	vld [tilespmem:s17+$0x0];
	v22 =	vsub.f32 $1.500000000e+00, v30  }
0x4e3: {  	v25 =	vor.u32 $0xF, v35;
	v26 =	vld [tilespmem:s16+$0x0]  }
0x4e4: {  	v30 =	vor.u32 $0xA, v35;
	v27 =	vld [tilespmem:s10+$0x0];
	v22 =	vmul.f32 v31, v22  }
0x4e5: {  	v31 =	vld [tilespmem:s20+$0x380]  }
0x4e6: {  	v20 =	vmul.f32 v33, v20;
	v44 =	vld [tilespmem:s20+$0x100];
	v59 =	vmul.f32 v22, v32  }
0x4e7: {  	v60 =	vor.u32 $0xE, v35;
	v33 =	vld [tilespmem:s20+$0x300]  }
0x4e8: {  	v61 =	vor.u32 $0xB, v35;
	v62 =	vld [tilespmem:s30+$0x0];
	v59 =	vmul.f32 v59, v22  }
0x4e9: {  	v28 =	vmul.f32 v20, v28;
	v25 =	vld.idx.msk [tilespmem:v25+s11+$0x0], $0xffff  }
0x4ea: {  	v21 =	vsub.f32 v31, v21;
	v30 =	vld.idx.msk [tilespmem:v30+s11+$0x0], $0xffff;
	v31 =	vsub.f32 $1.500000000e+00, v59  }
0x4eb: {  	v29 =	vmul.f32 v29, v29;
	v28 =	vmul.f32 v28, v20;
	v24 =	vsub.f32 v44, v24;
	v44 =	vld [tilespmem:s5+$0x0]  }
0x4ec: {  	v23 =	vsub.f32 v33, v23;
	v21 =	vmul.f32 v21, v21;
	v33 =	vld.idx.msk [tilespmem:v60+s11+$0x0], $0xffff;
	v22 =	vmul.f32 v31, v22  }
0x4ed: {  	v28 =	vsub.f32 $1.500000000e+00, v28;
	v59 =	vshll.u32 v46, $0x4;
	v24 =	vmul.f32 v24, v24;
	v31 =	vld.idx.msk [tilespmem:v61+s11+$0x0], $0xffff  }
0x4ee: {  	v63 =	vor.u32 $0xF, v59;
	v61 =	vor.u32 $0x3, v59;
	v23 =	vmul.f32 v23, v23;
	v60 =	vld [tilespmem:s6+$0x0]  }
0x4ef: {  	v25 =	vsub.f32 v62, v25;
	v62 =	vor.u32 $0xB, v59;
	v32 =	vmul.f32 v22, v32;
	v34 =	vld [tilespmem:s3+$0x0]  }
0x4f0: {  	v20 =	vmul.f32 v28, v20;
	v49 =	vor.u32 $0x9, v59;
	v27 =	vsub.f32 v27, v30;
	v30 =	vld [tilespmem:s29+$0x0]  }
0x4f1: {  	v28 =	vor.u32 $0x7, v59;
	v21 =	vadd.f32 v21, v29;
	v32 =	vmul.f32 v32, v22;
	v29 =	vld [tilespmem:s1+$0x0]  }
0x4f2: {  	v23 =	vadd.f32 v23, v24;
	v24 =	vmul.f32 v27, v27;
	v27 =	vsub.f32 v44, v33;
	v33 =	vld [tilespmem:s28+$0x380]  }
0x4f3: {  	v44 =	vor.u32 $0xA, v59;
	v32 =	vsub.f32 $1.500000000e+00, v32;
	v31 =	vsub.f32 v60, v31;
	v60 =	vld.idx.msk [tilespmem:v63+s11+$0x0], $0xffff  }
0x4f4: {  	v23 =	vadd.f32 v24, v23;
	v24 =	vmul.f32 v27, v27;
	v27 =	vor.u32 $0x1, v59;
	v62 =	vld.idx.msk [tilespmem:v62+s11+$0x0], $0xffff  }
0x4f5: {  	v63 =	vor.u32 $0x2, v59;
	v22 =	vmul.f32 v32, v22;
	v31 =	vmul.f32 v31, v31;
	v49 =	vld.idx.msk [tilespmem:v49+s11+$0x0], $0xffff  }
0x4f6: {  	v20 =	vmul.f32 v20, v58;
	v23 =	vadd.f32 v24, v23;
	v24 =	vor.u32 $0x6, v59;
	v28 =	vld.idx.msk [tilespmem:v28+s11+$0x0], $0xffff  }
0x4f7: {  	v25 =	vmul.f32 v25, v25;
	v32 =	vor.u32 $0x5, v59;
	v21 =	vadd.f32 v31, v21;
	v31 =	vld.idx.msk [tilespmem:v61+s11+$0x0], $0xffff  }
0x4f8: {  	v58 =	vor.u32 $0x4, v59;
	v20 =	vadd.f32 $-5.000000000e-01, v20;
	v2 =	vmul.f32 v22, v2;
	v61 =	vld.idx.msk [tilespmem:v44+s11+$0x0], $0xffff  }
0x4f9: {  	v21 =	vadd.f32 v25, v21;
	v22 =	vld.idx.msk [tilespmem:v27+s11+$0x0], $0xffff;
	v25 =	vsub.f32 v34, v60;
	v27 =	vadd.s32 v3, v50  }
0x4fa: {  	v2 =	vadd.f32 $-5.000000000e-01, v2;
	v29 =	vsub.f32 v29, v62;
	v60 =	vor.u32 $0xE, v59;
	v50 =	vmovc v53;
	v34 =	vld.idx.msk [tilespmem:v63+s11+$0x0], $0xffff  }
0x4fb: {  	v62 =	vor.u32 $0x8, v59;
	v30 =	vsub.f32 v30, v49;
	v24 =	vld.idx.msk [tilespmem:v24+s11+$0x0], $0xffff;
	v53 =	vmul.f32 v25, v25  }
0x4fc: {  	v2 =	vmax.f32 v2, $0.0e+00;
	v28 =	vsub.f32 v33, v28;
	v25 =	vld.idx.msk [tilespmem:v32+s11+$0x0], $0xffff;
	v32 =	vor.u32 $0xD, v59  }
0x4fd: {  	v44 =	vadd.f32 v21, v23;
	v23 =	vor.u32 $0xC, v59;
	v0 =	vsub.f32 v0, v31;
	v21 =	vld.idx.msk [tilespmem:v58+s11+$0x0], $0xffff  }
0x4fe: {  	v20 =	vmax.f32 v20, $0.0e+00;
	v30 =	vmul.f32 v30, v30;
	v26 =	vsub.f32 v26, v61;
	v31 =	vld.idx.msk [tilespmem:v59+s11+$0x0], $0xffff  }
0x4ff: {  	v28 =	vmul.f32 v28, v28;
	v22 =	vsub.f32 v56, v22;
	v0 =	vmul.f32 v0, v0;
	v33 =	vld.idx.msk [tilespmem:v60+s11+$0x0], $0xffff  }
0x500: {  	v20 =	vmul.f32 v20, v20;
	v34 =	vsub.f32 v55, v34;
	v55 =	vadd.s32 v3, v51;
	v49 =	vld.idx.msk [tilespmem:v62+s11+$0x0], $0xffff  }
0x501: {  	v56 =	vmul.f32 v22, v22;
	v22 =	vsub.f32 v54, v24;
	v24 =	vmul.f32 v29, v29;
	v29 =	vld.idx.msk [tilespmem:v32+s11+$0x0], $0xffff  }
0x502: {  	v2 =	vmul.f32 v2, v2;
	v0 =	vadd.f32 v28, v0;
	v25 =	vsub.f32 v48, v25;
	v32 =	vld.idx.msk [tilespmem:v23+s11+$0x0], $0xffff  }
0x503: {  	v51 =	vmovc v46;
	v23 =	vmul.f32 v34, v34;
	v34 =	vsub.f32 v52, v21;
	v21 =	vmul.f32 v22, v22;
	v48 =	vld [tilespmem:s25+$0x0]  }
0x504: {  	v22 =	vsub.f32 v47, v31;
	v28 =	vmul.f32 v25, v25;
	[tilespmem:v27+s15+$0x0] =	vst.idx.add.f32.msk $0xffff, v2  }
.Ltmp7:
0x505: {  	v2 =	vadd.f32 v21, v23;
	v21 =	vmul.f32 v26, v26;
	v26 =	vsub.f32 v42, v33;
	v46 =	vld [tilespmem:s23+$0x0];
	(pc) =	sbr.rel @p0 .LBB2_17-.Ltmp7, $4  }
0x506: {  	v23 =	vadd.f32 v24, v0;
	v22 =	vmul.f32 v22, v22;
	v31 =	vadd.f32 v28, v56;
	v25 =	vld [tilespmem:s24+$0x0]  }
0x507: {  	v28 =	vadd.f32 v21, v2;
	v33 =	vsub.f32 v57, v29;
	v29 =	vmul.f32 v26, v26;
	v24 =	vld [tilespmem:s22+$0x0]  }
0x508: {  	v21 =	vsub.f32 v41, v32;
	v26 =	vsub.f32 v48, v49;
	[tilespmem:v55+s15+$0x0] =	vst.idx.add.f32.msk $0xffff, v20  }
0x509: {  	s12 =	sadd.s32 $0x100, s12;
	v27 =	vmul.f32 v34, v34;
	v0 =	vadd.f32 v30, v31;
	v20 =	vmul.f32 v33, v33;
	v2 =	vld [tilespmem:s20+$0x80]  }
0x50a: {  	_ =	sdelay $0x2  }
0x50b: {  	v30 =	vld [tilespmem:s20+$0x0]  }
0x50c: {  	v31 =	vld.idx.msk [tilespmem:v35+s11+$0x0], $0xffff  }
0x50d: {  	v32 =	vld.idx.msk [tilespmem:v37+s11+$0x0], $0xffff;
	_ =	sdelay $0x2  }
0x50e: {  	v33 =	vld [tilespmem:s26+$0x0]  }
0x50f: {  	v28 =	vadd.f32 v29, v28  }
0x510: {  	v29 =	vsub.f32 v30, v31;
	v2 =	vsub.f32 v2, v32  }
0x511: {  	v25 =	vsub.f32 v25, v38;
	v30 =	vmul.f32 v39, v39;
	v31 =	vmul.f32 v36, v36  }
0x512: {  	v24 =	vsub.f32 v24, v45;
	v29 =	vmul.f32 v29, v29;
	v2 =	vmul.f32 v2, v2  }
0x513: {  	v58 =	vsub.f32 v46, v43;
	v25 =	vmul.f32 v25, v25;
	v33 =	vsub.f32 v33, v40  }
0x514: {  	v24 =	vmul.f32 v24, v24;
	v29 =	vadd.f32 v31, v29;
	v2 =	vadd.f32 v30, v2  }
0x515: {  	v26 =	vmul.f32 v26, v26;
	v22 =	vadd.f32 v27, v22;
	v27 =	vmul.f32 v58, v58  }
0x516: {  	v25 =	vadd.f32 v25, v29;
	v29 =	vmul.f32 v33, v33;
	v2 =	vadd.f32 v24, v2  }
0x517: {  	v23 =	vadd.f32 v53, v23;
	v21 =	vmul.f32 v21, v21;
	v22 =	vadd.f32 v26, v22  }
0x518: {  	v24 =	vadd.f32 v27, v25;
	v2 =	vadd.f32 v29, v2  }
0x519: {  	v0 =	vadd.f32 v20, v0;
	v21 =	vadd.f32 v21, v22  }
0x51a: {  	v2 =	vadd.f32 v2, v24  }
0x51b: {  	v20 =	vadd.f32 v23, v28;
	v0 =	vadd.f32 v0, v21  }
0x51c: {  	v2 =	vadd.f32 v44, v2  }
0x51d: {  	v0 =	vadd.f32 v20, v0  }
0x51e: {  	v20 =	vshra.s32 v2, $0x1;
	v21 =	vmul.f32 $5.000000000e-01, v2  }
0x51f: {  	v22 =	vshra.s32 v0, $0x1;
	v23 =	vmul.f32 $5.000000000e-01, v0;
	v20 =	vsub.s32 $0x5F3759DF, v20  }
0x520: {  	v22 =	vsub.s32 $0x5F3759DF, v22;
	v24 =	vmul.f32 v20, v21  }
0x521: {  	v25 =	vmul.f32 v22, v23  }
0x522: {  	v24 =	vmul.f32 v20, v24  }
0x523: {  	v25 =	vmul.f32 v22, v25  }
0x524: {  	v24 =	vsub.f32 $1.500000000e+00, v24  }
0x525: {  	v25 =	vsub.f32 $1.500000000e+00, v25  }
0x526: {  	v20 =	vmul.f32 v20, v24  }
0x527: {  	v22 =	vmul.f32 v22, v25  }
0x528: {  	v24 =	vmul.f32 v20, v21  }
0x529: {  	v25 =	vmul.f32 v22, v23  }
0x52a: {  	v24 =	vmul.f32 v24, v20  }
0x52b: {  	v25 =	vmul.f32 v25, v22  }
0x52c: {  	v24 =	vsub.f32 $1.500000000e+00, v24  }
0x52d: {  	v25 =	vsub.f32 $1.500000000e+00, v25  }
0x52e: {  	v20 =	vmul.f32 v24, v20  }
0x52f: {  	v22 =	vmul.f32 v25, v22  }
0x530: {  	v21 =	vmul.f32 v20, v21  }
0x531: {  	v23 =	vmul.f32 v22, v23  }
0x532: {  	v21 =	vmul.f32 v21, v20  }
0x533: {  	v23 =	vmul.f32 v23, v22  }
0x534: {  	v21 =	vsub.f32 $1.500000000e+00, v21  }
0x535: {  	v23 =	vsub.f32 $1.500000000e+00, v23  }
0x536: {  	v20 =	vmul.f32 v21, v20  }
0x537: {  	v21 =	vmul.f32 v23, v22  }
0x538: {  	v2 =	vmul.f32 v20, v2  }
0x539: {  	v0 =	vmul.f32 v21, v0  }
0x53a: {  	v20 =	vadd.s32 v3, v50;
	v2 =	vadd.f32 $-5.000000000e-01, v2  }
0x53b: {  	v21 =	vadd.s32 v3, v51;
	v0 =	vadd.f32 $-5.000000000e-01, v0  }
0x53c: {  	v2 =	vmax.f32 v2, $0.0e+00  }
0x53d: {  	v0 =	vmax.f32 v0, $0.0e+00;
	v2 =	vmul.f32 v2, v2  }
0x53e: {  	v0 =	vmul.f32 v0, v0  }
0x53f: {  	[tilespmem:v20+s15+$0x0] =	vst.idx.add.f32.msk $0xffff, v2  }
0x540: {  	s1 =	smin.u32 s19, $0x3E800;
	s19 =	simm.s32 $0x0;
	[tilespmem:v21+s15+$0x0] =	vst.idx.add.f32.msk $0xffff, v0  }
0x541: {  	s5 =	simm.s32 $0x4000;
	s1 =	sadd.s32 $0x1000, s1;
	s3 =	rddreg [dreg:$0x8]  }
0x542: {  	s6 =	simm.s32 $0x200000;
	s3 =	sadd.s32 s1, s3;
	s1 =	sshll.u32 s1, $0x2  }
0x543: {  	[tilespmem:s19], [sflag:$0x1] =	stream.strided.gather [hbm4b:s3+s5], $0x8000, s6, s5, $0x38;
	[tilespmem:$0x13C80] =	vst v63  }
0x544: {  	s1 =	sor.u32 s2, s1  }
0x545: {  	s1 =	sshrl.u32 s1, $0x3  }
0x546: {  	s26 =	simm.s32 $0x10000;
	s1 =	sadd.s32 s7, s1  }
0x547: {  	[tilespmem:s26], [sflag:$0x1] =	stream.linear.gather [hbm4b:s1+s19], $0x80, $0x38;
	[tilespmem:$0x13C80] =	vst v63  }
0x548: {  	s29 =	simm.s32 $0x10100;
	s28 =	sadd.s32 $0x40, s1  }
0x549: {  	[tilespmem:s29], [sflag:$0x1] =	stream.linear.gather [hbm4b:s28+s19], $0x80, $0x38;
	[tilespmem:$0x13C80] =	vst v63  }
0x54a: {  	s31 =	simm.s32 $0x10200;
	s30 =	sadd.s32 $0x80, s1  }
0x54b: {  	[tilespmem:s31], [sflag:$0x1] =	stream.linear.gather [hbm4b:s30+s19], $0x80, $0x38;
	[tilespmem:$0x13C80] =	vst v63  }
0x54c: {  	s6 =	simm.s32 $0x10300;
	s5 =	sadd.s32 $0xC0, s1  }
0x54d: {  	[tilespmem:s6], [sflag:$0x1] =	stream.linear.gather [hbm4b:s5+s19], $0x80, $0x38;
	[tilespmem:$0x13C80] =	vst v63  }
0x54e: {  	s10 =	simm.s32 $0x10400;
	s8 =	sadd.s32 $0x100, s1  }
0x54f: {  	[tilespmem:s10], [sflag:$0x1] =	stream.linear.gather [hbm4b:s8+s19], $0x80, $0x38;
	[tilespmem:$0x13C80] =	vst v63  }
0x550: {  	s16 =	simm.s32 $0x10500;
	s12 =	sadd.s32 $0x140, s1  }
0x551: {  	[tilespmem:s16], [sflag:$0x1] =	stream.linear.gather [hbm4b:s12+s19], $0x80, $0x38;
	[tilespmem:$0x13C80] =	vst v63  }
0x552: {  	s20 =	simm.s32 $0x10600;
	s17 =	sadd.s32 $0x180, s1  }
0x553: {  	[tilespmem:s20], [sflag:$0x1] =	stream.linear.gather [hbm4b:s17+s19], $0x80, $0x38;
	[tilespmem:$0x13C80] =	vst v63  }
0x554: {  	s22 =	simm.s32 $0x10700;
	s21 =	sadd.s32 $0x1C0, s1  }
0x555: {  	[tilespmem:s22], [sflag:$0x1] =	stream.linear.gather [hbm4b:s21+s19], $0x80, $0x38;
	[tilespmem:$0x13C80] =	vst v63  }
0x556: {  	s24 =	simm.s32 $0x10800;
	s23 =	sadd.s32 $0x200, s1  }
0x557: {  	[tilespmem:s24], [sflag:$0x1] =	stream.linear.gather [hbm4b:s23+s19], $0x80, $0x38;
	[tilespmem:$0x13C80] =	vst v63  }
0x558: {  	s25 =	sadd.s32 $0x240, s1;
	s26 =	simm.s32 $0x10900  }
0x559: {  	[tilespmem:s26], [sflag:$0x1] =	stream.linear.gather [hbm4b:s25+s19], $0x80, $0x38;
	[tilespmem:$0x13C80] =	vst v63  }
0x55a: {  	s28 =	sadd.s32 $0x280, s1;
	s29 =	simm.s32 $0x10A00  }
0x55b: {  	[tilespmem:s29], [sflag:$0x1] =	stream.linear.gather [hbm4b:s28+s19], $0x80, $0x38;
	[tilespmem:$0x13C80] =	vst v63  }
0x55c: {  	s30 =	sadd.s32 $0x2C0, s1;
	s31 =	simm.s32 $0x10B00  }
0x55d: {  	[tilespmem:s31], [sflag:$0x1] =	stream.linear.gather [hbm4b:s30+s19], $0x80, $0x38;
	[tilespmem:$0x13C80] =	vst v63  }
0x55e: {  	s6 =	sadd.s32 $0x300, s1;
	s8 =	simm.s32 $0x10C00  }
0x55f: {  	[tilespmem:s8], [sflag:$0x1] =	stream.linear.gather [hbm4b:s6+s19], $0x80, $0x38;
	[tilespmem:$0x13C80] =	vst v63  }
0x560: {  	s10 =	sadd.s32 $0x340, s1;
	s12 =	simm.s32 $0x10D00  }
0x561: {  	[tilespmem:s12], [sflag:$0x1] =	stream.linear.gather [hbm4b:s10+s19], $0x80, $0x38;
	[tilespmem:$0x13C80] =	vst v63  }
0x562: {  	s16 =	sadd.s32 $0x380, s1;
	s17 =	simm.s32 $0x10E00  }
0x563: {  	[tilespmem:s17], [sflag:$0x1] =	stream.linear.gather [hbm4b:s16+s19], $0x80, $0x38;
	[tilespmem:$0x13C80] =	vst v63  }
0x564: {  	s1 =	sadd.s32 $0x3C0, s1;
	s20 =	simm.s32 $0x10F00;
	s21 =	simm.s32 $0x2  }
0x565: {  	[tilespmem:s20], [sflag:$0x1] =	stream.linear.gather [hbm4b:s1+s19], $0x80, $0x38;
	[tilespmem:$0x13C80] =	vst v63  }
0x566: {  	_ =	swait.ge [sflag:s21], $0x8000  }
0x567: {  	[sflag:s21] =	ssyncset.done $0x0  }
0x568: {  	s10 =	sand.u32 $0x3C00, s19;
	[sflag:s21] =	ssyncadd.s32 $0xFFFF8000  }
0x569: {  	s6 =	sand.u32 $0x60, s19;
	s22 =	sshrl.u32 s10, $0x2;
	_ =	swait.ge [sflag:s21], $0x800  }
0x56a: {  	s8 =	sor.u32 $0x10, s6;
	s1 =	sor.u32 $0x10000, s22;
	[sflag:s21] =	ssyncset.done $0x0  }
0x56b: {  	s3 =	sor.u32 $0xC080, s10;
	s23 =	sor.u32 s6, s1;
	[sflag:s21] =	ssyncadd.s32 $0xFFFFF800  }
0x56c: {  	s24 =	sor.u32 s8, s3;
	v50 =	vld [tilespmem:s23+$0x80]  }
0x56d: {  	s16 =	sor.u32 $0xC180, s10;
	s1 =	sor.u32 s8, s1;
	v53 =	vld [tilespmem:s24+$0x0]  }
0x56e: {  	s12 =	sor.u32 $0xC100, s10;
	s25 =	sor.u32 s6, s16;
	v51 =	vld [tilespmem:s1+$0x80]  }
0x56f: {  	s17 =	sor.u32 s6, s12;
	s20 =	sor.u32 $0x8280, s10;
	v2 =	vld [tilespmem:s25+$0x0]  }
0x570: {  	s5 =	sor.u32 $0x8000, s10;
	s28 =	sor.u32 s8, s20;
	v20 =	vld [tilespmem:s17+$0x0]  }
0x571: {  	s30 =	sor.u32 s6, s5;
	v35 =	vld [tilespmem:s28+$0x0]  }
0x572: {  	s16 =	sor.u32 s8, s16;
	v21 =	vld [tilespmem:s30+$0x0]  }
0x573: {  	s3 =	sor.u32 s6, s3;
	s21 =	sor.u32 $0xC000, s10;
	v40 =	vld [tilespmem:s16+$0x0]  }
0x574: {  	s29 =	sor.u32 s8, s21;
	v24 =	vld [tilespmem:s3+$0x0]  }
0x575: {  	s24 =	sor.u32 s8, s12;
	v37 =	vld [tilespmem:s29+$0x0]  }
0x576: {  	s1 =	sor.u32 $0x8080, s10;
	s28 =	sor.u32 s6, s20;
	v39 =	vld [tilespmem:s24+$0x0]  }
0x577: {  	s17 =	sor.u32 $0x8200, s10;
	s26 =	sor.u32 s8, s1;
	v28 =	vld [tilespmem:s28+$0x0]  }
0x578: {  	s23 =	sor.u32 $0xC300, s10;
	s22 =	sor.u32 s8, s17;
	v52 =	vld [tilespmem:s26+$0x0]  }
0x579: {  	s12 =	sor.u32 $0xC380, s10;
	s31 =	sor.u32 s8, s23;
	v36 =	vld [tilespmem:s22+$0x0]  }
0x57a: {  	s16 =	sor.u32 $0xC200, s10;
	s24 =	sor.u32 s6, s12;
	v22 =	vld [tilespmem:s31+$0x0]  }
0x57b: {  	s25 =	sor.u32 s8, s16;
	v23 =	vld [tilespmem:s24+$0x0]  }
0x57c: {  	s1 =	sor.u32 s6, s1;
	v0 =	vld [tilespmem:s25+$0x0]  }
0x57d: {  	s3 =	sor.u32 $0x8180, s10;
	s17 =	sor.u32 s6, s17;
	v25 =	vld [tilespmem:s1+$0x0]  }
0x57e: {  	s29 =	sor.u32 s6, s3;
	v27 =	vld [tilespmem:s17+$0x0]  }
0x57f: {  	s30 =	sor.u32 $0x8100, s10;
	s16 =	sor.u32 s6, s16;
	v29 =	vld [tilespmem:s29+$0x0]  }
0x580: {  	s22 =	sor.u32 s6, s30;
	v42 =	vld [tilespmem:s16+$0x0]  }
0x581: {  	s24 =	sor.u32 $0xC280, s10;
	s25 =	sor.u32 s6, s21;
	v31 =	vld [tilespmem:s22+$0x0]  }
0x582: {  	s1 =	sor.u32 $0x8300, s10;
	s26 =	sor.u32 s8, s24;
	v33 =	vld [tilespmem:s25+$0x0]  }
0x583: {  	s31 =	sor.u32 s6, s1;
	v26 =	vld [tilespmem:s26+$0x0];
	v32 =	vshll.u32 v50, $0x4  }
0x584: {  	s10 =	sor.u32 $0x8380, s10;
	s28 =	sor.u32 s6, s24;
	v30 =	vld [tilespmem:s31+$0x0];
	v41 =	vshll.u32 v51, $0x4;
	v59 =	vor.u32 $0xF, v32  }
0x585: {  	s26 =	sor.u32 s6, s10;
	v45 =	vld [tilespmem:s28+$0x0];
	v60 =	vor.u32 $0xE, v41  }
0x586: {  	s6 =	sor.u32 s6, s23;
	v34 =	vld [tilespmem:s26+$0x0];
	v61 =	vor.u32 $0x4, v32  }
0x587: {  	v46 =	vld [tilespmem:s6+$0x0];
	v47 =	vor.u32 $0xB, v32  }
0x588: {  	v49 =	vor.u32 $0xA, v32;
	v48 =	vld.idx.msk [tilespmem:v32+s11+$0x0], $0xffff  }
0x589: {  	v62 =	vor.u32 $0x7, v32;
	v54 =	vld.idx.msk [tilespmem:v59+s11+$0x0], $0xffff  }
0x58a: {  	v55 =	vor.u32 $0x6, v32;
	v43 =	vld.idx.msk [tilespmem:v60+s11+$0x0], $0xffff  }
0x58b: {  	v56 =	vor.u32 $0x5, v32;
	v57 =	vld.idx.msk [tilespmem:v61+s11+$0x0], $0xffff  }
0x58c: {  	v44 =	vor.u32 $0x2, v32;
	v47 =	vld.idx.msk [tilespmem:v47+s11+$0x0], $0xffff  }
0x58d: {  	v58 =	vor.u32 $0x1, v32;
	v49 =	vld.idx.msk [tilespmem:v49+s11+$0x0], $0xffff  }
0x58e: {  	v59 =	vld.idx.msk [tilespmem:v62+s11+$0x0], $0xffff  }
0x58f: {  	v60 =	vor.u32 $0x3, v32;
	v55 =	vld.idx.msk [tilespmem:v55+s11+$0x0], $0xffff  }
0x590: {  	v56 =	vld.idx.msk [tilespmem:v56+s11+$0x0], $0xffff;
	v21 =	vsub.f32 v21, v48;
	v48 =	vor.u32 $0x9, v32  }
0x591: {  	v62 =	vld.idx.msk [tilespmem:v44+s11+$0x0], $0xffff;
	v38 =	vsub.f32 v22, v43;
	v22 =	vor.u32 $0xC, v32  }
0x592: {  	s29 =	sor.u32 s8, s30;
	v61 =	vor.u32 $0xE, v32;
	v63 =	vld.idx.msk [tilespmem:v58+s11+$0x0], $0xffff;
	v23 =	vsub.f32 v23, v54;
	v54 =	vor.u32 $0xD, v32  }
0x593: {  	v44 =	vld [tilespmem:s29+$0x0];
	v58 =	vor.u32 $0xB, v41;
	v27 =	vsub.f32 v27, v57;
	v32 =	vor.u32 $0x8, v32  }
0x594: {  	v2 =	vsub.f32 v2, v47;
	v47 =	vld.idx.msk [tilespmem:v60+s11+$0x0], $0xffff;
	v20 =	vsub.f32 v20, v49;
	v57 =	vor.u32 $0xA, v41  }
0x595: {  	v34 =	vsub.f32 v34, v59;
	v30 =	vsub.f32 v30, v55;
	v59 =	vor.u32 $0xD, v41;
	v48 =	vld.idx.msk [tilespmem:v48+s11+$0x0], $0xffff  }
0x596: {  	v55 =	vor.u32 $0x7, v41;
	v28 =	vsub.f32 v28, v56;
	v31 =	vsub.f32 v31, v62;
	v22 =	vld.idx.msk [tilespmem:v22+s11+$0x0], $0xffff  }
0x597: {  	v25 =	vsub.f32 v25, v63;
	v21 =	vmul.f32 v21, v21;
	v60 =	vmul.f32 v20, v20;
	v20 =	vld.idx.msk [tilespmem:v54+s11+$0x0], $0xffff  }
0x598: {  	v63 =	vor.u32 $0xF, v41;
	v27 =	vmul.f32 v27, v27;
	v28 =	vmul.f32 v28, v28;
	v32 =	vld.idx.msk [tilespmem:v32+s11+$0x0], $0xffff  }
0x599: {  	v34 =	vmul.f32 v34, v34;
	v25 =	vmul.f32 v25, v25;
	v29 =	vsub.f32 v29, v47;
	v54 =	vld.idx.msk [tilespmem:v61+s11+$0x0], $0xffff  }
0x59a: {  	s30 =	sor.u32 s8, s12;
	v56 =	vor.u32 $0xC, v41;
	v30 =	vmul.f32 v30, v30;
	v31 =	vmul.f32 v31, v31;
	v59 =	vld.idx.msk [tilespmem:v59+s11+$0x0], $0xffff  }
0x59b: {  	s5 =	sor.u32 s8, s5;
	v49 =	vld [tilespmem:s30+$0x0];
	v21 =	vadd.f32 v27, v21;
	v25 =	vadd.f32 v28, v25;
	v29 =	vmul.f32 v29, v29  }
0x59c: {  	s31 =	sor.u32 s8, s10;
	v43 =	vld [tilespmem:s5+$0x0];
	v62 =	vor.u32 $0x9, v41;
	v30 =	vadd.f32 v30, v31;
	v24 =	vsub.f32 v24, v48  }
0x59d: {  	v27 =	vld [tilespmem:s31+$0x0];
	v61 =	vor.u32 $0x6, v41;
	v29 =	vadd.f32 v34, v29;
	v22 =	vsub.f32 v42, v22  }
0x59e: {  	v2 =	vmul.f32 v2, v2;
	v63 =	vld.idx.msk [tilespmem:v63+s11+$0x0], $0xffff;
	v20 =	vsub.f32 v45, v20;
	v32 =	vsub.f32 v33, v32  }
0x59f: {  	v31 =	vld.idx.msk [tilespmem:v56+s11+$0x0], $0xffff;
	v56 =	vsub.f32 v46, v54;
	v47 =	vsub.f32 v26, v59;
	v24 =	vmul.f32 v24, v24  }
0x5a0: {  	v23 =	vmul.f32 v23, v23;
	v28 =	vld.idx.msk [tilespmem:v41+s11+$0x0], $0xffff;
	v2 =	vadd.f32 v2, v29;
	v29 =	vadd.f32 v60, v30  }
0x5a1: {  	v60 =	vld.idx.msk [tilespmem:v55+s11+$0x0], $0xffff;
	v32 =	vmul.f32 v32, v32;
	v24 =	vadd.f32 v24, v25;
	v25 =	vmul.f32 v20, v20  }
0x5a2: {  	s3 =	sor.u32 s8, s3;
	v26 =	vor.u32 $0x5, v41;
	v22 =	vmul.f32 v22, v22;
	v20 =	vld.idx.msk [tilespmem:v61+s11+$0x0], $0xffff;
	v30 =	vadd.f32 v23, v2  }
0x5a3: {  	v2 =	vld [tilespmem:s3+$0x0];
	v32 =	vadd.f32 v32, v21;
	v25 =	vadd.f32 v25, v24;
	v24 =	vmul.f32 v56, v56  }
0x5a4: {  	s1 =	sor.u32 s8, s1;
	v48 =	vsub.f32 v49, v63;
	v61 =	vor.u32 $0x8, v41;
	v23 =	vld.idx.msk [tilespmem:v62+s11+$0x0], $0xffff  }
0x5a5: {  	v21 =	vld [tilespmem:s1+$0x0];
	v24 =	vadd.f32 v24, v29;
	v29 =	vadd.f32 v22, v32;
	v32 =	vor.u32 $0x4, v41  }
0x5a6: {  	v0 =	vsub.f32 v0, v31;
	v31 =	vor.u32 $0x3, v41;
	v22 =	vsub.f32 v43, v28;
	v28 =	vld.idx.msk [tilespmem:v58+s11+$0x0], $0xffff  }
0x5a7: {  	v62 =	vadd.f32 v30, v24;
	v24 =	vld.idx.msk [tilespmem:v57+s11+$0x0], $0xffff;
	v63 =	vadd.f32 v25, v29;
	v29 =	vor.u32 $0x2, v41  }
0x5a8: {  	v26 =	vld.idx.msk [tilespmem:v26+s11+$0x0], $0xffff;
	v30 =	vor.u32 $0x1, v41  }
0x5a9: {  	s20 =	simm.s32 $0x100;
	s12 =	simm.s32 $0x0;
	v27 =	vsub.f32 v27, v60;
	v25 =	vld.idx.msk [tilespmem:v61+s11+$0x0], $0xffff;
	v41 =	vadd.f32 v62, v63  }
.LBB2_19:
0x5aa: {  	s23 =	sand.u32 $0x3C00, s20;
	s12 =	sadd.s32 $0x2, s12;
	v32 =	vld.idx.msk [tilespmem:v32+s11+$0x0], $0xffff;
	s19 =	sadd.s32 $0x20, s19  }
0x5ab: {  	v28 =	vsub.f32 v40, v28;
	s1 =	sshrl.u32 s23, $0x2;
	s3 =	sor.u32 $0x8080, s23;
	s5 =	sor.u32 $0xC080, s23;
	v33 =	vshra.s32 v41, $0x1;
	v55 =	vmul.f32 $5.000000000e-01, v41;
	v31 =	vld.idx.msk [tilespmem:v31+s11+$0x0], $0xffff  }
0x5ac: {  	s24 =	sand.u32 $0x60, s19;
	s6 =	sor.u32 $0xC100, s23;
	v24 =	vsub.f32 v39, v24;
	s1 =	sor.u32 $0x10000, s1;
	v33 =	vsub.s32 $0x5F3759DF, v33;
	v29 =	vld.idx.msk [tilespmem:v29+s11+$0x0], $0xffff  }
0x5ad: {  	v20 =	vsub.f32 v21, v20;
	v21 =	vsub.f32 v53, v23;
	s16 =	sor.u32 s24, s6;
	s25 =	sor.u32 $0x10, s24;
	s8 =	sor.u32 s24, s1;
	v34 =	vmul.f32 v33, v55;
	v30 =	vld.idx.msk [tilespmem:v30+s11+$0x0], $0xffff  }
0x5ae: {  	v22 =	vmul.f32 v22, v22;
	v23 =	vmul.f32 v27, v27;
	s17 =	sor.u32 s25, s3;
	s10 =	sor.u32 s25, s5;
	v25 =	vsub.f32 v37, v25;
	v45 =	vld [tilespmem:s8+$0x80];
	s8 =	sor.u32 s25, s1  }
0x5af: {  	s21 =	sor.u32 $0xC380, s23;
	v27 =	vmul.f32 v20, v20;
	v21 =	vmul.f32 v21, v21;
	s1 =	sor.u32 s24, s3;
	s3 =	sor.u32 $0xC180, s23;
	v26 =	vsub.f32 v35, v26;
	v53 =	vld [tilespmem:s10+$0x0]  }
0x5b0: {  	s26 =	sor.u32 s24, s21;
	v28 =	vmul.f32 v28, v28;
	s10 =	sor.u32 s24, s5;
	s5 =	sor.u32 s24, s3;
	v34 =	vmul.f32 v33, v34;
	v20 =	vsub.f32 v36, v32;
	v42 =	vld [tilespmem:s8+$0x80]  }
0x5b1: {  	v0 =	vmul.f32 v0, v0;
	s29 =	sor.u32 s25, s6;
	s28 =	sor.u32 s25, s3;
	v2 =	vsub.f32 v2, v31;
	v26 =	vmul.f32 v26, v26;
	v56 =	vld [tilespmem:s5+$0x0];
	s5 =	sor.u32 $0xC300, s23  }
0x5b2: {  	s6 =	sor.u32 $0x8280, s23;
	v25 =	vmul.f32 v25, v25;
	s8 =	sor.u32 s25, s21;
	v29 =	vsub.f32 v44, v29;
	v20 =	vmul.f32 v20, v20;
	v54 =	vld [tilespmem:s16+$0x0];
	s22 =	sor.u32 s24, s5  }
0x5b3: {  	s3 =	sor.u32 s24, s6;
	s6 =	sor.u32 s25, s6;
	s21 =	sor.u32 $0x8200, s23;
	v30 =	vsub.f32 v52, v30;
	v2 =	vmul.f32 v2, v2;
	v44 =	vshll.u32 v45, $0x4;
	v52 =	vld [tilespmem:s17+$0x0]  }
0x5b4: {  	s16 =	sor.u32 s24, s21;
	s21 =	sor.u32 s25, s21;
	s17 =	sor.u32 $0xC000, s23;
	v22 =	vadd.f32 v20, v22;
	v57 =	vor.u32 $0x5, v44;
	v31 =	vor.u32 $0xE, v44;
	v35 =	vld [tilespmem:s6+$0x0]  }
0x5b5: {  	s30 =	sor.u32 $0x8000, s23;
	s6 =	sor.u32 s24, s17;
	v32 =	vor.u32 $0xF, v44;
	s17 =	sor.u32 s25, s17;
	v30 =	vmul.f32 v30, v30;
	v43 =	vshll.u32 v42, $0x4;
	v36 =	vld [tilespmem:s21+$0x0]  }
0x5b6: {  	s31 =	sor.u32 s24, s30;
	s5 =	sor.u32 s25, s5;
	v20 =	vor.u32 $0x3, v44;
	s21 =	sor.u32 s25, s30;
	v22 =	vadd.f32 v25, v22;
	v37 =	vld [tilespmem:s17+$0x0];
	v39 =	vor.u32 $0xE, v43  }
0x5b7: {  	p0 =	slt.u32 s12, $0x7E;
	v49 =	vor.u32 $0x4, v44;
	v23 =	vadd.f32 v23, v2;
	v26 =	vadd.f32 v26, v30;
	v25 =	vld [tilespmem:s31+$0x0]  }
0x5b8: {  	v40 =	vmul.f32 v48, v48;
	v29 =	vmul.f32 v29, v29;
	v2 =	vor.u32 $0xC, v44;
	v30 =	vld.idx.msk [tilespmem:v44+s11+$0x0], $0xffff  }
0x5b9: {  	v23 =	vadd.f32 v28, v23;
	v21 =	vadd.f32 v21, v26;
	v26 =	vmul.f32 v47, v47;
	v48 =	vld.idx.msk [tilespmem:v31+s11+$0x0], $0xffff  }
0x5ba: {  	v24 =	vmul.f32 v24, v24;
	v27 =	vadd.f32 v27, v29;
	v0 =	vadd.f32 v0, v22;
	v28 =	vld.idx.msk [tilespmem:v32+s11+$0x0], $0xffff  }
0x5bb: {  	v22 =	vadd.f32 v40, v23;
	v21 =	vadd.f32 v26, v21;
	v46 =	vld.idx.msk [tilespmem:v43+s11+$0x0], $0xffff  }
0x5bc: {  	s17 =	sor.u32 $0xC200, s23;
	v24 =	vadd.f32 v24, v27;
	v27 =	vmul.f32 v38, v38;
	v26 =	vsub.f32 $1.500000000e+00, v34;
	v23 =	vld [tilespmem:s5+$0x0]  }
0x5bd: {  	s5 =	sor.u32 s24, s17;
	s17 =	sor.u32 s25, s17;
	v31 =	vadd.f32 v21, v0;
	v29 =	vld.idx.msk [tilespmem:v39+s11+$0x0], $0xffff  }
0x5be: {  	v26 =	vmul.f32 v33, v26;
	v0 =	vadd.f32 v27, v24;
	v25 =	vsub.f32 v25, v30;
	v39 =	vld [tilespmem:s29+$0x0]  }
0x5bf: {  	v40 =	vld [tilespmem:s28+$0x0]  }
0x5c0: {  	v27 =	vmul.f32 v26, v55;
	v22 =	vadd.f32 v22, v0;
	v24 =	vld [tilespmem:s26+$0x0]  }
0x5c1: {  	v30 =	vor.u32 $0xB, v44;
	v21 =	vld [tilespmem:s10+$0x0]  }
0x5c2: {  	s26 =	sor.u32 $0xC280, s23;
	v27 =	vmul.f32 v27, v26;
	v58 =	vadd.f32 v22, v31;
	v0 =	vld [tilespmem:s17+$0x0]  }
0x5c3: {  	s10 =	sor.u32 s24, s26;
	v38 =	vsub.f32 v23, v29;
	v22 =	vld [tilespmem:s1+$0x0];
	s1 =	sor.u32 s25, s26  }
0x5c4: {  	v23 =	vmul.f32 v25, v25;
	v25 =	vsub.f32 $1.500000000e+00, v27;
	v27 =	vshra.s32 v58, $0x1;
	v47 =	vld [tilespmem:s1+$0x0]  }
0x5c5: {  	v29 =	vld.idx.msk [tilespmem:v49+s11+$0x0], $0xffff;
	v24 =	vsub.f32 v24, v28;
	v28 =	vmul.f32 $5.000000000e-01, v58  }
0x5c6: {  	v25 =	vmul.f32 v25, v26;
	v26 =	vsub.s32 $0x5F3759DF, v27;
	v30 =	vld.idx.msk [tilespmem:v30+s11+$0x0], $0xffff  }
0x5c7: {  	s1 =	sor.u32 $0x8180, s23;
	v27 =	vld [tilespmem:s16+$0x0];
	v31 =	vmul.f32 v26, v28  }
0x5c8: {  	v33 =	vmul.f32 v25, v55;
	s16 =	sor.u32 s24, s1;
	s1 =	sor.u32 s25, s1;
	v32 =	vld [tilespmem:s3+$0x0];
	s3 =	sor.u32 $0x8300, s23  }
0x5c9: {  	s17 =	sor.u32 $0x8100, s23;
	v49 =	vor.u32 $0xD, v44;
	v34 =	vld [tilespmem:s16+$0x0];
	s16 =	sor.u32 s24, s3;
	s3 =	sor.u32 s25, s3;
	v31 =	vmul.f32 v26, v31  }
0x5ca: {  	v59 =	vor.u32 $0xA, v44;
	s26 =	sor.u32 s24, s17;
	v33 =	vmul.f32 v33, v25;
	v55 =	vld [tilespmem:s16+$0x0];
	s16 =	sor.u32 s25, s17  }
0x5cb: {  	v61 =	vor.u32 $0x6, v44;
	v62 =	vor.u32 $0x7, v44;
	s17 =	sor.u32 $0x8380, s23;
	v60 =	vld [tilespmem:s26+$0x0];
	v31 =	vsub.f32 $1.500000000e+00, v31  }
0x5cc: {  	s23 =	sor.u32 s24, s17;
	v30 =	vsub.f32 v56, v30;
	v27 =	vsub.f32 v27, v29;
	v29 =	vld [tilespmem:s6+$0x0];
	s6 =	sor.u32 s25, s17  }
0x5cd: {  	v33 =	vsub.f32 $1.500000000e+00, v33;
	v56 =	vld [tilespmem:s23+$0x0];
	v26 =	vmul.f32 v26, v31  }
0x5ce: {  	v31 =	vor.u32 $0x2, v44;
	v49 =	vld.idx.msk [tilespmem:v49+s11+$0x0], $0xffff  }
0x5cf: {  	v63 =	vor.u32 $0x1, v44;
	v25 =	vmul.f32 v33, v25;
	v59 =	vld.idx.msk [tilespmem:v59+s11+$0x0], $0xffff;
	v33 =	vmul.f32 v26, v28  }
0x5d0: {  	v62 =	vld.idx.msk [tilespmem:v62+s11+$0x0], $0xffff  }
0x5d1: {  	v4 =	vor.u32 $0x9, v44;
	v25 =	vmul.f32 v25, v41;
	v61 =	vld.idx.msk [tilespmem:v61+s11+$0x0], $0xffff;
	v33 =	vmul.f32 v33, v26  }
0x5d2: {  	v44 =	vor.u32 $0x8, v44;
	v41 =	vld.idx.msk [tilespmem:v57+s11+$0x0], $0xffff  }
0x5d3: {  	v1 =	vor.u32 $0xB, v43;
	v57 =	vor.u32 $0xA, v43;
	v31 =	vld.idx.msk [tilespmem:v31+s11+$0x0], $0xffff;
	v33 =	vsub.f32 $1.500000000e+00, v33  }
0x5d4: {  	v5 =	vor.u32 $0x7, v43;
	v6 =	vor.u32 $0xC, v43;
	v25 =	vadd.f32 $-5.000000000e-01, v25;
	v63 =	vld.idx.msk [tilespmem:v63+s11+$0x0], $0xffff  }
0x5d5: {  	v54 =	vsub.f32 v54, v59;
	v59 =	vor.u32 $0xF, v43;
	v20 =	vld.idx.msk [tilespmem:v20+s11+$0x0], $0xffff;
	v26 =	vmul.f32 v33, v26  }
0x5d6: {  	v25 =	vmax.f32 v25, $0.0e+00;
	v33 =	vsub.f32 v56, v62;
	v56 =	vor.u32 $0xD, v43;
	v4 =	vld.idx.msk [tilespmem:v4+s11+$0x0], $0xffff  }
0x5d7: {  	v24 =	vmul.f32 v24, v24;
	v55 =	vsub.f32 v55, v61;
	v61 =	vld.idx.msk [tilespmem:v44+s11+$0x0], $0xffff;
	v28 =	vmul.f32 v26, v28  }
0x5d8: {  	v62 =	vadd.s32 v3, v50;
	v50 =	vmovc v45;
	v32 =	vsub.f32 v32, v41;
	v41 =	vmul.f32 v54, v54;
	v54 =	vld [tilespmem:s5+$0x0]  }
0x5d9: {  	v27 =	vmul.f32 v27, v27;
	v31 =	vsub.f32 v60, v31;
	v2 =	vld.idx.msk [tilespmem:v2+s11+$0x0], $0xffff;
	v28 =	vmul.f32 v28, v26  }
0x5da: {  	v60 =	vor.u32 $0x9, v43;
	v22 =	vsub.f32 v22, v63;
	v32 =	vmul.f32 v32, v32;
	v45 =	vld [tilespmem:s10+$0x0]  }
0x5db: {  	v25 =	vmul.f32 v25, v25;
	v20 =	vsub.f32 v34, v20;
	v34 =	vmul.f32 v55, v55;
	v55 =	vld [tilespmem:s22+$0x0]  }
0x5dc: {  	v33 =	vmul.f32 v33, v33;
	v4 =	vsub.f32 v21, v4;
	v21 =	vsub.f32 $1.500000000e+00, v28;
	v44 =	vld [tilespmem:s16+$0x0]  }
0x5dd: {  	v22 =	vmul.f32 v22, v22;
	v28 =	vor.u32 $0x6, v43;
	v20 =	vmul.f32 v20, v20;
	[tilespmem:v62+s15+$0x0] =	vst.idx.add.f32.msk $0xffff, v25  }
0x5de: {  	v23 =	vadd.f32 v27, v23;
	v25 =	vmul.f32 v30, v30;
	v21 =	vmul.f32 v21, v26;
	v27 =	vld [tilespmem:s8+$0x0]  }
0x5df: {  	v26 =	vmul.f32 v31, v31;
	v22 =	vadd.f32 v32, v22;
	v2 =	vsub.f32 v54, v2;
	v30 =	vld.idx.msk [tilespmem:v56+s11+$0x0], $0xffff  }
0x5e0: {  	v4 =	vmul.f32 v4, v4;
	v31 =	vsub.f32 v45, v49;
	v21 =	vmul.f32 v21, v58;
	v32 =	vld.idx.msk [tilespmem:v59+s11+$0x0], $0xffff  }
0x5e1: {  	v29 =	vsub.f32 v29, v61;
	v20 =	vadd.f32 v33, v20;
	v33 =	vmul.f32 v2, v2;
	v6 =	vld.idx.msk [tilespmem:v6+s11+$0x0], $0xffff  }
0x5e2: {  	v4 =	vadd.f32 v4, v22;
	v2 =	vadd.f32 v34, v26;
	v22 =	vmul.f32 v31, v31;
	v26 =	vld [tilespmem:s21+$0x0]  }
0x5e3: {  	v29 =	vmul.f32 v29, v29;
	v25 =	vadd.f32 v25, v20;
	v31 =	vsub.f32 v55, v48;
	v34 =	vld [tilespmem:s6+$0x0]  }
0x5e4: {  	v45 =	vadd.s32 v3, v51;
	v41 =	vadd.f32 v41, v2;
	v4 =	vadd.f32 v22, v4;
	v20 =	vld.idx.msk [tilespmem:v28+s11+$0x0], $0xffff  }
0x5e5: {  	v24 =	vadd.f32 v24, v25;
	v22 =	vmul.f32 v31, v31;
	v47 =	vsub.f32 v47, v30;
	v5 =	vld.idx.msk [tilespmem:v5+s11+$0x0], $0xffff  }
0x5e6: {  	v49 =	vor.u32 $0x5, v43;
	v51 =	vmovc v42;
	v25 =	vadd.f32 $-5.000000000e-01, v21;
	v48 =	vsub.f32 v27, v32;
	v2 =	vld [tilespmem:s1+$0x0]  }
0x5e7: {  	v42 =	vor.u32 $0x8, v43;
	v27 =	vadd.f32 v29, v23;
	v0 =	vsub.f32 v0, v6;
	v21 =	vld [tilespmem:s3+$0x0]  }
0x5e8: {  	v25 =	vmax.f32 v25, $0.0e+00;
	v6 =	vadd.f32 v22, v41;
	v22 =	vsub.f32 v26, v46;
	v23 =	vld.idx.msk [tilespmem:v60+s11+$0x0], $0xffff  }
.Ltmp8:
0x5e9: {  	v32 =	vor.u32 $0x4, v43;
	v26 =	vadd.f32 v33, v27;
	v28 =	vld.idx.msk [tilespmem:v1+s11+$0x0], $0xffff;
	v1 =	vmul.f32 v25, v25;
	(pc) =	sbr.rel @p0 .LBB2_19-.Ltmp8, $4  }
0x5ea: {  	v31 =	vor.u32 $0x3, v43;
	v6 =	vadd.f32 v24, v6;
	v24 =	vld.idx.msk [tilespmem:v57+s11+$0x0], $0xffff  }
0x5eb: {  	v29 =	vor.u32 $0x2, v43;
	v4 =	vadd.f32 v4, v26;
	[tilespmem:v45+s15+$0x0] =	vst.idx.add.f32.msk $0xffff, v1  }
0x5ec: {  	v30 =	vor.u32 $0x1, v43;
	v27 =	vsub.f32 v34, v5;
	v25 =	vld.idx.msk [tilespmem:v42+s11+$0x0], $0xffff  }
0x5ed: {  	s20 =	sadd.s32 $0x100, s20;
	v41 =	vadd.f32 v6, v4;
	v26 =	vld.idx.msk [tilespmem:v49+s11+$0x0], $0xffff  }
0x5ee: {  	_ =	sdelay $0x3  }
0x5ef: {  	v1 =	vld.idx.msk [tilespmem:v32+s11+$0x0], $0xffff  }
0x5f0: {  	v4 =	vld.idx.msk [tilespmem:v31+s11+$0x0], $0xffff  }
0x5f1: {  	v5 =	vld.idx.msk [tilespmem:v30+s11+$0x0], $0xffff  }
0x5f2: {  	v56 =	vld.idx.msk [tilespmem:v29+s11+$0x0], $0xffff;
	v20 =	vsub.f32 v21, v20  }
0x5f3: {  	v57 =	vsub.f32 v53, v23;
	v22 =	vmul.f32 v22, v22;
	v58 =	vmul.f32 v27, v27  }
0x5f4: {  	v6 =	vsub.f32 v40, v28;
	v0 =	vmul.f32 v0, v0;
	v62 =	vmul.f32 v48, v48  }
0x5f5: {  	v20 =	vmul.f32 v20, v20;
	v21 =	vmul.f32 v57, v57;
	v26 =	vsub.f32 v35, v26  }
0x5f6: {  	v6 =	vmul.f32 v6, v6;
	v1 =	vsub.f32 v36, v1;
	v5 =	vsub.f32 v52, v5  }
0x5f7: {  	v2 =	vsub.f32 v2, v4;
	v59 =	vsub.f32 v44, v56;
	v4 =	vmul.f32 v26, v26  }
0x5f8: {  	v25 =	vsub.f32 v37, v25;
	v1 =	vmul.f32 v1, v1;
	v5 =	vmul.f32 v5, v5  }
0x5f9: {  	v60 =	vsub.f32 v39, v24;
	v2 =	vmul.f32 v2, v2;
	v61 =	vmul.f32 v59, v59  }
0x5fa: {  	v25 =	vmul.f32 v25, v25;
	v1 =	vadd.f32 v1, v22;
	v4 =	vadd.f32 v4, v5  }
0x5fb: {  	v2 =	vadd.f32 v58, v2;
	v5 =	vadd.f32 v20, v61;
	v20 =	vmul.f32 v60, v60  }
0x5fc: {  	v63 =	vmul.f32 v47, v47;
	v1 =	vadd.f32 v25, v1;
	v4 =	vadd.f32 v21, v4  }
0x5fd: {  	v2 =	vadd.f32 v6, v2;
	v5 =	vadd.f32 v20, v5;
	v6 =	vmul.f32 v38, v38  }
0x5fe: {  	v0 =	vadd.f32 v0, v1;
	v1 =	vadd.f32 v63, v4  }
0x5ff: {  	v2 =	vadd.f32 v62, v2;
	v4 =	vadd.f32 v6, v5;
	_ =	sdelay $0x1  }
0x600: {  	v0 =	vadd.f32 v1, v0;
	v1 =	vadd.f32 v2, v4;
	_ =	sdelay $0x1  }
0x601: {  	v0 =	vadd.f32 v1, v0  }
0x602: {  	v2 =	vmul.f32 $5.000000000e-01, v41;
	v1 =	vshra.s32 v41, $0x1  }
0x603: {  	v1 =	vsub.s32 $0x5F3759DF, v1;
	v4 =	vshra.s32 v0, $0x1;
	v5 =	vmul.f32 $5.000000000e-01, v0  }
0x604: {  	v6 =	vmul.f32 v1, v2;
	v4 =	vsub.s32 $0x5F3759DF, v4  }
0x605: {  	v20 =	vmul.f32 v4, v5  }
0x606: {  	v6 =	vmul.f32 v1, v6  }
0x607: {  	v20 =	vmul.f32 v4, v20  }
0x608: {  	v6 =	vsub.f32 $1.500000000e+00, v6  }
0x609: {  	v20 =	vsub.f32 $1.500000000e+00, v20  }
0x60a: {  	v1 =	vmul.f32 v1, v6  }
0x60b: {  	v4 =	vmul.f32 v4, v20  }
0x60c: {  	v6 =	vmul.f32 v1, v2  }
0x60d: {  	v20 =	vmul.f32 v4, v5  }
0x60e: {  	v6 =	vmul.f32 v6, v1  }
0x60f: {  	v20 =	vmul.f32 v20, v4  }
0x610: {  	v6 =	vsub.f32 $1.500000000e+00, v6  }
0x611: {  	v20 =	vsub.f32 $1.500000000e+00, v20  }
0x612: {  	v1 =	vmul.f32 v6, v1  }
0x613: {  	v4 =	vmul.f32 v20, v4  }
0x614: {  	v2 =	vmul.f32 v1, v2  }
0x615: {  	v5 =	vmul.f32 v4, v5  }
0x616: {  	v2 =	vmul.f32 v2, v1  }
0x617: {  	v5 =	vmul.f32 v5, v4  }
0x618: {  	v2 =	vsub.f32 $1.500000000e+00, v2  }
0x619: {  	v5 =	vsub.f32 $1.500000000e+00, v5  }
0x61a: {  	v1 =	vmul.f32 v2, v1  }
0x61b: {  	v2 =	vmul.f32 v5, v4  }
0x61c: {  	v1 =	vmul.f32 v1, v41  }
0x61d: {  	v0 =	vmul.f32 v2, v0  }
0x61e: {  	v1 =	vadd.f32 $-5.000000000e-01, v1;
	v2 =	vadd.s32 v3, v50  }
0x61f: {  	v4 =	vadd.s32 v3, v51;
	v0 =	vadd.f32 $-5.000000000e-01, v0  }
0x620: {  	s18 =	sadd.s32 $0x1, s18;
	v1 =	vmax.f32 v1, $0.0e+00  }
0x621: {  	p0 =	sne.s32 s18, $0x8;
	v1 =	vmul.f32 v1, v1;
	v0 =	vmax.f32 v0, $0.0e+00  }
.Ltmp9:
0x622: {  	v0 =	vmul.f32 v0, v0;
	(pc) =	sbr.rel @p0 .LBB2_16-.Ltmp9, $4  }
0x623: {  	[tilespmem:v2+s15+$0x0] =	vst.idx.add.f32.msk $0xffff, v1  }
0x624: {  	[tilespmem:v4+s15+$0x0] =	vst.idx.add.f32.msk $0xffff, v0  }
0x625: {  	s17 =	smov.u32 s4;
	s4 =	rddreg [dreg:$0x4]  }
0x626: {  	s30 =	smov.u32 s7;
	s31 =	smov.u32 s2;
	s7 =	rddreg [dreg:$0x5]  }
0x627: {  	_ =	swait.ge [sflag:s14], $0x8000;
	s1 =	simm.s32 $0x0  }
0x628: {  	[sflag:s14] =	ssyncset.done $0x0;
	v0 =	vadd.s32 s1, v3  }
0x629: {  	[sflag:s14] =	ssyncadd.s32 $0xFFFF8000  }
0x62a: {  	_ =	swait.ge [sflag:s14], $0x800  }
0x62b: {  	[sflag:s14] =	ssyncset.done $0x0  }
0x62c: {  	[sflag:s14] =	ssyncadd.s32 $0xFFFFF800  }
0x62d: {  	v0 =	vld.idx.msk [tilespmem:v0+s15+$0x0], $0xffff;
	_ =	sdelay $0x4  }
0x62e: {  	(xrf2) =	vadd.scan.msk.f32 $0xffff, v0;
	_ =	sdelay $0x7  }
0x62f: {  	s29 =	simm.s32 $0x1  }
0x630: {  	v0 =	vadd.s32 s29, v3  }
0x631: {  	v1, _, _ =	vpop (xrf2)  }
0x632: {  	v1 =	vbroadcast v1, $0xF  }
0x633: {  	s1 =	simm.s32 $0x13A00  }
0x634: {  	[tilespmem:s1+$0x0] =	vst v1  }
0x635: {  	v0 =	vld.idx.msk [tilespmem:v0+s15+$0x0], $0xffff;
	_ =	sdelay $0x4  }
0x636: {  	(xrf2) =	vadd.scan.msk.f32 $0xffff, v0;
	_ =	sdelay $0x7  }
0x637: {  	s3 =	simm.s32 $0x2  }
0x638: {  	v0 =	vadd.s32 s3, v3;
	s3 =	simm.s32 $0x3  }
.LBB2_22:
0x639: {  	p0 =	sne.s32 s3, $0x10;
	v1, _, _ =	vpop (xrf2)  }
0x63a: {  	v1 =	vbroadcast v1, $0xF  }
0x63b: {  	s1 =	sadd.s32 $0x10, s1  }
0x63c: {  	[tilespmem:s1+$0x0] =	vst v1  }
0x63d: {  	v0 =	vld.idx.msk [tilespmem:v0+s15+$0x0], $0xffff;
	_ =	sdelay $0x5  }
0x63e: {  	(xrf2) =	vadd.scan.msk.f32 $0xffff, v0;
	_ =	sdelay $0x4  }
.Ltmp10:
0x63f: {  	(pc) =	sbr.rel @p0 .LBB2_22-.Ltmp10, $2  }
0x640: {  	_ =	sdelay $0x2  }
0x641: {  	v0 =	vadd.s32 s3, v3;
	s3 =	sadd.s32 $0x1, s3  }
0x642: {  	v1, _, _ =	vpop (xrf2)  }
0x643: {  	v1 =	vbroadcast v1, $0xF  }
0x644: {  	s1 =	sadd.s32 $0x10, s1  }
0x645: {  	[tilespmem:s1+$0x0] =	vst v1  }
0x646: {  	v0 =	vld.idx.msk [tilespmem:v0+s15+$0x0], $0xffff;
	_ =	sdelay $0x4  }
0x647: {  	(xrf2) =	vadd.scan.msk.f32 $0xffff, v0;
	_ =	sdelay $0x6  }
0x648: {  	v0 =	vlaneseq.u32  }
0x649: {  	v0 =	vmul.u32 $0x10, v0;
	_ =	sdelay $0x1  }
0x64a: {  	v2 =	vadd.s32 $0x10, v0;
	v1, _, _ =	vpop (xrf2)  }
0x64b: {  	v4 =	vadd.s32 $0x11, v0;
	v1 =	vbroadcast v1, $0xF  }
0x64c: {  	s1 =	sadd.s32 $0x10, s1;
	v5 =	vadd.s32 $0x12, v0  }
0x64d: {  	v54 =	vld [tilespmem:$0x1FFF0];
	v6 =	vadd.s32 $0x14, v0;
	[tilespmem:s1+$0x0] =	vst v1  }
0x64e: {  	v1 =	vadd.s32 $0x13, v0;
	v45 =	vld [tilespmem:$0x13830]  }
0x64f: {  	v39 =	vld.idx.msk [tilespmem:v2+s11+$0x0], $0xffff;
	v2 =	vadd.s32 $0x15, v0  }
0x650: {  	v40 =	vld.idx.msk [tilespmem:v4+s11+$0x0], $0xffff;
	v4 =	vadd.s32 $0x16, v0  }
0x651: {  	v38 =	vld.idx.msk [tilespmem:v5+s11+$0x0], $0xffff;
	v5 =	vadd.s32 $0x17, v0  }
0x652: {  	v35 =	vld.idx.msk [tilespmem:v6+s11+$0x0], $0xffff;
	v6 =	vadd.s32 $0x19, v0  }
0x653: {  	v37 =	vld.idx.msk [tilespmem:v1+s11+$0x0], $0xffff;
	v1 =	vadd.s32 $0x18, v0  }
0x654: {  	v62 =	vld.idx.msk [tilespmem:v2+s11+$0x0], $0xffff;
	v2 =	vadd.s32 $0x1A, v0  }
0x655: {  	v36 =	vld.idx.msk [tilespmem:v4+s11+$0x0], $0xffff;
	v4 =	vadd.s32 $0x1B, v0  }
0x656: {  	v47 =	vld.idx.msk [tilespmem:v5+s11+$0x0], $0xffff;
	v5 =	vadd.s32 $0x1C, v0  }
0x657: {  	v61 =	vld.idx.msk [tilespmem:v6+s11+$0x0], $0xffff;
	v6 =	vadd.s32 $0x1F, v0  }
0x658: {  	v60 =	vld.idx.msk [tilespmem:v1+s11+$0x0], $0xffff;
	v1 =	vadd.s32 $0x1E, v0  }
0x659: {  	s21 =	simm.s32 $0x10;
	s22 =	simm.s32 $0x1;
	v0 =	vadd.s32 $0x1D, v0;
	v46 =	vld.idx.msk [tilespmem:v2+s11+$0x0], $0xffff  }
0x65a: {  	s1 =	scvt.s32.f32 s22;
	v2 =	vmov s21;
	v59 =	vld.idx.msk [tilespmem:v4+s11+$0x0], $0xffff  }
0x65b: {  	s23 =	simm.s32 $0x2;
	v58 =	vld.idx.msk [tilespmem:v5+s11+$0x0], $0xffff;
	v4 =	vor.u32 $0x1, v2  }
0x65c: {  	v23 =	vmov s1;
	s1 =	scvt.s32.f32 s23;
	v50 =	vld.idx.msk [tilespmem:v6+s11+$0x0], $0xffff;
	v5 =	vor.u32 $0x2, v2  }
0x65d: {  	v6 =	vor.u32 $0x3, v2;
	v51 =	vld.idx.msk [tilespmem:v1+s11+$0x0], $0xffff  }
0x65e: {  	v52 =	vimm.f32 $0.0e+00;
	v26 =	vmov s1;
	v21 =	vor.u32 $0x8, v2;
	v42 =	vld.idx.msk [tilespmem:v0+s11+$0x0], $0xffff  }
0x65f: {  	vm1 =	vlt.f32 v23, v54;
	vm10 =	vlt.f32 v26, v54;
	v22 =	vor.u32 $0x6, v2;
	v20 =	vld.idx.msk [tilespmem:v2+s11+$0x0], $0xffff  }
0x660: {  	vm0 =	vge.f32 v45, v54;
	vm2 =	vle.f32 v23, v45;
	v1 =	vor.u32 $0x4, v2;
	v4 =	vld.idx.msk [tilespmem:v4+s11+$0x0], $0xffff  }
0x661: {  	v49 =	vsel vm0, $0x3F800000, v52;
	vm9 =	vmand vm1, vm2;
	v24 =	vor.u32 $0xC, v2;
	v5 =	vld.idx.msk [tilespmem:v5+s11+$0x0], $0xffff  }
0x662: {  	vm11 =	vle.f32 v26, v45;
	v53 =	vnsel vm9, $0x0, v49;
	v23 =	vor.u32 $0x9, v2;
	v6 =	vld.idx.msk [tilespmem:v6+s11+$0x0], $0xffff  }
0x663: {  	s25 =	simm.s32 $0x3;
	vm0 =	vmand vm10, vm11;
	v28 =	vadd.f32 v53, v52;
	v25 =	vor.u32 $0xB, v2;
	v21 =	vld.idx.msk [tilespmem:v21+s11+$0x0], $0xffff  }
0x664: {  	s1 =	scvt.s32.f32 s25;
	v27 =	vor.u32 $0xE, v2;
	v26 =	vor.u32 $0x5, v2;
	v29 =	vor.u32 $0xF, v2;
	v22 =	vld.idx.msk [tilespmem:v22+s11+$0x0], $0xffff  }
0x665: {  	v30 =	vor.u32 $0x7, v2;
	v31 =	vor.u32 $0xA, v2;
	v2 =	vor.u32 $0xD, v2;
	v1 =	vld.idx.msk [tilespmem:v1+s11+$0x0], $0xffff  }
0x666: {  	v33 =	vmov s1;
	v56 =	vnsel vm0, $0x0, v49;
	v24 =	vld.idx.msk [tilespmem:v24+s11+$0x0], $0xffff  }
0x667: {  	vm12 =	vlt.f32 v33, v54;
	vm13 =	vle.f32 v33, v45;
	v28 =	vadd.f32 v56, v28;
	v23 =	vld.idx.msk [tilespmem:v23+s11+$0x0], $0xffff  }
0x668: {  	vm0 =	vmand vm12, vm13;
	v25 =	vld.idx.msk [tilespmem:v25+s11+$0x0], $0xffff;
	v20 =	vsub.f32 v39, v20;
	v4 =	vsub.f32 v40, v4  }
0x669: {  	v41 =	vnsel vm0, $0x0, v49;
	v29 =	vld.idx.msk [tilespmem:v29+s11+$0x0], $0xffff;
	v5 =	vsub.f32 v38, v5;
	v22 =	vsub.f32 v36, v22  }
0x66a: {  	v2 =	vld.idx.msk [tilespmem:v2+s11+$0x0], $0xffff;
	v21 =	vsub.f32 v60, v21;
	v20 =	vmul.f32 v20, v20;
	v1 =	vsub.f32 v35, v1  }
0x66b: {  	v27 =	vld.idx.msk [tilespmem:v27+s11+$0x0], $0xffff;
	v6 =	vsub.f32 v37, v6;
	v5 =	vmul.f32 v5, v5;
	v22 =	vmul.f32 v22, v22  }
0x66c: {  	v26 =	vld.idx.msk [tilespmem:v26+s11+$0x0], $0xffff;
	v23 =	vsub.f32 v61, v23;
	v4 =	vmul.f32 v4, v4;
	v1 =	vmul.f32 v1, v1  }
0x66d: {  	v30 =	vld.idx.msk [tilespmem:v30+s11+$0x0], $0xffff;
	v6 =	vmul.f32 v6, v6;
	v5 =	vadd.f32 v22, v5;
	v22 =	vsub.f32 v58, v24  }
0x66e: {  	v24 =	vsub.f32 v50, v29;
	v1 =	vadd.f32 v1, v20;
	v20 =	vmul.f32 v21, v21  }
0x66f: {  	s24 =	simm.s32 $0x20;
	v31 =	vld.idx.msk [tilespmem:v31+s11+$0x0], $0xffff;
	v2 =	vsub.f32 v42, v2;
	v22 =	vmul.f32 v22, v22;
	v21 =	vsub.f32 v59, v25  }
0x670: {  	v0 =	vadd.f32 v20, v1;
	v20 =	vsub.f32 v51, v27;
	v27 =	vmov s24  }
0x671: {  	v1 =	vmul.f32 v23, v23;
	v23 =	vsub.f32 v62, v26;
	v29 =	vor.u32 $0x1, v27  }
0x672: {  	v24 =	vmul.f32 v24, v24;
	v25 =	vsub.f32 v47, v30;
	v30 =	vor.u32 $0x2, v27  }
0x673: {  	v21 =	vmul.f32 v21, v21;
	v32 =	vor.u32 $0x4, v27;
	v23 =	vmul.f32 v23, v23  }
0x674: {  	v26 =	vsub.f32 v46, v31;
	v25 =	vmul.f32 v25, v25;
	v31 =	vor.u32 $0x3, v27  }
0x675: {  	v34 =	vor.u32 $0x6, v27;
	v55 =	vor.u32 $0x8, v27;
	v4 =	vadd.f32 v23, v4;
	v23 =	vld.idx.msk [tilespmem:v27+s11+$0x0], $0xffff  }
0x676: {  	v6 =	vadd.f32 v25, v6;
	v26 =	vmul.f32 v26, v26;
	v0 =	vadd.f32 v22, v0;
	v25 =	vld.idx.msk [tilespmem:v29+s11+$0x0], $0xffff  }
0x677: {  	v20 =	vmul.f32 v20, v20;
	v1 =	vadd.f32 v1, v4;
	v4 =	vadd.f32 v41, v28;
	v28 =	vld.idx.msk [tilespmem:v30+s11+$0x0], $0xffff  }
0x678: {  	v22 =	vor.u32 $0xE, v27;
	v6 =	vadd.f32 v21, v6;
	v5 =	vadd.f32 v26, v5;
	v21 =	vld.idx.msk [tilespmem:v32+s11+$0x0], $0xffff  }
0x679: {  	v2 =	vmul.f32 v2, v2;
	v43 =	vor.u32 $0x9, v27;
	v31 =	vld.idx.msk [tilespmem:v31+s11+$0x0], $0xffff  }
0x67a: {  	v30 =	vor.u32 $0xC, v27;
	v6 =	vadd.f32 v24, v6;
	v24 =	vld.idx.msk [tilespmem:v34+s11+$0x0], $0xffff;
	v5 =	vadd.f32 v20, v5  }
0x67b: {  	v57 =	vor.u32 $0x7, v27;
	v26 =	vld.idx.msk [tilespmem:v55+s11+$0x0], $0xffff;
	v1 =	vadd.f32 v2, v1  }
0x67c: {  	v44 =	vor.u32 $0xA, v27;
	v29 =	vor.u32 $0xB, v27;
	v5 =	vadd.f32 v6, v5  }
0x67d: {  	v63 =	vor.u32 $0x5, v27;
	v22 =	vld.idx.msk [tilespmem:v22+s11+$0x0], $0xffff;
	v23 =	vsub.f32 v39, v23;
	v0 =	vadd.f32 v1, v0  }
0x67e: {  	v48 =	vld.idx.msk [tilespmem:v43+s11+$0x0], $0xffff;
	v2 =	vor.u32 $0xD, v27;
	v25 =	vsub.f32 v40, v25;
	v28 =	vsub.f32 v38, v28  }
0x67f: {  	v20 =	vld.idx.msk [tilespmem:v30+s11+$0x0], $0xffff;
	v30 =	vor.u32 $0xF, v27;
	v21 =	vsub.f32 v35, v21;
	v1 =	vsub.f32 v36, v24  }
0x680: {  	v24 =	vsub.f32 v37, v31;
	v26 =	vsub.f32 v60, v26;
	v23 =	vmul.f32 v23, v23  }
0x681: {  	v27 =	vld.idx.msk [tilespmem:v29+s11+$0x0], $0xffff;
	v43 =	vadd.f32 v5, v0;
	v6 =	vmul.f32 v25, v25;
	v21 =	vmul.f32 v21, v21  }
0x682: {  	s28 =	simm.s32 $0x4;
	v22 =	vsub.f32 v51, v22;
	v25 =	vld.idx.msk [tilespmem:v63+s11+$0x0], $0xffff;
	v28 =	vmul.f32 v28, v28;
	v0 =	vmul.f32 v1, v1  }
0x683: {  	s1 =	scvt.s32.f32 s28;
	v29 =	vsub.f32 v61, v48;
	v5 =	vmul.f32 v24, v24;
	v24 =	vmul.f32 v26, v26;
	v26 =	vld.idx.msk [tilespmem:v44+s11+$0x0], $0xffff  }
0x684: {  	v63 =	vmul.f32 v22, v22;
	v21 =	vadd.f32 v21, v23;
	v23 =	vld.idx.msk [tilespmem:v57+s11+$0x0], $0xffff;
	v0 =	vadd.f32 v0, v28  }
0x685: {  	v28 =	vmul.f32 $5.000000000e-01, v43;
	v57 =	vmov s1;
	v1 =	vld.idx.msk [tilespmem:v30+s11+$0x0], $0xffff;
	v30 =	vshra.s32 v43, $0x1  }
0x686: {  	v2 =	vld.idx.msk [tilespmem:v2+s11+$0x0], $0xffff;
	v20 =	vsub.f32 v58, v20;
	vm14 =	vlt.f32 v57, v54;
	vm15 =	vle.f32 v57, v45  }
0x687: {  	s26 =	simm.s32 $0x30;
	v21 =	vadd.f32 v24, v21;
	v24 =	vsub.f32 v59, v27;
	v27 =	vmul.f32 v29, v29  }
0x688: {  	v29 =	vsub.s32 $0x5F3759DF, v30;
	v30 =	vmov s26;
	vm0 =	vmand vm14, vm15  }
0x689: {  	v25 =	vsub.f32 v62, v25;
	v20 =	vmul.f32 v20, v20;
	v26 =	vsub.f32 v46, v26  }
0x68a: {  	v31 =	vmul.f32 v29, v28;
	v32 =	vor.u32 $0x1, v30;
	v33 =	vor.u32 $0x2, v30  }
0x68b: {  	[tilespmem:$0x1FDB0] =	vst v45;
	v34 =	vor.u32 $0x3, v30;
	v55 =	vor.u32 $0x4, v30;
	v2 =	vsub.f32 v42, v2  }
0x68c: {  	[tilespmem:$0x1FDC0] =	vst v49;
	v48 =	vor.u32 $0x8, v30;
	v45 =	vnsel vm0, $0x0, v49;
	v49 =	vor.u32 $0xA, v30  }
0x68d: {  	v22 =	vor.u32 $0xD, v30;
	v23 =	vsub.f32 v47, v23;
	v25 =	vmul.f32 v25, v25  }
0x68e: {  	v24 =	vmul.f32 v24, v24;
	v44 =	vadd.f32 v45, v4;
	v4 =	vor.u32 $0x9, v30  }
0x68f: {  	v23 =	vmul.f32 v23, v23;
	v6 =	vadd.f32 v25, v6;
	v25 =	vmul.f32 v29, v31  }
0x690: {  	v26 =	vmul.f32 v26, v26;
	v20 =	vadd.f32 v20, v21;
	v1 =	vsub.f32 v50, v1;
	v31 =	vld.idx.msk [tilespmem:v30+s11+$0x0], $0xffff  }
0x691: {  	[tilespmem:$0x1FDD0] =	vst v47;
	v47 =	vor.u32 $0x6, v30;
	v5 =	vadd.f32 v23, v5;
	v25 =	vsub.f32 $1.500000000e+00, v25  }
0x692: {  	v2 =	vmul.f32 v2, v2;
	v0 =	vadd.f32 v26, v0;
	v6 =	vadd.f32 v27, v6;
	v27 =	vld.idx.msk [tilespmem:v32+s11+$0x0], $0xffff  }
0x693: {  	v1 =	vmul.f32 v1, v1;
	v5 =	vadd.f32 v24, v5;
	v24 =	vld.idx.msk [tilespmem:v33+s11+$0x0], $0xffff;
	v21 =	vmul.f32 v29, v25  }
0x694: {  	v23 =	vor.u32 $0xB, v30;
	v32 =	vor.u32 $0x7, v30;
	v25 =	vld.idx.msk [tilespmem:v55+s11+$0x0], $0xffff;
	v6 =	vadd.f32 v2, v6  }
0x695: {  	v1 =	vadd.f32 v1, v5;
	v5 =	vsub.f32 v39, v31;
	v31 =	vld.idx.msk [tilespmem:v34+s11+$0x0], $0xffff;
	v26 =	vmul.f32 v21, v28  }
0x696: {  	v0 =	vadd.f32 v63, v0;
	v63 =	vor.u32 $0x5, v30;
	v29 =	vor.u32 $0xC, v30;
	v34 =	vld.idx.msk [tilespmem:v47+s11+$0x0], $0xffff  }
0x697: {  	[tilespmem:$0x1FDE0] =	vst v46;
	v46 =	vld.idx.msk [tilespmem:v48+s11+$0x0], $0xffff;
	v33 =	vor.u32 $0xE, v30;
	v6 =	vadd.f32 v6, v20;
	v26 =	vmul.f32 v26, v21  }
0x698: {  	v30 =	vor.u32 $0xF, v30;
	v27 =	vsub.f32 v40, v27;
	v0 =	vadd.f32 v1, v0  }
0x699: {  	v5 =	vmul.f32 v5, v5;
	v24 =	vsub.f32 v38, v24;
	v26 =	vsub.f32 $1.500000000e+00, v26  }
0x69a: {  	v4 =	vld.idx.msk [tilespmem:v4+s11+$0x0], $0xffff;
	v25 =	vsub.f32 v35, v25;
	v2 =	vmul.f32 v27, v27;
	v1 =	vsub.f32 v37, v31  }
0x69b: {  	v27 =	vmul.f32 v24, v24;
	v31 =	vld.idx.msk [tilespmem:v23+s11+$0x0], $0xffff;
	v20 =	vsub.f32 v36, v34;
	v48 =	vmul.f32 v26, v21  }
0x69c: {  	v23 =	vsub.f32 v60, v46;
	v21 =	vmul.f32 v25, v25;
	v24 =	vmul.f32 v1, v1;
	v1 =	vld.idx.msk [tilespmem:v63+s11+$0x0], $0xffff  }
0x69d: {  	v29 =	vld.idx.msk [tilespmem:v29+s11+$0x0], $0xffff;
	v47 =	vadd.f32 v0, v6;
	v0 =	vmul.f32 v20, v20;
	v26 =	vmul.f32 v48, v28  }
0x69e: {  	v6 =	vld.idx.msk [tilespmem:v30+s11+$0x0], $0xffff;
	v5 =	vadd.f32 v21, v5;
	v21 =	vmul.f32 v23, v23  }
0x69f: {  	v30 =	vld.idx.msk [tilespmem:v32+s11+$0x0], $0xffff;
	v20 =	vadd.f32 v0, v27;
	v27 =	vmul.f32 v26, v48  }
0x6a0: {  	v25 =	vld.idx.msk [tilespmem:v33+s11+$0x0], $0xffff;
	v23 =	vadd.f32 v21, v5;
	v5 =	vsub.f32 v59, v31  }
0x6a1: {  	v0 =	vld.idx.msk [tilespmem:v49+s11+$0x0], $0xffff;
	v32 =	vsub.f32 v62, v1;
	v1 =	vsub.f32 $1.500000000e+00, v27  }
0x6a2: {  	v28 =	vmul.f32 v5, v5;
	v5 =	vld [tilespmem:$0x1FDD0]  }
0x6a3: {  	[tilespmem:$0x1FDA0] =	vst v42;
	v57 =	vmov v40;
	v42 =	vmov v38;
	v48 =	vmul.f32 v1, v48;
	v1 =	vld [tilespmem:$0x1FDE0]  }
0x6a4: {  	v55 =	vmovc v39;
	v39 =	vmovc v35;
	v40 =	vmov v37;
	v4 =	vsub.f32 v61, v4;
	v35 =	vmov v36  }
0x6a5: {  	v38 =	vmovc v62;
	v37 =	vmovc v60;
	v33 =	vshra.s32 v47, $0x1;
	v29 =	vsub.f32 v58, v29;
	v21 =	vsub.f32 v51, v25  }
0x6a6: {  	v60 =	vmovc v61;
	v61 =	vmovc v59;
	v46 =	vmul.f32 $5.000000000e-01, v47;
	v26 =	vmul.f32 v4, v4;
	v4 =	vsub.f32 v50, v6  }
0x6a7: {  	v27 =	vmul.f32 v29, v29;
	v21 =	vmul.f32 v21, v21;
	v62 =	vmovc v5;
	v5 =	vsub.f32 v5, v30  }
0x6a8: {  	s29 =	simm.s32 $0x40;
	v63 =	vmovc v58;
	v58 =	vmovc v50;
	v30 =	vmul.f32 v4, v4;
	v31 =	vsub.f32 v1, v0;
	v0 =	vsub.s32 $0x5F3759DF, v33  }
0x6a9: {  	s8 =	simm.s32 $0x50;
	s12 =	simm.s32 $0x5;
	v59 =	vmovc v51;
	v25 =	vmov s29;
	v29 =	vld.idx.msk [tilespmem:v22+s11+$0x0], $0xffff;
	v36 =	vmovc v1;
	v33 =	vmul.f32 v5, v5;
	v22 =	vmul.f32 v0, v46  }
.LBB2_24:
0x6aa: {  	v1 =	vor.u32 $0x1, v25  }
0x6ab: {  	v5 =	vmul.f32 v32, v32;
	v32 =	vor.u32 $0x4, v25  }
0x6ac: {  	v6 =	vor.u32 $0x3, v25;
	v34 =	vld [tilespmem:$0x1FDA0];
	_ =	sdelay $0x1  }
0x6ad: {  	v24 =	vadd.f32 v33, v24;
	v2 =	vadd.f32 v5, v2;
	v5 =	vld [tilespmem:$0x1FDB0]  }
0x6ae: {  	s3 =	scvt.s32.f32 s12;
	v4 =	vor.u32 $0x2, v25;
	v49 =	vor.u32 $0x6, v25;
	v31 =	vmul.f32 v31, v31;
	v1 =	vld.idx.msk [tilespmem:v1+s11+$0x0], $0xffff  }
0x6af: {  	v50 =	vor.u32 $0xB, v25;
	v26 =	vadd.f32 v26, v2;
	v2 =	vadd.f32 v28, v24;
	v24 =	vld.idx.msk [tilespmem:v32+s11+$0x0], $0xffff  }
0x6b0: {  	v20 =	vadd.f32 v31, v20;
	v29 =	vsub.f32 v34, v29;
	v34 =	vmov s3;
	v6 =	vld.idx.msk [tilespmem:v6+s11+$0x0], $0xffff  }
0x6b1: {  	v51 =	vor.u32 $0x9, v25;
	v23 =	vadd.f32 v27, v23;
	vm0 =	vlt.f32 v34, v54;
	v54 =	vld [tilespmem:$0x1FDC0]  }
0x6b2: {  	v31 =	vor.u32 $0xE, v25;
	v20 =	vadd.f32 v21, v20;
	v30 =	vadd.f32 v30, v2  }
0x6b3: {  	v28 =	vor.u32 $0x7, v25;
	vm1 =	vle.f32 v34, v5;
	v5 =	vmul.f32 v0, v22;
	v22 =	vld.idx.msk [tilespmem:v25+s11+$0x0], $0xffff  }
0x6b4: {  	v32 =	vor.u32 $0xA, v25;
	v34 =	vor.u32 $0x8, v25;
	v20 =	vadd.f32 v30, v20  }
0x6b5: {  	vm0 =	vmand vm0, vm1;
	v5 =	vsub.f32 $1.500000000e+00, v5;
	v1 =	vsub.f32 v57, v1  }
0x6b6: {  	v4 =	vld.idx.msk [tilespmem:v4+s11+$0x0], $0xffff;
	v24 =	vsub.f32 v39, v24;
	v6 =	vsub.f32 v40, v6;
	v33 =	vnsel vm0, $0x0, v54  }
0x6b7: {  	v54 =	vor.u32 $0xC, v25;
	v0 =	vmul.f32 v0, v5;
	v5 =	vmul.f32 v48, v43;
	v43 =	vmovc v47;
	v47 =	vld.idx.msk [tilespmem:v49+s11+$0x0], $0xffff  }
0x6b8: {  	v48 =	vor.u32 $0xD, v25;
	v2 =	vsub.f32 v55, v22;
	v22 =	vmul.f32 v29, v29  }
0x6b9: {  	v49 =	vor.u32 $0x5, v25;
	v25 =	vor.u32 $0xF, v25;
	v29 =	vmul.f32 v0, v46  }
0x6ba: {  	v27 =	vld.idx.msk [tilespmem:v34+s11+$0x0], $0xffff;
	v5 =	vsub.f32 $3.000000000e+00, v5;
	v34 =	vmul.f32 v2, v2;
	v22 =	vadd.f32 v22, v26  }
0x6bb: {  	v51 =	vld.idx.msk [tilespmem:v51+s11+$0x0], $0xffff;
	v2 =	vmul.f32 v1, v1;
	v1 =	vsub.f32 v42, v4;
	v21 =	vmul.f32 v29, v0  }
0x6bc: {  	v50 =	vld.idx.msk [tilespmem:v50+s11+$0x0], $0xffff;
	v5 =	vmax.f32 v5, $0.0e+00;
	v22 =	vadd.f32 v22, v23;
	v23 =	vsub.f32 v35, v47  }
0x6bd: {  	v44 =	vadd.f32 v33, v44;
	v4 =	vld.idx.msk [tilespmem:v54+s11+$0x0], $0xffff;
	v5 =	vmul.f32 v5, v5;
	v21 =	vsub.f32 $1.500000000e+00, v21  }
0x6be: {  	v1 =	vmul.f32 v1, v1;
	v54 =	vld.idx.msk [tilespmem:v32+s11+$0x0], $0xffff;
	v47 =	vadd.f32 v20, v22;
	v20 =	vmul.f32 v23, v23  }
0x6bf: {  	v26 =	vsub.f32 v37, v27;
	v27 =	vld.idx.msk [tilespmem:v28+s11+$0x0], $0xffff;
	v5 =	vmul.f32 v5, v53;
	v0 =	vmul.f32 v21, v0  }
0x6c0: {  	v30 =	vld.idx.msk [tilespmem:v31+s11+$0x0], $0xffff;
	v22 =	vsub.f32 v60, v51;
	v21 =	vmul.f32 v24, v24;
	v24 =	vmul.f32 v6, v6  }
0x6c1: {  	v6 =	vld.idx.msk [tilespmem:v49+s11+$0x0], $0xffff;
	v26 =	vmul.f32 v26, v26;
	v20 =	vadd.f32 v20, v1;
	v52 =	vadd.f32 v5, v52  }
0x6c2: {  	v25 =	vld.idx.msk [tilespmem:v25+s11+$0x0], $0xffff;
	v23 =	vmul.f32 v0, v46;
	v21 =	vadd.f32 v21, v34;
	v34 =	vshra.s32 v47, $0x1  }
0x6c3: {  	v46 =	vmul.f32 $5.000000000e-01, v47;
	v4 =	vsub.f32 v63, v4;
	v31 =	vsub.f32 v36, v54  }
0x6c4: {  	p0 =	sne.s32 s8, $0x100;
	v5 =	vsub.f32 v62, v27;
	v1 =	vmul.f32 v23, v0;
	v23 =	vadd.f32 v26, v21  }
.Ltmp11:
0x6c5: {  	v53 =	vmovc v56;
	v26 =	vmul.f32 v22, v22;
	v21 =	vsub.f32 v61, v50;
	v22 =	vsub.f32 v59, v30;
	(pc) =	sbr.rel @p0 .LBB2_24-.Ltmp11, $4  }
0x6c6: {  	v56 =	vmovc v41;
	v41 =	vmovc v45;
	v27 =	vmul.f32 v4, v4;
	v32 =	vsub.f32 v38, v6;
	v1 =	vsub.f32 $1.500000000e+00, v1  }
0x6c7: {  	v45 =	vmovc v33;
	v6 =	vsub.f32 v58, v25;
	v33 =	vmul.f32 v5, v5;
	v28 =	vmul.f32 v21, v21  }
0x6c8: {  	s1 =	smov.u32 s8;
	v29 =	vld.idx.msk [tilespmem:v48+s11+$0x0], $0xffff;
	v21 =	vmul.f32 v22, v22;
	v48 =	vmul.f32 v1, v0;
	v0 =	vsub.s32 $0x5F3759DF, v34  }
0x6c9: {  	s8 =	sadd.s32 $0x10, s8;
	s12 =	sadd.s32 $0x1, s12;
	v54 =	vld [tilespmem:$0x1FFF0];
	v25 =	vmov s1;
	v30 =	vmul.f32 v6, v6;
	v22 =	vmul.f32 v0, v46  }
0x6ca: {  	_ = 	snop  }
0x6cb: {  	v1 =	vor.u32 $0x1, v25  }
0x6cc: {  	v4 =	vor.u32 $0x2, v25  }
0x6cd: {  	v5 =	vor.u32 $0x4, v25  }
0x6ce: {  	v34 =	vld.idx.msk [tilespmem:v25+s11+$0x0], $0xffff;
	v50 =	vor.u32 $0x6, v25  }
0x6cf: {  	v6 =	vor.u32 $0x3, v25;
	v32 =	vmul.f32 v32, v32;
	v24 =	vadd.f32 v33, v24;
	v51 =	vld [tilespmem:$0x1FDA0]  }
0x6d0: {  	v49 =	vor.u32 $0x8, v25;
	v54 =	vmul.f32 v31, v31;
	v1 =	vld.idx.msk [tilespmem:v1+s11+$0x0], $0xffff  }
0x6d1: {  	v2 =	vadd.f32 v32, v2;
	v32 =	vor.u32 $0xC, v25;
	v24 =	vadd.f32 v28, v24;
	v4 =	vld.idx.msk [tilespmem:v4+s11+$0x0], $0xffff  }
0x6d2: {  	v33 =	vor.u32 $0x9, v25;
	v23 =	vadd.f32 v27, v23;
	v5 =	vld.idx.msk [tilespmem:v5+s11+$0x0], $0xffff  }
0x6d3: {  	v20 =	vadd.f32 v54, v20;
	v24 =	vadd.f32 v30, v24;
	v30 =	vor.u32 $0x5, v25;
	v27 =	vld.idx.msk [tilespmem:v50+s11+$0x0], $0xffff  }
0x6d4: {  	v2 =	vadd.f32 v26, v2;
	v26 =	vor.u32 $0x7, v25;
	v29 =	vsub.f32 v51, v29;
	v6 =	vld.idx.msk [tilespmem:v6+s11+$0x0], $0xffff  }
0x6d5: {  	v54 =	vor.u32 $0xF, v25;
	v31 =	vld.idx.msk [tilespmem:v49+s11+$0x0], $0xffff  }
0x6d6: {  	v20 =	vadd.f32 v21, v20;
	v50 =	vor.u32 $0xA, v25;
	v28 =	vld.idx.msk [tilespmem:v32+s11+$0x0], $0xffff;
	v29 =	vmul.f32 v29, v29  }
0x6d7: {  	v51 =	vor.u32 $0xB, v25;
	v49 =	vor.u32 $0xE, v25;
	v34 =	vsub.f32 v55, v34;
	v32 =	vld.idx.msk [tilespmem:v33+s11+$0x0], $0xffff  }
0x6d8: {  	v25 =	vor.u32 $0xD, v25;
	v2 =	vadd.f32 v29, v2;
	v29 =	vld.idx.msk [tilespmem:v30+s11+$0x0], $0xffff;
	v27 =	vsub.f32 v35, v27  }
0x6d9: {  	v20 =	vadd.f32 v24, v20;
	v34 =	vmul.f32 v34, v34;
	v24 =	vld.idx.msk [tilespmem:v26+s11+$0x0], $0xffff;
	v1 =	vsub.f32 v57, v1  }
0x6da: {  	v4 =	vsub.f32 v42, v4;
	v5 =	vsub.f32 v39, v5;
	v26 =	vmul.f32 v27, v27;
	v27 =	vld.idx.msk [tilespmem:v54+s11+$0x0], $0xffff  }
0x6db: {  	v6 =	vsub.f32 v40, v6;
	v2 =	vadd.f32 v2, v23;
	v1 =	vmul.f32 v1, v1;
	v54 =	vld.idx.msk [tilespmem:v50+s11+$0x0], $0xffff  }
0x6dc: {  	v51 =	vld.idx.msk [tilespmem:v51+s11+$0x0], $0xffff;
	v23 =	vsub.f32 v37, v31;
	v4 =	vmul.f32 v4, v4;
	v5 =	vmul.f32 v5, v5  }
0x6dd: {  	v21 =	vld.idx.msk [tilespmem:v49+s11+$0x0], $0xffff;
	v6 =	vmul.f32 v6, v6;
	v49 =	vsub.f32 v60, v32;
	v28 =	vsub.f32 v63, v28  }
0x6de: {  	v50 =	vmul.f32 v55, v55;
	v55 =	vmul.f32 v42, v42;
	v5 =	vadd.f32 v5, v34  }
0x6df: {  	v25 =	vld.idx.msk [tilespmem:v25+s11+$0x0], $0xffff;
	v23 =	vmul.f32 v23, v23;
	v4 =	vadd.f32 v26, v4;
	v29 =	vsub.f32 v38, v29  }
0x6e0: {  	v30 =	vmul.f32 v49, v49;
	v24 =	vsub.f32 v62, v24;
	v49 =	vsub.f32 v36, v54;
	v54 =	vld [tilespmem:$0x1FDA0]  }
0x6e1: {  	v34 =	vmul.f32 v28, v28;
	v33 =	vsub.f32 v61, v51;
	v51 =	vmul.f32 v57, v57  }
0x6e2: {  	v21 =	vsub.f32 v59, v21;
	v29 =	vmul.f32 v29, v29;
	v24 =	vmul.f32 v24, v24  }
0x6e3: {  	v5 =	vadd.f32 v23, v5;
	v26 =	vmul.f32 v33, v33;
	v27 =	vsub.f32 v58, v27  }
0x6e4: {  	v21 =	vmul.f32 v21, v21;
	v1 =	vadd.f32 v29, v1;
	v6 =	vadd.f32 v24, v6  }
0x6e5: {  	v24 =	vadd.f32 v51, v50;
	v28 =	vmul.f32 v49, v49;
	v25 =	vsub.f32 v54, v25  }
0x6e6: {  	v5 =	vadd.f32 v34, v5;
	v27 =	vmul.f32 v27, v27;
	v6 =	vadd.f32 v26, v6  }
0x6e7: {  	v1 =	vadd.f32 v30, v1;
	v4 =	vadd.f32 v28, v4;
	v57 =	vmul.f32 v25, v25  }
0x6e8: {  	v24 =	vadd.f32 v55, v24;
	v28 =	vmul.f32 v40, v40;
	v6 =	vadd.f32 v27, v6  }
0x6e9: {  	v4 =	vadd.f32 v21, v4;
	v1 =	vadd.f32 v57, v1  }
0x6ea: {  	v2 =	vadd.f32 v20, v2;
	v29 =	vmul.f32 v39, v39;
	v20 =	vadd.f32 v28, v24  }
0x6eb: {  	v4 =	vadd.f32 v6, v4;
	v1 =	vadd.f32 v1, v5  }
0x6ec: {  	v6 =	vmul.f32 v38, v38;
	v5 =	vadd.f32 v29, v20  }
0x6ed: {  	v30 =	vmul.f32 $5.000000000e-01, v2;
	v20 =	vshra.s32 v2, $0x1;
	v1 =	vadd.f32 v4, v1  }
0x6ee: {  	v4 =	vsub.s32 $0x5F3759DF, v20;
	v5 =	vadd.f32 v6, v5;
	v6 =	vmul.f32 v35, v35  }
0x6ef: {  	v20 =	vmul.f32 v0, v22;
	v32 =	vmul.f32 v4, v30;
	v33 =	vshra.s32 v1, $0x1  }
0x6f0: {  	v34 =	vmul.f32 $5.000000000e-01, v1;
	v5 =	vadd.f32 v6, v5;
	v6 =	vmul.f32 v62, v62  }
0x6f1: {  	v20 =	vsub.f32 $1.500000000e+00, v20;
	v22 =	vmul.f32 v4, v32;
	v23 =	vsub.s32 $0x5F3759DF, v33  }
0x6f2: {  	v35 =	vmul.f32 v23, v34;
	v5 =	vadd.f32 v6, v5;
	v6 =	vmul.f32 v37, v37  }
0x6f3: {  	v0 =	vmul.f32 v0, v20;
	v20 =	vsub.f32 $1.500000000e+00, v22  }
0x6f4: {  	v37 =	vmul.f32 v23, v35;
	v5 =	vadd.f32 v6, v5;
	v6 =	vmul.f32 v60, v60  }
0x6f5: {  	v38 =	vmul.f32 v0, v46;
	v4 =	vmul.f32 v4, v20  }
0x6f6: {  	v20 =	vsub.f32 $1.500000000e+00, v37;
	v5 =	vadd.f32 v6, v5;
	v6 =	vmul.f32 v36, v36  }
0x6f7: {  	v39 =	vmul.f32 v38, v0;
	v40 =	vmul.f32 v4, v30  }
0x6f8: {  	v20 =	vmul.f32 v23, v20;
	v5 =	vadd.f32 v6, v5;
	v6 =	vmul.f32 v61, v61  }
0x6f9: {  	v22 =	vsub.f32 $1.500000000e+00, v39;
	v42 =	vmul.f32 v40, v4  }
0x6fa: {  	v49 =	vmul.f32 v20, v34;
	v5 =	vadd.f32 v6, v5;
	v6 =	vmul.f32 v63, v63  }
0x6fb: {  	v0 =	vmul.f32 v22, v0;
	v50 =	vsub.f32 $1.500000000e+00, v42  }
0x6fc: {  	v51 =	vmul.f32 v49, v20;
	v5 =	vadd.f32 v6, v5;
	v6 =	vmul.f32 v54, v54  }
0x6fd: {  	v54 =	vmul.f32 v0, v46;
	v4 =	vmul.f32 v50, v4  }
0x6fe: {  	v55 =	vsub.f32 $1.500000000e+00, v51;
	v5 =	vadd.f32 v6, v5;
	v6 =	vmul.f32 v59, v59  }
0x6ff: {  	v57 =	vmul.f32 v54, v0;
	v21 =	vmul.f32 v4, v30  }
0x700: {  	v20 =	vmul.f32 v55, v20;
	v5 =	vadd.f32 v6, v5;
	v6 =	vmul.f32 v58, v58  }
0x701: {  	v58 =	vsub.f32 $1.500000000e+00, v57;
	v21 =	vmul.f32 v21, v4  }
0x702: {  	v59 =	vmul.f32 v20, v34;
	v5 =	vadd.f32 v6, v5  }
0x703: {  	v6 =	vmul.f32 v48, v43;
	v0 =	vmul.f32 v58, v0;
	v21 =	vsub.f32 $1.500000000e+00, v21  }
0x704: {  	v60 =	vmul.f32 v59, v20;
	v61 =	vshra.s32 v5, $0x1;
	v62 =	vmul.f32 $5.000000000e-01, v5  }
0x705: {  	v0 =	vmul.f32 v0, v47;
	v4 =	vmul.f32 v21, v4;
	v63 =	vsub.s32 $0x5F3759DF, v61  }
0x706: {  	v6 =	vsub.f32 $3.000000000e+00, v6;
	v22 =	vsub.f32 $1.500000000e+00, v60;
	v23 =	vmul.f32 v63, v62  }
0x707: {  	v0 =	vsub.f32 $3.000000000e+00, v0;
	v2 =	vmul.f32 v4, v2  }
0x708: {  	v4 =	vmax.f32 v6, $0.0e+00;
	v6 =	vmul.f32 v22, v20;
	v20 =	vmul.f32 v63, v23  }
0x709: {  	v4 =	vmul.f32 v4, v4;
	v0 =	vmax.f32 v0, $0.0e+00  }
0x70a: {  	v2 =	vsub.f32 $3.000000000e+00, v2;
	v1 =	vmul.f32 v6, v1;
	v6 =	vsub.f32 $1.500000000e+00, v20  }
0x70b: {  	v0 =	vmul.f32 v0, v0;
	v4 =	vmul.f32 v4, v53  }
0x70c: {  	v2 =	vmax.f32 v2, $0.0e+00;
	v1 =	vsub.f32 $3.000000000e+00, v1;
	v6 =	vmul.f32 v63, v6  }
0x70d: {  	v0 =	vmul.f32 v0, v56;
	v4 =	vadd.f32 v4, v52;
	v2 =	vmul.f32 v2, v2  }
0x70e: {  	v1 =	vmax.f32 v1, $0.0e+00;
	v20 =	vmul.f32 v6, v62  }
0x70f: {  	v0 =	vadd.f32 v0, v4;
	v2 =	vmul.f32 v2, v41;
	v1 =	vmul.f32 v1, v1  }
0x710: {  	v4 =	vmul.f32 v20, v6  }
0x711: {  	v0 =	vadd.f32 v2, v0;
	v1 =	vmul.f32 v1, v45  }
0x712: {  	v2 =	vsub.f32 $1.500000000e+00, v4  }
0x713: {  	v0 =	vadd.f32 v1, v0  }
0x714: {  	v1 =	vmul.f32 v2, v6  }
0x715: {  	(xrf2) =	vadd.scan.msk.f32 $0xffff, v0  }
0x716: {  	(xrf2) =	vadd.scan.msk.f32 $0xffff, v44;
	v0 =	vmul.f32 v1, v62;
	_ =	sdelay $0x1  }
0x717: {  	v0 =	vmul.f32 v0, v1;
	_ =	sdelay $0x1  }
0x718: {  	v0 =	vsub.f32 $1.500000000e+00, v0  }
0x719: {  	v4 =	vld [tilespmem:$0x1FDC0]  }
0x71a: {  	v0 =	vmul.f32 v0, v1;
	_ =	sdelay $0x1  }
0x71b: {  	v0 =	vmul.f32 v0, v5  }
0x71c: {  	v5 =	vld [tilespmem:$0x1FDB0];
	v1, _, _ =	vpop (xrf2)  }
0x71d: {  	v2, _, _ =	vpop (xrf2);
	v0 =	vmul.f32 v0, v4  }
0x71e: {  	v2 =	vmax.f32 v2, $1.000000000e+00  }
0x71f: {  	v2 =	vbroadcast v2, $0xF;
	(xrf2) =	vadd.scan.msk.f32 $0xffff, v0;
	_ =	sdelay $0x1  }
0x720: {  	v0 =	vmax.f32 v5, $1.000000000e+00;
	(erf) = vrcp.f32 v2  }
0x721: {  	(erf) = vrcp.f32 v0;
	_ =	sdelay $0x4  }
0x722: {  	s1 =	simm.s32 $0x0  }
0x723: {  	v0 =	vmov s1  }
0x724: {  	v1 =	vbroadcast v1, $0xF;
	v0 =	vadd.s32 $0x110, v0;
	v2, _, _ =	vpop (xrf2)  }
0x725: {  	v0 =	vbroadcast v0, $0x0;
	v4 =	vpop (erf);
	v2 =	vbroadcast v2, $0xF  }
0x726: {  	v1 =	vmul.f32 v4, v1;
	v4 =	vpop (erf)  }
0x727: {  	vm0 =	vgt.f32 v5, $1.000000000e+00;
	v2 =	vmul.f32 v2, v4  }
0x728: {  	vm15 =	vgt.f32 v5, $0.0e+00;
	v1 =	vnsel vm0, $0x0, v1  }
0x729: {  	[tilespmem:$0x13B10] =	vst v1;
	v1 =	vnsel vm15, $0x0, v2  }
0x72a: {  	s29 =	simm.s32 $0x1;
	[tilespmem:$0x13B20] =	vst v1  }
0x72b: {  	v1 =	vld.idx.msk [tilespmem:v0+s0+$0x0], $0xffff;
	v0 =	vmov s29  }
0x72c: {  	v0 =	vadd.s32 $0x110, v0  }
0x72d: {  	v0 =	vbroadcast v0, $0x0;
	_ =	sdelay $0x3  }
0x72e: {  	s3 =	simm.s32 $0x2;
	s1 =	simm.s32 $0x13B30  }
0x72f: {  	v2 =	vmov s3;
	s3 =	simm.s32 $0x3;
	[tilespmem:s1+$0x0] =	vst v1  }
.LBB2_26:
0x730: {  	p0 =	sne.s32 s3, $0x10;
	v1 =	vadd.s32 $0x110, v2;
	v4 =	vld.idx.msk [tilespmem:v0+s0+$0x0], $0xffff  }
0x731: {  	v0 =	vbroadcast v1, $0x0  }
.Ltmp12:
0x732: {  	(pc) =	sbr.rel @p0 .LBB2_26-.Ltmp12, $3  }
0x733: {  	_ =	sdelay $0x1  }
0x734: {  	s1 =	sadd.s32 $0x10, s1  }
0x735: {  	v2 =	vmov s3;
	s3 =	sadd.s32 $0x1, s3;
	[tilespmem:s1+$0x0] =	vst v4  }
0x736: {  	_ =	sdelay $0x2  }
0x737: {  	v1 =	vadd.s32 $0x110, v2  }
0x738: {  	v0 =	vld.idx.msk [tilespmem:v0+s0+$0x0], $0xffff;
	v1 =	vbroadcast v1, $0x0;
	_ =	sdelay $0x3  }
0x739: {  	s1 =	sadd.s32 $0x10, s1  }
0x73a: {  	[tilespmem:s1+$0x0] =	vst v0  }
0x73b: {  	v0 =	vld.idx.msk [tilespmem:v1+s0+$0x0], $0xffff;
	_ =	sdelay $0x3  }
0x73c: {  	s1 =	sadd.s32 $0x10, s1  }
0x73d: {  	[tilespmem:s1+$0x0] =	vst v0  }
0x73e: {  	[tilespmem:$0x13C40] =	vst v5;
	v5 =	vimm.f32 $0.0e+00  }
0x73f: {  	[tilespmem:$0x13C50] =	vst v5  }
0x740: {  	s26 =	rddreg [dreg:$0x12];
	s2 =	simm.s32 $0x80;
	[tilespmem:$0x13C60] =	vst v5  }
0x741: {  	s3 =	simm.s32 $0x400;
	s5 =	simm.s32 $0x13A00;
	s28 =	simm.s32 $0x3;
	[tilespmem:$0x13C70] =	vst v5  }
0x742: {  	[hbm4b:s26+s2] =	stream.strided.scatter [tilespmem:s5], [sflag:$0x3], $0x280, s3, s2, $0x38;
	[tilespmem:$0x13C80] =	vst v63  }
0x743: {  	_ =	swait.ge [sflag:s28], $0x280  }
0x744: {  	v4 =	vld [tilespmem:$0x1FED0]  }
0x745: {  	v29 =	vld [tilespmem:$0x1FEE0]  }
0x746: {  	v30 =	vld [tilespmem:$0x1FEF0]  }
0x747: {  	v31 =	vld [tilespmem:$0x1FF00]  }
0x748: {  	v32 =	vld [tilespmem:$0x1FF10]  }
0x749: {  	v33 =	vld [tilespmem:$0x1FF20]  }
0x74a: {  	v34 =	vld [tilespmem:$0x1FF30]  }
0x74b: {  	v40 =	vld [tilespmem:$0x1FF40]  }
0x74c: {  	v41 =	vld [tilespmem:$0x1FF50]  }
0x74d: {  	v42 =	vld [tilespmem:$0x1FF60]  }
0x74e: {  	s12 =	rddreg [dreg:$0x3];
	v43 =	vld [tilespmem:$0x1FF70]  }
0x74f: {  	s29 =	rddreg [dreg:$0x13];
	v44 =	vld [tilespmem:$0x1FF80];
	s12 =	sadd.s32 $0x1, s12  }
0x750: {  	v45 =	vld [tilespmem:$0x1FF90];
	p0 =	sne.s32 s12, s29  }
.Ltmp13:
0x751: {  	v46 =	vld [tilespmem:$0x1FFA0];
	(pc) =	sbr.rel @p0 .LBB2_1-.Ltmp13, $4  }
0x752: {  	v47 =	vld [tilespmem:$0x1FFB0]  }
0x753: {  	v48 =	vld [tilespmem:$0x1FFC0]  }
0x754: {  	[sflag:s28] =	ssyncset.done $0x0;
	v49 =	vld [tilespmem:$0x1FFD0]  }
0x755: {  	v6 =	vimm.f32 $1.000000000e+00;
	v1 =	vlaneseq.u32;
	v52 =	vld [tilespmem:$0x1FFE0];
	[sflag:s28] =	ssyncadd.s32 $0xFFFFFD80  }
0x756: {  	_ =	sfence.sel $0x180000  }
0x757: {  	[bflag:$0x0] =	sbarrier.arrive $0xFFFF  }
0x758: {  	_ =	strace $0x90000047  }
0x759: {  	s0 =	stileid.u32;
	[bflag:$0x2] =	sbarrier.arrive $0xFFFF  }
0x75a: {  	p0 =	sne.s32 s0, $0x0;
	s0 =	rddreg [dreg:$0x2]  }
0x75b: {  	s0 =	sadd.s32 @!p0 $0x100000, s0  }
0x75c: {  	[sflag:s0] =	ssyncadd.tile.s32 @!p0 $0x1;
	_ =	shalt  }
.Lfunc_end2:
_tile_overlayer_lowered:
.L_overlay_start_2:
0x75d: {  	(tag) =	ssettag $0x2  }
0x75e: {  	s0 =	rddreg [dreg:$0x0];
	s2 =	stileid.u32  }
0x75f: {  	s1 =	rddreg [dreg:$0x1];
	p0 =	sne.s32 s2, $0x0  }
0x760: {  	s3 =	rddreg [dreg:$0x2];
	[bflag:$0x3] =	sbarrier.arrive $0xFFFF;
	s2 =	simm.s32 @!p0 $0x1C03  }
0x761: {  	[timem:s3], [sflag:s2] =	dma.local @!p0 [hbm:s0], s1  }
0x762: {  	s0 =	simm.s32 @!p0 $0x3  }
0x763: {  	_ =	swait.ge @!p0 [sflag:s0], s1  }
0x764: {  	s1 =	ssub.s32 @!p0 $0x0, s1;
	[sflag:s0] =	ssyncset.done @!p0 $0x0  }
0x765: {  	[sflag:s0] =	ssyncadd.s32 @!p0 s1  }
0x766: {  	[bflag:$0x3] =	sbarrier.arrive $0xFFFF  }
0x767: {  	_ =	shalt  }

</sc_bundles>
